<compile_context>
chip_gen: v7x
topology: tpu7x:2x2x1
jax: 0.10.2.dev20260603
libtpu: 0.0.44.dev20260713+nightly
codegen_flags: <defaults>
</compile_context>

<pallas_src>
import functools

import jax
import jax.numpy as jnp
from jax import lax
from jax.experimental import pallas as pl
from jax.experimental.pallas import tpu as pltpu
from jax.experimental.pallas import tpu_sc as plsc

_NC = 2
_NS = 16
_NW = _NC * _NS
_L = 16


@functools.partial(jax.jit, static_argnums=(5, 6))
def _lookup(ids, seg, emb, pos, tt, B, S):
    H = emb.shape[1]
    G = S // _NW
    C = G
    n_chunk = B
    n_quad = n_chunk // 4
    n_vec = H // _L

    mesh = plsc.VectorSubcoreMesh(core_axis_name="c", subcore_axis_name="s")

    @functools.partial(
        pl.kernel,
        mesh=mesh,
        out_type=jax.ShapeDtypeStruct((B * S, H), jnp.float32),
        scratch_types=[
            pltpu.VMEM((B * C,), jnp.int32),
            pltpu.VMEM((B * C,), jnp.int32),
            pltpu.VMEM((2, H), jnp.float32),
            pltpu.VMEM((2 * G, H), jnp.float32),
            pltpu.VMEM((C, H), jnp.float32),
            pltpu.VMEM((C, H), jnp.float32),
            pltpu.VMEM((C, H), jnp.float32),
            pltpu.VMEM((C, H), jnp.float32),
            pltpu.SemaphoreType.DMA,
            pltpu.SemaphoreType.DMA,
            pltpu.SemaphoreType.DMA,
            pltpu.SemaphoreType.DMA,
            pltpu.SemaphoreType.DMA,
            pltpu.SemaphoreType.DMA,
            pltpu.SemaphoreType.DMA,
            pltpu.SemaphoreType.DMA,
            pltpu.SemaphoreType.DMA,
        ],
    )
    def body(ids_hbm, seg_hbm, emb_hbm, pos_hbm, tt_hbm, out_hbm,
             idsb_v, segb_v, tt_v, ptt_v,
             accX0, accX1, accX2, accX3,
             semS, semX0, semX1, semX2, semX3, semO0, semO1, semO2, semO3):
        accs = ((accX0, semX0, semO0), (accX1, semX1, semO1),
                (accX2, semX2, semO2), (accX3, semX3, semO3))
        wid = lax.axis_index("s") * _NC + lax.axis_index("c")
        p0 = wid * G

        def pf_body(b, carry):
            src = b * S + p0
            pltpu.async_copy(ids_hbm.at[pl.ds(src, C)],
                             idsb_v.at[pl.ds(b * C, C)], semS)
            pltpu.async_copy(seg_hbm.at[pl.ds(src, C)],
                             segb_v.at[pl.ds(b * C, C)], semS)
            return carry

        lax.fori_loop(0, B, pf_body, 0)

        pltpu.sync_copy(pos_hbm.at[pl.ds(p0, G)], accX0)
        pltpu.sync_copy(tt_hbm, tt_v)

        def ptt_row(r, carry):
            @plsc.parallel_loop(0, n_vec, unroll=8)
            def ptt_vec(j):
                x = accX0[r // 2, pl.ds(j * _L, _L)] + tt_v[r % 2, pl.ds(j * _L, _L)]
                ptt_v[r, pl.ds(j * _L, _L)] = x
            return carry

        lax.fori_loop(0, 2 * G, ptt_row, 0)

        def pf_drain(b, carry):
            pltpu.make_async_copy(ids_hbm.at[pl.ds(0, C)],
                                  idsb_v.at[pl.ds(0, C)], semS).wait()
            pltpu.make_async_copy(seg_hbm.at[pl.ds(0, C)],
                                  segb_v.at[pl.ds(0, C)], semS).wait()
            return carry

        lax.fori_loop(0, B, pf_drain, 0)

        def issue_emb(c, u):
            bufX, semX, _ = accs[u % 4]
            pltpu.async_copy(emb_hbm.at[idsb_v.at[pl.ds(c * C, C)]], bufX, semX)

        issue_emb(0, 0)
        issue_emb(1, 1)

        def quad_body(q, carry):
            for u in range(4):
                bufX, semX, semO = accs[u]
                c = 4 * q + u
                pltpu.make_async_copy(emb_hbm.at[pl.ds(0, C)], bufX, semX).wait()

                rv = segb_v[pl.ds(c * C, _L)]
                for i in range(C):
                    r = 2 * i + rv[i]

                    @plsc.parallel_loop(0, n_vec, unroll=8)
                    def add_vec(j):
                        plsc.addupdate(bufX.at[i, pl.ds(j * _L, _L)],
                                       ptt_v[r, pl.ds(j * _L, _L)])

                pltpu.async_copy(bufX, out_hbm.at[pl.ds(c * S + p0, C)], semO)

                @pl.when(c + 2 < n_chunk)
                def _():
                    bufX2, _, semO2_ = accs[(u + 2) % 4]

                    @pl.when(c - 2 >= 0)
                    def _():
                        pltpu.make_async_copy(
                            bufX2, out_hbm.at[pl.ds(0, C)], semO2_).wait()

                    issue_emb(c + 2, u + 2)
            return carry

        lax.fori_loop(0, n_quad, quad_body, 0)
        pltpu.make_async_copy(accX0, out_hbm.at[pl.ds(0, C)], semO0).wait()
        pltpu.make_async_copy(accX1, out_hbm.at[pl.ds(0, C)], semO1).wait()
        pltpu.make_async_copy(accX2, out_hbm.at[pl.ds(0, C)], semO2).wait()
        pltpu.make_async_copy(accX3, out_hbm.at[pl.ds(0, C)], semO3).wait()

    return body(ids, seg, emb, pos, tt)


def kernel(input_ids, segment_ids, embedding_table, token_type_table,
           full_position_embeddings):
    B, S = input_ids.shape
    H = embedding_table.shape[1]
    ids = input_ids.reshape(-1).astype(jnp.int32)
    seg = segment_ids.reshape(-1).astype(jnp.int32)
    pos = full_position_embeddings[:S]
    out = _lookup(ids, seg, embedding_table, pos, token_type_table, B, S)
    return out.reshape(B, S, H)

# --- scband reference (transcript-rebuilt; emitter-appended) ---
"""Pipeline reference for scband-embedding-2791728742541 (READ-ONLY COPY).

The authoritative reference and input builder live on the scoring server;
editing this copy changes nothing except your own understanding.
"""

import jax, jax.numpy as jnp
import numpy as np

VOCAB = 30522
HIDDEN = 1024
TYPE_VOCAB = 2
MAX_POS = 512
BATCH = 32
SEQ = 512


def setup_inputs(seed: int = 0) -> dict:
    key = jax.random.key(seed)
    k1, k2, k3, k4, k5 = jax.random.split(key, 5)
    input_ids = jax.random.randint(k1, (BATCH, SEQ), 0, VOCAB, dtype=jnp.int64 if jax.config.jax_enable_x64 else jnp.int32)
    segment_ids = jax.random.randint(k2, (BATCH, SEQ), 0, TYPE_VOCAB, dtype=jnp.int64 if jax.config.jax_enable_x64 else jnp.int32)
    embedding_table = jax.random.normal(k3, (VOCAB, HIDDEN), dtype=jnp.float32) * 0.02
    token_type_table = jax.random.normal(k4, (TYPE_VOCAB, HIDDEN), dtype=jnp.float32) * 0.02
    full_position_embeddings = jax.random.normal(k5, (MAX_POS, HIDDEN), dtype=jnp.float32) * 0.02
    return {
        "input_ids": input_ids,
        "segment_ids": segment_ids,
        "embedding_table": embedding_table,
        "token_type_table": token_type_table,
        "full_position_embeddings": full_position_embeddings,
    }


def reference(input_ids, segment_ids, embedding_table, token_type_table, full_position_embeddings):
    batch_size, seq_length = input_ids.shape
    width = embedding_table.shape[1]
    # word embedding lookup (bc.embedding_lookup2 with use_one_hot_embeddings=False)
    output = jnp.take(embedding_table, input_ids, axis=0)
    # token type embeddings via one-hot matmul (faithful to embedding_postprocessor)
    flat_token_type_ids = segment_ids.reshape(-1)
    one_hot_ids = jax.nn.one_hot(flat_token_type_ids, TYPE_VOCAB, dtype=jnp.float32)
    token_type_embeddings = jnp.matmul(one_hot_ids, token_type_table)
    token_type_embeddings = token_type_embeddings.reshape(batch_size, seq_length, width)
    output = output + token_type_embeddings
    # position embeddings: slice first seq_length rows, broadcast over batch
    position_embeddings = jax.lax.dynamic_slice(full_position_embeddings, (0, 0), (seq_length, width))
    position_embeddings = position_embeddings.reshape(1, seq_length, width)
    output = output + position_embeddings
    return output

if __name__ == "__main__":
    import jax
    _d = setup_inputs()
    print(jax.jit(kernel)(*tuple(_d.values())))

</pallas_src>

<mosaic_0001>
#map = affine_map<(d0, d1) -> (0)>
#map1 = affine_map<(d0, d1) -> (0, 0)>
module attributes {stable_mosaic.version = 14 : i64} {
  func.func @body(%arg0: i32, %arg1: i32, %arg2: memref<16384xi32, #tpu.memory_space<hbm>>, %arg3: memref<16384xi32, #tpu.memory_space<hbm>>, %arg4: memref<30522x1024xf32, #tpu.memory_space<hbm>>, %arg5: memref<512x1024xf32, #tpu.memory_space<hbm>>, %arg6: memref<2x1024xf32, #tpu.memory_space<hbm>>, %arg7: memref<16384x1024xf32, #tpu.memory_space<hbm>>, %arg8: memref<512xi32, #tpu.memory_space<vmem>>, %arg9: memref<512xi32, #tpu.memory_space<vmem>>, %arg10: memref<2x1024xf32, #tpu.memory_space<vmem>>, %arg11: memref<32x1024xf32, #tpu.memory_space<vmem>>, %arg12: memref<16x1024xf32, #tpu.memory_space<vmem>>, %arg13: memref<16x1024xf32, #tpu.memory_space<vmem>>, %arg14: memref<16x1024xf32, #tpu.memory_space<vmem>>, %arg15: memref<16x1024xf32, #tpu.memory_space<vmem>>, %arg16: memref<!tpu.dma_semaphore, #tpu.memory_space<semaphore_mem>>, %arg17: memref<!tpu.dma_semaphore, #tpu.memory_space<semaphore_mem>>, %arg18: memref<!tpu.dma_semaphore, #tpu.memory_space<semaphore_mem>>, %arg19: memref<!tpu.dma_semaphore, #tpu.memory_space<semaphore_mem>>, %arg20: memref<!tpu.dma_semaphore, #tpu.memory_space<semaphore_mem>>, %arg21: memref<!tpu.dma_semaphore, #tpu.memory_space<semaphore_mem>>, %arg22: memref<!tpu.dma_semaphore, #tpu.memory_space<semaphore_mem>>, %arg23: memref<!tpu.dma_semaphore, #tpu.memory_space<semaphore_mem>>, %arg24: memref<!tpu.dma_semaphore, #tpu.memory_space<semaphore_mem>>) attributes {dimension_semantics = [#tpu.dimension_semantics<core_parallel>, #tpu.dimension_semantics<subcore_parallel>], iteration_bounds = array<i64: 2, 16>, scalar_prefetch = 0 : i64, scratch_operands = 17 : i64, tpu.core_type = #tpu.core_type<sc_vector_subcore>, window_params = [{transform_indices = #map}, {transform_indices = #map}, {transform_indices = #map1}, {transform_indices = #map1}, {transform_indices = #map1}, {transform_indices = #map1}]} {
    %mul3A = arith.constant 2 : i32
    %mul3A_0 = arith.muli %arg1, %mul3A : i32
    %add3A = arith.addi %mul3A_0, %arg0 : i32
    %mul3A_1 = arith.constant 16 : i32
    %mul3A_2 = arith.muli %add3A, %mul3A_1 : i32
    %scan3A = arith.constant 0 : i32
    %scan3A_3 = arith.constant 0 : i32
    %scan3A_4 = arith.constant 32 : i32
    %scan3A_5 = arith.addi %scan3A_3, %scan3A_4 : i32
    %scan3A_6 = arith.constant 1 : i32
    scf.for %scan3A_58 = %scan3A_3 to %scan3A_5 step %scan3A_6  : i32 {
      %mul3A_59 = arith.constant 512 : i32
      %mul3A_60 = arith.muli %scan3A_58, %mul3A_59 : i32
      %add3A_61 = arith.addi %mul3A_60, %mul3A_2 : i32
      %mul3A_62 = arith.constant 16 : i32
      %mul3A_63 = arith.muli %scan3A_58, %mul3A_62 : i32
      %dma_start3A_64 = tpu.memref_slice %arg8[%mul3A_63] : memref<512xi32, #tpu.memory_space<vmem>> -> memref<16xi32, #tpu.memory_space<vmem>>
      %dma_start3A_65 = tpu.memref_slice %arg2[%add3A_61] : memref<16384xi32, #tpu.memory_space<hbm>> -> memref<16xi32, #tpu.memory_space<hbm>>
      %dma_start3A_66 = tpu.memref_slice %arg8[%mul3A_63] : memref<512xi32, #tpu.memory_space<vmem>> -> memref<16xi32, #tpu.memory_space<vmem>>
      %dma_start3A_67 = tpu.memref_slice %arg2[%add3A_61] : memref<16384xi32, #tpu.memory_space<hbm>> -> memref<16xi32, #tpu.memory_space<hbm>>
      tpu.enqueue_dma source(%dma_start3A_67 : memref<16xi32, #tpu.memory_space<hbm>>) target(%dma_start3A_66 : memref<16xi32, #tpu.memory_space<vmem>>) target_semaphore(%arg16 : memref<!tpu.dma_semaphore, #tpu.memory_space<semaphore_mem>>)
      %mul3A_68 = arith.constant 16 : i32
      %mul3A_69 = arith.muli %scan3A_58, %mul3A_68 : i32
      %dma_start3A_70 = tpu.memref_slice %arg9[%mul3A_69] : memref<512xi32, #tpu.memory_space<vmem>> -> memref<16xi32, #tpu.memory_space<vmem>>
      %dma_start3A_71 = tpu.memref_slice %arg3[%add3A_61] : memref<16384xi32, #tpu.memory_space<hbm>> -> memref<16xi32, #tpu.memory_space<hbm>>
      %dma_start3A_72 = tpu.memref_slice %arg9[%mul3A_69] : memref<512xi32, #tpu.memory_space<vmem>> -> memref<16xi32, #tpu.memory_space<vmem>>
      %dma_start3A_73 = tpu.memref_slice %arg3[%add3A_61] : memref<16384xi32, #tpu.memory_space<hbm>> -> memref<16xi32, #tpu.memory_space<hbm>>
      tpu.enqueue_dma source(%dma_start3A_73 : memref<16xi32, #tpu.memory_space<hbm>>) target(%dma_start3A_72 : memref<16xi32, #tpu.memory_space<vmem>>) target_semaphore(%arg16 : memref<!tpu.dma_semaphore, #tpu.memory_space<semaphore_mem>>)
    }
    %scan3A_7 = arith.constant 32 : i32
    "tpu.region"() ({
      %run_scoped3A = tpu.sem_alloc : memref<!tpu.dma_semaphore, #tpu.memory_space<semaphore_mem>>
      %dma_start3A_58 = arith.constant 0 : i32
      %dma_start3A_59 = tpu.memref_slice %arg5[%mul3A_2, %dma_start3A_58] : memref<512x1024xf32, #tpu.memory_space<hbm>> -> memref<16x1024xf32, #tpu.memory_space<hbm>>
      %dma_start3A_60 = arith.constant 0 : i32
      %dma_start3A_61 = tpu.memref_slice %arg5[%mul3A_2, %dma_start3A_60] : memref<512x1024xf32, #tpu.memory_space<hbm>> -> memref<16x1024xf32, #tpu.memory_space<hbm>>
      tpu.enqueue_dma source(%dma_start3A_61 : memref<16x1024xf32, #tpu.memory_space<hbm>>) target(%arg12 : memref<16x1024xf32, #tpu.memory_space<vmem>>) target_semaphore(%run_scoped3A : memref<!tpu.dma_semaphore, #tpu.memory_space<semaphore_mem>>)
      %dma_wait3A_62 = arith.constant 0 : i32
      %dma_wait3A_63 = tpu.memref_slice %arg5[%mul3A_2, %dma_wait3A_62] : memref<512x1024xf32, #tpu.memory_space<hbm>> -> memref<16x1024xf32, #tpu.memory_space<hbm>>
      %dma_wait3A_64 = arith.constant 0 : i32
      %dma_wait3A_65 = tpu.memref_slice %arg5[%mul3A_2, %dma_wait3A_64] : memref<512x1024xf32, #tpu.memory_space<hbm>> -> memref<16x1024xf32, #tpu.memory_space<hbm>>
      tpu.wait_dma2 semaphore(%run_scoped3A : memref<!tpu.dma_semaphore, #tpu.memory_space<semaphore_mem>>) src(%dma_wait3A_65 : memref<16x1024xf32, #tpu.memory_space<hbm>>) dst(%arg12 : memref<16x1024xf32, #tpu.memory_space<vmem>>)
      tpu.yield
    }) : () -> ()
    "tpu.region"() ({
      %run_scoped3A = tpu.sem_alloc : memref<!tpu.dma_semaphore, #tpu.memory_space<semaphore_mem>>
      tpu.enqueue_dma source(%arg6 : memref<2x1024xf32, #tpu.memory_space<hbm>>) target(%arg10 : memref<2x1024xf32, #tpu.memory_space<vmem>>) target_semaphore(%run_scoped3A : memref<!tpu.dma_semaphore, #tpu.memory_space<semaphore_mem>>)
      tpu.wait_dma2 semaphore(%run_scoped3A : memref<!tpu.dma_semaphore, #tpu.memory_space<semaphore_mem>>) src(%arg6 : memref<2x1024xf32, #tpu.memory_space<hbm>>) dst(%arg10 : memref<2x1024xf32, #tpu.memory_space<vmem>>)
      tpu.yield
    }) : () -> ()
    %scan3A_8 = arith.constant 0 : i32
    %scan3A_9 = arith.constant 0 : i32
    %scan3A_10 = arith.constant 32 : i32
    %scan3A_11 = arith.addi %scan3A_9, %scan3A_10 : i32
    %scan3A_12 = arith.constant 1 : i32
    scf.for %scan3A_58 = %scan3A_9 to %scan3A_11 step %scan3A_12  : i32 {
      %parallel_loop3A = arith.constant 0 : i32
      %parallel_loop3A_59 = arith.constant 64 : i32
      %parallel_loop3A_60 = arith.constant 1 : i32
      scf.for %parallel_loop3A_61 = %parallel_loop3A to %parallel_loop3A_59 step %parallel_loop3A_60  : i32 {
        %parallel_loop3A_62 = arith.constant 2 : i32
        %parallel_loop3A_63 = arith.divsi %scan3A_58, %parallel_loop3A_62 : i32
        %parallel_loop3A_64 = arith.constant 0 : i32
        %parallel_loop3A_65 = arith.cmpi sgt, %scan3A_58, %parallel_loop3A_64 : i32
        %parallel_loop3A_66 = arith.extui %parallel_loop3A_65 : i1 to i32
        %parallel_loop3A_67 = arith.constant 0 : i32
        %parallel_loop3A_68 = arith.cmpi slt, %scan3A_58, %parallel_loop3A_67 : i32
        %parallel_loop3A_69 = arith.extui %parallel_loop3A_68 : i1 to i32
        %parallel_loop3A_70 = arith.subi %parallel_loop3A_66, %parallel_loop3A_69 : i32
        %parallel_loop3A_71 = arith.constant 0 : i32
        %parallel_loop3A_72 = arith.cmpi sgt, %parallel_loop3A_62, %parallel_loop3A_71 : i32
        %parallel_loop3A_73 = arith.extui %parallel_loop3A_72 : i1 to i32
        %parallel_loop3A_74 = arith.constant 0 : i32
        %parallel_loop3A_75 = arith.cmpi slt, %parallel_loop3A_62, %parallel_loop3A_74 : i32
        %parallel_loop3A_76 = arith.extui %parallel_loop3A_75 : i1 to i32
        %parallel_loop3A_77 = arith.subi %parallel_loop3A_73, %parallel_loop3A_76 : i32
        %parallel_loop3A_78 = arith.cmpi ne, %parallel_loop3A_70, %parallel_loop3A_77 : i32
        %parallel_loop3A_79 = arith.remsi %scan3A_58, %parallel_loop3A_62 : i32
        %parallel_loop3A_80 = arith.constant 0 : i32
        %parallel_loop3A_81 = arith.cmpi ne, %parallel_loop3A_79, %parallel_loop3A_80 : i32
        %parallel_loop3A_82 = arith.andi %parallel_loop3A_78, %parallel_loop3A_81 : i1
        %parallel_loop3A_83 = arith.constant 1 : i32
        %parallel_loop3A_84 = arith.subi %parallel_loop3A_63, %parallel_loop3A_83 : i32
        %parallel_loop3A_85 = arith.select %parallel_loop3A_82, %parallel_loop3A_84, %parallel_loop3A_63 : i32
        %parallel_loop3A_86 = arith.constant 16 : i32
        %parallel_loop3A_87 = arith.muli %parallel_loop3A_61, %parallel_loop3A_86 : i32
        %parallel_loop3A_88 = arith.index_cast %parallel_loop3A_85 : i32 to index
        %parallel_loop3A_89 = arith.index_cast %parallel_loop3A_87 : i32 to index
        %parallel_loop3A_90 = tpu.vector_load %arg12[%parallel_loop3A_88, %parallel_loop3A_89] {strides = array<i32>} : memref<16x1024xf32, #tpu.memory_space<vmem>>, vector<1x16xf32>,
        %parallel_loop3A_91 = vector.shape_cast %parallel_loop3A_90 : vector<1x16xf32> to vector<16xf32>
        %parallel_loop3A_92 = arith.constant 2 : i32
        %parallel_loop3A_93 = arith.constant 0 : i32
        %parallel_loop3A_94 = arith.cmpi eq, %parallel_loop3A_92, %parallel_loop3A_93 : i32
        %parallel_loop3A_95 = arith.constant 1 : i32
        %parallel_loop3A_96 = arith.select %parallel_loop3A_94, %parallel_loop3A_95, %parallel_loop3A_92 : i32
        %parallel_loop3A_97 = arith.remsi %scan3A_58, %parallel_loop3A_96 : i32
        %parallel_loop3A_98 = arith.constant 0 : i32
        %parallel_loop3A_99 = arith.cmpi ne, %parallel_loop3A_97, %parallel_loop3A_98 : i32
        %parallel_loop3A_100 = arith.constant 0 : i32
        %parallel_loop3A_101 = arith.cmpi slt, %parallel_loop3A_97, %parallel_loop3A_100 : i32
        %parallel_loop3A_102 = arith.constant 0 : i32
        %parallel_loop3A_103 = arith.cmpi slt, %parallel_loop3A_96, %parallel_loop3A_102 : i32
        %parallel_loop3A_104 = arith.xori %parallel_loop3A_101, %parallel_loop3A_103 : i1
        %parallel_loop3A_105 = arith.andi %parallel_loop3A_104, %parallel_loop3A_99 : i1
        %parallel_loop3A_106 = arith.addi %parallel_loop3A_97, %parallel_loop3A_96 : i32
        %parallel_loop3A_107 = arith.select %parallel_loop3A_105, %parallel_loop3A_106, %parallel_loop3A_97 : i32
        %parallel_loop3A_108 = arith.constant 16 : i32
        %parallel_loop3A_109 = arith.muli %parallel_loop3A_61, %parallel_loop3A_108 : i32
        %parallel_loop3A_110 = arith.index_cast %parallel_loop3A_107 : i32 to index
        %parallel_loop3A_111 = arith.index_cast %parallel_loop3A_109 : i32 to index
        %parallel_loop3A_112 = tpu.vector_load %arg10[%parallel_loop3A_110, %parallel_loop3A_111] {strides = array<i32>} : memref<2x1024xf32, #tpu.memory_space<vmem>>, vector<1x16xf32>,
        %parallel_loop3A_113 = vector.shape_cast %parallel_loop3A_112 : vector<1x16xf32> to vector<16xf32>
        %parallel_loop3A_114 = arith.addf %parallel_loop3A_91, %parallel_loop3A_113 : vector<16xf32>
        %parallel_loop3A_115 = arith.constant 16 : i32
        %parallel_loop3A_116 = arith.muli %parallel_loop3A_61, %parallel_loop3A_115 : i32
        %parallel_loop3A_117 = arith.index_cast %scan3A_58 : i32 to index
        %parallel_loop3A_118 = arith.index_cast %parallel_loop3A_116 : i32 to index
        %parallel_loop3A_119 = tpu.vector_load %arg11[%parallel_loop3A_117, %parallel_loop3A_118] {strides = array<i32>} : memref<32x1024xf32, #tpu.memory_space<vmem>>, vector<1x16xf32>,
        %parallel_loop3A_120 = vector.shape_cast %parallel_loop3A_119 : vector<1x16xf32> to vector<16xf32>
        %parallel_loop3A_121 = vector.shape_cast %parallel_loop3A_114 : vector<16xf32> to vector<1x16xf32>
        tpu.vector_store %arg11[%parallel_loop3A_117, %parallel_loop3A_118], %parallel_loop3A_121 {strides = array<i32>} : memref<32x1024xf32, #tpu.memory_space<vmem>>, vector<1x16xf32>,
      } {sc.loop_unroll_factor = 8 : i64, sc.parallel_access}
    }
    %scan3A_13 = arith.constant 32 : i32
    %scan3A_14 = arith.constant 0 : i32
    %scan3A_15 = arith.constant 0 : i32
    %scan3A_16 = arith.constant 32 : i32
    %scan3A_17 = arith.addi %scan3A_15, %scan3A_16 : i32
    %scan3A_18 = arith.constant 1 : i32
    scf.for %scan3A_58 = %scan3A_15 to %scan3A_17 step %scan3A_18  : i32 {
      %dma_wait3A_59 = arith.constant 0 : i32
      %dma_wait3A_60 = tpu.memref_slice %arg8[%dma_wait3A_59] : memref<512xi32, #tpu.memory_space<vmem>> -> memref<16xi32, #tpu.memory_space<vmem>>
      %dma_wait3A_61 = arith.constant 0 : i32
      %dma_wait3A_62 = tpu.memref_slice %arg2[%dma_wait3A_61] : memref<16384xi32, #tpu.memory_space<hbm>> -> memref<16xi32, #tpu.memory_space<hbm>>
      %dma_wait3A_63 = arith.constant 0 : i32
      %dma_wait3A_64 = tpu.memref_slice %arg8[%dma_wait3A_63] : memref<512xi32, #tpu.memory_space<vmem>> -> memref<16xi32, #tpu.memory_space<vmem>>
      %dma_wait3A_65 = arith.constant 0 : i32
      %dma_wait3A_66 = tpu.memref_slice %arg2[%dma_wait3A_65] : memref<16384xi32, #tpu.memory_space<hbm>> -> memref<16xi32, #tpu.memory_space<hbm>>
      tpu.wait_dma2 semaphore(%arg16 : memref<!tpu.dma_semaphore, #tpu.memory_space<semaphore_mem>>) src(%dma_wait3A_66 : memref<16xi32, #tpu.memory_space<hbm>>) dst(%dma_wait3A_64 : memref<16xi32, #tpu.memory_space<vmem>>)
      %dma_wait3A_67 = arith.constant 0 : i32
      %dma_wait3A_68 = tpu.memref_slice %arg9[%dma_wait3A_67] : memref<512xi32, #tpu.memory_space<vmem>> -> memref<16xi32, #tpu.memory_space<vmem>>
      %dma_wait3A_69 = arith.constant 0 : i32
      %dma_wait3A_70 = tpu.memref_slice %arg3[%dma_wait3A_69] : memref<16384xi32, #tpu.memory_space<hbm>> -> memref<16xi32, #tpu.memory_space<hbm>>
      %dma_wait3A_71 = arith.constant 0 : i32
      %dma_wait3A_72 = tpu.memref_slice %arg9[%dma_wait3A_71] : memref<512xi32, #tpu.memory_space<vmem>> -> memref<16xi32, #tpu.memory_space<vmem>>
      %dma_wait3A_73 = arith.constant 0 : i32
      %dma_wait3A_74 = tpu.memref_slice %arg3[%dma_wait3A_73] : memref<16384xi32, #tpu.memory_space<hbm>> -> memref<16xi32, #tpu.memory_space<hbm>>
      tpu.wait_dma2 semaphore(%arg16 : memref<!tpu.dma_semaphore, #tpu.memory_space<semaphore_mem>>) src(%dma_wait3A_74 : memref<16xi32, #tpu.memory_space<hbm>>) dst(%dma_wait3A_72 : memref<16xi32, #tpu.memory_space<vmem>>)
    }
    %scan3A_19 = arith.constant 32 : i32
    %dma_start3A = arith.constant 0 : i32
    %dma_start3A_20 = tpu.memref_slice %arg8[%dma_start3A] : memref<512xi32, #tpu.memory_space<vmem>> -> memref<16xi32, #tpu.memory_space<vmem>>
    %dma_start3A_21 = arith.constant 0 : i32
    %dma_start3A_22 = arith.constant 0 : i32
    %dma_start3A_23 = tpu.memref_slice %arg4[%dma_start3A_21, %dma_start3A_22] : memref<30522x1024xf32, #tpu.memory_space<hbm>> -> memref<30522x1024xf32, #tpu.memory_space<hbm>>
    tpu.enqueue_indirect_dma source(%dma_start3A_23 : memref<30522x1024xf32, #tpu.memory_space<hbm>>) target(%arg12 : memref<16x1024xf32, #tpu.memory_space<vmem>>) offsets(%dma_start3A_20 : memref<16xi32, #tpu.memory_space<vmem>>) semaphore(%arg17 : memref<!tpu.dma_semaphore, #tpu.memory_space<semaphore_mem>>)
    %dma_start3A_24 = arith.constant 16 : i32
    %dma_start3A_25 = tpu.memref_slice %arg8[%dma_start3A_24] : memref<512xi32, #tpu.memory_space<vmem>> -> memref<16xi32, #tpu.memory_space<vmem>>
    %dma_start3A_26 = arith.constant 0 : i32
    %dma_start3A_27 = arith.constant 0 : i32
    %dma_start3A_28 = tpu.memref_slice %arg4[%dma_start3A_26, %dma_start3A_27] : memref<30522x1024xf32, #tpu.memory_space<hbm>> -> memref<30522x1024xf32, #tpu.memory_space<hbm>>
    tpu.enqueue_indirect_dma source(%dma_start3A_28 : memref<30522x1024xf32, #tpu.memory_space<hbm>>) target(%arg13 : memref<16x1024xf32, #tpu.memory_space<vmem>>) offsets(%dma_start3A_25 : memref<16xi32, #tpu.memory_space<vmem>>) semaphore(%arg18 : memref<!tpu.dma_semaphore, #tpu.memory_space<semaphore_mem>>)
    %scan3A_29 = arith.constant 0 : i32
    %scan3A_30 = arith.constant 0 : i32
    %scan3A_31 = arith.constant 8 : i32
    %scan3A_32 = arith.addi %scan3A_30, %scan3A_31 : i32
    %scan3A_33 = arith.constant 1 : i32
    scf.for %scan3A_58 = %scan3A_30 to %scan3A_32 step %scan3A_33  : i32 {
      %mul3A_59 = arith.constant 4 : i32
      %mul3A_60 = arith.muli %mul3A_59, %scan3A_58 : i32
      %add3A_61 = arith.constant 0 : i32
      %add3A_62 = arith.addi %mul3A_60, %add3A_61 : i32
      %dma_wait3A_63 = arith.constant 0 : i32
      %dma_wait3A_64 = arith.constant 0 : i32
      %dma_wait3A_65 = tpu.memref_slice %arg4[%dma_wait3A_63, %dma_wait3A_64] : memref<30522x1024xf32, #tpu.memory_space<hbm>> -> memref<16x1024xf32, #tpu.memory_space<hbm>>
      %dma_wait3A_66 = arith.constant 0 : i32
      %dma_wait3A_67 = arith.constant 0 : i32
      %dma_wait3A_68 = tpu.memref_slice %arg4[%dma_wait3A_66, %dma_wait3A_67] : memref<30522x1024xf32, #tpu.memory_space<hbm>> -> memref<16x1024xf32, #tpu.memory_space<hbm>>
      tpu.wait_dma2 semaphore(%arg17 : memref<!tpu.dma_semaphore, #tpu.memory_space<semaphore_mem>>) src(%dma_wait3A_68 : memref<16x1024xf32, #tpu.memory_space<hbm>>) dst(%arg12 : memref<16x1024xf32, #tpu.memory_space<vmem>>)
      %mul3A_69 = arith.constant 16 : i32
      %mul3A_70 = arith.muli %add3A_62, %mul3A_69 : i32
      %get3A = arith.index_cast %mul3A_70 : i32 to index
      %get3A_71 = tpu.vector_load %arg9[%get3A] {strides = array<i32>} : memref<512xi32, #tpu.memory_space<vmem>>, vector<16xi32>,
      %get3A_72 = vector.shape_cast %get3A_71 : vector<16xi32> to vector<16xi32>
      %slice3A = vector.extract_strided_slice %get3A_72 {offsets = [0], sizes = [1], strides = [1]} : vector<16xi32> to vector<1xi32>
      %squeeze3A = vector.extract %slice3A[0] : i32 from vector<1xi32>
      %add3A_73 = arith.constant 0 : i32
      %add3A_74 = arith.addi %add3A_73, %squeeze3A : i32
      %parallel_loop3A = arith.constant 0 : i32
      %parallel_loop3A_75 = arith.constant 64 : i32
      %parallel_loop3A_76 = arith.constant 1 : i32
      scf.for %parallel_loop3A_616 = %parallel_loop3A to %parallel_loop3A_75 step %parallel_loop3A_76  : i32 {
        %parallel_loop3A_617 = arith.constant 16 : i32
        %parallel_loop3A_618 = arith.muli %parallel_loop3A_616, %parallel_loop3A_617 : i32
        %parallel_loop3A_619 = arith.constant 16 : i32
        %parallel_loop3A_620 = arith.muli %parallel_loop3A_616, %parallel_loop3A_619 : i32
        %parallel_loop3A_621 = arith.index_cast %add3A_74 : i32 to index
        %parallel_loop3A_622 = arith.index_cast %parallel_loop3A_620 : i32 to index
        %parallel_loop3A_623 = tpu.vector_load %arg11[%parallel_loop3A_621, %parallel_loop3A_622] {strides = array<i32>} : memref<32x1024xf32, #tpu.memory_space<vmem>>, vector<1x16xf32>,
        %parallel_loop3A_624 = vector.shape_cast %parallel_loop3A_623 : vector<1x16xf32> to vector<16xf32>
        %parallel_loop3A_625 = arith.constant 0 : i32
        %parallel_loop3A_626 = arith.index_cast %parallel_loop3A_625 : i32 to index
        %parallel_loop3A_627 = arith.index_cast %parallel_loop3A_618 : i32 to index
        %parallel_loop3A_628 = tpu.vector_load %arg12[%parallel_loop3A_626, %parallel_loop3A_627] {strides = array<i32>} : memref<16x1024xf32, #tpu.memory_space<vmem>>, vector<1x16xf32>,
        %parallel_loop3A_629 = vector.shape_cast %parallel_loop3A_628 : vector<1x16xf32> to vector<16xf32>
        %parallel_loop3A_630 = vector.shape_cast %parallel_loop3A_624 : vector<16xf32> to vector<1x16xf32>
        tpu.vector_store %arg12[%parallel_loop3A_626, %parallel_loop3A_627], %parallel_loop3A_630 {add = true, strides = array<i32>} : memref<16x1024xf32, #tpu.memory_space<vmem>>, vector<1x16xf32>,
      } {sc.loop_unroll_factor = 8 : i64, sc.parallel_access}
      %slice3A_77 = vector.extract_strided_slice %get3A_72 {offsets = [1], sizes = [1], strides = [1]} : vector<16xi32> to vector<1xi32>
      %squeeze3A_78 = vector.extract %slice3A_77[0] : i32 from vector<1xi32>
      %add3A_79 = arith.constant 2 : i32
      %add3A_80 = arith.addi %add3A_79, %squeeze3A_78 : i32
      %parallel_loop3A_81 = arith.constant 0 : i32
      %parallel_loop3A_82 = arith.constant 64 : i32
      %parallel_loop3A_83 = arith.constant 1 : i32
      scf.for %parallel_loop3A_616 = %parallel_loop3A_81 to %parallel_loop3A_82 step %parallel_loop3A_83  : i32 {
        %parallel_loop3A_617 = arith.constant 16 : i32
        %parallel_loop3A_618 = arith.muli %parallel_loop3A_616, %parallel_loop3A_617 : i32
        %parallel_loop3A_619 = arith.constant 16 : i32
        %parallel_loop3A_620 = arith.muli %parallel_loop3A_616, %parallel_loop3A_619 : i32
        %parallel_loop3A_621 = arith.index_cast %add3A_80 : i32 to index
        %parallel_loop3A_622 = arith.index_cast %parallel_loop3A_620 : i32 to index
        %parallel_loop3A_623 = tpu.vector_load %arg11[%parallel_loop3A_621, %parallel_loop3A_622] {strides = array<i32>} : memref<32x1024xf32, #tpu.memory_space<vmem>>, vector<1x16xf32>,
        %parallel_loop3A_624 = vector.shape_cast %parallel_loop3A_623 : vector<1x16xf32> to vector<16xf32>
        %parallel_loop3A_625 = arith.constant 1 : i32
        %parallel_loop3A_626 = arith.index_cast %parallel_loop3A_625 : i32 to index
        %parallel_loop3A_627 = arith.index_cast %parallel_loop3A_618 : i32 to index
        %parallel_loop3A_628 = tpu.vector_load %arg12[%parallel_loop3A_626, %parallel_loop3A_627] {strides = array<i32>} : memref<16x1024xf32, #tpu.memory_space<vmem>>, vector<1x16xf32>,
        %parallel_loop3A_629 = vector.shape_cast %parallel_loop3A_628 : vector<1x16xf32> to vector<16xf32>
        %parallel_loop3A_630 = vector.shape_cast %parallel_loop3A_624 : vector<16xf32> to vector<1x16xf32>
        tpu.vector_store %arg12[%parallel_loop3A_626, %parallel_loop3A_627], %parallel_loop3A_630 {add = true, strides = array<i32>} : memref<16x1024xf32, #tpu.memory_space<vmem>>, vector<1x16xf32>,
      } {sc.loop_unroll_factor = 8 : i64, sc.parallel_access}
      %slice3A_84 = vector.extract_strided_slice %get3A_72 {offsets = [2], sizes = [1], strides = [1]} : vector<16xi32> to vector<1xi32>
      %squeeze3A_85 = vector.extract %slice3A_84[0] : i32 from vector<1xi32>
      %add3A_86 = arith.constant 4 : i32
      %add3A_87 = arith.addi %add3A_86, %squeeze3A_85 : i32
      %parallel_loop3A_88 = arith.constant 0 : i32
      %parallel_loop3A_89 = arith.constant 64 : i32
      %parallel_loop3A_90 = arith.constant 1 : i32
      scf.for %parallel_loop3A_616 = %parallel_loop3A_88 to %parallel_loop3A_89 step %parallel_loop3A_90  : i32 {
        %parallel_loop3A_617 = arith.constant 16 : i32
        %parallel_loop3A_618 = arith.muli %parallel_loop3A_616, %parallel_loop3A_617 : i32
        %parallel_loop3A_619 = arith.constant 16 : i32
        %parallel_loop3A_620 = arith.muli %parallel_loop3A_616, %parallel_loop3A_619 : i32
        %parallel_loop3A_621 = arith.index_cast %add3A_87 : i32 to index
        %parallel_loop3A_622 = arith.index_cast %parallel_loop3A_620 : i32 to index
        %parallel_loop3A_623 = tpu.vector_load %arg11[%parallel_loop3A_621, %parallel_loop3A_622] {strides = array<i32>} : memref<32x1024xf32, #tpu.memory_space<vmem>>, vector<1x16xf32>,
        %parallel_loop3A_624 = vector.shape_cast %parallel_loop3A_623 : vector<1x16xf32> to vector<16xf32>
        %parallel_loop3A_625 = arith.constant 2 : i32
        %parallel_loop3A_626 = arith.index_cast %parallel_loop3A_625 : i32 to index
        %parallel_loop3A_627 = arith.index_cast %parallel_loop3A_618 : i32 to index
        %parallel_loop3A_628 = tpu.vector_load %arg12[%parallel_loop3A_626, %parallel_loop3A_627] {strides = array<i32>} : memref<16x1024xf32, #tpu.memory_space<vmem>>, vector<1x16xf32>,
        %parallel_loop3A_629 = vector.shape_cast %parallel_loop3A_628 : vector<1x16xf32> to vector<16xf32>
        %parallel_loop3A_630 = vector.shape_cast %parallel_loop3A_624 : vector<16xf32> to vector<1x16xf32>
        tpu.vector_store %arg12[%parallel_loop3A_626, %parallel_loop3A_627], %parallel_loop3A_630 {add = true, strides = array<i32>} : memref<16x1024xf32, #tpu.memory_space<vmem>>, vector<1x16xf32>,
      } {sc.loop_unroll_factor = 8 : i64, sc.parallel_access}
      %slice3A_91 = vector.extract_strided_slice %get3A_72 {offsets = [3], sizes = [1], strides = [1]} : vector<16xi32> to vector<1xi32>
      %squeeze3A_92 = vector.extract %slice3A_91[0] : i32 from vector<1xi32>
      %add3A_93 = arith.constant 6 : i32
      %add3A_94 = arith.addi %add3A_93, %squeeze3A_92 : i32
      %parallel_loop3A_95 = arith.constant 0 : i32
      %parallel_loop3A_96 = arith.constant 64 : i32
      %parallel_loop3A_97 = arith.constant 1 : i32
      scf.for %parallel_loop3A_616 = %parallel_loop3A_95 to %parallel_loop3A_96 step %parallel_loop3A_97  : i32 {
        %parallel_loop3A_617 = arith.constant 16 : i32
        %parallel_loop3A_618 = arith.muli %parallel_loop3A_616, %parallel_loop3A_617 : i32
        %parallel_loop3A_619 = arith.constant 16 : i32
        %parallel_loop3A_620 = arith.muli %parallel_loop3A_616, %parallel_loop3A_619 : i32
        %parallel_loop3A_621 = arith.index_cast %add3A_94 : i32 to index
        %parallel_loop3A_622 = arith.index_cast %parallel_loop3A_620 : i32 to index
        %parallel_loop3A_623 = tpu.vector_load %arg11[%parallel_loop3A_621, %parallel_loop3A_622] {strides = array<i32>} : memref<32x1024xf32, #tpu.memory_space<vmem>>, vector<1x16xf32>,
        %parallel_loop3A_624 = vector.shape_cast %parallel_loop3A_623 : vector<1x16xf32> to vector<16xf32>
        %parallel_loop3A_625 = arith.constant 3 : i32
        %parallel_loop3A_626 = arith.index_cast %parallel_loop3A_625 : i32 to index
        %parallel_loop3A_627 = arith.index_cast %parallel_loop3A_618 : i32 to index
        %parallel_loop3A_628 = tpu.vector_load %arg12[%parallel_loop3A_626, %parallel_loop3A_627] {strides = array<i32>} : memref<16x1024xf32, #tpu.memory_space<vmem>>, vector<1x16xf32>,
        %parallel_loop3A_629 = vector.shape_cast %parallel_loop3A_628 : vector<1x16xf32> to vector<16xf32>
        %parallel_loop3A_630 = vector.shape_cast %parallel_loop3A_624 : vector<16xf32> to vector<1x16xf32>
        tpu.vector_store %arg12[%parallel_loop3A_626, %parallel_loop3A_627], %parallel_loop3A_630 {add = true, strides = array<i32>} : memref<16x1024xf32, #tpu.memory_space<vmem>>, vector<1x16xf32>,
      } {sc.loop_unroll_factor = 8 : i64, sc.parallel_access}
      %slice3A_98 = vector.extract_strided_slice %get3A_72 {offsets = [4], sizes = [1], strides = [1]} : vector<16xi32> to vector<1xi32>
      %squeeze3A_99 = vector.extract %slice3A_98[0] : i32 from vector<1xi32>
      %add3A_100 = arith.constant 8 : i32
      %add3A_101 = arith.addi %add3A_100, %squeeze3A_99 : i32
      %parallel_loop3A_102 = arith.constant 0 : i32
      %parallel_loop3A_103 = arith.constant 64 : i32
      %parallel_loop3A_104 = arith.constant 1 : i32
      scf.for %parallel_loop3A_616 = %parallel_loop3A_102 to %parallel_loop3A_103 step %parallel_loop3A_104  : i32 {
        %parallel_loop3A_617 = arith.constant 16 : i32
        %parallel_loop3A_618 = arith.muli %parallel_loop3A_616, %parallel_loop3A_617 : i32
        %parallel_loop3A_619 = arith.constant 16 : i32
        %parallel_loop3A_620 = arith.muli %parallel_loop3A_616, %parallel_loop3A_619 : i32
        %parallel_loop3A_621 = arith.index_cast %add3A_101 : i32 to index
        %parallel_loop3A_622 = arith.index_cast %parallel_loop3A_620 : i32 to index
        %parallel_loop3A_623 = tpu.vector_load %arg11[%parallel_loop3A_621, %parallel_loop3A_622] {strides = array<i32>} : memref<32x1024xf32, #tpu.memory_space<vmem>>, vector<1x16xf32>,
        %parallel_loop3A_624 = vector.shape_cast %parallel_loop3A_623 : vector<1x16xf32> to vector<16xf32>
        %parallel_loop3A_625 = arith.constant 4 : i32
        %parallel_loop3A_626 = arith.index_cast %parallel_loop3A_625 : i32 to index
        %parallel_loop3A_627 = arith.index_cast %parallel_loop3A_618 : i32 to index
        %parallel_loop3A_628 = tpu.vector_load %arg12[%parallel_loop3A_626, %parallel_loop3A_627] {strides = array<i32>} : memref<16x1024xf32, #tpu.memory_space<vmem>>, vector<1x16xf32>,
        %parallel_loop3A_629 = vector.shape_cast %parallel_loop3A_628 : vector<1x16xf32> to vector<16xf32>
        %parallel_loop3A_630 = vector.shape_cast %parallel_loop3A_624 : vector<16xf32> to vector<1x16xf32>
        tpu.vector_store %arg12[%parallel_loop3A_626, %parallel_loop3A_627], %parallel_loop3A_630 {add = true, strides = array<i32>} : memref<16x1024xf32, #tpu.memory_space<vmem>>, vector<1x16xf32>,
      } {sc.loop_unroll_factor = 8 : i64, sc.parallel_access}
      %slice3A_105 = vector.extract_strided_slice %get3A_72 {offsets = [5], sizes = [1], strides = [1]} : vector<16xi32> to vector<1xi32>
      %squeeze3A_106 = vector.extract %slice3A_105[0] : i32 from vector<1xi32>
      %add3A_107 = arith.constant 10 : i32
      %add3A_108 = arith.addi %add3A_107, %squeeze3A_106 : i32
      %parallel_loop3A_109 = arith.constant 0 : i32
      %parallel_loop3A_110 = arith.constant 64 : i32
      %parallel_loop3A_111 = arith.constant 1 : i32
      scf.for %parallel_loop3A_616 = %parallel_loop3A_109 to %parallel_loop3A_110 step %parallel_loop3A_111  : i32 {
        %parallel_loop3A_617 = arith.constant 16 : i32
        %parallel_loop3A_618 = arith.muli %parallel_loop3A_616, %parallel_loop3A_617 : i32
        %parallel_loop3A_619 = arith.constant 16 : i32
        %parallel_loop3A_620 = arith.muli %parallel_loop3A_616, %parallel_loop3A_619 : i32
        %parallel_loop3A_621 = arith.index_cast %add3A_108 : i32 to index
        %parallel_loop3A_622 = arith.index_cast %parallel_loop3A_620 : i32 to index
        %parallel_loop3A_623 = tpu.vector_load %arg11[%parallel_loop3A_621, %parallel_loop3A_622] {strides = array<i32>} : memref<32x1024xf32, #tpu.memory_space<vmem>>, vector<1x16xf32>,
        %parallel_loop3A_624 = vector.shape_cast %parallel_loop3A_623 : vector<1x16xf32> to vector<16xf32>
        %parallel_loop3A_625 = arith.constant 5 : i32
        %parallel_loop3A_626 = arith.index_cast %parallel_loop3A_625 : i32 to index
        %parallel_loop3A_627 = arith.index_cast %parallel_loop3A_618 : i32 to index
        %parallel_loop3A_628 = tpu.vector_load %arg12[%parallel_loop3A_626, %parallel_loop3A_627] {strides = array<i32>} : memref<16x1024xf32, #tpu.memory_space<vmem>>, vector<1x16xf32>,
        %parallel_loop3A_629 = vector.shape_cast %parallel_loop3A_628 : vector<1x16xf32> to vector<16xf32>
        %parallel_loop3A_630 = vector.shape_cast %parallel_loop3A_624 : vector<16xf32> to vector<1x16xf32>
        tpu.vector_store %arg12[%parallel_loop3A_626, %parallel_loop3A_627], %parallel_loop3A_630 {add = true, strides = array<i32>} : memref<16x1024xf32, #tpu.memory_space<vmem>>, vector<1x16xf32>,
      } {sc.loop_unroll_factor = 8 : i64, sc.parallel_access}
      %slice3A_112 = vector.extract_strided_slice %get3A_72 {offsets = [6], sizes = [1], strides = [1]} : vector<16xi32> to vector<1xi32>
      %squeeze3A_113 = vector.extract %slice3A_112[0] : i32 from vector<1xi32>
      %add3A_114 = arith.constant 12 : i32
      %add3A_115 = arith.addi %add3A_114, %squeeze3A_113 : i32
      %parallel_loop3A_116 = arith.constant 0 : i32
      %parallel_loop3A_117 = arith.constant 64 : i32
      %parallel_loop3A_118 = arith.constant 1 : i32
      scf.for %parallel_loop3A_616 = %parallel_loop3A_116 to %parallel_loop3A_117 step %parallel_loop3A_118  : i32 {
        %parallel_loop3A_617 = arith.constant 16 : i32
        %parallel_loop3A_618 = arith.muli %parallel_loop3A_616, %parallel_loop3A_617 : i32
        %parallel_loop3A_619 = arith.constant 16 : i32
        %parallel_loop3A_620 = arith.muli %parallel_loop3A_616, %parallel_loop3A_619 : i32
        %parallel_loop3A_621 = arith.index_cast %add3A_115 : i32 to index
        %parallel_loop3A_622 = arith.index_cast %parallel_loop3A_620 : i32 to index
        %parallel_loop3A_623 = tpu.vector_load %arg11[%parallel_loop3A_621, %parallel_loop3A_622] {strides = array<i32>} : memref<32x1024xf32, #tpu.memory_space<vmem>>, vector<1x16xf32>,
        %parallel_loop3A_624 = vector.shape_cast %parallel_loop3A_623 : vector<1x16xf32> to vector<16xf32>
        %parallel_loop3A_625 = arith.constant 6 : i32
        %parallel_loop3A_626 = arith.index_cast %parallel_loop3A_625 : i32 to index
        %parallel_loop3A_627 = arith.index_cast %parallel_loop3A_618 : i32 to index
        %parallel_loop3A_628 = tpu.vector_load %arg12[%parallel_loop3A_626, %parallel_loop3A_627] {strides = array<i32>} : memref<16x1024xf32, #tpu.memory_space<vmem>>, vector<1x16xf32>,
        %parallel_loop3A_629 = vector.shape_cast %parallel_loop3A_628 : vector<1x16xf32> to vector<16xf32>
        %parallel_loop3A_630 = vector.shape_cast %parallel_loop3A_624 : vector<16xf32> to vector<1x16xf32>
        tpu.vector_store %arg12[%parallel_loop3A_626, %parallel_loop3A_627], %parallel_loop3A_630 {add = true, strides = array<i32>} : memref<16x1024xf32, #tpu.memory_space<vmem>>, vector<1x16xf32>,
      } {sc.loop_unroll_factor = 8 : i64, sc.parallel_access}
      %slice3A_119 = vector.extract_strided_slice %get3A_72 {offsets = [7], sizes = [1], strides = [1]} : vector<16xi32> to vector<1xi32>
      %squeeze3A_120 = vector.extract %slice3A_119[0] : i32 from vector<1xi32>
      %add3A_121 = arith.constant 14 : i32
      %add3A_122 = arith.addi %add3A_121, %squeeze3A_120 : i32
      %parallel_loop3A_123 = arith.constant 0 : i32
      %parallel_loop3A_124 = arith.constant 64 : i32
      %parallel_loop3A_125 = arith.constant 1 : i32
      scf.for %parallel_loop3A_616 = %parallel_loop3A_123 to %parallel_loop3A_124 step %parallel_loop3A_125  : i32 {
        %parallel_loop3A_617 = arith.constant 16 : i32
        %parallel_loop3A_618 = arith.muli %parallel_loop3A_616, %parallel_loop3A_617 : i32
        %parallel_loop3A_619 = arith.constant 16 : i32
        %parallel_loop3A_620 = arith.muli %parallel_loop3A_616, %parallel_loop3A_619 : i32
        %parallel_loop3A_621 = arith.index_cast %add3A_122 : i32 to index
        %parallel_loop3A_622 = arith.index_cast %parallel_loop3A_620 : i32 to index
        %parallel_loop3A_623 = tpu.vector_load %arg11[%parallel_loop3A_621, %parallel_loop3A_622] {strides = array<i32>} : memref<32x1024xf32, #tpu.memory_space<vmem>>, vector<1x16xf32>,
        %parallel_loop3A_624 = vector.shape_cast %parallel_loop3A_623 : vector<1x16xf32> to vector<16xf32>
        %parallel_loop3A_625 = arith.constant 7 : i32
        %parallel_loop3A_626 = arith.index_cast %parallel_loop3A_625 : i32 to index
        %parallel_loop3A_627 = arith.index_cast %parallel_loop3A_618 : i32 to index
        %parallel_loop3A_628 = tpu.vector_load %arg12[%parallel_loop3A_626, %parallel_loop3A_627] {strides = array<i32>} : memref<16x1024xf32, #tpu.memory_space<vmem>>, vector<1x16xf32>,
        %parallel_loop3A_629 = vector.shape_cast %parallel_loop3A_628 : vector<1x16xf32> to vector<16xf32>
        %parallel_loop3A_630 = vector.shape_cast %parallel_loop3A_624 : vector<16xf32> to vector<1x16xf32>
        tpu.vector_store %arg12[%parallel_loop3A_626, %parallel_loop3A_627], %parallel_loop3A_630 {add = true, strides = array<i32>} : memref<16x1024xf32, #tpu.memory_space<vmem>>, vector<1x16xf32>,
      } {sc.loop_unroll_factor = 8 : i64, sc.parallel_access}
      %slice3A_126 = vector.extract_strided_slice %get3A_72 {offsets = [8], sizes = [1], strides = [1]} : vector<16xi32> to vector<1xi32>
      %squeeze3A_127 = vector.extract %slice3A_126[0] : i32 from vector<1xi32>
      %add3A_128 = arith.constant 16 : i32
      %add3A_129 = arith.addi %add3A_128, %squeeze3A_127 : i32
      %parallel_loop3A_130 = arith.constant 0 : i32
      %parallel_loop3A_131 = arith.constant 64 : i32
      %parallel_loop3A_132 = arith.constant 1 : i32
      scf.for %parallel_loop3A_616 = %parallel_loop3A_130 to %parallel_loop3A_131 step %parallel_loop3A_132  : i32 {
        %parallel_loop3A_617 = arith.constant 16 : i32
        %parallel_loop3A_618 = arith.muli %parallel_loop3A_616, %parallel_loop3A_617 : i32
        %parallel_loop3A_619 = arith.constant 16 : i32
        %parallel_loop3A_620 = arith.muli %parallel_loop3A_616, %parallel_loop3A_619 : i32
        %parallel_loop3A_621 = arith.index_cast %add3A_129 : i32 to index
        %parallel_loop3A_622 = arith.index_cast %parallel_loop3A_620 : i32 to index
        %parallel_loop3A_623 = tpu.vector_load %arg11[%parallel_loop3A_621, %parallel_loop3A_622] {strides = array<i32>} : memref<32x1024xf32, #tpu.memory_space<vmem>>, vector<1x16xf32>,
        %parallel_loop3A_624 = vector.shape_cast %parallel_loop3A_623 : vector<1x16xf32> to vector<16xf32>
        %parallel_loop3A_625 = arith.constant 8 : i32
        %parallel_loop3A_626 = arith.index_cast %parallel_loop3A_625 : i32 to index
        %parallel_loop3A_627 = arith.index_cast %parallel_loop3A_618 : i32 to index
        %parallel_loop3A_628 = tpu.vector_load %arg12[%parallel_loop3A_626, %parallel_loop3A_627] {strides = array<i32>} : memref<16x1024xf32, #tpu.memory_space<vmem>>, vector<1x16xf32>,
        %parallel_loop3A_629 = vector.shape_cast %parallel_loop3A_628 : vector<1x16xf32> to vector<16xf32>
        %parallel_loop3A_630 = vector.shape_cast %parallel_loop3A_624 : vector<16xf32> to vector<1x16xf32>
        tpu.vector_store %arg12[%parallel_loop3A_626, %parallel_loop3A_627], %parallel_loop3A_630 {add = true, strides = array<i32>} : memref<16x1024xf32, #tpu.memory_space<vmem>>, vector<1x16xf32>,
      } {sc.loop_unroll_factor = 8 : i64, sc.parallel_access}
      %slice3A_133 = vector.extract_strided_slice %get3A_72 {offsets = [9], sizes = [1], strides = [1]} : vector<16xi32> to vector<1xi32>
      %squeeze3A_134 = vector.extract %slice3A_133[0] : i32 from vector<1xi32>
      %add3A_135 = arith.constant 18 : i32
      %add3A_136 = arith.addi %add3A_135, %squeeze3A_134 : i32
      %parallel_loop3A_137 = arith.constant 0 : i32
      %parallel_loop3A_138 = arith.constant 64 : i32
      %parallel_loop3A_139 = arith.constant 1 : i32
      scf.for %parallel_loop3A_616 = %parallel_loop3A_137 to %parallel_loop3A_138 step %parallel_loop3A_139  : i32 {
        %parallel_loop3A_617 = arith.constant 16 : i32
        %parallel_loop3A_618 = arith.muli %parallel_loop3A_616, %parallel_loop3A_617 : i32
        %parallel_loop3A_619 = arith.constant 16 : i32
        %parallel_loop3A_620 = arith.muli %parallel_loop3A_616, %parallel_loop3A_619 : i32
        %parallel_loop3A_621 = arith.index_cast %add3A_136 : i32 to index
        %parallel_loop3A_622 = arith.index_cast %parallel_loop3A_620 : i32 to index
        %parallel_loop3A_623 = tpu.vector_load %arg11[%parallel_loop3A_621, %parallel_loop3A_622] {strides = array<i32>} : memref<32x1024xf32, #tpu.memory_space<vmem>>, vector<1x16xf32>,
        %parallel_loop3A_624 = vector.shape_cast %parallel_loop3A_623 : vector<1x16xf32> to vector<16xf32>
        %parallel_loop3A_625 = arith.constant 9 : i32
        %parallel_loop3A_626 = arith.index_cast %parallel_loop3A_625 : i32 to index
        %parallel_loop3A_627 = arith.index_cast %parallel_loop3A_618 : i32 to index
        %parallel_loop3A_628 = tpu.vector_load %arg12[%parallel_loop3A_626, %parallel_loop3A_627] {strides = array<i32>} : memref<16x1024xf32, #tpu.memory_space<vmem>>, vector<1x16xf32>,
        %parallel_loop3A_629 = vector.shape_cast %parallel_loop3A_628 : vector<1x16xf32> to vector<16xf32>
        %parallel_loop3A_630 = vector.shape_cast %parallel_loop3A_624 : vector<16xf32> to vector<1x16xf32>
        tpu.vector_store %arg12[%parallel_loop3A_626, %parallel_loop3A_627], %parallel_loop3A_630 {add = true, strides = array<i32>} : memref<16x1024xf32, #tpu.memory_space<vmem>>, vector<1x16xf32>,
      } {sc.loop_unroll_factor = 8 : i64, sc.parallel_access}
      %slice3A_140 = vector.extract_strided_slice %get3A_72 {offsets = [10], sizes = [1], strides = [1]} : vector<16xi32> to vector<1xi32>
      %squeeze3A_141 = vector.extract %slice3A_140[0] : i32 from vector<1xi32>
      %add3A_142 = arith.constant 20 : i32
      %add3A_143 = arith.addi %add3A_142, %squeeze3A_141 : i32
      %parallel_loop3A_144 = arith.constant 0 : i32
      %parallel_loop3A_145 = arith.constant 64 : i32
      %parallel_loop3A_146 = arith.constant 1 : i32
      scf.for %parallel_loop3A_616 = %parallel_loop3A_144 to %parallel_loop3A_145 step %parallel_loop3A_146  : i32 {
        %parallel_loop3A_617 = arith.constant 16 : i32
        %parallel_loop3A_618 = arith.muli %parallel_loop3A_616, %parallel_loop3A_617 : i32
        %parallel_loop3A_619 = arith.constant 16 : i32
        %parallel_loop3A_620 = arith.muli %parallel_loop3A_616, %parallel_loop3A_619 : i32
        %parallel_loop3A_621 = arith.index_cast %add3A_143 : i32 to index
        %parallel_loop3A_622 = arith.index_cast %parallel_loop3A_620 : i32 to index
        %parallel_loop3A_623 = tpu.vector_load %arg11[%parallel_loop3A_621, %parallel_loop3A_622] {strides = array<i32>} : memref<32x1024xf32, #tpu.memory_space<vmem>>, vector<1x16xf32>,
        %parallel_loop3A_624 = vector.shape_cast %parallel_loop3A_623 : vector<1x16xf32> to vector<16xf32>
        %parallel_loop3A_625 = arith.constant 10 : i32
        %parallel_loop3A_626 = arith.index_cast %parallel_loop3A_625 : i32 to index
        %parallel_loop3A_627 = arith.index_cast %parallel_loop3A_618 : i32 to index
        %parallel_loop3A_628 = tpu.vector_load %arg12[%parallel_loop3A_626, %parallel_loop3A_627] {strides = array<i32>} : memref<16x1024xf32, #tpu.memory_space<vmem>>, vector<1x16xf32>,
        %parallel_loop3A_629 = vector.shape_cast %parallel_loop3A_628 : vector<1x16xf32> to vector<16xf32>
        %parallel_loop3A_630 = vector.shape_cast %parallel_loop3A_624 : vector<16xf32> to vector<1x16xf32>
        tpu.vector_store %arg12[%parallel_loop3A_626, %parallel_loop3A_627], %parallel_loop3A_630 {add = true, strides = array<i32>} : memref<16x1024xf32, #tpu.memory_space<vmem>>, vector<1x16xf32>,
      } {sc.loop_unroll_factor = 8 : i64, sc.parallel_access}
      %slice3A_147 = vector.extract_strided_slice %get3A_72 {offsets = [11], sizes = [1], strides = [1]} : vector<16xi32> to vector<1xi32>
      %squeeze3A_148 = vector.extract %slice3A_147[0] : i32 from vector<1xi32>
      %add3A_149 = arith.constant 22 : i32
      %add3A_150 = arith.addi %add3A_149, %squeeze3A_148 : i32
      %parallel_loop3A_151 = arith.constant 0 : i32
      %parallel_loop3A_152 = arith.constant 64 : i32
      %parallel_loop3A_153 = arith.constant 1 : i32
      scf.for %parallel_loop3A_616 = %parallel_loop3A_151 to %parallel_loop3A_152 step %parallel_loop3A_153  : i32 {
        %parallel_loop3A_617 = arith.constant 16 : i32
        %parallel_loop3A_618 = arith.muli %parallel_loop3A_616, %parallel_loop3A_617 : i32
        %parallel_loop3A_619 = arith.constant 16 : i32
        %parallel_loop3A_620 = arith.muli %parallel_loop3A_616, %parallel_loop3A_619 : i32
        %parallel_loop3A_621 = arith.index_cast %add3A_150 : i32 to index
        %parallel_loop3A_622 = arith.index_cast %parallel_loop3A_620 : i32 to index
        %parallel_loop3A_623 = tpu.vector_load %arg11[%parallel_loop3A_621, %parallel_loop3A_622] {strides = array<i32>} : memref<32x1024xf32, #tpu.memory_space<vmem>>, vector<1x16xf32>,
        %parallel_loop3A_624 = vector.shape_cast %parallel_loop3A_623 : vector<1x16xf32> to vector<16xf32>
        %parallel_loop3A_625 = arith.constant 11 : i32
        %parallel_loop3A_626 = arith.index_cast %parallel_loop3A_625 : i32 to index
        %parallel_loop3A_627 = arith.index_cast %parallel_loop3A_618 : i32 to index
        %parallel_loop3A_628 = tpu.vector_load %arg12[%parallel_loop3A_626, %parallel_loop3A_627] {strides = array<i32>} : memref<16x1024xf32, #tpu.memory_space<vmem>>, vector<1x16xf32>,
        %parallel_loop3A_629 = vector.shape_cast %parallel_loop3A_628 : vector<1x16xf32> to vector<16xf32>
        %parallel_loop3A_630 = vector.shape_cast %parallel_loop3A_624 : vector<16xf32> to vector<1x16xf32>
        tpu.vector_store %arg12[%parallel_loop3A_626, %parallel_loop3A_627], %parallel_loop3A_630 {add = true, strides = array<i32>} : memref<16x1024xf32, #tpu.memory_space<vmem>>, vector<1x16xf32>,
      } {sc.loop_unroll_factor = 8 : i64, sc.parallel_access}
      %slice3A_154 = vector.extract_strided_slice %get3A_72 {offsets = [12], sizes = [1], strides = [1]} : vector<16xi32> to vector<1xi32>
      %squeeze3A_155 = vector.extract %slice3A_154[0] : i32 from vector<1xi32>
      %add3A_156 = arith.constant 24 : i32
      %add3A_157 = arith.addi %add3A_156, %squeeze3A_155 : i32
      %parallel_loop3A_158 = arith.constant 0 : i32
      %parallel_loop3A_159 = arith.constant 64 : i32
      %parallel_loop3A_160 = arith.constant 1 : i32
      scf.for %parallel_loop3A_616 = %parallel_loop3A_158 to %parallel_loop3A_159 step %parallel_loop3A_160  : i32 {
        %parallel_loop3A_617 = arith.constant 16 : i32
        %parallel_loop3A_618 = arith.muli %parallel_loop3A_616, %parallel_loop3A_617 : i32
        %parallel_loop3A_619 = arith.constant 16 : i32
        %parallel_loop3A_620 = arith.muli %parallel_loop3A_616, %parallel_loop3A_619 : i32
        %parallel_loop3A_621 = arith.index_cast %add3A_157 : i32 to index
        %parallel_loop3A_622 = arith.index_cast %parallel_loop3A_620 : i32 to index
        %parallel_loop3A_623 = tpu.vector_load %arg11[%parallel_loop3A_621, %parallel_loop3A_622] {strides = array<i32>} : memref<32x1024xf32, #tpu.memory_space<vmem>>, vector<1x16xf32>,
        %parallel_loop3A_624 = vector.shape_cast %parallel_loop3A_623 : vector<1x16xf32> to vector<16xf32>
        %parallel_loop3A_625 = arith.constant 12 : i32
        %parallel_loop3A_626 = arith.index_cast %parallel_loop3A_625 : i32 to index
        %parallel_loop3A_627 = arith.index_cast %parallel_loop3A_618 : i32 to index
        %parallel_loop3A_628 = tpu.vector_load %arg12[%parallel_loop3A_626, %parallel_loop3A_627] {strides = array<i32>} : memref<16x1024xf32, #tpu.memory_space<vmem>>, vector<1x16xf32>,
        %parallel_loop3A_629 = vector.shape_cast %parallel_loop3A_628 : vector<1x16xf32> to vector<16xf32>
        %parallel_loop3A_630 = vector.shape_cast %parallel_loop3A_624 : vector<16xf32> to vector<1x16xf32>
        tpu.vector_store %arg12[%parallel_loop3A_626, %parallel_loop3A_627], %parallel_loop3A_630 {add = true, strides = array<i32>} : memref<16x1024xf32, #tpu.memory_space<vmem>>, vector<1x16xf32>,
      } {sc.loop_unroll_factor = 8 : i64, sc.parallel_access}
      %slice3A_161 = vector.extract_strided_slice %get3A_72 {offsets = [13], sizes = [1], strides = [1]} : vector<16xi32> to vector<1xi32>
      %squeeze3A_162 = vector.extract %slice3A_161[0] : i32 from vector<1xi32>
      %add3A_163 = arith.constant 26 : i32
      %add3A_164 = arith.addi %add3A_163, %squeeze3A_162 : i32
      %parallel_loop3A_165 = arith.constant 0 : i32
      %parallel_loop3A_166 = arith.constant 64 : i32
      %parallel_loop3A_167 = arith.constant 1 : i32
      scf.for %parallel_loop3A_616 = %parallel_loop3A_165 to %parallel_loop3A_166 step %parallel_loop3A_167  : i32 {
        %parallel_loop3A_617 = arith.constant 16 : i32
        %parallel_loop3A_618 = arith.muli %parallel_loop3A_616, %parallel_loop3A_617 : i32
        %parallel_loop3A_619 = arith.constant 16 : i32
        %parallel_loop3A_620 = arith.muli %parallel_loop3A_616, %parallel_loop3A_619 : i32
        %parallel_loop3A_621 = arith.index_cast %add3A_164 : i32 to index
        %parallel_loop3A_622 = arith.index_cast %parallel_loop3A_620 : i32 to index
        %parallel_loop3A_623 = tpu.vector_load %arg11[%parallel_loop3A_621, %parallel_loop3A_622] {strides = array<i32>} : memref<32x1024xf32, #tpu.memory_space<vmem>>, vector<1x16xf32>,
        %parallel_loop3A_624 = vector.shape_cast %parallel_loop3A_623 : vector<1x16xf32> to vector<16xf32>
        %parallel_loop3A_625 = arith.constant 13 : i32
        %parallel_loop3A_626 = arith.index_cast %parallel_loop3A_625 : i32 to index
        %parallel_loop3A_627 = arith.index_cast %parallel_loop3A_618 : i32 to index
        %parallel_loop3A_628 = tpu.vector_load %arg12[%parallel_loop3A_626, %parallel_loop3A_627] {strides = array<i32>} : memref<16x1024xf32, #tpu.memory_space<vmem>>, vector<1x16xf32>,
        %parallel_loop3A_629 = vector.shape_cast %parallel_loop3A_628 : vector<1x16xf32> to vector<16xf32>
        %parallel_loop3A_630 = vector.shape_cast %parallel_loop3A_624 : vector<16xf32> to vector<1x16xf32>
        tpu.vector_store %arg12[%parallel_loop3A_626, %parallel_loop3A_627], %parallel_loop3A_630 {add = true, strides = array<i32>} : memref<16x1024xf32, #tpu.memory_space<vmem>>, vector<1x16xf32>,
      } {sc.loop_unroll_factor = 8 : i64, sc.parallel_access}
      %slice3A_168 = vector.extract_strided_slice %get3A_72 {offsets = [14], sizes = [1], strides = [1]} : vector<16xi32> to vector<1xi32>
      %squeeze3A_169 = vector.extract %slice3A_168[0] : i32 from vector<1xi32>
      %add3A_170 = arith.constant 28 : i32
      %add3A_171 = arith.addi %add3A_170, %squeeze3A_169 : i32
      %parallel_loop3A_172 = arith.constant 0 : i32
      %parallel_loop3A_173 = arith.constant 64 : i32
      %parallel_loop3A_174 = arith.constant 1 : i32
      scf.for %parallel_loop3A_616 = %parallel_loop3A_172 to %parallel_loop3A_173 step %parallel_loop3A_174  : i32 {
        %parallel_loop3A_617 = arith.constant 16 : i32
        %parallel_loop3A_618 = arith.muli %parallel_loop3A_616, %parallel_loop3A_617 : i32
        %parallel_loop3A_619 = arith.constant 16 : i32
        %parallel_loop3A_620 = arith.muli %parallel_loop3A_616, %parallel_loop3A_619 : i32
        %parallel_loop3A_621 = arith.index_cast %add3A_171 : i32 to index
        %parallel_loop3A_622 = arith.index_cast %parallel_loop3A_620 : i32 to index
        %parallel_loop3A_623 = tpu.vector_load %arg11[%parallel_loop3A_621, %parallel_loop3A_622] {strides = array<i32>} : memref<32x1024xf32, #tpu.memory_space<vmem>>, vector<1x16xf32>,
        %parallel_loop3A_624 = vector.shape_cast %parallel_loop3A_623 : vector<1x16xf32> to vector<16xf32>
        %parallel_loop3A_625 = arith.constant 14 : i32
        %parallel_loop3A_626 = arith.index_cast %parallel_loop3A_625 : i32 to index
        %parallel_loop3A_627 = arith.index_cast %parallel_loop3A_618 : i32 to index
        %parallel_loop3A_628 = tpu.vector_load %arg12[%parallel_loop3A_626, %parallel_loop3A_627] {strides = array<i32>} : memref<16x1024xf32, #tpu.memory_space<vmem>>, vector<1x16xf32>,
        %parallel_loop3A_629 = vector.shape_cast %parallel_loop3A_628 : vector<1x16xf32> to vector<16xf32>
        %parallel_loop3A_630 = vector.shape_cast %parallel_loop3A_624 : vector<16xf32> to vector<1x16xf32>
        tpu.vector_store %arg12[%parallel_loop3A_626, %parallel_loop3A_627], %parallel_loop3A_630 {add = true, strides = array<i32>} : memref<16x1024xf32, #tpu.memory_space<vmem>>, vector<1x16xf32>,
      } {sc.loop_unroll_factor = 8 : i64, sc.parallel_access}
      %slice3A_175 = vector.extract_strided_slice %get3A_72 {offsets = [15], sizes = [1], strides = [1]} : vector<16xi32> to vector<1xi32>
      %squeeze3A_176 = vector.extract %slice3A_175[0] : i32 from vector<1xi32>
      %add3A_177 = arith.constant 30 : i32
      %add3A_178 = arith.addi %add3A_177, %squeeze3A_176 : i32
      %parallel_loop3A_179 = arith.constant 0 : i32
      %parallel_loop3A_180 = arith.constant 64 : i32
      %parallel_loop3A_181 = arith.constant 1 : i32
      scf.for %parallel_loop3A_616 = %parallel_loop3A_179 to %parallel_loop3A_180 step %parallel_loop3A_181  : i32 {
        %parallel_loop3A_617 = arith.constant 16 : i32
        %parallel_loop3A_618 = arith.muli %parallel_loop3A_616, %parallel_loop3A_617 : i32
        %parallel_loop3A_619 = arith.constant 16 : i32
        %parallel_loop3A_620 = arith.muli %parallel_loop3A_616, %parallel_loop3A_619 : i32
        %parallel_loop3A_621 = arith.index_cast %add3A_178 : i32 to index
        %parallel_loop3A_622 = arith.index_cast %parallel_loop3A_620 : i32 to index
        %parallel_loop3A_623 = tpu.vector_load %arg11[%parallel_loop3A_621, %parallel_loop3A_622] {strides = array<i32>} : memref<32x1024xf32, #tpu.memory_space<vmem>>, vector<1x16xf32>,
        %parallel_loop3A_624 = vector.shape_cast %parallel_loop3A_623 : vector<1x16xf32> to vector<16xf32>
        %parallel_loop3A_625 = arith.constant 15 : i32
        %parallel_loop3A_626 = arith.index_cast %parallel_loop3A_625 : i32 to index
        %parallel_loop3A_627 = arith.index_cast %parallel_loop3A_618 : i32 to index
        %parallel_loop3A_628 = tpu.vector_load %arg12[%parallel_loop3A_626, %parallel_loop3A_627] {strides = array<i32>} : memref<16x1024xf32, #tpu.memory_space<vmem>>, vector<1x16xf32>,
        %parallel_loop3A_629 = vector.shape_cast %parallel_loop3A_628 : vector<1x16xf32> to vector<16xf32>
        %parallel_loop3A_630 = vector.shape_cast %parallel_loop3A_624 : vector<16xf32> to vector<1x16xf32>
        tpu.vector_store %arg12[%parallel_loop3A_626, %parallel_loop3A_627], %parallel_loop3A_630 {add = true, strides = array<i32>} : memref<16x1024xf32, #tpu.memory_space<vmem>>, vector<1x16xf32>,
      } {sc.loop_unroll_factor = 8 : i64, sc.parallel_access}
      %mul3A_182 = arith.constant 512 : i32
      %mul3A_183 = arith.muli %add3A_62, %mul3A_182 : i32
      %add3A_184 = arith.addi %mul3A_183, %mul3A_2 : i32
      %dma_start3A_185 = arith.constant 0 : i32
      %dma_start3A_186 = tpu.memref_slice %arg7[%add3A_184, %dma_start3A_185] : memref<16384x1024xf32, #tpu.memory_space<hbm>> -> memref<16x1024xf32, #tpu.memory_space<hbm>>
      %dma_start3A_187 = arith.constant 0 : i32
      %dma_start3A_188 = tpu.memref_slice %arg7[%add3A_184, %dma_start3A_187] : memref<16384x1024xf32, #tpu.memory_space<hbm>> -> memref<16x1024xf32, #tpu.memory_space<hbm>>
      tpu.enqueue_dma source(%arg12 : memref<16x1024xf32, #tpu.memory_space<vmem>>) target(%dma_start3A_188 : memref<16x1024xf32, #tpu.memory_space<hbm>>) target_semaphore(%arg21 : memref<!tpu.dma_semaphore, #tpu.memory_space<semaphore_mem>>)
      %add3A_189 = arith.constant 2 : i32
      %add3A_190 = arith.addi %add3A_62, %add3A_189 : i32
      %lt3A = arith.constant 32 : i32
      %lt3A_191 = arith.cmpi slt, %add3A_190, %lt3A : i32
      %convert_element_type3A = arith.extui %lt3A_191 : i1 to i32
      %cond3A = arith.constant 0 : i32
      %cond3A_192 = arith.cmpi ne, %convert_element_type3A, %cond3A : i32
      scf.if %cond3A_192 {
        %sub3A = arith.constant 2 : i32
        %sub3A_616 = arith.subi %add3A_62, %sub3A : i32
        %ge3A = arith.constant 0 : i32
        %ge3A_617 = arith.cmpi sge, %sub3A_616, %ge3A : i32
        %convert_element_type3A_618 = arith.extui %ge3A_617 : i1 to i32
        %cond3A_619 = arith.constant 0 : i32
        %cond3A_620 = arith.cmpi ne, %convert_element_type3A_618, %cond3A_619 : i32
        scf.if %cond3A_620 {
          %dma_wait3A_629 = arith.constant 0 : i32
          %dma_wait3A_630 = arith.constant 0 : i32
          %dma_wait3A_631 = tpu.memref_slice %arg7[%dma_wait3A_629, %dma_wait3A_630] : memref<16384x1024xf32, #tpu.memory_space<hbm>> -> memref<16x1024xf32, #tpu.memory_space<hbm>>
          %dma_wait3A_632 = arith.constant 0 : i32
          %dma_wait3A_633 = arith.constant 0 : i32
          %dma_wait3A_634 = tpu.memref_slice %arg7[%dma_wait3A_632, %dma_wait3A_633] : memref<16384x1024xf32, #tpu.memory_space<hbm>> -> memref<16x1024xf32, #tpu.memory_space<hbm>>
          tpu.wait_dma2 semaphore(%arg23 : memref<!tpu.dma_semaphore, #tpu.memory_space<semaphore_mem>>) src(%arg14 : memref<16x1024xf32, #tpu.memory_space<vmem>>) dst(%dma_wait3A_634 : memref<16x1024xf32, #tpu.memory_space<hbm>>)
        } else {
        }
        %add3A_621 = arith.constant 2 : i32
        %add3A_622 = arith.addi %add3A_62, %add3A_621 : i32
        %mul3A_623 = arith.constant 16 : i32
        %mul3A_624 = arith.muli %add3A_622, %mul3A_623 : i32
        %dma_start3A_625 = tpu.memref_slice %arg8[%mul3A_624] : memref<512xi32, #tpu.memory_space<vmem>> -> memref<16xi32, #tpu.memory_space<vmem>>
        %dma_start3A_626 = arith.constant 0 : i32
        %dma_start3A_627 = arith.constant 0 : i32
        %dma_start3A_628 = tpu.memref_slice %arg4[%dma_start3A_626, %dma_start3A_627] : memref<30522x1024xf32, #tpu.memory_space<hbm>> -> memref<30522x1024xf32, #tpu.memory_space<hbm>>
        tpu.enqueue_indirect_dma source(%dma_start3A_628 : memref<30522x1024xf32, #tpu.memory_space<hbm>>) target(%arg14 : memref<16x1024xf32, #tpu.memory_space<vmem>>) offsets(%dma_start3A_625 : memref<16xi32, #tpu.memory_space<vmem>>) semaphore(%arg19 : memref<!tpu.dma_semaphore, #tpu.memory_space<semaphore_mem>>)
      } else {
      }
      %mul3A_193 = arith.constant 4 : i32
      %mul3A_194 = arith.muli %mul3A_193, %scan3A_58 : i32
      %add3A_195 = arith.constant 1 : i32
      %add3A_196 = arith.addi %mul3A_194, %add3A_195 : i32
      %dma_wait3A_197 = arith.constant 0 : i32
      %dma_wait3A_198 = arith.constant 0 : i32
      %dma_wait3A_199 = tpu.memref_slice %arg4[%dma_wait3A_197, %dma_wait3A_198] : memref<30522x1024xf32, #tpu.memory_space<hbm>> -> memref<16x1024xf32, #tpu.memory_space<hbm>>
      %dma_wait3A_200 = arith.constant 0 : i32
      %dma_wait3A_201 = arith.constant 0 : i32
      %dma_wait3A_202 = tpu.memref_slice %arg4[%dma_wait3A_200, %dma_wait3A_201] : memref<30522x1024xf32, #tpu.memory_space<hbm>> -> memref<16x1024xf32, #tpu.memory_space<hbm>>
      tpu.wait_dma2 semaphore(%arg18 : memref<!tpu.dma_semaphore, #tpu.memory_space<semaphore_mem>>) src(%dma_wait3A_202 : memref<16x1024xf32, #tpu.memory_space<hbm>>) dst(%arg13 : memref<16x1024xf32, #tpu.memory_space<vmem>>)
      %mul3A_203 = arith.constant 16 : i32
      %mul3A_204 = arith.muli %add3A_196, %mul3A_203 : i32
      %get3A_205 = arith.index_cast %mul3A_204 : i32 to index
      %get3A_206 = tpu.vector_load %arg9[%get3A_205] {strides = array<i32>} : memref<512xi32, #tpu.memory_space<vmem>>, vector<16xi32>,
      %get3A_207 = vector.shape_cast %get3A_206 : vector<16xi32> to vector<16xi32>
      %slice3A_208 = vector.extract_strided_slice %get3A_207 {offsets = [0], sizes = [1], strides = [1]} : vector<16xi32> to vector<1xi32>
      %squeeze3A_209 = vector.extract %slice3A_208[0] : i32 from vector<1xi32>
      %add3A_210 = arith.constant 0 : i32
      %add3A_211 = arith.addi %add3A_210, %squeeze3A_209 : i32
      %parallel_loop3A_212 = arith.constant 0 : i32
      %parallel_loop3A_213 = arith.constant 64 : i32
      %parallel_loop3A_214 = arith.constant 1 : i32
      scf.for %parallel_loop3A_616 = %parallel_loop3A_212 to %parallel_loop3A_213 step %parallel_loop3A_214  : i32 {
        %parallel_loop3A_617 = arith.constant 16 : i32
        %parallel_loop3A_618 = arith.muli %parallel_loop3A_616, %parallel_loop3A_617 : i32
        %parallel_loop3A_619 = arith.constant 16 : i32
        %parallel_loop3A_620 = arith.muli %parallel_loop3A_616, %parallel_loop3A_619 : i32
        %parallel_loop3A_621 = arith.index_cast %add3A_211 : i32 to index
        %parallel_loop3A_622 = arith.index_cast %parallel_loop3A_620 : i32 to index
        %parallel_loop3A_623 = tpu.vector_load %arg11[%parallel_loop3A_621, %parallel_loop3A_622] {strides = array<i32>} : memref<32x1024xf32, #tpu.memory_space<vmem>>, vector<1x16xf32>,
        %parallel_loop3A_624 = vector.shape_cast %parallel_loop3A_623 : vector<1x16xf32> to vector<16xf32>
        %parallel_loop3A_625 = arith.constant 0 : i32
        %parallel_loop3A_626 = arith.index_cast %parallel_loop3A_625 : i32 to index
        %parallel_loop3A_627 = arith.index_cast %parallel_loop3A_618 : i32 to index
        %parallel_loop3A_628 = tpu.vector_load %arg13[%parallel_loop3A_626, %parallel_loop3A_627] {strides = array<i32>} : memref<16x1024xf32, #tpu.memory_space<vmem>>, vector<1x16xf32>,
        %parallel_loop3A_629 = vector.shape_cast %parallel_loop3A_628 : vector<1x16xf32> to vector<16xf32>
        %parallel_loop3A_630 = vector.shape_cast %parallel_loop3A_624 : vector<16xf32> to vector<1x16xf32>
        tpu.vector_store %arg13[%parallel_loop3A_626, %parallel_loop3A_627], %parallel_loop3A_630 {add = true, strides = array<i32>} : memref<16x1024xf32, #tpu.memory_space<vmem>>, vector<1x16xf32>,
      } {sc.loop_unroll_factor = 8 : i64, sc.parallel_access}
      %slice3A_215 = vector.extract_strided_slice %get3A_207 {offsets = [1], sizes = [1], strides = [1]} : vector<16xi32> to vector<1xi32>
      %squeeze3A_216 = vector.extract %slice3A_215[0] : i32 from vector<1xi32>
      %add3A_217 = arith.constant 2 : i32
      %add3A_218 = arith.addi %add3A_217, %squeeze3A_216 : i32
      %parallel_loop3A_219 = arith.constant 0 : i32
      %parallel_loop3A_220 = arith.constant 64 : i32
      %parallel_loop3A_221 = arith.constant 1 : i32
      scf.for %parallel_loop3A_616 = %parallel_loop3A_219 to %parallel_loop3A_220 step %parallel_loop3A_221  : i32 {
        %parallel_loop3A_617 = arith.constant 16 : i32
        %parallel_loop3A_618 = arith.muli %parallel_loop3A_616, %parallel_loop3A_617 : i32
        %parallel_loop3A_619 = arith.constant 16 : i32
        %parallel_loop3A_620 = arith.muli %parallel_loop3A_616, %parallel_loop3A_619 : i32
        %parallel_loop3A_621 = arith.index_cast %add3A_218 : i32 to index
        %parallel_loop3A_622 = arith.index_cast %parallel_loop3A_620 : i32 to index
        %parallel_loop3A_623 = tpu.vector_load %arg11[%parallel_loop3A_621, %parallel_loop3A_622] {strides = array<i32>} : memref<32x1024xf32, #tpu.memory_space<vmem>>, vector<1x16xf32>,
        %parallel_loop3A_624 = vector.shape_cast %parallel_loop3A_623 : vector<1x16xf32> to vector<16xf32>
        %parallel_loop3A_625 = arith.constant 1 : i32
        %parallel_loop3A_626 = arith.index_cast %parallel_loop3A_625 : i32 to index
        %parallel_loop3A_627 = arith.index_cast %parallel_loop3A_618 : i32 to index
        %parallel_loop3A_628 = tpu.vector_load %arg13[%parallel_loop3A_626, %parallel_loop3A_627] {strides = array<i32>} : memref<16x1024xf32, #tpu.memory_space<vmem>>, vector<1x16xf32>,
        %parallel_loop3A_629 = vector.shape_cast %parallel_loop3A_628 : vector<1x16xf32> to vector<16xf32>
        %parallel_loop3A_630 = vector.shape_cast %parallel_loop3A_624 : vector<16xf32> to vector<1x16xf32>
        tpu.vector_store %arg13[%parallel_loop3A_626, %parallel_loop3A_627], %parallel_loop3A_630 {add = true, strides = array<i32>} : memref<16x1024xf32, #tpu.memory_space<vmem>>, vector<1x16xf32>,
      } {sc.loop_unroll_factor = 8 : i64, sc.parallel_access}
      %slice3A_222 = vector.extract_strided_slice %get3A_207 {offsets = [2], sizes = [1], strides = [1]} : vector<16xi32> to vector<1xi32>
      %squeeze3A_223 = vector.extract %slice3A_222[0] : i32 from vector<1xi32>
      %add3A_224 = arith.constant 4 : i32
      %add3A_225 = arith.addi %add3A_224, %squeeze3A_223 : i32
      %parallel_loop3A_226 = arith.constant 0 : i32
      %parallel_loop3A_227 = arith.constant 64 : i32
      %parallel_loop3A_228 = arith.constant 1 : i32
      scf.for %parallel_loop3A_616 = %parallel_loop3A_226 to %parallel_loop3A_227 step %parallel_loop3A_228  : i32 {
        %parallel_loop3A_617 = arith.constant 16 : i32
        %parallel_loop3A_618 = arith.muli %parallel_loop3A_616, %parallel_loop3A_617 : i32
        %parallel_loop3A_619 = arith.constant 16 : i32
        %parallel_loop3A_620 = arith.muli %parallel_loop3A_616, %parallel_loop3A_619 : i32
        %parallel_loop3A_621 = arith.index_cast %add3A_225 : i32 to index
        %parallel_loop3A_622 = arith.index_cast %parallel_loop3A_620 : i32 to index
        %parallel_loop3A_623 = tpu.vector_load %arg11[%parallel_loop3A_621, %parallel_loop3A_622] {strides = array<i32>} : memref<32x1024xf32, #tpu.memory_space<vmem>>, vector<1x16xf32>,
        %parallel_loop3A_624 = vector.shape_cast %parallel_loop3A_623 : vector<1x16xf32> to vector<16xf32>
        %parallel_loop3A_625 = arith.constant 2 : i32
        %parallel_loop3A_626 = arith.index_cast %parallel_loop3A_625 : i32 to index
        %parallel_loop3A_627 = arith.index_cast %parallel_loop3A_618 : i32 to index
        %parallel_loop3A_628 = tpu.vector_load %arg13[%parallel_loop3A_626, %parallel_loop3A_627] {strides = array<i32>} : memref<16x1024xf32, #tpu.memory_space<vmem>>, vector<1x16xf32>,
        %parallel_loop3A_629 = vector.shape_cast %parallel_loop3A_628 : vector<1x16xf32> to vector<16xf32>
        %parallel_loop3A_630 = vector.shape_cast %parallel_loop3A_624 : vector<16xf32> to vector<1x16xf32>
        tpu.vector_store %arg13[%parallel_loop3A_626, %parallel_loop3A_627], %parallel_loop3A_630 {add = true, strides = array<i32>} : memref<16x1024xf32, #tpu.memory_space<vmem>>, vector<1x16xf32>,
      } {sc.loop_unroll_factor = 8 : i64, sc.parallel_access}
      %slice3A_229 = vector.extract_strided_slice %get3A_207 {offsets = [3], sizes = [1], strides = [1]} : vector<16xi32> to vector<1xi32>
      %squeeze3A_230 = vector.extract %slice3A_229[0] : i32 from vector<1xi32>
      %add3A_231 = arith.constant 6 : i32
      %add3A_232 = arith.addi %add3A_231, %squeeze3A_230 : i32
      %parallel_loop3A_233 = arith.constant 0 : i32
      %parallel_loop3A_234 = arith.constant 64 : i32
      %parallel_loop3A_235 = arith.constant 1 : i32
      scf.for %parallel_loop3A_616 = %parallel_loop3A_233 to %parallel_loop3A_234 step %parallel_loop3A_235  : i32 {
        %parallel_loop3A_617 = arith.constant 16 : i32
        %parallel_loop3A_618 = arith.muli %parallel_loop3A_616, %parallel_loop3A_617 : i32
        %parallel_loop3A_619 = arith.constant 16 : i32
        %parallel_loop3A_620 = arith.muli %parallel_loop3A_616, %parallel_loop3A_619 : i32
        %parallel_loop3A_621 = arith.index_cast %add3A_232 : i32 to index
        %parallel_loop3A_622 = arith.index_cast %parallel_loop3A_620 : i32 to index
        %parallel_loop3A_623 = tpu.vector_load %arg11[%parallel_loop3A_621, %parallel_loop3A_622] {strides = array<i32>} : memref<32x1024xf32, #tpu.memory_space<vmem>>, vector<1x16xf32>,
        %parallel_loop3A_624 = vector.shape_cast %parallel_loop3A_623 : vector<1x16xf32> to vector<16xf32>
        %parallel_loop3A_625 = arith.constant 3 : i32
        %parallel_loop3A_626 = arith.index_cast %parallel_loop3A_625 : i32 to index
        %parallel_loop3A_627 = arith.index_cast %parallel_loop3A_618 : i32 to index
        %parallel_loop3A_628 = tpu.vector_load %arg13[%parallel_loop3A_626, %parallel_loop3A_627] {strides = array<i32>} : memref<16x1024xf32, #tpu.memory_space<vmem>>, vector<1x16xf32>,
        %parallel_loop3A_629 = vector.shape_cast %parallel_loop3A_628 : vector<1x16xf32> to vector<16xf32>
        %parallel_loop3A_630 = vector.shape_cast %parallel_loop3A_624 : vector<16xf32> to vector<1x16xf32>
        tpu.vector_store %arg13[%parallel_loop3A_626, %parallel_loop3A_627], %parallel_loop3A_630 {add = true, strides = array<i32>} : memref<16x1024xf32, #tpu.memory_space<vmem>>, vector<1x16xf32>,
      } {sc.loop_unroll_factor = 8 : i64, sc.parallel_access}
      %slice3A_236 = vector.extract_strided_slice %get3A_207 {offsets = [4], sizes = [1], strides = [1]} : vector<16xi32> to vector<1xi32>
      %squeeze3A_237 = vector.extract %slice3A_236[0] : i32 from vector<1xi32>
      %add3A_238 = arith.constant 8 : i32
      %add3A_239 = arith.addi %add3A_238, %squeeze3A_237 : i32
      %parallel_loop3A_240 = arith.constant 0 : i32
      %parallel_loop3A_241 = arith.constant 64 : i32
      %parallel_loop3A_242 = arith.constant 1 : i32
      scf.for %parallel_loop3A_616 = %parallel_loop3A_240 to %parallel_loop3A_241 step %parallel_loop3A_242  : i32 {
        %parallel_loop3A_617 = arith.constant 16 : i32
        %parallel_loop3A_618 = arith.muli %parallel_loop3A_616, %parallel_loop3A_617 : i32
        %parallel_loop3A_619 = arith.constant 16 : i32
        %parallel_loop3A_620 = arith.muli %parallel_loop3A_616, %parallel_loop3A_619 : i32
        %parallel_loop3A_621 = arith.index_cast %add3A_239 : i32 to index
        %parallel_loop3A_622 = arith.index_cast %parallel_loop3A_620 : i32 to index
        %parallel_loop3A_623 = tpu.vector_load %arg11[%parallel_loop3A_621, %parallel_loop3A_622] {strides = array<i32>} : memref<32x1024xf32, #tpu.memory_space<vmem>>, vector<1x16xf32>,
        %parallel_loop3A_624 = vector.shape_cast %parallel_loop3A_623 : vector<1x16xf32> to vector<16xf32>
        %parallel_loop3A_625 = arith.constant 4 : i32
        %parallel_loop3A_626 = arith.index_cast %parallel_loop3A_625 : i32 to index
        %parallel_loop3A_627 = arith.index_cast %parallel_loop3A_618 : i32 to index
        %parallel_loop3A_628 = tpu.vector_load %arg13[%parallel_loop3A_626, %parallel_loop3A_627] {strides = array<i32>} : memref<16x1024xf32, #tpu.memory_space<vmem>>, vector<1x16xf32>,
        %parallel_loop3A_629 = vector.shape_cast %parallel_loop3A_628 : vector<1x16xf32> to vector<16xf32>
        %parallel_loop3A_630 = vector.shape_cast %parallel_loop3A_624 : vector<16xf32> to vector<1x16xf32>
        tpu.vector_store %arg13[%parallel_loop3A_626, %parallel_loop3A_627], %parallel_loop3A_630 {add = true, strides = array<i32>} : memref<16x1024xf32, #tpu.memory_space<vmem>>, vector<1x16xf32>,
      } {sc.loop_unroll_factor = 8 : i64, sc.parallel_access}
      %slice3A_243 = vector.extract_strided_slice %get3A_207 {offsets = [5], sizes = [1], strides = [1]} : vector<16xi32> to vector<1xi32>
      %squeeze3A_244 = vector.extract %slice3A_243[0] : i32 from vector<1xi32>
      %add3A_245 = arith.constant 10 : i32
      %add3A_246 = arith.addi %add3A_245, %squeeze3A_244 : i32
      %parallel_loop3A_247 = arith.constant 0 : i32
      %parallel_loop3A_248 = arith.constant 64 : i32
      %parallel_loop3A_249 = arith.constant 1 : i32
      scf.for %parallel_loop3A_616 = %parallel_loop3A_247 to %parallel_loop3A_248 step %parallel_loop3A_249  : i32 {
        %parallel_loop3A_617 = arith.constant 16 : i32
        %parallel_loop3A_618 = arith.muli %parallel_loop3A_616, %parallel_loop3A_617 : i32
        %parallel_loop3A_619 = arith.constant 16 : i32
        %parallel_loop3A_620 = arith.muli %parallel_loop3A_616, %parallel_loop3A_619 : i32
        %parallel_loop3A_621 = arith.index_cast %add3A_246 : i32 to index
        %parallel_loop3A_622 = arith.index_cast %parallel_loop3A_620 : i32 to index
        %parallel_loop3A_623 = tpu.vector_load %arg11[%parallel_loop3A_621, %parallel_loop3A_622] {strides = array<i32>} : memref<32x1024xf32, #tpu.memory_space<vmem>>, vector<1x16xf32>,
        %parallel_loop3A_624 = vector.shape_cast %parallel_loop3A_623 : vector<1x16xf32> to vector<16xf32>
        %parallel_loop3A_625 = arith.constant 5 : i32
        %parallel_loop3A_626 = arith.index_cast %parallel_loop3A_625 : i32 to index
        %parallel_loop3A_627 = arith.index_cast %parallel_loop3A_618 : i32 to index
        %parallel_loop3A_628 = tpu.vector_load %arg13[%parallel_loop3A_626, %parallel_loop3A_627] {strides = array<i32>} : memref<16x1024xf32, #tpu.memory_space<vmem>>, vector<1x16xf32>,
        %parallel_loop3A_629 = vector.shape_cast %parallel_loop3A_628 : vector<1x16xf32> to vector<16xf32>
        %parallel_loop3A_630 = vector.shape_cast %parallel_loop3A_624 : vector<16xf32> to vector<1x16xf32>
        tpu.vector_store %arg13[%parallel_loop3A_626, %parallel_loop3A_627], %parallel_loop3A_630 {add = true, strides = array<i32>} : memref<16x1024xf32, #tpu.memory_space<vmem>>, vector<1x16xf32>,
      } {sc.loop_unroll_factor = 8 : i64, sc.parallel_access}
      %slice3A_250 = vector.extract_strided_slice %get3A_207 {offsets = [6], sizes = [1], strides = [1]} : vector<16xi32> to vector<1xi32>
      %squeeze3A_251 = vector.extract %slice3A_250[0] : i32 from vector<1xi32>
      %add3A_252 = arith.constant 12 : i32
      %add3A_253 = arith.addi %add3A_252, %squeeze3A_251 : i32
      %parallel_loop3A_254 = arith.constant 0 : i32
      %parallel_loop3A_255 = arith.constant 64 : i32
      %parallel_loop3A_256 = arith.constant 1 : i32
      scf.for %parallel_loop3A_616 = %parallel_loop3A_254 to %parallel_loop3A_255 step %parallel_loop3A_256  : i32 {
        %parallel_loop3A_617 = arith.constant 16 : i32
        %parallel_loop3A_618 = arith.muli %parallel_loop3A_616, %parallel_loop3A_617 : i32
        %parallel_loop3A_619 = arith.constant 16 : i32
        %parallel_loop3A_620 = arith.muli %parallel_loop3A_616, %parallel_loop3A_619 : i32
        %parallel_loop3A_621 = arith.index_cast %add3A_253 : i32 to index
        %parallel_loop3A_622 = arith.index_cast %parallel_loop3A_620 : i32 to index
        %parallel_loop3A_623 = tpu.vector_load %arg11[%parallel_loop3A_621, %parallel_loop3A_622] {strides = array<i32>} : memref<32x1024xf32, #tpu.memory_space<vmem>>, vector<1x16xf32>,
        %parallel_loop3A_624 = vector.shape_cast %parallel_loop3A_623 : vector<1x16xf32> to vector<16xf32>
        %parallel_loop3A_625 = arith.constant 6 : i32
        %parallel_loop3A_626 = arith.index_cast %parallel_loop3A_625 : i32 to index
        %parallel_loop3A_627 = arith.index_cast %parallel_loop3A_618 : i32 to index
        %parallel_loop3A_628 = tpu.vector_load %arg13[%parallel_loop3A_626, %parallel_loop3A_627] {strides = array<i32>} : memref<16x1024xf32, #tpu.memory_space<vmem>>, vector<1x16xf32>,
        %parallel_loop3A_629 = vector.shape_cast %parallel_loop3A_628 : vector<1x16xf32> to vector<16xf32>
        %parallel_loop3A_630 = vector.shape_cast %parallel_loop3A_624 : vector<16xf32> to vector<1x16xf32>
        tpu.vector_store %arg13[%parallel_loop3A_626, %parallel_loop3A_627], %parallel_loop3A_630 {add = true, strides = array<i32>} : memref<16x1024xf32, #tpu.memory_space<vmem>>, vector<1x16xf32>,
      } {sc.loop_unroll_factor = 8 : i64, sc.parallel_access}
      %slice3A_257 = vector.extract_strided_slice %get3A_207 {offsets = [7], sizes = [1], strides = [1]} : vector<16xi32> to vector<1xi32>
      %squeeze3A_258 = vector.extract %slice3A_257[0] : i32 from vector<1xi32>
      %add3A_259 = arith.constant 14 : i32
      %add3A_260 = arith.addi %add3A_259, %squeeze3A_258 : i32
      %parallel_loop3A_261 = arith.constant 0 : i32
      %parallel_loop3A_262 = arith.constant 64 : i32
      %parallel_loop3A_263 = arith.constant 1 : i32
      scf.for %parallel_loop3A_616 = %parallel_loop3A_261 to %parallel_loop3A_262 step %parallel_loop3A_263  : i32 {
        %parallel_loop3A_617 = arith.constant 16 : i32
        %parallel_loop3A_618 = arith.muli %parallel_loop3A_616, %parallel_loop3A_617 : i32
        %parallel_loop3A_619 = arith.constant 16 : i32
        %parallel_loop3A_620 = arith.muli %parallel_loop3A_616, %parallel_loop3A_619 : i32
        %parallel_loop3A_621 = arith.index_cast %add3A_260 : i32 to index
        %parallel_loop3A_622 = arith.index_cast %parallel_loop3A_620 : i32 to index
        %parallel_loop3A_623 = tpu.vector_load %arg11[%parallel_loop3A_621, %parallel_loop3A_622] {strides = array<i32>} : memref<32x1024xf32, #tpu.memory_space<vmem>>, vector<1x16xf32>,
        %parallel_loop3A_624 = vector.shape_cast %parallel_loop3A_623 : vector<1x16xf32> to vector<16xf32>
        %parallel_loop3A_625 = arith.constant 7 : i32
        %parallel_loop3A_626 = arith.index_cast %parallel_loop3A_625 : i32 to index
        %parallel_loop3A_627 = arith.index_cast %parallel_loop3A_618 : i32 to index
        %parallel_loop3A_628 = tpu.vector_load %arg13[%parallel_loop3A_626, %parallel_loop3A_627] {strides = array<i32>} : memref<16x1024xf32, #tpu.memory_space<vmem>>, vector<1x16xf32>,
        %parallel_loop3A_629 = vector.shape_cast %parallel_loop3A_628 : vector<1x16xf32> to vector<16xf32>
        %parallel_loop3A_630 = vector.shape_cast %parallel_loop3A_624 : vector<16xf32> to vector<1x16xf32>
        tpu.vector_store %arg13[%parallel_loop3A_626, %parallel_loop3A_627], %parallel_loop3A_630 {add = true, strides = array<i32>} : memref<16x1024xf32, #tpu.memory_space<vmem>>, vector<1x16xf32>,
      } {sc.loop_unroll_factor = 8 : i64, sc.parallel_access}
      %slice3A_264 = vector.extract_strided_slice %get3A_207 {offsets = [8], sizes = [1], strides = [1]} : vector<16xi32> to vector<1xi32>
      %squeeze3A_265 = vector.extract %slice3A_264[0] : i32 from vector<1xi32>
      %add3A_266 = arith.constant 16 : i32
      %add3A_267 = arith.addi %add3A_266, %squeeze3A_265 : i32
      %parallel_loop3A_268 = arith.constant 0 : i32
      %parallel_loop3A_269 = arith.constant 64 : i32
      %parallel_loop3A_270 = arith.constant 1 : i32
      scf.for %parallel_loop3A_616 = %parallel_loop3A_268 to %parallel_loop3A_269 step %parallel_loop3A_270  : i32 {
        %parallel_loop3A_617 = arith.constant 16 : i32
        %parallel_loop3A_618 = arith.muli %parallel_loop3A_616, %parallel_loop3A_617 : i32
        %parallel_loop3A_619 = arith.constant 16 : i32
        %parallel_loop3A_620 = arith.muli %parallel_loop3A_616, %parallel_loop3A_619 : i32
        %parallel_loop3A_621 = arith.index_cast %add3A_267 : i32 to index
        %parallel_loop3A_622 = arith.index_cast %parallel_loop3A_620 : i32 to index
        %parallel_loop3A_623 = tpu.vector_load %arg11[%parallel_loop3A_621, %parallel_loop3A_622] {strides = array<i32>} : memref<32x1024xf32, #tpu.memory_space<vmem>>, vector<1x16xf32>,
        %parallel_loop3A_624 = vector.shape_cast %parallel_loop3A_623 : vector<1x16xf32> to vector<16xf32>
        %parallel_loop3A_625 = arith.constant 8 : i32
        %parallel_loop3A_626 = arith.index_cast %parallel_loop3A_625 : i32 to index
        %parallel_loop3A_627 = arith.index_cast %parallel_loop3A_618 : i32 to index
        %parallel_loop3A_628 = tpu.vector_load %arg13[%parallel_loop3A_626, %parallel_loop3A_627] {strides = array<i32>} : memref<16x1024xf32, #tpu.memory_space<vmem>>, vector<1x16xf32>,
        %parallel_loop3A_629 = vector.shape_cast %parallel_loop3A_628 : vector<1x16xf32> to vector<16xf32>
        %parallel_loop3A_630 = vector.shape_cast %parallel_loop3A_624 : vector<16xf32> to vector<1x16xf32>
        tpu.vector_store %arg13[%parallel_loop3A_626, %parallel_loop3A_627], %parallel_loop3A_630 {add = true, strides = array<i32>} : memref<16x1024xf32, #tpu.memory_space<vmem>>, vector<1x16xf32>,
      } {sc.loop_unroll_factor = 8 : i64, sc.parallel_access}
      %slice3A_271 = vector.extract_strided_slice %get3A_207 {offsets = [9], sizes = [1], strides = [1]} : vector<16xi32> to vector<1xi32>
      %squeeze3A_272 = vector.extract %slice3A_271[0] : i32 from vector<1xi32>
      %add3A_273 = arith.constant 18 : i32
      %add3A_274 = arith.addi %add3A_273, %squeeze3A_272 : i32
      %parallel_loop3A_275 = arith.constant 0 : i32
      %parallel_loop3A_276 = arith.constant 64 : i32
      %parallel_loop3A_277 = arith.constant 1 : i32
      scf.for %parallel_loop3A_616 = %parallel_loop3A_275 to %parallel_loop3A_276 step %parallel_loop3A_277  : i32 {
        %parallel_loop3A_617 = arith.constant 16 : i32
        %parallel_loop3A_618 = arith.muli %parallel_loop3A_616, %parallel_loop3A_617 : i32
        %parallel_loop3A_619 = arith.constant 16 : i32
        %parallel_loop3A_620 = arith.muli %parallel_loop3A_616, %parallel_loop3A_619 : i32
        %parallel_loop3A_621 = arith.index_cast %add3A_274 : i32 to index
        %parallel_loop3A_622 = arith.index_cast %parallel_loop3A_620 : i32 to index
        %parallel_loop3A_623 = tpu.vector_load %arg11[%parallel_loop3A_621, %parallel_loop3A_622] {strides = array<i32>} : memref<32x1024xf32, #tpu.memory_space<vmem>>, vector<1x16xf32>,
        %parallel_loop3A_624 = vector.shape_cast %parallel_loop3A_623 : vector<1x16xf32> to vector<16xf32>
        %parallel_loop3A_625 = arith.constant 9 : i32
        %parallel_loop3A_626 = arith.index_cast %parallel_loop3A_625 : i32 to index
        %parallel_loop3A_627 = arith.index_cast %parallel_loop3A_618 : i32 to index
        %parallel_loop3A_628 = tpu.vector_load %arg13[%parallel_loop3A_626, %parallel_loop3A_627] {strides = array<i32>} : memref<16x1024xf32, #tpu.memory_space<vmem>>, vector<1x16xf32>,
        %parallel_loop3A_629 = vector.shape_cast %parallel_loop3A_628 : vector<1x16xf32> to vector<16xf32>
        %parallel_loop3A_630 = vector.shape_cast %parallel_loop3A_624 : vector<16xf32> to vector<1x16xf32>
        tpu.vector_store %arg13[%parallel_loop3A_626, %parallel_loop3A_627], %parallel_loop3A_630 {add = true, strides = array<i32>} : memref<16x1024xf32, #tpu.memory_space<vmem>>, vector<1x16xf32>,
      } {sc.loop_unroll_factor = 8 : i64, sc.parallel_access}
      %slice3A_278 = vector.extract_strided_slice %get3A_207 {offsets = [10], sizes = [1], strides = [1]} : vector<16xi32> to vector<1xi32>
      %squeeze3A_279 = vector.extract %slice3A_278[0] : i32 from vector<1xi32>
      %add3A_280 = arith.constant 20 : i32
      %add3A_281 = arith.addi %add3A_280, %squeeze3A_279 : i32
      %parallel_loop3A_282 = arith.constant 0 : i32
      %parallel_loop3A_283 = arith.constant 64 : i32
      %parallel_loop3A_284 = arith.constant 1 : i32
      scf.for %parallel_loop3A_616 = %parallel_loop3A_282 to %parallel_loop3A_283 step %parallel_loop3A_284  : i32 {
        %parallel_loop3A_617 = arith.constant 16 : i32
        %parallel_loop3A_618 = arith.muli %parallel_loop3A_616, %parallel_loop3A_617 : i32
        %parallel_loop3A_619 = arith.constant 16 : i32
        %parallel_loop3A_620 = arith.muli %parallel_loop3A_616, %parallel_loop3A_619 : i32
        %parallel_loop3A_621 = arith.index_cast %add3A_281 : i32 to index
        %parallel_loop3A_622 = arith.index_cast %parallel_loop3A_620 : i32 to index
        %parallel_loop3A_623 = tpu.vector_load %arg11[%parallel_loop3A_621, %parallel_loop3A_622] {strides = array<i32>} : memref<32x1024xf32, #tpu.memory_space<vmem>>, vector<1x16xf32>,
        %parallel_loop3A_624 = vector.shape_cast %parallel_loop3A_623 : vector<1x16xf32> to vector<16xf32>
        %parallel_loop3A_625 = arith.constant 10 : i32
        %parallel_loop3A_626 = arith.index_cast %parallel_loop3A_625 : i32 to index
        %parallel_loop3A_627 = arith.index_cast %parallel_loop3A_618 : i32 to index
        %parallel_loop3A_628 = tpu.vector_load %arg13[%parallel_loop3A_626, %parallel_loop3A_627] {strides = array<i32>} : memref<16x1024xf32, #tpu.memory_space<vmem>>, vector<1x16xf32>,
        %parallel_loop3A_629 = vector.shape_cast %parallel_loop3A_628 : vector<1x16xf32> to vector<16xf32>
        %parallel_loop3A_630 = vector.shape_cast %parallel_loop3A_624 : vector<16xf32> to vector<1x16xf32>
        tpu.vector_store %arg13[%parallel_loop3A_626, %parallel_loop3A_627], %parallel_loop3A_630 {add = true, strides = array<i32>} : memref<16x1024xf32, #tpu.memory_space<vmem>>, vector<1x16xf32>,
      } {sc.loop_unroll_factor = 8 : i64, sc.parallel_access}
      %slice3A_285 = vector.extract_strided_slice %get3A_207 {offsets = [11], sizes = [1], strides = [1]} : vector<16xi32> to vector<1xi32>
      %squeeze3A_286 = vector.extract %slice3A_285[0] : i32 from vector<1xi32>
      %add3A_287 = arith.constant 22 : i32
      %add3A_288 = arith.addi %add3A_287, %squeeze3A_286 : i32
      %parallel_loop3A_289 = arith.constant 0 : i32
      %parallel_loop3A_290 = arith.constant 64 : i32
      %parallel_loop3A_291 = arith.constant 1 : i32
      scf.for %parallel_loop3A_616 = %parallel_loop3A_289 to %parallel_loop3A_290 step %parallel_loop3A_291  : i32 {
        %parallel_loop3A_617 = arith.constant 16 : i32
        %parallel_loop3A_618 = arith.muli %parallel_loop3A_616, %parallel_loop3A_617 : i32
        %parallel_loop3A_619 = arith.constant 16 : i32
        %parallel_loop3A_620 = arith.muli %parallel_loop3A_616, %parallel_loop3A_619 : i32
        %parallel_loop3A_621 = arith.index_cast %add3A_288 : i32 to index
        %parallel_loop3A_622 = arith.index_cast %parallel_loop3A_620 : i32 to index
        %parallel_loop3A_623 = tpu.vector_load %arg11[%parallel_loop3A_621, %parallel_loop3A_622] {strides = array<i32>} : memref<32x1024xf32, #tpu.memory_space<vmem>>, vector<1x16xf32>,
        %parallel_loop3A_624 = vector.shape_cast %parallel_loop3A_623 : vector<1x16xf32> to vector<16xf32>
        %parallel_loop3A_625 = arith.constant 11 : i32
        %parallel_loop3A_626 = arith.index_cast %parallel_loop3A_625 : i32 to index
        %parallel_loop3A_627 = arith.index_cast %parallel_loop3A_618 : i32 to index
        %parallel_loop3A_628 = tpu.vector_load %arg13[%parallel_loop3A_626, %parallel_loop3A_627] {strides = array<i32>} : memref<16x1024xf32, #tpu.memory_space<vmem>>, vector<1x16xf32>,
        %parallel_loop3A_629 = vector.shape_cast %parallel_loop3A_628 : vector<1x16xf32> to vector<16xf32>
        %parallel_loop3A_630 = vector.shape_cast %parallel_loop3A_624 : vector<16xf32> to vector<1x16xf32>
        tpu.vector_store %arg13[%parallel_loop3A_626, %parallel_loop3A_627], %parallel_loop3A_630 {add = true, strides = array<i32>} : memref<16x1024xf32, #tpu.memory_space<vmem>>, vector<1x16xf32>,
      } {sc.loop_unroll_factor = 8 : i64, sc.parallel_access}
      %slice3A_292 = vector.extract_strided_slice %get3A_207 {offsets = [12], sizes = [1], strides = [1]} : vector<16xi32> to vector<1xi32>
      %squeeze3A_293 = vector.extract %slice3A_292[0] : i32 from vector<1xi32>
      %add3A_294 = arith.constant 24 : i32
      %add3A_295 = arith.addi %add3A_294, %squeeze3A_293 : i32
      %parallel_loop3A_296 = arith.constant 0 : i32
      %parallel_loop3A_297 = arith.constant 64 : i32
      %parallel_loop3A_298 = arith.constant 1 : i32
      scf.for %parallel_loop3A_616 = %parallel_loop3A_296 to %parallel_loop3A_297 step %parallel_loop3A_298  : i32 {
        %parallel_loop3A_617 = arith.constant 16 : i32
        %parallel_loop3A_618 = arith.muli %parallel_loop3A_616, %parallel_loop3A_617 : i32
        %parallel_loop3A_619 = arith.constant 16 : i32
        %parallel_loop3A_620 = arith.muli %parallel_loop3A_616, %parallel_loop3A_619 : i32
        %parallel_loop3A_621 = arith.index_cast %add3A_295 : i32 to index
        %parallel_loop3A_622 = arith.index_cast %parallel_loop3A_620 : i32 to index
        %parallel_loop3A_623 = tpu.vector_load %arg11[%parallel_loop3A_621, %parallel_loop3A_622] {strides = array<i32>} : memref<32x1024xf32, #tpu.memory_space<vmem>>, vector<1x16xf32>,
        %parallel_loop3A_624 = vector.shape_cast %parallel_loop3A_623 : vector<1x16xf32> to vector<16xf32>
        %parallel_loop3A_625 = arith.constant 12 : i32
        %parallel_loop3A_626 = arith.index_cast %parallel_loop3A_625 : i32 to index
        %parallel_loop3A_627 = arith.index_cast %parallel_loop3A_618 : i32 to index
        %parallel_loop3A_628 = tpu.vector_load %arg13[%parallel_loop3A_626, %parallel_loop3A_627] {strides = array<i32>} : memref<16x1024xf32, #tpu.memory_space<vmem>>, vector<1x16xf32>,
        %parallel_loop3A_629 = vector.shape_cast %parallel_loop3A_628 : vector<1x16xf32> to vector<16xf32>
        %parallel_loop3A_630 = vector.shape_cast %parallel_loop3A_624 : vector<16xf32> to vector<1x16xf32>
        tpu.vector_store %arg13[%parallel_loop3A_626, %parallel_loop3A_627], %parallel_loop3A_630 {add = true, strides = array<i32>} : memref<16x1024xf32, #tpu.memory_space<vmem>>, vector<1x16xf32>,
      } {sc.loop_unroll_factor = 8 : i64, sc.parallel_access}
      %slice3A_299 = vector.extract_strided_slice %get3A_207 {offsets = [13], sizes = [1], strides = [1]} : vector<16xi32> to vector<1xi32>
      %squeeze3A_300 = vector.extract %slice3A_299[0] : i32 from vector<1xi32>
      %add3A_301 = arith.constant 26 : i32
      %add3A_302 = arith.addi %add3A_301, %squeeze3A_300 : i32
      %parallel_loop3A_303 = arith.constant 0 : i32
      %parallel_loop3A_304 = arith.constant 64 : i32
      %parallel_loop3A_305 = arith.constant 1 : i32
      scf.for %parallel_loop3A_616 = %parallel_loop3A_303 to %parallel_loop3A_304 step %parallel_loop3A_305  : i32 {
        %parallel_loop3A_617 = arith.constant 16 : i32
        %parallel_loop3A_618 = arith.muli %parallel_loop3A_616, %parallel_loop3A_617 : i32
        %parallel_loop3A_619 = arith.constant 16 : i32
        %parallel_loop3A_620 = arith.muli %parallel_loop3A_616, %parallel_loop3A_619 : i32
        %parallel_loop3A_621 = arith.index_cast %add3A_302 : i32 to index
        %parallel_loop3A_622 = arith.index_cast %parallel_loop3A_620 : i32 to index
        %parallel_loop3A_623 = tpu.vector_load %arg11[%parallel_loop3A_621, %parallel_loop3A_622] {strides = array<i32>} : memref<32x1024xf32, #tpu.memory_space<vmem>>, vector<1x16xf32>,
        %parallel_loop3A_624 = vector.shape_cast %parallel_loop3A_623 : vector<1x16xf32> to vector<16xf32>
        %parallel_loop3A_625 = arith.constant 13 : i32
        %parallel_loop3A_626 = arith.index_cast %parallel_loop3A_625 : i32 to index
        %parallel_loop3A_627 = arith.index_cast %parallel_loop3A_618 : i32 to index
        %parallel_loop3A_628 = tpu.vector_load %arg13[%parallel_loop3A_626, %parallel_loop3A_627] {strides = array<i32>} : memref<16x1024xf32, #tpu.memory_space<vmem>>, vector<1x16xf32>,
        %parallel_loop3A_629 = vector.shape_cast %parallel_loop3A_628 : vector<1x16xf32> to vector<16xf32>
        %parallel_loop3A_630 = vector.shape_cast %parallel_loop3A_624 : vector<16xf32> to vector<1x16xf32>
        tpu.vector_store %arg13[%parallel_loop3A_626, %parallel_loop3A_627], %parallel_loop3A_630 {add = true, strides = array<i32>} : memref<16x1024xf32, #tpu.memory_space<vmem>>, vector<1x16xf32>,
      } {sc.loop_unroll_factor = 8 : i64, sc.parallel_access}
      %slice3A_306 = vector.extract_strided_slice %get3A_207 {offsets = [14], sizes = [1], strides = [1]} : vector<16xi32> to vector<1xi32>
      %squeeze3A_307 = vector.extract %slice3A_306[0] : i32 from vector<1xi32>
      %add3A_308 = arith.constant 28 : i32
      %add3A_309 = arith.addi %add3A_308, %squeeze3A_307 : i32
      %parallel_loop3A_310 = arith.constant 0 : i32
      %parallel_loop3A_311 = arith.constant 64 : i32
      %parallel_loop3A_312 = arith.constant 1 : i32
      scf.for %parallel_loop3A_616 = %parallel_loop3A_310 to %parallel_loop3A_311 step %parallel_loop3A_312  : i32 {
        %parallel_loop3A_617 = arith.constant 16 : i32
        %parallel_loop3A_618 = arith.muli %parallel_loop3A_616, %parallel_loop3A_617 : i32
        %parallel_loop3A_619 = arith.constant 16 : i32
        %parallel_loop3A_620 = arith.muli %parallel_loop3A_616, %parallel_loop3A_619 : i32
        %parallel_loop3A_621 = arith.index_cast %add3A_309 : i32 to index
        %parallel_loop3A_622 = arith.index_cast %parallel_loop3A_620 : i32 to index
        %parallel_loop3A_623 = tpu.vector_load %arg11[%parallel_loop3A_621, %parallel_loop3A_622] {strides = array<i32>} : memref<32x1024xf32, #tpu.memory_space<vmem>>, vector<1x16xf32>,
        %parallel_loop3A_624 = vector.shape_cast %parallel_loop3A_623 : vector<1x16xf32> to vector<16xf32>
        %parallel_loop3A_625 = arith.constant 14 : i32
        %parallel_loop3A_626 = arith.index_cast %parallel_loop3A_625 : i32 to index
        %parallel_loop3A_627 = arith.index_cast %parallel_loop3A_618 : i32 to index
        %parallel_loop3A_628 = tpu.vector_load %arg13[%parallel_loop3A_626, %parallel_loop3A_627] {strides = array<i32>} : memref<16x1024xf32, #tpu.memory_space<vmem>>, vector<1x16xf32>,
        %parallel_loop3A_629 = vector.shape_cast %parallel_loop3A_628 : vector<1x16xf32> to vector<16xf32>
        %parallel_loop3A_630 = vector.shape_cast %parallel_loop3A_624 : vector<16xf32> to vector<1x16xf32>
        tpu.vector_store %arg13[%parallel_loop3A_626, %parallel_loop3A_627], %parallel_loop3A_630 {add = true, strides = array<i32>} : memref<16x1024xf32, #tpu.memory_space<vmem>>, vector<1x16xf32>,
      } {sc.loop_unroll_factor = 8 : i64, sc.parallel_access}
      %slice3A_313 = vector.extract_strided_slice %get3A_207 {offsets = [15], sizes = [1], strides = [1]} : vector<16xi32> to vector<1xi32>
      %squeeze3A_314 = vector.extract %slice3A_313[0] : i32 from vector<1xi32>
      %add3A_315 = arith.constant 30 : i32
      %add3A_316 = arith.addi %add3A_315, %squeeze3A_314 : i32
      %parallel_loop3A_317 = arith.constant 0 : i32
      %parallel_loop3A_318 = arith.constant 64 : i32
      %parallel_loop3A_319 = arith.constant 1 : i32
      scf.for %parallel_loop3A_616 = %parallel_loop3A_317 to %parallel_loop3A_318 step %parallel_loop3A_319  : i32 {
        %parallel_loop3A_617 = arith.constant 16 : i32
        %parallel_loop3A_618 = arith.muli %parallel_loop3A_616, %parallel_loop3A_617 : i32
        %parallel_loop3A_619 = arith.constant 16 : i32
        %parallel_loop3A_620 = arith.muli %parallel_loop3A_616, %parallel_loop3A_619 : i32
        %parallel_loop3A_621 = arith.index_cast %add3A_316 : i32 to index
        %parallel_loop3A_622 = arith.index_cast %parallel_loop3A_620 : i32 to index
        %parallel_loop3A_623 = tpu.vector_load %arg11[%parallel_loop3A_621, %parallel_loop3A_622] {strides = array<i32>} : memref<32x1024xf32, #tpu.memory_space<vmem>>, vector<1x16xf32>,
        %parallel_loop3A_624 = vector.shape_cast %parallel_loop3A_623 : vector<1x16xf32> to vector<16xf32>
        %parallel_loop3A_625 = arith.constant 15 : i32
        %parallel_loop3A_626 = arith.index_cast %parallel_loop3A_625 : i32 to index
        %parallel_loop3A_627 = arith.index_cast %parallel_loop3A_618 : i32 to index
        %parallel_loop3A_628 = tpu.vector_load %arg13[%parallel_loop3A_626, %parallel_loop3A_627] {strides = array<i32>} : memref<16x1024xf32, #tpu.memory_space<vmem>>, vector<1x16xf32>,
        %parallel_loop3A_629 = vector.shape_cast %parallel_loop3A_628 : vector<1x16xf32> to vector<16xf32>
        %parallel_loop3A_630 = vector.shape_cast %parallel_loop3A_624 : vector<16xf32> to vector<1x16xf32>
        tpu.vector_store %arg13[%parallel_loop3A_626, %parallel_loop3A_627], %parallel_loop3A_630 {add = true, strides = array<i32>} : memref<16x1024xf32, #tpu.memory_space<vmem>>, vector<1x16xf32>,
      } {sc.loop_unroll_factor = 8 : i64, sc.parallel_access}
      %mul3A_320 = arith.constant 512 : i32
      %mul3A_321 = arith.muli %add3A_196, %mul3A_320 : i32
      %add3A_322 = arith.addi %mul3A_321, %mul3A_2 : i32
      %dma_start3A_323 = arith.constant 0 : i32
      %dma_start3A_324 = tpu.memref_slice %arg7[%add3A_322, %dma_start3A_323] : memref<16384x1024xf32, #tpu.memory_space<hbm>> -> memref<16x1024xf32, #tpu.memory_space<hbm>>
      %dma_start3A_325 = arith.constant 0 : i32
      %dma_start3A_326 = tpu.memref_slice %arg7[%add3A_322, %dma_start3A_325] : memref<16384x1024xf32, #tpu.memory_space<hbm>> -> memref<16x1024xf32, #tpu.memory_space<hbm>>
      tpu.enqueue_dma source(%arg13 : memref<16x1024xf32, #tpu.memory_space<vmem>>) target(%dma_start3A_326 : memref<16x1024xf32, #tpu.memory_space<hbm>>) target_semaphore(%arg22 : memref<!tpu.dma_semaphore, #tpu.memory_space<semaphore_mem>>)
      %add3A_327 = arith.constant 2 : i32
      %add3A_328 = arith.addi %add3A_196, %add3A_327 : i32
      %lt3A_329 = arith.constant 32 : i32
      %lt3A_330 = arith.cmpi slt, %add3A_328, %lt3A_329 : i32
      %convert_element_type3A_331 = arith.extui %lt3A_330 : i1 to i32
      %cond3A_332 = arith.constant 0 : i32
      %cond3A_333 = arith.cmpi ne, %convert_element_type3A_331, %cond3A_332 : i32
      scf.if %cond3A_333 {
        %sub3A = arith.constant 2 : i32
        %sub3A_616 = arith.subi %add3A_196, %sub3A : i32
        %ge3A = arith.constant 0 : i32
        %ge3A_617 = arith.cmpi sge, %sub3A_616, %ge3A : i32
        %convert_element_type3A_618 = arith.extui %ge3A_617 : i1 to i32
        %cond3A_619 = arith.constant 0 : i32
        %cond3A_620 = arith.cmpi ne, %convert_element_type3A_618, %cond3A_619 : i32
        scf.if %cond3A_620 {
          %dma_wait3A_629 = arith.constant 0 : i32
          %dma_wait3A_630 = arith.constant 0 : i32
          %dma_wait3A_631 = tpu.memref_slice %arg7[%dma_wait3A_629, %dma_wait3A_630] : memref<16384x1024xf32, #tpu.memory_space<hbm>> -> memref<16x1024xf32, #tpu.memory_space<hbm>>
          %dma_wait3A_632 = arith.constant 0 : i32
          %dma_wait3A_633 = arith.constant 0 : i32
          %dma_wait3A_634 = tpu.memref_slice %arg7[%dma_wait3A_632, %dma_wait3A_633] : memref<16384x1024xf32, #tpu.memory_space<hbm>> -> memref<16x1024xf32, #tpu.memory_space<hbm>>
          tpu.wait_dma2 semaphore(%arg24 : memref<!tpu.dma_semaphore, #tpu.memory_space<semaphore_mem>>) src(%arg15 : memref<16x1024xf32, #tpu.memory_space<vmem>>) dst(%dma_wait3A_634 : memref<16x1024xf32, #tpu.memory_space<hbm>>)
        } else {
        }
        %add3A_621 = arith.constant 2 : i32
        %add3A_622 = arith.addi %add3A_196, %add3A_621 : i32
        %mul3A_623 = arith.constant 16 : i32
        %mul3A_624 = arith.muli %add3A_622, %mul3A_623 : i32
        %dma_start3A_625 = tpu.memref_slice %arg8[%mul3A_624] : memref<512xi32, #tpu.memory_space<vmem>> -> memref<16xi32, #tpu.memory_space<vmem>>
        %dma_start3A_626 = arith.constant 0 : i32
        %dma_start3A_627 = arith.constant 0 : i32
        %dma_start3A_628 = tpu.memref_slice %arg4[%dma_start3A_626, %dma_start3A_627] : memref<30522x1024xf32, #tpu.memory_space<hbm>> -> memref<30522x1024xf32, #tpu.memory_space<hbm>>
        tpu.enqueue_indirect_dma source(%dma_start3A_628 : memref<30522x1024xf32, #tpu.memory_space<hbm>>) target(%arg15 : memref<16x1024xf32, #tpu.memory_space<vmem>>) offsets(%dma_start3A_625 : memref<16xi32, #tpu.memory_space<vmem>>) semaphore(%arg20 : memref<!tpu.dma_semaphore, #tpu.memory_space<semaphore_mem>>)
      } else {
      }
      %mul3A_334 = arith.constant 4 : i32
      %mul3A_335 = arith.muli %mul3A_334, %scan3A_58 : i32
      %add3A_336 = arith.constant 2 : i32
      %add3A_337 = arith.addi %mul3A_335, %add3A_336 : i32
      %dma_wait3A_338 = arith.constant 0 : i32
      %dma_wait3A_339 = arith.constant 0 : i32
      %dma_wait3A_340 = tpu.memref_slice %arg4[%dma_wait3A_338, %dma_wait3A_339] : memref<30522x1024xf32, #tpu.memory_space<hbm>> -> memref<16x1024xf32, #tpu.memory_space<hbm>>
      %dma_wait3A_341 = arith.constant 0 : i32
      %dma_wait3A_342 = arith.constant 0 : i32
      %dma_wait3A_343 = tpu.memref_slice %arg4[%dma_wait3A_341, %dma_wait3A_342] : memref<30522x1024xf32, #tpu.memory_space<hbm>> -> memref<16x1024xf32, #tpu.memory_space<hbm>>
      tpu.wait_dma2 semaphore(%arg19 : memref<!tpu.dma_semaphore, #tpu.memory_space<semaphore_mem>>) src(%dma_wait3A_343 : memref<16x1024xf32, #tpu.memory_space<hbm>>) dst(%arg14 : memref<16x1024xf32, #tpu.memory_space<vmem>>)
      %mul3A_344 = arith.constant 16 : i32
      %mul3A_345 = arith.muli %add3A_337, %mul3A_344 : i32
      %get3A_346 = arith.index_cast %mul3A_345 : i32 to index
      %get3A_347 = tpu.vector_load %arg9[%get3A_346] {strides = array<i32>} : memref<512xi32, #tpu.memory_space<vmem>>, vector<16xi32>,
      %get3A_348 = vector.shape_cast %get3A_347 : vector<16xi32> to vector<16xi32>
      %slice3A_349 = vector.extract_strided_slice %get3A_348 {offsets = [0], sizes = [1], strides = [1]} : vector<16xi32> to vector<1xi32>
      %squeeze3A_350 = vector.extract %slice3A_349[0] : i32 from vector<1xi32>
      %add3A_351 = arith.constant 0 : i32
      %add3A_352 = arith.addi %add3A_351, %squeeze3A_350 : i32
      %parallel_loop3A_353 = arith.constant 0 : i32
      %parallel_loop3A_354 = arith.constant 64 : i32
      %parallel_loop3A_355 = arith.constant 1 : i32
      scf.for %parallel_loop3A_616 = %parallel_loop3A_353 to %parallel_loop3A_354 step %parallel_loop3A_355  : i32 {
        %parallel_loop3A_617 = arith.constant 16 : i32
        %parallel_loop3A_618 = arith.muli %parallel_loop3A_616, %parallel_loop3A_617 : i32
        %parallel_loop3A_619 = arith.constant 16 : i32
        %parallel_loop3A_620 = arith.muli %parallel_loop3A_616, %parallel_loop3A_619 : i32
        %parallel_loop3A_621 = arith.index_cast %add3A_352 : i32 to index
        %parallel_loop3A_622 = arith.index_cast %parallel_loop3A_620 : i32 to index
        %parallel_loop3A_623 = tpu.vector_load %arg11[%parallel_loop3A_621, %parallel_loop3A_622] {strides = array<i32>} : memref<32x1024xf32, #tpu.memory_space<vmem>>, vector<1x16xf32>,
        %parallel_loop3A_624 = vector.shape_cast %parallel_loop3A_623 : vector<1x16xf32> to vector<16xf32>
        %parallel_loop3A_625 = arith.constant 0 : i32
        %parallel_loop3A_626 = arith.index_cast %parallel_loop3A_625 : i32 to index
        %parallel_loop3A_627 = arith.index_cast %parallel_loop3A_618 : i32 to index
        %parallel_loop3A_628 = tpu.vector_load %arg14[%parallel_loop3A_626, %parallel_loop3A_627] {strides = array<i32>} : memref<16x1024xf32, #tpu.memory_space<vmem>>, vector<1x16xf32>,
        %parallel_loop3A_629 = vector.shape_cast %parallel_loop3A_628 : vector<1x16xf32> to vector<16xf32>
        %parallel_loop3A_630 = vector.shape_cast %parallel_loop3A_624 : vector<16xf32> to vector<1x16xf32>
        tpu.vector_store %arg14[%parallel_loop3A_626, %parallel_loop3A_627], %parallel_loop3A_630 {add = true, strides = array<i32>} : memref<16x1024xf32, #tpu.memory_space<vmem>>, vector<1x16xf32>,
      } {sc.loop_unroll_factor = 8 : i64, sc.parallel_access}
      %slice3A_356 = vector.extract_strided_slice %get3A_348 {offsets = [1], sizes = [1], strides = [1]} : vector<16xi32> to vector<1xi32>
      %squeeze3A_357 = vector.extract %slice3A_356[0] : i32 from vector<1xi32>
      %add3A_358 = arith.constant 2 : i32
      %add3A_359 = arith.addi %add3A_358, %squeeze3A_357 : i32
      %parallel_loop3A_360 = arith.constant 0 : i32
      %parallel_loop3A_361 = arith.constant 64 : i32
      %parallel_loop3A_362 = arith.constant 1 : i32
      scf.for %parallel_loop3A_616 = %parallel_loop3A_360 to %parallel_loop3A_361 step %parallel_loop3A_362  : i32 {
        %parallel_loop3A_617 = arith.constant 16 : i32
        %parallel_loop3A_618 = arith.muli %parallel_loop3A_616, %parallel_loop3A_617 : i32
        %parallel_loop3A_619 = arith.constant 16 : i32
        %parallel_loop3A_620 = arith.muli %parallel_loop3A_616, %parallel_loop3A_619 : i32
        %parallel_loop3A_621 = arith.index_cast %add3A_359 : i32 to index
        %parallel_loop3A_622 = arith.index_cast %parallel_loop3A_620 : i32 to index
        %parallel_loop3A_623 = tpu.vector_load %arg11[%parallel_loop3A_621, %parallel_loop3A_622] {strides = array<i32>} : memref<32x1024xf32, #tpu.memory_space<vmem>>, vector<1x16xf32>,
        %parallel_loop3A_624 = vector.shape_cast %parallel_loop3A_623 : vector<1x16xf32> to vector<16xf32>
        %parallel_loop3A_625 = arith.constant 1 : i32
        %parallel_loop3A_626 = arith.index_cast %parallel_loop3A_625 : i32 to index
        %parallel_loop3A_627 = arith.index_cast %parallel_loop3A_618 : i32 to index
        %parallel_loop3A_628 = tpu.vector_load %arg14[%parallel_loop3A_626, %parallel_loop3A_627] {strides = array<i32>} : memref<16x1024xf32, #tpu.memory_space<vmem>>, vector<1x16xf32>,
        %parallel_loop3A_629 = vector.shape_cast %parallel_loop3A_628 : vector<1x16xf32> to vector<16xf32>
        %parallel_loop3A_630 = vector.shape_cast %parallel_loop3A_624 : vector<16xf32> to vector<1x16xf32>
        tpu.vector_store %arg14[%parallel_loop3A_626, %parallel_loop3A_627], %parallel_loop3A_630 {add = true, strides = array<i32>} : memref<16x1024xf32, #tpu.memory_space<vmem>>, vector<1x16xf32>,
      } {sc.loop_unroll_factor = 8 : i64, sc.parallel_access}
      %slice3A_363 = vector.extract_strided_slice %get3A_348 {offsets = [2], sizes = [1], strides = [1]} : vector<16xi32> to vector<1xi32>
      %squeeze3A_364 = vector.extract %slice3A_363[0] : i32 from vector<1xi32>
      %add3A_365 = arith.constant 4 : i32
      %add3A_366 = arith.addi %add3A_365, %squeeze3A_364 : i32
      %parallel_loop3A_367 = arith.constant 0 : i32
      %parallel_loop3A_368 = arith.constant 64 : i32
      %parallel_loop3A_369 = arith.constant 1 : i32
      scf.for %parallel_loop3A_616 = %parallel_loop3A_367 to %parallel_loop3A_368 step %parallel_loop3A_369  : i32 {
        %parallel_loop3A_617 = arith.constant 16 : i32
        %parallel_loop3A_618 = arith.muli %parallel_loop3A_616, %parallel_loop3A_617 : i32
        %parallel_loop3A_619 = arith.constant 16 : i32
        %parallel_loop3A_620 = arith.muli %parallel_loop3A_616, %parallel_loop3A_619 : i32
        %parallel_loop3A_621 = arith.index_cast %add3A_366 : i32 to index
        %parallel_loop3A_622 = arith.index_cast %parallel_loop3A_620 : i32 to index
        %parallel_loop3A_623 = tpu.vector_load %arg11[%parallel_loop3A_621, %parallel_loop3A_622] {strides = array<i32>} : memref<32x1024xf32, #tpu.memory_space<vmem>>, vector<1x16xf32>,
        %parallel_loop3A_624 = vector.shape_cast %parallel_loop3A_623 : vector<1x16xf32> to vector<16xf32>
        %parallel_loop3A_625 = arith.constant 2 : i32
        %parallel_loop3A_626 = arith.index_cast %parallel_loop3A_625 : i32 to index
        %parallel_loop3A_627 = arith.index_cast %parallel_loop3A_618 : i32 to index
        %parallel_loop3A_628 = tpu.vector_load %arg14[%parallel_loop3A_626, %parallel_loop3A_627] {strides = array<i32>} : memref<16x1024xf32, #tpu.memory_space<vmem>>, vector<1x16xf32>,
        %parallel_loop3A_629 = vector.shape_cast %parallel_loop3A_628 : vector<1x16xf32> to vector<16xf32>
        %parallel_loop3A_630 = vector.shape_cast %parallel_loop3A_624 : vector<16xf32> to vector<1x16xf32>
        tpu.vector_store %arg14[%parallel_loop3A_626, %parallel_loop3A_627], %parallel_loop3A_630 {add = true, strides = array<i32>} : memref<16x1024xf32, #tpu.memory_space<vmem>>, vector<1x16xf32>,
      } {sc.loop_unroll_factor = 8 : i64, sc.parallel_access}
      %slice3A_370 = vector.extract_strided_slice %get3A_348 {offsets = [3], sizes = [1], strides = [1]} : vector<16xi32> to vector<1xi32>
      %squeeze3A_371 = vector.extract %slice3A_370[0] : i32 from vector<1xi32>
      %add3A_372 = arith.constant 6 : i32
      %add3A_373 = arith.addi %add3A_372, %squeeze3A_371 : i32
      %parallel_loop3A_374 = arith.constant 0 : i32
      %parallel_loop3A_375 = arith.constant 64 : i32
      %parallel_loop3A_376 = arith.constant 1 : i32
      scf.for %parallel_loop3A_616 = %parallel_loop3A_374 to %parallel_loop3A_375 step %parallel_loop3A_376  : i32 {
        %parallel_loop3A_617 = arith.constant 16 : i32
        %parallel_loop3A_618 = arith.muli %parallel_loop3A_616, %parallel_loop3A_617 : i32
        %parallel_loop3A_619 = arith.constant 16 : i32
        %parallel_loop3A_620 = arith.muli %parallel_loop3A_616, %parallel_loop3A_619 : i32
        %parallel_loop3A_621 = arith.index_cast %add3A_373 : i32 to index
        %parallel_loop3A_622 = arith.index_cast %parallel_loop3A_620 : i32 to index
        %parallel_loop3A_623 = tpu.vector_load %arg11[%parallel_loop3A_621, %parallel_loop3A_622] {strides = array<i32>} : memref<32x1024xf32, #tpu.memory_space<vmem>>, vector<1x16xf32>,
        %parallel_loop3A_624 = vector.shape_cast %parallel_loop3A_623 : vector<1x16xf32> to vector<16xf32>
        %parallel_loop3A_625 = arith.constant 3 : i32
        %parallel_loop3A_626 = arith.index_cast %parallel_loop3A_625 : i32 to index
        %parallel_loop3A_627 = arith.index_cast %parallel_loop3A_618 : i32 to index
        %parallel_loop3A_628 = tpu.vector_load %arg14[%parallel_loop3A_626, %parallel_loop3A_627] {strides = array<i32>} : memref<16x1024xf32, #tpu.memory_space<vmem>>, vector<1x16xf32>,
        %parallel_loop3A_629 = vector.shape_cast %parallel_loop3A_628 : vector<1x16xf32> to vector<16xf32>
        %parallel_loop3A_630 = vector.shape_cast %parallel_loop3A_624 : vector<16xf32> to vector<1x16xf32>
        tpu.vector_store %arg14[%parallel_loop3A_626, %parallel_loop3A_627], %parallel_loop3A_630 {add = true, strides = array<i32>} : memref<16x1024xf32, #tpu.memory_space<vmem>>, vector<1x16xf32>,
      } {sc.loop_unroll_factor = 8 : i64, sc.parallel_access}
      %slice3A_377 = vector.extract_strided_slice %get3A_348 {offsets = [4], sizes = [1], strides = [1]} : vector<16xi32> to vector<1xi32>
      %squeeze3A_378 = vector.extract %slice3A_377[0] : i32 from vector<1xi32>
      %add3A_379 = arith.constant 8 : i32
      %add3A_380 = arith.addi %add3A_379, %squeeze3A_378 : i32
      %parallel_loop3A_381 = arith.constant 0 : i32
      %parallel_loop3A_382 = arith.constant 64 : i32
      %parallel_loop3A_383 = arith.constant 1 : i32
      scf.for %parallel_loop3A_616 = %parallel_loop3A_381 to %parallel_loop3A_382 step %parallel_loop3A_383  : i32 {
        %parallel_loop3A_617 = arith.constant 16 : i32
        %parallel_loop3A_618 = arith.muli %parallel_loop3A_616, %parallel_loop3A_617 : i32
        %parallel_loop3A_619 = arith.constant 16 : i32
        %parallel_loop3A_620 = arith.muli %parallel_loop3A_616, %parallel_loop3A_619 : i32
        %parallel_loop3A_621 = arith.index_cast %add3A_380 : i32 to index
        %parallel_loop3A_622 = arith.index_cast %parallel_loop3A_620 : i32 to index
        %parallel_loop3A_623 = tpu.vector_load %arg11[%parallel_loop3A_621, %parallel_loop3A_622] {strides = array<i32>} : memref<32x1024xf32, #tpu.memory_space<vmem>>, vector<1x16xf32>,
        %parallel_loop3A_624 = vector.shape_cast %parallel_loop3A_623 : vector<1x16xf32> to vector<16xf32>
        %parallel_loop3A_625 = arith.constant 4 : i32
        %parallel_loop3A_626 = arith.index_cast %parallel_loop3A_625 : i32 to index
        %parallel_loop3A_627 = arith.index_cast %parallel_loop3A_618 : i32 to index
        %parallel_loop3A_628 = tpu.vector_load %arg14[%parallel_loop3A_626, %parallel_loop3A_627] {strides = array<i32>} : memref<16x1024xf32, #tpu.memory_space<vmem>>, vector<1x16xf32>,
        %parallel_loop3A_629 = vector.shape_cast %parallel_loop3A_628 : vector<1x16xf32> to vector<16xf32>
        %parallel_loop3A_630 = vector.shape_cast %parallel_loop3A_624 : vector<16xf32> to vector<1x16xf32>
        tpu.vector_store %arg14[%parallel_loop3A_626, %parallel_loop3A_627], %parallel_loop3A_630 {add = true, strides = array<i32>} : memref<16x1024xf32, #tpu.memory_space<vmem>>, vector<1x16xf32>,
      } {sc.loop_unroll_factor = 8 : i64, sc.parallel_access}
      %slice3A_384 = vector.extract_strided_slice %get3A_348 {offsets = [5], sizes = [1], strides = [1]} : vector<16xi32> to vector<1xi32>
      %squeeze3A_385 = vector.extract %slice3A_384[0] : i32 from vector<1xi32>
      %add3A_386 = arith.constant 10 : i32
      %add3A_387 = arith.addi %add3A_386, %squeeze3A_385 : i32
      %parallel_loop3A_388 = arith.constant 0 : i32
      %parallel_loop3A_389 = arith.constant 64 : i32
      %parallel_loop3A_390 = arith.constant 1 : i32
      scf.for %parallel_loop3A_616 = %parallel_loop3A_388 to %parallel_loop3A_389 step %parallel_loop3A_390  : i32 {
        %parallel_loop3A_617 = arith.constant 16 : i32
        %parallel_loop3A_618 = arith.muli %parallel_loop3A_616, %parallel_loop3A_617 : i32
        %parallel_loop3A_619 = arith.constant 16 : i32
        %parallel_loop3A_620 = arith.muli %parallel_loop3A_616, %parallel_loop3A_619 : i32
        %parallel_loop3A_621 = arith.index_cast %add3A_387 : i32 to index
        %parallel_loop3A_622 = arith.index_cast %parallel_loop3A_620 : i32 to index
        %parallel_loop3A_623 = tpu.vector_load %arg11[%parallel_loop3A_621, %parallel_loop3A_622] {strides = array<i32>} : memref<32x1024xf32, #tpu.memory_space<vmem>>, vector<1x16xf32>,
        %parallel_loop3A_624 = vector.shape_cast %parallel_loop3A_623 : vector<1x16xf32> to vector<16xf32>
        %parallel_loop3A_625 = arith.constant 5 : i32
        %parallel_loop3A_626 = arith.index_cast %parallel_loop3A_625 : i32 to index
        %parallel_loop3A_627 = arith.index_cast %parallel_loop3A_618 : i32 to index
        %parallel_loop3A_628 = tpu.vector_load %arg14[%parallel_loop3A_626, %parallel_loop3A_627] {strides = array<i32>} : memref<16x1024xf32, #tpu.memory_space<vmem>>, vector<1x16xf32>,
        %parallel_loop3A_629 = vector.shape_cast %parallel_loop3A_628 : vector<1x16xf32> to vector<16xf32>
        %parallel_loop3A_630 = vector.shape_cast %parallel_loop3A_624 : vector<16xf32> to vector<1x16xf32>
        tpu.vector_store %arg14[%parallel_loop3A_626, %parallel_loop3A_627], %parallel_loop3A_630 {add = true, strides = array<i32>} : memref<16x1024xf32, #tpu.memory_space<vmem>>, vector<1x16xf32>,
      } {sc.loop_unroll_factor = 8 : i64, sc.parallel_access}
      %slice3A_391 = vector.extract_strided_slice %get3A_348 {offsets = [6], sizes = [1], strides = [1]} : vector<16xi32> to vector<1xi32>
      %squeeze3A_392 = vector.extract %slice3A_391[0] : i32 from vector<1xi32>
      %add3A_393 = arith.constant 12 : i32
      %add3A_394 = arith.addi %add3A_393, %squeeze3A_392 : i32
      %parallel_loop3A_395 = arith.constant 0 : i32
      %parallel_loop3A_396 = arith.constant 64 : i32
      %parallel_loop3A_397 = arith.constant 1 : i32
      scf.for %parallel_loop3A_616 = %parallel_loop3A_395 to %parallel_loop3A_396 step %parallel_loop3A_397  : i32 {
        %parallel_loop3A_617 = arith.constant 16 : i32
        %parallel_loop3A_618 = arith.muli %parallel_loop3A_616, %parallel_loop3A_617 : i32
        %parallel_loop3A_619 = arith.constant 16 : i32
        %parallel_loop3A_620 = arith.muli %parallel_loop3A_616, %parallel_loop3A_619 : i32
        %parallel_loop3A_621 = arith.index_cast %add3A_394 : i32 to index
        %parallel_loop3A_622 = arith.index_cast %parallel_loop3A_620 : i32 to index
        %parallel_loop3A_623 = tpu.vector_load %arg11[%parallel_loop3A_621, %parallel_loop3A_622] {strides = array<i32>} : memref<32x1024xf32, #tpu.memory_space<vmem>>, vector<1x16xf32>,
        %parallel_loop3A_624 = vector.shape_cast %parallel_loop3A_623 : vector<1x16xf32> to vector<16xf32>
        %parallel_loop3A_625 = arith.constant 6 : i32
        %parallel_loop3A_626 = arith.index_cast %parallel_loop3A_625 : i32 to index
        %parallel_loop3A_627 = arith.index_cast %parallel_loop3A_618 : i32 to index
        %parallel_loop3A_628 = tpu.vector_load %arg14[%parallel_loop3A_626, %parallel_loop3A_627] {strides = array<i32>} : memref<16x1024xf32, #tpu.memory_space<vmem>>, vector<1x16xf32>,
        %parallel_loop3A_629 = vector.shape_cast %parallel_loop3A_628 : vector<1x16xf32> to vector<16xf32>
        %parallel_loop3A_630 = vector.shape_cast %parallel_loop3A_624 : vector<16xf32> to vector<1x16xf32>
        tpu.vector_store %arg14[%parallel_loop3A_626, %parallel_loop3A_627], %parallel_loop3A_630 {add = true, strides = array<i32>} : memref<16x1024xf32, #tpu.memory_space<vmem>>, vector<1x16xf32>,
      } {sc.loop_unroll_factor = 8 : i64, sc.parallel_access}
      %slice3A_398 = vector.extract_strided_slice %get3A_348 {offsets = [7], sizes = [1], strides = [1]} : vector<16xi32> to vector<1xi32>
      %squeeze3A_399 = vector.extract %slice3A_398[0] : i32 from vector<1xi32>
      %add3A_400 = arith.constant 14 : i32
      %add3A_401 = arith.addi %add3A_400, %squeeze3A_399 : i32
      %parallel_loop3A_402 = arith.constant 0 : i32
      %parallel_loop3A_403 = arith.constant 64 : i32
      %parallel_loop3A_404 = arith.constant 1 : i32
      scf.for %parallel_loop3A_616 = %parallel_loop3A_402 to %parallel_loop3A_403 step %parallel_loop3A_404  : i32 {
        %parallel_loop3A_617 = arith.constant 16 : i32
        %parallel_loop3A_618 = arith.muli %parallel_loop3A_616, %parallel_loop3A_617 : i32
        %parallel_loop3A_619 = arith.constant 16 : i32
        %parallel_loop3A_620 = arith.muli %parallel_loop3A_616, %parallel_loop3A_619 : i32
        %parallel_loop3A_621 = arith.index_cast %add3A_401 : i32 to index
        %parallel_loop3A_622 = arith.index_cast %parallel_loop3A_620 : i32 to index
        %parallel_loop3A_623 = tpu.vector_load %arg11[%parallel_loop3A_621, %parallel_loop3A_622] {strides = array<i32>} : memref<32x1024xf32, #tpu.memory_space<vmem>>, vector<1x16xf32>,
        %parallel_loop3A_624 = vector.shape_cast %parallel_loop3A_623 : vector<1x16xf32> to vector<16xf32>
        %parallel_loop3A_625 = arith.constant 7 : i32
        %parallel_loop3A_626 = arith.index_cast %parallel_loop3A_625 : i32 to index
        %parallel_loop3A_627 = arith.index_cast %parallel_loop3A_618 : i32 to index
        %parallel_loop3A_628 = tpu.vector_load %arg14[%parallel_loop3A_626, %parallel_loop3A_627] {strides = array<i32>} : memref<16x1024xf32, #tpu.memory_space<vmem>>, vector<1x16xf32>,
        %parallel_loop3A_629 = vector.shape_cast %parallel_loop3A_628 : vector<1x16xf32> to vector<16xf32>
        %parallel_loop3A_630 = vector.shape_cast %parallel_loop3A_624 : vector<16xf32> to vector<1x16xf32>
        tpu.vector_store %arg14[%parallel_loop3A_626, %parallel_loop3A_627], %parallel_loop3A_630 {add = true, strides = array<i32>} : memref<16x1024xf32, #tpu.memory_space<vmem>>, vector<1x16xf32>,
      } {sc.loop_unroll_factor = 8 : i64, sc.parallel_access}
      %slice3A_405 = vector.extract_strided_slice %get3A_348 {offsets = [8], sizes = [1], strides = [1]} : vector<16xi32> to vector<1xi32>
      %squeeze3A_406 = vector.extract %slice3A_405[0] : i32 from vector<1xi32>
      %add3A_407 = arith.constant 16 : i32
      %add3A_408 = arith.addi %add3A_407, %squeeze3A_406 : i32
      %parallel_loop3A_409 = arith.constant 0 : i32
      %parallel_loop3A_410 = arith.constant 64 : i32
      %parallel_loop3A_411 = arith.constant 1 : i32
      scf.for %parallel_loop3A_616 = %parallel_loop3A_409 to %parallel_loop3A_410 step %parallel_loop3A_411  : i32 {
        %parallel_loop3A_617 = arith.constant 16 : i32
        %parallel_loop3A_618 = arith.muli %parallel_loop3A_616, %parallel_loop3A_617 : i32
        %parallel_loop3A_619 = arith.constant 16 : i32
        %parallel_loop3A_620 = arith.muli %parallel_loop3A_616, %parallel_loop3A_619 : i32
        %parallel_loop3A_621 = arith.index_cast %add3A_408 : i32 to index
        %parallel_loop3A_622 = arith.index_cast %parallel_loop3A_620 : i32 to index
        %parallel_loop3A_623 = tpu.vector_load %arg11[%parallel_loop3A_621, %parallel_loop3A_622] {strides = array<i32>} : memref<32x1024xf32, #tpu.memory_space<vmem>>, vector<1x16xf32>,
        %parallel_loop3A_624 = vector.shape_cast %parallel_loop3A_623 : vector<1x16xf32> to vector<16xf32>
        %parallel_loop3A_625 = arith.constant 8 : i32
        %parallel_loop3A_626 = arith.index_cast %parallel_loop3A_625 : i32 to index
        %parallel_loop3A_627 = arith.index_cast %parallel_loop3A_618 : i32 to index
        %parallel_loop3A_628 = tpu.vector_load %arg14[%parallel_loop3A_626, %parallel_loop3A_627] {strides = array<i32>} : memref<16x1024xf32, #tpu.memory_space<vmem>>, vector<1x16xf32>,
        %parallel_loop3A_629 = vector.shape_cast %parallel_loop3A_628 : vector<1x16xf32> to vector<16xf32>
        %parallel_loop3A_630 = vector.shape_cast %parallel_loop3A_624 : vector<16xf32> to vector<1x16xf32>
        tpu.vector_store %arg14[%parallel_loop3A_626, %parallel_loop3A_627], %parallel_loop3A_630 {add = true, strides = array<i32>} : memref<16x1024xf32, #tpu.memory_space<vmem>>, vector<1x16xf32>,
      } {sc.loop_unroll_factor = 8 : i64, sc.parallel_access}
      %slice3A_412 = vector.extract_strided_slice %get3A_348 {offsets = [9], sizes = [1], strides = [1]} : vector<16xi32> to vector<1xi32>
      %squeeze3A_413 = vector.extract %slice3A_412[0] : i32 from vector<1xi32>
      %add3A_414 = arith.constant 18 : i32
      %add3A_415 = arith.addi %add3A_414, %squeeze3A_413 : i32
      %parallel_loop3A_416 = arith.constant 0 : i32
      %parallel_loop3A_417 = arith.constant 64 : i32
      %parallel_loop3A_418 = arith.constant 1 : i32
      scf.for %parallel_loop3A_616 = %parallel_loop3A_416 to %parallel_loop3A_417 step %parallel_loop3A_418  : i32 {
        %parallel_loop3A_617 = arith.constant 16 : i32
        %parallel_loop3A_618 = arith.muli %parallel_loop3A_616, %parallel_loop3A_617 : i32
        %parallel_loop3A_619 = arith.constant 16 : i32
        %parallel_loop3A_620 = arith.muli %parallel_loop3A_616, %parallel_loop3A_619 : i32
        %parallel_loop3A_621 = arith.index_cast %add3A_415 : i32 to index
        %parallel_loop3A_622 = arith.index_cast %parallel_loop3A_620 : i32 to index
        %parallel_loop3A_623 = tpu.vector_load %arg11[%parallel_loop3A_621, %parallel_loop3A_622] {strides = array<i32>} : memref<32x1024xf32, #tpu.memory_space<vmem>>, vector<1x16xf32>,
        %parallel_loop3A_624 = vector.shape_cast %parallel_loop3A_623 : vector<1x16xf32> to vector<16xf32>
        %parallel_loop3A_625 = arith.constant 9 : i32
        %parallel_loop3A_626 = arith.index_cast %parallel_loop3A_625 : i32 to index
        %parallel_loop3A_627 = arith.index_cast %parallel_loop3A_618 : i32 to index
        %parallel_loop3A_628 = tpu.vector_load %arg14[%parallel_loop3A_626, %parallel_loop3A_627] {strides = array<i32>} : memref<16x1024xf32, #tpu.memory_space<vmem>>, vector<1x16xf32>,
        %parallel_loop3A_629 = vector.shape_cast %parallel_loop3A_628 : vector<1x16xf32> to vector<16xf32>
        %parallel_loop3A_630 = vector.shape_cast %parallel_loop3A_624 : vector<16xf32> to vector<1x16xf32>
        tpu.vector_store %arg14[%parallel_loop3A_626, %parallel_loop3A_627], %parallel_loop3A_630 {add = true, strides = array<i32>} : memref<16x1024xf32, #tpu.memory_space<vmem>>, vector<1x16xf32>,
      } {sc.loop_unroll_factor = 8 : i64, sc.parallel_access}
      %slice3A_419 = vector.extract_strided_slice %get3A_348 {offsets = [10], sizes = [1], strides = [1]} : vector<16xi32> to vector<1xi32>
      %squeeze3A_420 = vector.extract %slice3A_419[0] : i32 from vector<1xi32>
      %add3A_421 = arith.constant 20 : i32
      %add3A_422 = arith.addi %add3A_421, %squeeze3A_420 : i32
      %parallel_loop3A_423 = arith.constant 0 : i32
      %parallel_loop3A_424 = arith.constant 64 : i32
      %parallel_loop3A_425 = arith.constant 1 : i32
      scf.for %parallel_loop3A_616 = %parallel_loop3A_423 to %parallel_loop3A_424 step %parallel_loop3A_425  : i32 {
        %parallel_loop3A_617 = arith.constant 16 : i32
        %parallel_loop3A_618 = arith.muli %parallel_loop3A_616, %parallel_loop3A_617 : i32
        %parallel_loop3A_619 = arith.constant 16 : i32
        %parallel_loop3A_620 = arith.muli %parallel_loop3A_616, %parallel_loop3A_619 : i32
        %parallel_loop3A_621 = arith.index_cast %add3A_422 : i32 to index
        %parallel_loop3A_622 = arith.index_cast %parallel_loop3A_620 : i32 to index
        %parallel_loop3A_623 = tpu.vector_load %arg11[%parallel_loop3A_621, %parallel_loop3A_622] {strides = array<i32>} : memref<32x1024xf32, #tpu.memory_space<vmem>>, vector<1x16xf32>,
        %parallel_loop3A_624 = vector.shape_cast %parallel_loop3A_623 : vector<1x16xf32> to vector<16xf32>
        %parallel_loop3A_625 = arith.constant 10 : i32
        %parallel_loop3A_626 = arith.index_cast %parallel_loop3A_625 : i32 to index
        %parallel_loop3A_627 = arith.index_cast %parallel_loop3A_618 : i32 to index
        %parallel_loop3A_628 = tpu.vector_load %arg14[%parallel_loop3A_626, %parallel_loop3A_627] {strides = array<i32>} : memref<16x1024xf32, #tpu.memory_space<vmem>>, vector<1x16xf32>,
        %parallel_loop3A_629 = vector.shape_cast %parallel_loop3A_628 : vector<1x16xf32> to vector<16xf32>
        %parallel_loop3A_630 = vector.shape_cast %parallel_loop3A_624 : vector<16xf32> to vector<1x16xf32>
        tpu.vector_store %arg14[%parallel_loop3A_626, %parallel_loop3A_627], %parallel_loop3A_630 {add = true, strides = array<i32>} : memref<16x1024xf32, #tpu.memory_space<vmem>>, vector<1x16xf32>,
      } {sc.loop_unroll_factor = 8 : i64, sc.parallel_access}
      %slice3A_426 = vector.extract_strided_slice %get3A_348 {offsets = [11], sizes = [1], strides = [1]} : vector<16xi32> to vector<1xi32>
      %squeeze3A_427 = vector.extract %slice3A_426[0] : i32 from vector<1xi32>
      %add3A_428 = arith.constant 22 : i32
      %add3A_429 = arith.addi %add3A_428, %squeeze3A_427 : i32
      %parallel_loop3A_430 = arith.constant 0 : i32
      %parallel_loop3A_431 = arith.constant 64 : i32
      %parallel_loop3A_432 = arith.constant 1 : i32
      scf.for %parallel_loop3A_616 = %parallel_loop3A_430 to %parallel_loop3A_431 step %parallel_loop3A_432  : i32 {
        %parallel_loop3A_617 = arith.constant 16 : i32
        %parallel_loop3A_618 = arith.muli %parallel_loop3A_616, %parallel_loop3A_617 : i32
        %parallel_loop3A_619 = arith.constant 16 : i32
        %parallel_loop3A_620 = arith.muli %parallel_loop3A_616, %parallel_loop3A_619 : i32
        %parallel_loop3A_621 = arith.index_cast %add3A_429 : i32 to index
        %parallel_loop3A_622 = arith.index_cast %parallel_loop3A_620 : i32 to index
        %parallel_loop3A_623 = tpu.vector_load %arg11[%parallel_loop3A_621, %parallel_loop3A_622] {strides = array<i32>} : memref<32x1024xf32, #tpu.memory_space<vmem>>, vector<1x16xf32>,
        %parallel_loop3A_624 = vector.shape_cast %parallel_loop3A_623 : vector<1x16xf32> to vector<16xf32>
        %parallel_loop3A_625 = arith.constant 11 : i32
        %parallel_loop3A_626 = arith.index_cast %parallel_loop3A_625 : i32 to index
        %parallel_loop3A_627 = arith.index_cast %parallel_loop3A_618 : i32 to index
        %parallel_loop3A_628 = tpu.vector_load %arg14[%parallel_loop3A_626, %parallel_loop3A_627] {strides = array<i32>} : memref<16x1024xf32, #tpu.memory_space<vmem>>, vector<1x16xf32>,
        %parallel_loop3A_629 = vector.shape_cast %parallel_loop3A_628 : vector<1x16xf32> to vector<16xf32>
        %parallel_loop3A_630 = vector.shape_cast %parallel_loop3A_624 : vector<16xf32> to vector<1x16xf32>
        tpu.vector_store %arg14[%parallel_loop3A_626, %parallel_loop3A_627], %parallel_loop3A_630 {add = true, strides = array<i32>} : memref<16x1024xf32, #tpu.memory_space<vmem>>, vector<1x16xf32>,
      } {sc.loop_unroll_factor = 8 : i64, sc.parallel_access}
      %slice3A_433 = vector.extract_strided_slice %get3A_348 {offsets = [12], sizes = [1], strides = [1]} : vector<16xi32> to vector<1xi32>
      %squeeze3A_434 = vector.extract %slice3A_433[0] : i32 from vector<1xi32>
      %add3A_435 = arith.constant 24 : i32
      %add3A_436 = arith.addi %add3A_435, %squeeze3A_434 : i32
      %parallel_loop3A_437 = arith.constant 0 : i32
      %parallel_loop3A_438 = arith.constant 64 : i32
      %parallel_loop3A_439 = arith.constant 1 : i32
      scf.for %parallel_loop3A_616 = %parallel_loop3A_437 to %parallel_loop3A_438 step %parallel_loop3A_439  : i32 {
        %parallel_loop3A_617 = arith.constant 16 : i32
        %parallel_loop3A_618 = arith.muli %parallel_loop3A_616, %parallel_loop3A_617 : i32
        %parallel_loop3A_619 = arith.constant 16 : i32
        %parallel_loop3A_620 = arith.muli %parallel_loop3A_616, %parallel_loop3A_619 : i32
        %parallel_loop3A_621 = arith.index_cast %add3A_436 : i32 to index
        %parallel_loop3A_622 = arith.index_cast %parallel_loop3A_620 : i32 to index
        %parallel_loop3A_623 = tpu.vector_load %arg11[%parallel_loop3A_621, %parallel_loop3A_622] {strides = array<i32>} : memref<32x1024xf32, #tpu.memory_space<vmem>>, vector<1x16xf32>,
        %parallel_loop3A_624 = vector.shape_cast %parallel_loop3A_623 : vector<1x16xf32> to vector<16xf32>
        %parallel_loop3A_625 = arith.constant 12 : i32
        %parallel_loop3A_626 = arith.index_cast %parallel_loop3A_625 : i32 to index
        %parallel_loop3A_627 = arith.index_cast %parallel_loop3A_618 : i32 to index
        %parallel_loop3A_628 = tpu.vector_load %arg14[%parallel_loop3A_626, %parallel_loop3A_627] {strides = array<i32>} : memref<16x1024xf32, #tpu.memory_space<vmem>>, vector<1x16xf32>,
        %parallel_loop3A_629 = vector.shape_cast %parallel_loop3A_628 : vector<1x16xf32> to vector<16xf32>
        %parallel_loop3A_630 = vector.shape_cast %parallel_loop3A_624 : vector<16xf32> to vector<1x16xf32>
        tpu.vector_store %arg14[%parallel_loop3A_626, %parallel_loop3A_627], %parallel_loop3A_630 {add = true, strides = array<i32>} : memref<16x1024xf32, #tpu.memory_space<vmem>>, vector<1x16xf32>,
      } {sc.loop_unroll_factor = 8 : i64, sc.parallel_access}
      %slice3A_440 = vector.extract_strided_slice %get3A_348 {offsets = [13], sizes = [1], strides = [1]} : vector<16xi32> to vector<1xi32>
      %squeeze3A_441 = vector.extract %slice3A_440[0] : i32 from vector<1xi32>
      %add3A_442 = arith.constant 26 : i32
      %add3A_443 = arith.addi %add3A_442, %squeeze3A_441 : i32
      %parallel_loop3A_444 = arith.constant 0 : i32
      %parallel_loop3A_445 = arith.constant 64 : i32
      %parallel_loop3A_446 = arith.constant 1 : i32
      scf.for %parallel_loop3A_616 = %parallel_loop3A_444 to %parallel_loop3A_445 step %parallel_loop3A_446  : i32 {
        %parallel_loop3A_617 = arith.constant 16 : i32
        %parallel_loop3A_618 = arith.muli %parallel_loop3A_616, %parallel_loop3A_617 : i32
        %parallel_loop3A_619 = arith.constant 16 : i32
        %parallel_loop3A_620 = arith.muli %parallel_loop3A_616, %parallel_loop3A_619 : i32
        %parallel_loop3A_621 = arith.index_cast %add3A_443 : i32 to index
        %parallel_loop3A_622 = arith.index_cast %parallel_loop3A_620 : i32 to index
        %parallel_loop3A_623 = tpu.vector_load %arg11[%parallel_loop3A_621, %parallel_loop3A_622] {strides = array<i32>} : memref<32x1024xf32, #tpu.memory_space<vmem>>, vector<1x16xf32>,
        %parallel_loop3A_624 = vector.shape_cast %parallel_loop3A_623 : vector<1x16xf32> to vector<16xf32>
        %parallel_loop3A_625 = arith.constant 13 : i32
        %parallel_loop3A_626 = arith.index_cast %parallel_loop3A_625 : i32 to index
        %parallel_loop3A_627 = arith.index_cast %parallel_loop3A_618 : i32 to index
        %parallel_loop3A_628 = tpu.vector_load %arg14[%parallel_loop3A_626, %parallel_loop3A_627] {strides = array<i32>} : memref<16x1024xf32, #tpu.memory_space<vmem>>, vector<1x16xf32>,
        %parallel_loop3A_629 = vector.shape_cast %parallel_loop3A_628 : vector<1x16xf32> to vector<16xf32>
        %parallel_loop3A_630 = vector.shape_cast %parallel_loop3A_624 : vector<16xf32> to vector<1x16xf32>
        tpu.vector_store %arg14[%parallel_loop3A_626, %parallel_loop3A_627], %parallel_loop3A_630 {add = true, strides = array<i32>} : memref<16x1024xf32, #tpu.memory_space<vmem>>, vector<1x16xf32>,
      } {sc.loop_unroll_factor = 8 : i64, sc.parallel_access}
      %slice3A_447 = vector.extract_strided_slice %get3A_348 {offsets = [14], sizes = [1], strides = [1]} : vector<16xi32> to vector<1xi32>
      %squeeze3A_448 = vector.extract %slice3A_447[0] : i32 from vector<1xi32>
      %add3A_449 = arith.constant 28 : i32
      %add3A_450 = arith.addi %add3A_449, %squeeze3A_448 : i32
      %parallel_loop3A_451 = arith.constant 0 : i32
      %parallel_loop3A_452 = arith.constant 64 : i32
      %parallel_loop3A_453 = arith.constant 1 : i32
      scf.for %parallel_loop3A_616 = %parallel_loop3A_451 to %parallel_loop3A_452 step %parallel_loop3A_453  : i32 {
        %parallel_loop3A_617 = arith.constant 16 : i32
        %parallel_loop3A_618 = arith.muli %parallel_loop3A_616, %parallel_loop3A_617 : i32
        %parallel_loop3A_619 = arith.constant 16 : i32
        %parallel_loop3A_620 = arith.muli %parallel_loop3A_616, %parallel_loop3A_619 : i32
        %parallel_loop3A_621 = arith.index_cast %add3A_450 : i32 to index
        %parallel_loop3A_622 = arith.index_cast %parallel_loop3A_620 : i32 to index
        %parallel_loop3A_623 = tpu.vector_load %arg11[%parallel_loop3A_621, %parallel_loop3A_622] {strides = array<i32>} : memref<32x1024xf32, #tpu.memory_space<vmem>>, vector<1x16xf32>,
        %parallel_loop3A_624 = vector.shape_cast %parallel_loop3A_623 : vector<1x16xf32> to vector<16xf32>
        %parallel_loop3A_625 = arith.constant 14 : i32
        %parallel_loop3A_626 = arith.index_cast %parallel_loop3A_625 : i32 to index
        %parallel_loop3A_627 = arith.index_cast %parallel_loop3A_618 : i32 to index
        %parallel_loop3A_628 = tpu.vector_load %arg14[%parallel_loop3A_626, %parallel_loop3A_627] {strides = array<i32>} : memref<16x1024xf32, #tpu.memory_space<vmem>>, vector<1x16xf32>,
        %parallel_loop3A_629 = vector.shape_cast %parallel_loop3A_628 : vector<1x16xf32> to vector<16xf32>
        %parallel_loop3A_630 = vector.shape_cast %parallel_loop3A_624 : vector<16xf32> to vector<1x16xf32>
        tpu.vector_store %arg14[%parallel_loop3A_626, %parallel_loop3A_627], %parallel_loop3A_630 {add = true, strides = array<i32>} : memref<16x1024xf32, #tpu.memory_space<vmem>>, vector<1x16xf32>,
      } {sc.loop_unroll_factor = 8 : i64, sc.parallel_access}
      %slice3A_454 = vector.extract_strided_slice %get3A_348 {offsets = [15], sizes = [1], strides = [1]} : vector<16xi32> to vector<1xi32>
      %squeeze3A_455 = vector.extract %slice3A_454[0] : i32 from vector<1xi32>
      %add3A_456 = arith.constant 30 : i32
      %add3A_457 = arith.addi %add3A_456, %squeeze3A_455 : i32
      %parallel_loop3A_458 = arith.constant 0 : i32
      %parallel_loop3A_459 = arith.constant 64 : i32
      %parallel_loop3A_460 = arith.constant 1 : i32
      scf.for %parallel_loop3A_616 = %parallel_loop3A_458 to %parallel_loop3A_459 step %parallel_loop3A_460  : i32 {
        %parallel_loop3A_617 = arith.constant 16 : i32
        %parallel_loop3A_618 = arith.muli %parallel_loop3A_616, %parallel_loop3A_617 : i32
        %parallel_loop3A_619 = arith.constant 16 : i32
        %parallel_loop3A_620 = arith.muli %parallel_loop3A_616, %parallel_loop3A_619 : i32
        %parallel_loop3A_621 = arith.index_cast %add3A_457 : i32 to index
        %parallel_loop3A_622 = arith.index_cast %parallel_loop3A_620 : i32 to index
        %parallel_loop3A_623 = tpu.vector_load %arg11[%parallel_loop3A_621, %parallel_loop3A_622] {strides = array<i32>} : memref<32x1024xf32, #tpu.memory_space<vmem>>, vector<1x16xf32>,
        %parallel_loop3A_624 = vector.shape_cast %parallel_loop3A_623 : vector<1x16xf32> to vector<16xf32>
        %parallel_loop3A_625 = arith.constant 15 : i32
        %parallel_loop3A_626 = arith.index_cast %parallel_loop3A_625 : i32 to index
        %parallel_loop3A_627 = arith.index_cast %parallel_loop3A_618 : i32 to index
        %parallel_loop3A_628 = tpu.vector_load %arg14[%parallel_loop3A_626, %parallel_loop3A_627] {strides = array<i32>} : memref<16x1024xf32, #tpu.memory_space<vmem>>, vector<1x16xf32>,
        %parallel_loop3A_629 = vector.shape_cast %parallel_loop3A_628 : vector<1x16xf32> to vector<16xf32>
        %parallel_loop3A_630 = vector.shape_cast %parallel_loop3A_624 : vector<16xf32> to vector<1x16xf32>
        tpu.vector_store %arg14[%parallel_loop3A_626, %parallel_loop3A_627], %parallel_loop3A_630 {add = true, strides = array<i32>} : memref<16x1024xf32, #tpu.memory_space<vmem>>, vector<1x16xf32>,
      } {sc.loop_unroll_factor = 8 : i64, sc.parallel_access}
      %mul3A_461 = arith.constant 512 : i32
      %mul3A_462 = arith.muli %add3A_337, %mul3A_461 : i32
      %add3A_463 = arith.addi %mul3A_462, %mul3A_2 : i32
      %dma_start3A_464 = arith.constant 0 : i32
      %dma_start3A_465 = tpu.memref_slice %arg7[%add3A_463, %dma_start3A_464] : memref<16384x1024xf32, #tpu.memory_space<hbm>> -> memref<16x1024xf32, #tpu.memory_space<hbm>>
      %dma_start3A_466 = arith.constant 0 : i32
      %dma_start3A_467 = tpu.memref_slice %arg7[%add3A_463, %dma_start3A_466] : memref<16384x1024xf32, #tpu.memory_space<hbm>> -> memref<16x1024xf32, #tpu.memory_space<hbm>>
      tpu.enqueue_dma source(%arg14 : memref<16x1024xf32, #tpu.memory_space<vmem>>) target(%dma_start3A_467 : memref<16x1024xf32, #tpu.memory_space<hbm>>) target_semaphore(%arg23 : memref<!tpu.dma_semaphore, #tpu.memory_space<semaphore_mem>>)
      %add3A_468 = arith.constant 2 : i32
      %add3A_469 = arith.addi %add3A_337, %add3A_468 : i32
      %lt3A_470 = arith.constant 32 : i32
      %lt3A_471 = arith.cmpi slt, %add3A_469, %lt3A_470 : i32
      %convert_element_type3A_472 = arith.extui %lt3A_471 : i1 to i32
      %cond3A_473 = arith.constant 0 : i32
      %cond3A_474 = arith.cmpi ne, %convert_element_type3A_472, %cond3A_473 : i32
      scf.if %cond3A_474 {
        %sub3A = arith.constant 2 : i32
        %sub3A_616 = arith.subi %add3A_337, %sub3A : i32
        %ge3A = arith.constant 0 : i32
        %ge3A_617 = arith.cmpi sge, %sub3A_616, %ge3A : i32
        %convert_element_type3A_618 = arith.extui %ge3A_617 : i1 to i32
        %cond3A_619 = arith.constant 0 : i32
        %cond3A_620 = arith.cmpi ne, %convert_element_type3A_618, %cond3A_619 : i32
        scf.if %cond3A_620 {
          %dma_wait3A_629 = arith.constant 0 : i32
          %dma_wait3A_630 = arith.constant 0 : i32
          %dma_wait3A_631 = tpu.memref_slice %arg7[%dma_wait3A_629, %dma_wait3A_630] : memref<16384x1024xf32, #tpu.memory_space<hbm>> -> memref<16x1024xf32, #tpu.memory_space<hbm>>
          %dma_wait3A_632 = arith.constant 0 : i32
          %dma_wait3A_633 = arith.constant 0 : i32
          %dma_wait3A_634 = tpu.memref_slice %arg7[%dma_wait3A_632, %dma_wait3A_633] : memref<16384x1024xf32, #tpu.memory_space<hbm>> -> memref<16x1024xf32, #tpu.memory_space<hbm>>
          tpu.wait_dma2 semaphore(%arg21 : memref<!tpu.dma_semaphore, #tpu.memory_space<semaphore_mem>>) src(%arg12 : memref<16x1024xf32, #tpu.memory_space<vmem>>) dst(%dma_wait3A_634 : memref<16x1024xf32, #tpu.memory_space<hbm>>)
        } else {
        }
        %add3A_621 = arith.constant 2 : i32
        %add3A_622 = arith.addi %add3A_337, %add3A_621 : i32
        %mul3A_623 = arith.constant 16 : i32
        %mul3A_624 = arith.muli %add3A_622, %mul3A_623 : i32
        %dma_start3A_625 = tpu.memref_slice %arg8[%mul3A_624] : memref<512xi32, #tpu.memory_space<vmem>> -> memref<16xi32, #tpu.memory_space<vmem>>
        %dma_start3A_626 = arith.constant 0 : i32
        %dma_start3A_627 = arith.constant 0 : i32
        %dma_start3A_628 = tpu.memref_slice %arg4[%dma_start3A_626, %dma_start3A_627] : memref<30522x1024xf32, #tpu.memory_space<hbm>> -> memref<30522x1024xf32, #tpu.memory_space<hbm>>
        tpu.enqueue_indirect_dma source(%dma_start3A_628 : memref<30522x1024xf32, #tpu.memory_space<hbm>>) target(%arg12 : memref<16x1024xf32, #tpu.memory_space<vmem>>) offsets(%dma_start3A_625 : memref<16xi32, #tpu.memory_space<vmem>>) semaphore(%arg17 : memref<!tpu.dma_semaphore, #tpu.memory_space<semaphore_mem>>)
      } else {
      }
      %mul3A_475 = arith.constant 4 : i32
      %mul3A_476 = arith.muli %mul3A_475, %scan3A_58 : i32
      %add3A_477 = arith.constant 3 : i32
      %add3A_478 = arith.addi %mul3A_476, %add3A_477 : i32
      %dma_wait3A_479 = arith.constant 0 : i32
      %dma_wait3A_480 = arith.constant 0 : i32
      %dma_wait3A_481 = tpu.memref_slice %arg4[%dma_wait3A_479, %dma_wait3A_480] : memref<30522x1024xf32, #tpu.memory_space<hbm>> -> memref<16x1024xf32, #tpu.memory_space<hbm>>
      %dma_wait3A_482 = arith.constant 0 : i32
      %dma_wait3A_483 = arith.constant 0 : i32
      %dma_wait3A_484 = tpu.memref_slice %arg4[%dma_wait3A_482, %dma_wait3A_483] : memref<30522x1024xf32, #tpu.memory_space<hbm>> -> memref<16x1024xf32, #tpu.memory_space<hbm>>
      tpu.wait_dma2 semaphore(%arg20 : memref<!tpu.dma_semaphore, #tpu.memory_space<semaphore_mem>>) src(%dma_wait3A_484 : memref<16x1024xf32, #tpu.memory_space<hbm>>) dst(%arg15 : memref<16x1024xf32, #tpu.memory_space<vmem>>)
      %mul3A_485 = arith.constant 16 : i32
      %mul3A_486 = arith.muli %add3A_478, %mul3A_485 : i32
      %get3A_487 = arith.index_cast %mul3A_486 : i32 to index
      %get3A_488 = tpu.vector_load %arg9[%get3A_487] {strides = array<i32>} : memref<512xi32, #tpu.memory_space<vmem>>, vector<16xi32>,
      %get3A_489 = vector.shape_cast %get3A_488 : vector<16xi32> to vector<16xi32>
      %slice3A_490 = vector.extract_strided_slice %get3A_489 {offsets = [0], sizes = [1], strides = [1]} : vector<16xi32> to vector<1xi32>
      %squeeze3A_491 = vector.extract %slice3A_490[0] : i32 from vector<1xi32>
      %add3A_492 = arith.constant 0 : i32
      %add3A_493 = arith.addi %add3A_492, %squeeze3A_491 : i32
      %parallel_loop3A_494 = arith.constant 0 : i32
      %parallel_loop3A_495 = arith.constant 64 : i32
      %parallel_loop3A_496 = arith.constant 1 : i32
      scf.for %parallel_loop3A_616 = %parallel_loop3A_494 to %parallel_loop3A_495 step %parallel_loop3A_496  : i32 {
        %parallel_loop3A_617 = arith.constant 16 : i32
        %parallel_loop3A_618 = arith.muli %parallel_loop3A_616, %parallel_loop3A_617 : i32
        %parallel_loop3A_619 = arith.constant 16 : i32
        %parallel_loop3A_620 = arith.muli %parallel_loop3A_616, %parallel_loop3A_619 : i32
        %parallel_loop3A_621 = arith.index_cast %add3A_493 : i32 to index
        %parallel_loop3A_622 = arith.index_cast %parallel_loop3A_620 : i32 to index
        %parallel_loop3A_623 = tpu.vector_load %arg11[%parallel_loop3A_621, %parallel_loop3A_622] {strides = array<i32>} : memref<32x1024xf32, #tpu.memory_space<vmem>>, vector<1x16xf32>,
        %parallel_loop3A_624 = vector.shape_cast %parallel_loop3A_623 : vector<1x16xf32> to vector<16xf32>
        %parallel_loop3A_625 = arith.constant 0 : i32
        %parallel_loop3A_626 = arith.index_cast %parallel_loop3A_625 : i32 to index
        %parallel_loop3A_627 = arith.index_cast %parallel_loop3A_618 : i32 to index
        %parallel_loop3A_628 = tpu.vector_load %arg15[%parallel_loop3A_626, %parallel_loop3A_627] {strides = array<i32>} : memref<16x1024xf32, #tpu.memory_space<vmem>>, vector<1x16xf32>,
        %parallel_loop3A_629 = vector.shape_cast %parallel_loop3A_628 : vector<1x16xf32> to vector<16xf32>
        %parallel_loop3A_630 = vector.shape_cast %parallel_loop3A_624 : vector<16xf32> to vector<1x16xf32>
        tpu.vector_store %arg15[%parallel_loop3A_626, %parallel_loop3A_627], %parallel_loop3A_630 {add = true, strides = array<i32>} : memref<16x1024xf32, #tpu.memory_space<vmem>>, vector<1x16xf32>,
      } {sc.loop_unroll_factor = 8 : i64, sc.parallel_access}
      %slice3A_497 = vector.extract_strided_slice %get3A_489 {offsets = [1], sizes = [1], strides = [1]} : vector<16xi32> to vector<1xi32>
      %squeeze3A_498 = vector.extract %slice3A_497[0] : i32 from vector<1xi32>
      %add3A_499 = arith.constant 2 : i32
      %add3A_500 = arith.addi %add3A_499, %squeeze3A_498 : i32
      %parallel_loop3A_501 = arith.constant 0 : i32
      %parallel_loop3A_502 = arith.constant 64 : i32
      %parallel_loop3A_503 = arith.constant 1 : i32
      scf.for %parallel_loop3A_616 = %parallel_loop3A_501 to %parallel_loop3A_502 step %parallel_loop3A_503  : i32 {
        %parallel_loop3A_617 = arith.constant 16 : i32
        %parallel_loop3A_618 = arith.muli %parallel_loop3A_616, %parallel_loop3A_617 : i32
        %parallel_loop3A_619 = arith.constant 16 : i32
        %parallel_loop3A_620 = arith.muli %parallel_loop3A_616, %parallel_loop3A_619 : i32
        %parallel_loop3A_621 = arith.index_cast %add3A_500 : i32 to index
        %parallel_loop3A_622 = arith.index_cast %parallel_loop3A_620 : i32 to index
        %parallel_loop3A_623 = tpu.vector_load %arg11[%parallel_loop3A_621, %parallel_loop3A_622] {strides = array<i32>} : memref<32x1024xf32, #tpu.memory_space<vmem>>, vector<1x16xf32>,
        %parallel_loop3A_624 = vector.shape_cast %parallel_loop3A_623 : vector<1x16xf32> to vector<16xf32>
        %parallel_loop3A_625 = arith.constant 1 : i32
        %parallel_loop3A_626 = arith.index_cast %parallel_loop3A_625 : i32 to index
        %parallel_loop3A_627 = arith.index_cast %parallel_loop3A_618 : i32 to index
        %parallel_loop3A_628 = tpu.vector_load %arg15[%parallel_loop3A_626, %parallel_loop3A_627] {strides = array<i32>} : memref<16x1024xf32, #tpu.memory_space<vmem>>, vector<1x16xf32>,
        %parallel_loop3A_629 = vector.shape_cast %parallel_loop3A_628 : vector<1x16xf32> to vector<16xf32>
        %parallel_loop3A_630 = vector.shape_cast %parallel_loop3A_624 : vector<16xf32> to vector<1x16xf32>
        tpu.vector_store %arg15[%parallel_loop3A_626, %parallel_loop3A_627], %parallel_loop3A_630 {add = true, strides = array<i32>} : memref<16x1024xf32, #tpu.memory_space<vmem>>, vector<1x16xf32>,
      } {sc.loop_unroll_factor = 8 : i64, sc.parallel_access}
      %slice3A_504 = vector.extract_strided_slice %get3A_489 {offsets = [2], sizes = [1], strides = [1]} : vector<16xi32> to vector<1xi32>
      %squeeze3A_505 = vector.extract %slice3A_504[0] : i32 from vector<1xi32>
      %add3A_506 = arith.constant 4 : i32
      %add3A_507 = arith.addi %add3A_506, %squeeze3A_505 : i32
      %parallel_loop3A_508 = arith.constant 0 : i32
      %parallel_loop3A_509 = arith.constant 64 : i32
      %parallel_loop3A_510 = arith.constant 1 : i32
      scf.for %parallel_loop3A_616 = %parallel_loop3A_508 to %parallel_loop3A_509 step %parallel_loop3A_510  : i32 {
        %parallel_loop3A_617 = arith.constant 16 : i32
        %parallel_loop3A_618 = arith.muli %parallel_loop3A_616, %parallel_loop3A_617 : i32
        %parallel_loop3A_619 = arith.constant 16 : i32
        %parallel_loop3A_620 = arith.muli %parallel_loop3A_616, %parallel_loop3A_619 : i32
        %parallel_loop3A_621 = arith.index_cast %add3A_507 : i32 to index
        %parallel_loop3A_622 = arith.index_cast %parallel_loop3A_620 : i32 to index
        %parallel_loop3A_623 = tpu.vector_load %arg11[%parallel_loop3A_621, %parallel_loop3A_622] {strides = array<i32>} : memref<32x1024xf32, #tpu.memory_space<vmem>>, vector<1x16xf32>,
        %parallel_loop3A_624 = vector.shape_cast %parallel_loop3A_623 : vector<1x16xf32> to vector<16xf32>
        %parallel_loop3A_625 = arith.constant 2 : i32
        %parallel_loop3A_626 = arith.index_cast %parallel_loop3A_625 : i32 to index
        %parallel_loop3A_627 = arith.index_cast %parallel_loop3A_618 : i32 to index
        %parallel_loop3A_628 = tpu.vector_load %arg15[%parallel_loop3A_626, %parallel_loop3A_627] {strides = array<i32>} : memref<16x1024xf32, #tpu.memory_space<vmem>>, vector<1x16xf32>,
        %parallel_loop3A_629 = vector.shape_cast %parallel_loop3A_628 : vector<1x16xf32> to vector<16xf32>
        %parallel_loop3A_630 = vector.shape_cast %parallel_loop3A_624 : vector<16xf32> to vector<1x16xf32>
        tpu.vector_store %arg15[%parallel_loop3A_626, %parallel_loop3A_627], %parallel_loop3A_630 {add = true, strides = array<i32>} : memref<16x1024xf32, #tpu.memory_space<vmem>>, vector<1x16xf32>,
      } {sc.loop_unroll_factor = 8 : i64, sc.parallel_access}
      %slice3A_511 = vector.extract_strided_slice %get3A_489 {offsets = [3], sizes = [1], strides = [1]} : vector<16xi32> to vector<1xi32>
      %squeeze3A_512 = vector.extract %slice3A_511[0] : i32 from vector<1xi32>
      %add3A_513 = arith.constant 6 : i32
      %add3A_514 = arith.addi %add3A_513, %squeeze3A_512 : i32
      %parallel_loop3A_515 = arith.constant 0 : i32
      %parallel_loop3A_516 = arith.constant 64 : i32
      %parallel_loop3A_517 = arith.constant 1 : i32
      scf.for %parallel_loop3A_616 = %parallel_loop3A_515 to %parallel_loop3A_516 step %parallel_loop3A_517  : i32 {
        %parallel_loop3A_617 = arith.constant 16 : i32
        %parallel_loop3A_618 = arith.muli %parallel_loop3A_616, %parallel_loop3A_617 : i32
        %parallel_loop3A_619 = arith.constant 16 : i32
        %parallel_loop3A_620 = arith.muli %parallel_loop3A_616, %parallel_loop3A_619 : i32
        %parallel_loop3A_621 = arith.index_cast %add3A_514 : i32 to index
        %parallel_loop3A_622 = arith.index_cast %parallel_loop3A_620 : i32 to index
        %parallel_loop3A_623 = tpu.vector_load %arg11[%parallel_loop3A_621, %parallel_loop3A_622] {strides = array<i32>} : memref<32x1024xf32, #tpu.memory_space<vmem>>, vector<1x16xf32>,
        %parallel_loop3A_624 = vector.shape_cast %parallel_loop3A_623 : vector<1x16xf32> to vector<16xf32>
        %parallel_loop3A_625 = arith.constant 3 : i32
        %parallel_loop3A_626 = arith.index_cast %parallel_loop3A_625 : i32 to index
        %parallel_loop3A_627 = arith.index_cast %parallel_loop3A_618 : i32 to index
        %parallel_loop3A_628 = tpu.vector_load %arg15[%parallel_loop3A_626, %parallel_loop3A_627] {strides = array<i32>} : memref<16x1024xf32, #tpu.memory_space<vmem>>, vector<1x16xf32>,
        %parallel_loop3A_629 = vector.shape_cast %parallel_loop3A_628 : vector<1x16xf32> to vector<16xf32>
        %parallel_loop3A_630 = vector.shape_cast %parallel_loop3A_624 : vector<16xf32> to vector<1x16xf32>
        tpu.vector_store %arg15[%parallel_loop3A_626, %parallel_loop3A_627], %parallel_loop3A_630 {add = true, strides = array<i32>} : memref<16x1024xf32, #tpu.memory_space<vmem>>, vector<1x16xf32>,
      } {sc.loop_unroll_factor = 8 : i64, sc.parallel_access}
      %slice3A_518 = vector.extract_strided_slice %get3A_489 {offsets = [4], sizes = [1], strides = [1]} : vector<16xi32> to vector<1xi32>
      %squeeze3A_519 = vector.extract %slice3A_518[0] : i32 from vector<1xi32>
      %add3A_520 = arith.constant 8 : i32
      %add3A_521 = arith.addi %add3A_520, %squeeze3A_519 : i32
      %parallel_loop3A_522 = arith.constant 0 : i32
      %parallel_loop3A_523 = arith.constant 64 : i32
      %parallel_loop3A_524 = arith.constant 1 : i32
      scf.for %parallel_loop3A_616 = %parallel_loop3A_522 to %parallel_loop3A_523 step %parallel_loop3A_524  : i32 {
        %parallel_loop3A_617 = arith.constant 16 : i32
        %parallel_loop3A_618 = arith.muli %parallel_loop3A_616, %parallel_loop3A_617 : i32
        %parallel_loop3A_619 = arith.constant 16 : i32
        %parallel_loop3A_620 = arith.muli %parallel_loop3A_616, %parallel_loop3A_619 : i32
        %parallel_loop3A_621 = arith.index_cast %add3A_521 : i32 to index
        %parallel_loop3A_622 = arith.index_cast %parallel_loop3A_620 : i32 to index
        %parallel_loop3A_623 = tpu.vector_load %arg11[%parallel_loop3A_621, %parallel_loop3A_622] {strides = array<i32>} : memref<32x1024xf32, #tpu.memory_space<vmem>>, vector<1x16xf32>,
        %parallel_loop3A_624 = vector.shape_cast %parallel_loop3A_623 : vector<1x16xf32> to vector<16xf32>
        %parallel_loop3A_625 = arith.constant 4 : i32
        %parallel_loop3A_626 = arith.index_cast %parallel_loop3A_625 : i32 to index
        %parallel_loop3A_627 = arith.index_cast %parallel_loop3A_618 : i32 to index
        %parallel_loop3A_628 = tpu.vector_load %arg15[%parallel_loop3A_626, %parallel_loop3A_627] {strides = array<i32>} : memref<16x1024xf32, #tpu.memory_space<vmem>>, vector<1x16xf32>,
        %parallel_loop3A_629 = vector.shape_cast %parallel_loop3A_628 : vector<1x16xf32> to vector<16xf32>
        %parallel_loop3A_630 = vector.shape_cast %parallel_loop3A_624 : vector<16xf32> to vector<1x16xf32>
        tpu.vector_store %arg15[%parallel_loop3A_626, %parallel_loop3A_627], %parallel_loop3A_630 {add = true, strides = array<i32>} : memref<16x1024xf32, #tpu.memory_space<vmem>>, vector<1x16xf32>,
      } {sc.loop_unroll_factor = 8 : i64, sc.parallel_access}
      %slice3A_525 = vector.extract_strided_slice %get3A_489 {offsets = [5], sizes = [1], strides = [1]} : vector<16xi32> to vector<1xi32>
      %squeeze3A_526 = vector.extract %slice3A_525[0] : i32 from vector<1xi32>
      %add3A_527 = arith.constant 10 : i32
      %add3A_528 = arith.addi %add3A_527, %squeeze3A_526 : i32
      %parallel_loop3A_529 = arith.constant 0 : i32
      %parallel_loop3A_530 = arith.constant 64 : i32
      %parallel_loop3A_531 = arith.constant 1 : i32
      scf.for %parallel_loop3A_616 = %parallel_loop3A_529 to %parallel_loop3A_530 step %parallel_loop3A_531  : i32 {
        %parallel_loop3A_617 = arith.constant 16 : i32
        %parallel_loop3A_618 = arith.muli %parallel_loop3A_616, %parallel_loop3A_617 : i32
        %parallel_loop3A_619 = arith.constant 16 : i32
        %parallel_loop3A_620 = arith.muli %parallel_loop3A_616, %parallel_loop3A_619 : i32
        %parallel_loop3A_621 = arith.index_cast %add3A_528 : i32 to index
        %parallel_loop3A_622 = arith.index_cast %parallel_loop3A_620 : i32 to index
        %parallel_loop3A_623 = tpu.vector_load %arg11[%parallel_loop3A_621, %parallel_loop3A_622] {strides = array<i32>} : memref<32x1024xf32, #tpu.memory_space<vmem>>, vector<1x16xf32>,
        %parallel_loop3A_624 = vector.shape_cast %parallel_loop3A_623 : vector<1x16xf32> to vector<16xf32>
        %parallel_loop3A_625 = arith.constant 5 : i32
        %parallel_loop3A_626 = arith.index_cast %parallel_loop3A_625 : i32 to index
        %parallel_loop3A_627 = arith.index_cast %parallel_loop3A_618 : i32 to index
        %parallel_loop3A_628 = tpu.vector_load %arg15[%parallel_loop3A_626, %parallel_loop3A_627] {strides = array<i32>} : memref<16x1024xf32, #tpu.memory_space<vmem>>, vector<1x16xf32>,
        %parallel_loop3A_629 = vector.shape_cast %parallel_loop3A_628 : vector<1x16xf32> to vector<16xf32>
        %parallel_loop3A_630 = vector.shape_cast %parallel_loop3A_624 : vector<16xf32> to vector<1x16xf32>
        tpu.vector_store %arg15[%parallel_loop3A_626, %parallel_loop3A_627], %parallel_loop3A_630 {add = true, strides = array<i32>} : memref<16x1024xf32, #tpu.memory_space<vmem>>, vector<1x16xf32>,
      } {sc.loop_unroll_factor = 8 : i64, sc.parallel_access}
      %slice3A_532 = vector.extract_strided_slice %get3A_489 {offsets = [6], sizes = [1], strides = [1]} : vector<16xi32> to vector<1xi32>
      %squeeze3A_533 = vector.extract %slice3A_532[0] : i32 from vector<1xi32>
      %add3A_534 = arith.constant 12 : i32
      %add3A_535 = arith.addi %add3A_534, %squeeze3A_533 : i32
      %parallel_loop3A_536 = arith.constant 0 : i32
      %parallel_loop3A_537 = arith.constant 64 : i32
      %parallel_loop3A_538 = arith.constant 1 : i32
      scf.for %parallel_loop3A_616 = %parallel_loop3A_536 to %parallel_loop3A_537 step %parallel_loop3A_538  : i32 {
        %parallel_loop3A_617 = arith.constant 16 : i32
        %parallel_loop3A_618 = arith.muli %parallel_loop3A_616, %parallel_loop3A_617 : i32
        %parallel_loop3A_619 = arith.constant 16 : i32
        %parallel_loop3A_620 = arith.muli %parallel_loop3A_616, %parallel_loop3A_619 : i32
        %parallel_loop3A_621 = arith.index_cast %add3A_535 : i32 to index
        %parallel_loop3A_622 = arith.index_cast %parallel_loop3A_620 : i32 to index
        %parallel_loop3A_623 = tpu.vector_load %arg11[%parallel_loop3A_621, %parallel_loop3A_622] {strides = array<i32>} : memref<32x1024xf32, #tpu.memory_space<vmem>>, vector<1x16xf32>,
        %parallel_loop3A_624 = vector.shape_cast %parallel_loop3A_623 : vector<1x16xf32> to vector<16xf32>
        %parallel_loop3A_625 = arith.constant 6 : i32
        %parallel_loop3A_626 = arith.index_cast %parallel_loop3A_625 : i32 to index
        %parallel_loop3A_627 = arith.index_cast %parallel_loop3A_618 : i32 to index
        %parallel_loop3A_628 = tpu.vector_load %arg15[%parallel_loop3A_626, %parallel_loop3A_627] {strides = array<i32>} : memref<16x1024xf32, #tpu.memory_space<vmem>>, vector<1x16xf32>,
        %parallel_loop3A_629 = vector.shape_cast %parallel_loop3A_628 : vector<1x16xf32> to vector<16xf32>
        %parallel_loop3A_630 = vector.shape_cast %parallel_loop3A_624 : vector<16xf32> to vector<1x16xf32>
        tpu.vector_store %arg15[%parallel_loop3A_626, %parallel_loop3A_627], %parallel_loop3A_630 {add = true, strides = array<i32>} : memref<16x1024xf32, #tpu.memory_space<vmem>>, vector<1x16xf32>,
      } {sc.loop_unroll_factor = 8 : i64, sc.parallel_access}
      %slice3A_539 = vector.extract_strided_slice %get3A_489 {offsets = [7], sizes = [1], strides = [1]} : vector<16xi32> to vector<1xi32>
      %squeeze3A_540 = vector.extract %slice3A_539[0] : i32 from vector<1xi32>
      %add3A_541 = arith.constant 14 : i32
      %add3A_542 = arith.addi %add3A_541, %squeeze3A_540 : i32
      %parallel_loop3A_543 = arith.constant 0 : i32
      %parallel_loop3A_544 = arith.constant 64 : i32
      %parallel_loop3A_545 = arith.constant 1 : i32
      scf.for %parallel_loop3A_616 = %parallel_loop3A_543 to %parallel_loop3A_544 step %parallel_loop3A_545  : i32 {
        %parallel_loop3A_617 = arith.constant 16 : i32
        %parallel_loop3A_618 = arith.muli %parallel_loop3A_616, %parallel_loop3A_617 : i32
        %parallel_loop3A_619 = arith.constant 16 : i32
        %parallel_loop3A_620 = arith.muli %parallel_loop3A_616, %parallel_loop3A_619 : i32
        %parallel_loop3A_621 = arith.index_cast %add3A_542 : i32 to index
        %parallel_loop3A_622 = arith.index_cast %parallel_loop3A_620 : i32 to index
        %parallel_loop3A_623 = tpu.vector_load %arg11[%parallel_loop3A_621, %parallel_loop3A_622] {strides = array<i32>} : memref<32x1024xf32, #tpu.memory_space<vmem>>, vector<1x16xf32>,
        %parallel_loop3A_624 = vector.shape_cast %parallel_loop3A_623 : vector<1x16xf32> to vector<16xf32>
        %parallel_loop3A_625 = arith.constant 7 : i32
        %parallel_loop3A_626 = arith.index_cast %parallel_loop3A_625 : i32 to index
        %parallel_loop3A_627 = arith.index_cast %parallel_loop3A_618 : i32 to index
        %parallel_loop3A_628 = tpu.vector_load %arg15[%parallel_loop3A_626, %parallel_loop3A_627] {strides = array<i32>} : memref<16x1024xf32, #tpu.memory_space<vmem>>, vector<1x16xf32>,
        %parallel_loop3A_629 = vector.shape_cast %parallel_loop3A_628 : vector<1x16xf32> to vector<16xf32>
        %parallel_loop3A_630 = vector.shape_cast %parallel_loop3A_624 : vector<16xf32> to vector<1x16xf32>
        tpu.vector_store %arg15[%parallel_loop3A_626, %parallel_loop3A_627], %parallel_loop3A_630 {add = true, strides = array<i32>} : memref<16x1024xf32, #tpu.memory_space<vmem>>, vector<1x16xf32>,
      } {sc.loop_unroll_factor = 8 : i64, sc.parallel_access}
      %slice3A_546 = vector.extract_strided_slice %get3A_489 {offsets = [8], sizes = [1], strides = [1]} : vector<16xi32> to vector<1xi32>
      %squeeze3A_547 = vector.extract %slice3A_546[0] : i32 from vector<1xi32>
      %add3A_548 = arith.constant 16 : i32
      %add3A_549 = arith.addi %add3A_548, %squeeze3A_547 : i32
      %parallel_loop3A_550 = arith.constant 0 : i32
      %parallel_loop3A_551 = arith.constant 64 : i32
      %parallel_loop3A_552 = arith.constant 1 : i32
      scf.for %parallel_loop3A_616 = %parallel_loop3A_550 to %parallel_loop3A_551 step %parallel_loop3A_552  : i32 {
        %parallel_loop3A_617 = arith.constant 16 : i32
        %parallel_loop3A_618 = arith.muli %parallel_loop3A_616, %parallel_loop3A_617 : i32
        %parallel_loop3A_619 = arith.constant 16 : i32
        %parallel_loop3A_620 = arith.muli %parallel_loop3A_616, %parallel_loop3A_619 : i32
        %parallel_loop3A_621 = arith.index_cast %add3A_549 : i32 to index
        %parallel_loop3A_622 = arith.index_cast %parallel_loop3A_620 : i32 to index
        %parallel_loop3A_623 = tpu.vector_load %arg11[%parallel_loop3A_621, %parallel_loop3A_622] {strides = array<i32>} : memref<32x1024xf32, #tpu.memory_space<vmem>>, vector<1x16xf32>,
        %parallel_loop3A_624 = vector.shape_cast %parallel_loop3A_623 : vector<1x16xf32> to vector<16xf32>
        %parallel_loop3A_625 = arith.constant 8 : i32
        %parallel_loop3A_626 = arith.index_cast %parallel_loop3A_625 : i32 to index
        %parallel_loop3A_627 = arith.index_cast %parallel_loop3A_618 : i32 to index
        %parallel_loop3A_628 = tpu.vector_load %arg15[%parallel_loop3A_626, %parallel_loop3A_627] {strides = array<i32>} : memref<16x1024xf32, #tpu.memory_space<vmem>>, vector<1x16xf32>,
        %parallel_loop3A_629 = vector.shape_cast %parallel_loop3A_628 : vector<1x16xf32> to vector<16xf32>
        %parallel_loop3A_630 = vector.shape_cast %parallel_loop3A_624 : vector<16xf32> to vector<1x16xf32>
        tpu.vector_store %arg15[%parallel_loop3A_626, %parallel_loop3A_627], %parallel_loop3A_630 {add = true, strides = array<i32>} : memref<16x1024xf32, #tpu.memory_space<vmem>>, vector<1x16xf32>,
      } {sc.loop_unroll_factor = 8 : i64, sc.parallel_access}
      %slice3A_553 = vector.extract_strided_slice %get3A_489 {offsets = [9], sizes = [1], strides = [1]} : vector<16xi32> to vector<1xi32>
      %squeeze3A_554 = vector.extract %slice3A_553[0] : i32 from vector<1xi32>
      %add3A_555 = arith.constant 18 : i32
      %add3A_556 = arith.addi %add3A_555, %squeeze3A_554 : i32
      %parallel_loop3A_557 = arith.constant 0 : i32
      %parallel_loop3A_558 = arith.constant 64 : i32
      %parallel_loop3A_559 = arith.constant 1 : i32
      scf.for %parallel_loop3A_616 = %parallel_loop3A_557 to %parallel_loop3A_558 step %parallel_loop3A_559  : i32 {
        %parallel_loop3A_617 = arith.constant 16 : i32
        %parallel_loop3A_618 = arith.muli %parallel_loop3A_616, %parallel_loop3A_617 : i32
        %parallel_loop3A_619 = arith.constant 16 : i32
        %parallel_loop3A_620 = arith.muli %parallel_loop3A_616, %parallel_loop3A_619 : i32
        %parallel_loop3A_621 = arith.index_cast %add3A_556 : i32 to index
        %parallel_loop3A_622 = arith.index_cast %parallel_loop3A_620 : i32 to index
        %parallel_loop3A_623 = tpu.vector_load %arg11[%parallel_loop3A_621, %parallel_loop3A_622] {strides = array<i32>} : memref<32x1024xf32, #tpu.memory_space<vmem>>, vector<1x16xf32>,
        %parallel_loop3A_624 = vector.shape_cast %parallel_loop3A_623 : vector<1x16xf32> to vector<16xf32>
        %parallel_loop3A_625 = arith.constant 9 : i32
        %parallel_loop3A_626 = arith.index_cast %parallel_loop3A_625 : i32 to index
        %parallel_loop3A_627 = arith.index_cast %parallel_loop3A_618 : i32 to index
        %parallel_loop3A_628 = tpu.vector_load %arg15[%parallel_loop3A_626, %parallel_loop3A_627] {strides = array<i32>} : memref<16x1024xf32, #tpu.memory_space<vmem>>, vector<1x16xf32>,
        %parallel_loop3A_629 = vector.shape_cast %parallel_loop3A_628 : vector<1x16xf32> to vector<16xf32>
        %parallel_loop3A_630 = vector.shape_cast %parallel_loop3A_624 : vector<16xf32> to vector<1x16xf32>
        tpu.vector_store %arg15[%parallel_loop3A_626, %parallel_loop3A_627], %parallel_loop3A_630 {add = true, strides = array<i32>} : memref<16x1024xf32, #tpu.memory_space<vmem>>, vector<1x16xf32>,
      } {sc.loop_unroll_factor = 8 : i64, sc.parallel_access}
      %slice3A_560 = vector.extract_strided_slice %get3A_489 {offsets = [10], sizes = [1], strides = [1]} : vector<16xi32> to vector<1xi32>
      %squeeze3A_561 = vector.extract %slice3A_560[0] : i32 from vector<1xi32>
      %add3A_562 = arith.constant 20 : i32
      %add3A_563 = arith.addi %add3A_562, %squeeze3A_561 : i32
      %parallel_loop3A_564 = arith.constant 0 : i32
      %parallel_loop3A_565 = arith.constant 64 : i32
      %parallel_loop3A_566 = arith.constant 1 : i32
      scf.for %parallel_loop3A_616 = %parallel_loop3A_564 to %parallel_loop3A_565 step %parallel_loop3A_566  : i32 {
        %parallel_loop3A_617 = arith.constant 16 : i32
        %parallel_loop3A_618 = arith.muli %parallel_loop3A_616, %parallel_loop3A_617 : i32
        %parallel_loop3A_619 = arith.constant 16 : i32
        %parallel_loop3A_620 = arith.muli %parallel_loop3A_616, %parallel_loop3A_619 : i32
        %parallel_loop3A_621 = arith.index_cast %add3A_563 : i32 to index
        %parallel_loop3A_622 = arith.index_cast %parallel_loop3A_620 : i32 to index
        %parallel_loop3A_623 = tpu.vector_load %arg11[%parallel_loop3A_621, %parallel_loop3A_622] {strides = array<i32>} : memref<32x1024xf32, #tpu.memory_space<vmem>>, vector<1x16xf32>,
        %parallel_loop3A_624 = vector.shape_cast %parallel_loop3A_623 : vector<1x16xf32> to vector<16xf32>
        %parallel_loop3A_625 = arith.constant 10 : i32
        %parallel_loop3A_626 = arith.index_cast %parallel_loop3A_625 : i32 to index
        %parallel_loop3A_627 = arith.index_cast %parallel_loop3A_618 : i32 to index
        %parallel_loop3A_628 = tpu.vector_load %arg15[%parallel_loop3A_626, %parallel_loop3A_627] {strides = array<i32>} : memref<16x1024xf32, #tpu.memory_space<vmem>>, vector<1x16xf32>,
        %parallel_loop3A_629 = vector.shape_cast %parallel_loop3A_628 : vector<1x16xf32> to vector<16xf32>
        %parallel_loop3A_630 = vector.shape_cast %parallel_loop3A_624 : vector<16xf32> to vector<1x16xf32>
        tpu.vector_store %arg15[%parallel_loop3A_626, %parallel_loop3A_627], %parallel_loop3A_630 {add = true, strides = array<i32>} : memref<16x1024xf32, #tpu.memory_space<vmem>>, vector<1x16xf32>,
      } {sc.loop_unroll_factor = 8 : i64, sc.parallel_access}
      %slice3A_567 = vector.extract_strided_slice %get3A_489 {offsets = [11], sizes = [1], strides = [1]} : vector<16xi32> to vector<1xi32>
      %squeeze3A_568 = vector.extract %slice3A_567[0] : i32 from vector<1xi32>
      %add3A_569 = arith.constant 22 : i32
      %add3A_570 = arith.addi %add3A_569, %squeeze3A_568 : i32
      %parallel_loop3A_571 = arith.constant 0 : i32
      %parallel_loop3A_572 = arith.constant 64 : i32
      %parallel_loop3A_573 = arith.constant 1 : i32
      scf.for %parallel_loop3A_616 = %parallel_loop3A_571 to %parallel_loop3A_572 step %parallel_loop3A_573  : i32 {
        %parallel_loop3A_617 = arith.constant 16 : i32
        %parallel_loop3A_618 = arith.muli %parallel_loop3A_616, %parallel_loop3A_617 : i32
        %parallel_loop3A_619 = arith.constant 16 : i32
        %parallel_loop3A_620 = arith.muli %parallel_loop3A_616, %parallel_loop3A_619 : i32
        %parallel_loop3A_621 = arith.index_cast %add3A_570 : i32 to index
        %parallel_loop3A_622 = arith.index_cast %parallel_loop3A_620 : i32 to index
        %parallel_loop3A_623 = tpu.vector_load %arg11[%parallel_loop3A_621, %parallel_loop3A_622] {strides = array<i32>} : memref<32x1024xf32, #tpu.memory_space<vmem>>, vector<1x16xf32>,
        %parallel_loop3A_624 = vector.shape_cast %parallel_loop3A_623 : vector<1x16xf32> to vector<16xf32>
        %parallel_loop3A_625 = arith.constant 11 : i32
        %parallel_loop3A_626 = arith.index_cast %parallel_loop3A_625 : i32 to index
        %parallel_loop3A_627 = arith.index_cast %parallel_loop3A_618 : i32 to index
        %parallel_loop3A_628 = tpu.vector_load %arg15[%parallel_loop3A_626, %parallel_loop3A_627] {strides = array<i32>} : memref<16x1024xf32, #tpu.memory_space<vmem>>, vector<1x16xf32>,
        %parallel_loop3A_629 = vector.shape_cast %parallel_loop3A_628 : vector<1x16xf32> to vector<16xf32>
        %parallel_loop3A_630 = vector.shape_cast %parallel_loop3A_624 : vector<16xf32> to vector<1x16xf32>
        tpu.vector_store %arg15[%parallel_loop3A_626, %parallel_loop3A_627], %parallel_loop3A_630 {add = true, strides = array<i32>} : memref<16x1024xf32, #tpu.memory_space<vmem>>, vector<1x16xf32>,
      } {sc.loop_unroll_factor = 8 : i64, sc.parallel_access}
      %slice3A_574 = vector.extract_strided_slice %get3A_489 {offsets = [12], sizes = [1], strides = [1]} : vector<16xi32> to vector<1xi32>
      %squeeze3A_575 = vector.extract %slice3A_574[0] : i32 from vector<1xi32>
      %add3A_576 = arith.constant 24 : i32
      %add3A_577 = arith.addi %add3A_576, %squeeze3A_575 : i32
      %parallel_loop3A_578 = arith.constant 0 : i32
      %parallel_loop3A_579 = arith.constant 64 : i32
      %parallel_loop3A_580 = arith.constant 1 : i32
      scf.for %parallel_loop3A_616 = %parallel_loop3A_578 to %parallel_loop3A_579 step %parallel_loop3A_580  : i32 {
        %parallel_loop3A_617 = arith.constant 16 : i32
        %parallel_loop3A_618 = arith.muli %parallel_loop3A_616, %parallel_loop3A_617 : i32
        %parallel_loop3A_619 = arith.constant 16 : i32
        %parallel_loop3A_620 = arith.muli %parallel_loop3A_616, %parallel_loop3A_619 : i32
        %parallel_loop3A_621 = arith.index_cast %add3A_577 : i32 to index
        %parallel_loop3A_622 = arith.index_cast %parallel_loop3A_620 : i32 to index
        %parallel_loop3A_623 = tpu.vector_load %arg11[%parallel_loop3A_621, %parallel_loop3A_622] {strides = array<i32>} : memref<32x1024xf32, #tpu.memory_space<vmem>>, vector<1x16xf32>,
        %parallel_loop3A_624 = vector.shape_cast %parallel_loop3A_623 : vector<1x16xf32> to vector<16xf32>
        %parallel_loop3A_625 = arith.constant 12 : i32
        %parallel_loop3A_626 = arith.index_cast %parallel_loop3A_625 : i32 to index
        %parallel_loop3A_627 = arith.index_cast %parallel_loop3A_618 : i32 to index
        %parallel_loop3A_628 = tpu.vector_load %arg15[%parallel_loop3A_626, %parallel_loop3A_627] {strides = array<i32>} : memref<16x1024xf32, #tpu.memory_space<vmem>>, vector<1x16xf32>,
        %parallel_loop3A_629 = vector.shape_cast %parallel_loop3A_628 : vector<1x16xf32> to vector<16xf32>
        %parallel_loop3A_630 = vector.shape_cast %parallel_loop3A_624 : vector<16xf32> to vector<1x16xf32>
        tpu.vector_store %arg15[%parallel_loop3A_626, %parallel_loop3A_627], %parallel_loop3A_630 {add = true, strides = array<i32>} : memref<16x1024xf32, #tpu.memory_space<vmem>>, vector<1x16xf32>,
      } {sc.loop_unroll_factor = 8 : i64, sc.parallel_access}
      %slice3A_581 = vector.extract_strided_slice %get3A_489 {offsets = [13], sizes = [1], strides = [1]} : vector<16xi32> to vector<1xi32>
      %squeeze3A_582 = vector.extract %slice3A_581[0] : i32 from vector<1xi32>
      %add3A_583 = arith.constant 26 : i32
      %add3A_584 = arith.addi %add3A_583, %squeeze3A_582 : i32
      %parallel_loop3A_585 = arith.constant 0 : i32
      %parallel_loop3A_586 = arith.constant 64 : i32
      %parallel_loop3A_587 = arith.constant 1 : i32
      scf.for %parallel_loop3A_616 = %parallel_loop3A_585 to %parallel_loop3A_586 step %parallel_loop3A_587  : i32 {
        %parallel_loop3A_617 = arith.constant 16 : i32
        %parallel_loop3A_618 = arith.muli %parallel_loop3A_616, %parallel_loop3A_617 : i32
        %parallel_loop3A_619 = arith.constant 16 : i32
        %parallel_loop3A_620 = arith.muli %parallel_loop3A_616, %parallel_loop3A_619 : i32
        %parallel_loop3A_621 = arith.index_cast %add3A_584 : i32 to index
        %parallel_loop3A_622 = arith.index_cast %parallel_loop3A_620 : i32 to index
        %parallel_loop3A_623 = tpu.vector_load %arg11[%parallel_loop3A_621, %parallel_loop3A_622] {strides = array<i32>} : memref<32x1024xf32, #tpu.memory_space<vmem>>, vector<1x16xf32>,
        %parallel_loop3A_624 = vector.shape_cast %parallel_loop3A_623 : vector<1x16xf32> to vector<16xf32>
        %parallel_loop3A_625 = arith.constant 13 : i32
        %parallel_loop3A_626 = arith.index_cast %parallel_loop3A_625 : i32 to index
        %parallel_loop3A_627 = arith.index_cast %parallel_loop3A_618 : i32 to index
        %parallel_loop3A_628 = tpu.vector_load %arg15[%parallel_loop3A_626, %parallel_loop3A_627] {strides = array<i32>} : memref<16x1024xf32, #tpu.memory_space<vmem>>, vector<1x16xf32>,
        %parallel_loop3A_629 = vector.shape_cast %parallel_loop3A_628 : vector<1x16xf32> to vector<16xf32>
        %parallel_loop3A_630 = vector.shape_cast %parallel_loop3A_624 : vector<16xf32> to vector<1x16xf32>
        tpu.vector_store %arg15[%parallel_loop3A_626, %parallel_loop3A_627], %parallel_loop3A_630 {add = true, strides = array<i32>} : memref<16x1024xf32, #tpu.memory_space<vmem>>, vector<1x16xf32>,
      } {sc.loop_unroll_factor = 8 : i64, sc.parallel_access}
      %slice3A_588 = vector.extract_strided_slice %get3A_489 {offsets = [14], sizes = [1], strides = [1]} : vector<16xi32> to vector<1xi32>
      %squeeze3A_589 = vector.extract %slice3A_588[0] : i32 from vector<1xi32>
      %add3A_590 = arith.constant 28 : i32
      %add3A_591 = arith.addi %add3A_590, %squeeze3A_589 : i32
      %parallel_loop3A_592 = arith.constant 0 : i32
      %parallel_loop3A_593 = arith.constant 64 : i32
      %parallel_loop3A_594 = arith.constant 1 : i32
      scf.for %parallel_loop3A_616 = %parallel_loop3A_592 to %parallel_loop3A_593 step %parallel_loop3A_594  : i32 {
        %parallel_loop3A_617 = arith.constant 16 : i32
        %parallel_loop3A_618 = arith.muli %parallel_loop3A_616, %parallel_loop3A_617 : i32
        %parallel_loop3A_619 = arith.constant 16 : i32
        %parallel_loop3A_620 = arith.muli %parallel_loop3A_616, %parallel_loop3A_619 : i32
        %parallel_loop3A_621 = arith.index_cast %add3A_591 : i32 to index
        %parallel_loop3A_622 = arith.index_cast %parallel_loop3A_620 : i32 to index
        %parallel_loop3A_623 = tpu.vector_load %arg11[%parallel_loop3A_621, %parallel_loop3A_622] {strides = array<i32>} : memref<32x1024xf32, #tpu.memory_space<vmem>>, vector<1x16xf32>,
        %parallel_loop3A_624 = vector.shape_cast %parallel_loop3A_623 : vector<1x16xf32> to vector<16xf32>
        %parallel_loop3A_625 = arith.constant 14 : i32
        %parallel_loop3A_626 = arith.index_cast %parallel_loop3A_625 : i32 to index
        %parallel_loop3A_627 = arith.index_cast %parallel_loop3A_618 : i32 to index
        %parallel_loop3A_628 = tpu.vector_load %arg15[%parallel_loop3A_626, %parallel_loop3A_627] {strides = array<i32>} : memref<16x1024xf32, #tpu.memory_space<vmem>>, vector<1x16xf32>,
        %parallel_loop3A_629 = vector.shape_cast %parallel_loop3A_628 : vector<1x16xf32> to vector<16xf32>
        %parallel_loop3A_630 = vector.shape_cast %parallel_loop3A_624 : vector<16xf32> to vector<1x16xf32>
        tpu.vector_store %arg15[%parallel_loop3A_626, %parallel_loop3A_627], %parallel_loop3A_630 {add = true, strides = array<i32>} : memref<16x1024xf32, #tpu.memory_space<vmem>>, vector<1x16xf32>,
      } {sc.loop_unroll_factor = 8 : i64, sc.parallel_access}
      %slice3A_595 = vector.extract_strided_slice %get3A_489 {offsets = [15], sizes = [1], strides = [1]} : vector<16xi32> to vector<1xi32>
      %squeeze3A_596 = vector.extract %slice3A_595[0] : i32 from vector<1xi32>
      %add3A_597 = arith.constant 30 : i32
      %add3A_598 = arith.addi %add3A_597, %squeeze3A_596 : i32
      %parallel_loop3A_599 = arith.constant 0 : i32
      %parallel_loop3A_600 = arith.constant 64 : i32
      %parallel_loop3A_601 = arith.constant 1 : i32
      scf.for %parallel_loop3A_616 = %parallel_loop3A_599 to %parallel_loop3A_600 step %parallel_loop3A_601  : i32 {
        %parallel_loop3A_617 = arith.constant 16 : i32
        %parallel_loop3A_618 = arith.muli %parallel_loop3A_616, %parallel_loop3A_617 : i32
        %parallel_loop3A_619 = arith.constant 16 : i32
        %parallel_loop3A_620 = arith.muli %parallel_loop3A_616, %parallel_loop3A_619 : i32
        %parallel_loop3A_621 = arith.index_cast %add3A_598 : i32 to index
        %parallel_loop3A_622 = arith.index_cast %parallel_loop3A_620 : i32 to index
        %parallel_loop3A_623 = tpu.vector_load %arg11[%parallel_loop3A_621, %parallel_loop3A_622] {strides = array<i32>} : memref<32x1024xf32, #tpu.memory_space<vmem>>, vector<1x16xf32>,
        %parallel_loop3A_624 = vector.shape_cast %parallel_loop3A_623 : vector<1x16xf32> to vector<16xf32>
        %parallel_loop3A_625 = arith.constant 15 : i32
        %parallel_loop3A_626 = arith.index_cast %parallel_loop3A_625 : i32 to index
        %parallel_loop3A_627 = arith.index_cast %parallel_loop3A_618 : i32 to index
        %parallel_loop3A_628 = tpu.vector_load %arg15[%parallel_loop3A_626, %parallel_loop3A_627] {strides = array<i32>} : memref<16x1024xf32, #tpu.memory_space<vmem>>, vector<1x16xf32>,
        %parallel_loop3A_629 = vector.shape_cast %parallel_loop3A_628 : vector<1x16xf32> to vector<16xf32>
        %parallel_loop3A_630 = vector.shape_cast %parallel_loop3A_624 : vector<16xf32> to vector<1x16xf32>
        tpu.vector_store %arg15[%parallel_loop3A_626, %parallel_loop3A_627], %parallel_loop3A_630 {add = true, strides = array<i32>} : memref<16x1024xf32, #tpu.memory_space<vmem>>, vector<1x16xf32>,
      } {sc.loop_unroll_factor = 8 : i64, sc.parallel_access}
      %mul3A_602 = arith.constant 512 : i32
      %mul3A_603 = arith.muli %add3A_478, %mul3A_602 : i32
      %add3A_604 = arith.addi %mul3A_603, %mul3A_2 : i32
      %dma_start3A_605 = arith.constant 0 : i32
      %dma_start3A_606 = tpu.memref_slice %arg7[%add3A_604, %dma_start3A_605] : memref<16384x1024xf32, #tpu.memory_space<hbm>> -> memref<16x1024xf32, #tpu.memory_space<hbm>>
      %dma_start3A_607 = arith.constant 0 : i32
      %dma_start3A_608 = tpu.memref_slice %arg7[%add3A_604, %dma_start3A_607] : memref<16384x1024xf32, #tpu.memory_space<hbm>> -> memref<16x1024xf32, #tpu.memory_space<hbm>>
      tpu.enqueue_dma source(%arg15 : memref<16x1024xf32, #tpu.memory_space<vmem>>) target(%dma_start3A_608 : memref<16x1024xf32, #tpu.memory_space<hbm>>) target_semaphore(%arg24 : memref<!tpu.dma_semaphore, #tpu.memory_space<semaphore_mem>>)
      %add3A_609 = arith.constant 2 : i32
      %add3A_610 = arith.addi %add3A_478, %add3A_609 : i32
      %lt3A_611 = arith.constant 32 : i32
      %lt3A_612 = arith.cmpi slt, %add3A_610, %lt3A_611 : i32
      %convert_element_type3A_613 = arith.extui %lt3A_612 : i1 to i32
      %cond3A_614 = arith.constant 0 : i32
      %cond3A_615 = arith.cmpi ne, %convert_element_type3A_613, %cond3A_614 : i32
      scf.if %cond3A_615 {
        %sub3A = arith.constant 2 : i32
        %sub3A_616 = arith.subi %add3A_478, %sub3A : i32
        %ge3A = arith.constant 0 : i32
        %ge3A_617 = arith.cmpi sge, %sub3A_616, %ge3A : i32
        %convert_element_type3A_618 = arith.extui %ge3A_617 : i1 to i32
        %cond3A_619 = arith.constant 0 : i32
        %cond3A_620 = arith.cmpi ne, %convert_element_type3A_618, %cond3A_619 : i32
        scf.if %cond3A_620 {
          %dma_wait3A_629 = arith.constant 0 : i32
          %dma_wait3A_630 = arith.constant 0 : i32
          %dma_wait3A_631 = tpu.memref_slice %arg7[%dma_wait3A_629, %dma_wait3A_630] : memref<16384x1024xf32, #tpu.memory_space<hbm>> -> memref<16x1024xf32, #tpu.memory_space<hbm>>
          %dma_wait3A_632 = arith.constant 0 : i32
          %dma_wait3A_633 = arith.constant 0 : i32
          %dma_wait3A_634 = tpu.memref_slice %arg7[%dma_wait3A_632, %dma_wait3A_633] : memref<16384x1024xf32, #tpu.memory_space<hbm>> -> memref<16x1024xf32, #tpu.memory_space<hbm>>
          tpu.wait_dma2 semaphore(%arg22 : memref<!tpu.dma_semaphore, #tpu.memory_space<semaphore_mem>>) src(%arg13 : memref<16x1024xf32, #tpu.memory_space<vmem>>) dst(%dma_wait3A_634 : memref<16x1024xf32, #tpu.memory_space<hbm>>)
        } else {
        }
        %add3A_621 = arith.constant 2 : i32
        %add3A_622 = arith.addi %add3A_478, %add3A_621 : i32
        %mul3A_623 = arith.constant 16 : i32
        %mul3A_624 = arith.muli %add3A_622, %mul3A_623 : i32
        %dma_start3A_625 = tpu.memref_slice %arg8[%mul3A_624] : memref<512xi32, #tpu.memory_space<vmem>> -> memref<16xi32, #tpu.memory_space<vmem>>
        %dma_start3A_626 = arith.constant 0 : i32
        %dma_start3A_627 = arith.constant 0 : i32
        %dma_start3A_628 = tpu.memref_slice %arg4[%dma_start3A_626, %dma_start3A_627] : memref<30522x1024xf32, #tpu.memory_space<hbm>> -> memref<30522x1024xf32, #tpu.memory_space<hbm>>
        tpu.enqueue_indirect_dma source(%dma_start3A_628 : memref<30522x1024xf32, #tpu.memory_space<hbm>>) target(%arg13 : memref<16x1024xf32, #tpu.memory_space<vmem>>) offsets(%dma_start3A_625 : memref<16xi32, #tpu.memory_space<vmem>>) semaphore(%arg18 : memref<!tpu.dma_semaphore, #tpu.memory_space<semaphore_mem>>)
      } else {
      }
    }
    %scan3A_34 = arith.constant 8 : i32
    %dma_wait3A = arith.constant 0 : i32
    %dma_wait3A_35 = arith.constant 0 : i32
    %dma_wait3A_36 = tpu.memref_slice %arg7[%dma_wait3A, %dma_wait3A_35] : memref<16384x1024xf32, #tpu.memory_space<hbm>> -> memref<16x1024xf32, #tpu.memory_space<hbm>>
    %dma_wait3A_37 = arith.constant 0 : i32
    %dma_wait3A_38 = arith.constant 0 : i32
    %dma_wait3A_39 = tpu.memref_slice %arg7[%dma_wait3A_37, %dma_wait3A_38] : memref<16384x1024xf32, #tpu.memory_space<hbm>> -> memref<16x1024xf32, #tpu.memory_space<hbm>>
    tpu.wait_dma2 semaphore(%arg21 : memref<!tpu.dma_semaphore, #tpu.memory_space<semaphore_mem>>) src(%arg12 : memref<16x1024xf32, #tpu.memory_space<vmem>>) dst(%dma_wait3A_39 : memref<16x1024xf32, #tpu.memory_space<hbm>>)
    %dma_wait3A_40 = arith.constant 0 : i32
    %dma_wait3A_41 = arith.constant 0 : i32
    %dma_wait3A_42 = tpu.memref_slice %arg7[%dma_wait3A_40, %dma_wait3A_41] : memref<16384x1024xf32, #tpu.memory_space<hbm>> -> memref<16x1024xf32, #tpu.memory_space<hbm>>
    %dma_wait3A_43 = arith.constant 0 : i32
    %dma_wait3A_44 = arith.constant 0 : i32
    %dma_wait3A_45 = tpu.memref_slice %arg7[%dma_wait3A_43, %dma_wait3A_44] : memref<16384x1024xf32, #tpu.memory_space<hbm>> -> memref<16x1024xf32, #tpu.memory_space<hbm>>
    tpu.wait_dma2 semaphore(%arg22 : memref<!tpu.dma_semaphore, #tpu.memory_space<semaphore_mem>>) src(%arg13 : memref<16x1024xf32, #tpu.memory_space<vmem>>) dst(%dma_wait3A_45 : memref<16x1024xf32, #tpu.memory_space<hbm>>)
    %dma_wait3A_46 = arith.constant 0 : i32
    %dma_wait3A_47 = arith.constant 0 : i32
    %dma_wait3A_48 = tpu.memref_slice %arg7[%dma_wait3A_46, %dma_wait3A_47] : memref<16384x1024xf32, #tpu.memory_space<hbm>> -> memref<16x1024xf32, #tpu.memory_space<hbm>>
    %dma_wait3A_49 = arith.constant 0 : i32
    %dma_wait3A_50 = arith.constant 0 : i32
    %dma_wait3A_51 = tpu.memref_slice %arg7[%dma_wait3A_49, %dma_wait3A_50] : memref<16384x1024xf32, #tpu.memory_space<hbm>> -> memref<16x1024xf32, #tpu.memory_space<hbm>>
    tpu.wait_dma2 semaphore(%arg23 : memref<!tpu.dma_semaphore, #tpu.memory_space<semaphore_mem>>) src(%arg14 : memref<16x1024xf32, #tpu.memory_space<vmem>>) dst(%dma_wait3A_51 : memref<16x1024xf32, #tpu.memory_space<hbm>>)
    %dma_wait3A_52 = arith.constant 0 : i32
    %dma_wait3A_53 = arith.constant 0 : i32
    %dma_wait3A_54 = tpu.memref_slice %arg7[%dma_wait3A_52, %dma_wait3A_53] : memref<16384x1024xf32, #tpu.memory_space<hbm>> -> memref<16x1024xf32, #tpu.memory_space<hbm>>
    %dma_wait3A_55 = arith.constant 0 : i32
    %dma_wait3A_56 = arith.constant 0 : i32
    %dma_wait3A_57 = tpu.memref_slice %arg7[%dma_wait3A_55, %dma_wait3A_56] : memref<16384x1024xf32, #tpu.memory_space<hbm>> -> memref<16x1024xf32, #tpu.memory_space<hbm>>
    tpu.wait_dma2 semaphore(%arg24 : memref<!tpu.dma_semaphore, #tpu.memory_space<semaphore_mem>>) src(%arg15 : memref<16x1024xf32, #tpu.memory_space<vmem>>) dst(%dma_wait3A_57 : memref<16x1024xf32, #tpu.memory_space<hbm>>)
    return
  }
}

</mosaic_0001>

<sc_bundles>
// kernel: _lookup.3.cloned.1.call-start
scs
__scs_entry_jumppad:
0x0: {  	(pc) =	sbr.rel $0x88, $3  }
0x1: {  	(tag) =	ssettag $0x0;
	lr =	simm.s32 $0x1  }
0x2: {  	[smem:$0x3F9C] =	sst lr;
	_ =	strace $0xD0000000  }
0x3: {  	_ = 	snop  }
0x4: {  	_ = 	snop  }
0x5: {  	_ = 	snop  }
0x6: {  	_ = 	snop  }
0x7: {  	_ = 	snop  }
__scs_overlays_trampoline_lowered:
0x8: {  	[smem:$0x3FAB] =	sst s0  }
0x9: {  	[smem:$0x3FAC] =	sst s1  }
0xa: {  	[smem:$0x3FAD] =	sst s2  }
0xb: {  	[smem:$0x3FAE] =	sst s3  }
0xc: {  	[smem:$0x3FAF] =	sst s4  }
0xd: {  	[smem:$0x3FB0] =	sst s5  }
0xe: {  	[smem:$0x3FB1] =	sst s6  }
0xf: {  	[smem:$0x3FB2] =	sst s7  }
0x10: {  	[smem:$0x3FB3] =	sst s8  }
0x11: {  	[smem:$0x3FB4] =	sst s9;
	s0 =	simm.s32 @!p0 $0x0  }
0x12: {  	s1 =	sld [smem:$0x3F9A];
	s0 =	simm.s32 @p0 $0x1  }
0x13: {  	[smem:$0x3FB5] =	sst s0;
	s0 =	simm.s32 @!p1 $0x0  }
0x14: {  	s2 =	sld [smem:$0x3F99];
	s0 =	simm.s32 @p1 $0x1  }
0x15: {  	[smem:$0x3FB6] =	sst s0;
	s0 =	simm.s32 @!p2 $0x0  }
0x16: {  	s3 =	sld [smem:$0x3FDB];
	s0 =	simm.s32 @p2 $0x1  }
0x17: {  	s4 =	simm.s32 $0x1BF5;
	[smem:$0x3FB8] =	sst s0  }
0x18: {  	s0 =	sld [smem:$0x3F9B];
	_ =	swait.ge [sflag:s4], $0x0  }
0x19: {  	s7 =	sld [smem:$0x3F9C]  }
0x1a: {  	s8 =	sadd.s32 $0xFFFFE003, lr  }
0x1b: {  	s9 =	sadd.s32 $0xFFFFFEF7, lr;
	s5 =	simm.s32 $0xFFFFFFFF;
	p2 =	slt.u32 s8, $0xFFFFF086  }
0x1c: {  	p1 =	slt.u32 s9, $0xF7A;
	s5 =	simm.s32 @!p2 $0x0  }
0x1d: {  	s5 =	simm.s32 @p1 $0x1;
	p0 =	seq.s32 s7, s2  }
0x1e: {  	s7 =	smul.u32 @!p0 $0xF7A, s2;
	p2 =	seq.s32 @!p0 s5, $0x0  }
0x1f: {  	s9 =	smul.u32 $0xF7A, s1;
	s8 =	simm.s32 @!p0 $0x1BF5;
	p2 =	por !p2, p0  }
0x20: {  	[sflag:s8] =	ssyncset.s32 @!p0 $0xFFFFF086;
	s6 =	sadd.s32 @!p0 s3, s7;
	s7 =	simm.s32 @!p0 $0x108  }
0x21: {  	s3 =	sadd.s32 s3, s9;
	s6 =	sadd.s32 @!p0 $0x88, s6;
	s7 =	simm.s32 @p2 $0x1082  }
0x22: {  	[simem:s7], [sflag:s8] =	dma.local @!p0 [hbm:s6], $0xF7A  }
0x23: {  	s9 =	sor.u32 $0xD0000000, s2;
	s6 =	simm.s32 $0x108;
	_ =	swait.ge @!p0 [sflag:s8], $0x0  }
0x24: {  	s3 =	sadd.s32 $0x88, s3;
	s6 =	simm.s32 @!p1 $0x1082;
	[sflag:s4] =	ssyncset.s32 $0xFFFFF086  }
0x25: {  	[simem:s6], [sflag:s4] =	dma.local [hbm:s3], $0xF7A  }
0x26: {  	[smem:$0x3F9C] =	sst s1;
	(tag) =	ssettag s2;
	_ =	strace s9  }
0x27: {  	s1 =	sld [smem:$0x3FAC]  }
0x28: {  	s2 =	sld [smem:$0x3FAD]  }
0x29: {  	s4 =	sld [smem:$0x3FAF]  }
0x2a: {  	p0 =	seq.s32 s5, $0x0;
	s5 =	sld [smem:$0x3FB0]  }
0x2b: {  	s6 =	sld [smem:$0x3FB1]  }
0x2c: {  	s7 =	sld [smem:$0x3FB2]  }
0x2d: {  	s3 =	simm.s32 $0x108;
	s8 =	sld [smem:$0x3FB3]  }
0x2e: {  	s3 =	simm.s32 @!p0 $0x1082;
	s9 =	sld [smem:$0x3FB4]  }
0x2f: {  	lr =	sadd.s32 s0, s3;
	s0 =	sld [smem:$0x3FAB]  }
0x30: {  	s3 =	sld [smem:$0x3FAE]  }
0x31: {  	[smem:$0x3FB7] =	sst s10  }
0x32: {  	s10 =	sld [smem:$0x3FB5];
	_ =	sdelay $0x3  }
0x33: {  	p0 =	seq.s32 s10, $0x1;
	s10 =	sld [smem:$0x3FB7];
	_ =	sdelay $0x3  }
0x34: {  	[smem:$0x3FB7] =	sst s10  }
0x35: {  	s10 =	sld [smem:$0x3FB6];
	_ =	sdelay $0x3  }
0x36: {  	p1 =	seq.s32 s10, $0x1;
	s10 =	sld [smem:$0x3FB7];
	_ =	sdelay $0x3  }
0x37: {  	[smem:$0x3FB7] =	sst s10  }
0x38: {  	s10 =	sld [smem:$0x3FB8]  }
0x39: {  	_ = 	snop;
	(pc) =	sbr.ind lr, $3  }
0x3a: {  	_ = 	snop  }
0x3b: {  	_ = 	snop  }
0x3c: {  	p2 =	seq.s32 s10, $0x1;
	s10 =	sld [smem:$0x3FB7]  }
0x3d: {  	_ =	shalt  }
0x3e: {  	_ =	shalt  }
0x3f: {  	_ =	shalt  }
0x40: {  	_ =	shalt  }
0x41: {  	_ =	shalt  }
0x42: {  	_ =	shalt  }
0x43: {  	_ =	shalt  }
0x44: {  	_ =	shalt  }
0x45: {  	_ =	shalt  }
0x46: {  	_ =	shalt  }
0x47: {  	_ =	shalt  }
0x48: {  	_ =	shalt  }
0x49: {  	_ =	shalt  }
0x4a: {  	_ =	shalt  }
0x4b: {  	_ =	shalt  }
0x4c: {  	_ =	shalt  }
0x4d: {  	_ =	shalt  }
0x4e: {  	_ =	shalt  }
0x4f: {  	_ =	shalt  }
0x50: {  	_ =	shalt  }
0x51: {  	_ =	shalt  }
0x52: {  	_ =	shalt  }
0x53: {  	_ =	shalt  }
0x54: {  	_ =	shalt  }
0x55: {  	_ =	shalt  }
0x56: {  	_ =	shalt  }
0x57: {  	_ =	shalt  }
0x58: {  	_ =	shalt  }
0x59: {  	_ =	shalt  }
0x5a: {  	_ =	shalt  }
0x5b: {  	_ =	shalt  }
0x5c: {  	_ =	shalt  }
0x5d: {  	_ =	shalt  }
0x5e: {  	_ =	shalt  }
0x5f: {  	_ =	shalt  }
0x60: {  	_ =	shalt  }
0x61: {  	_ =	shalt  }
0x62: {  	_ =	shalt  }
0x63: {  	_ =	shalt  }
0x64: {  	_ =	shalt  }
0x65: {  	_ =	shalt  }
0x66: {  	_ =	shalt  }
0x67: {  	_ =	shalt  }
0x68: {  	_ =	shalt  }
0x69: {  	_ =	shalt  }
0x6a: {  	_ =	shalt  }
0x6b: {  	_ =	shalt  }
0x6c: {  	_ =	shalt  }
0x6d: {  	_ =	shalt  }
0x6e: {  	_ =	shalt  }
0x6f: {  	_ =	shalt  }
0x70: {  	_ =	shalt  }
0x71: {  	_ =	shalt  }
0x72: {  	_ =	shalt  }
0x73: {  	_ =	shalt  }
0x74: {  	_ =	shalt  }
0x75: {  	_ =	shalt  }
0x76: {  	_ =	shalt  }
0x77: {  	_ =	shalt  }
0x78: {  	_ =	shalt  }
0x79: {  	_ =	shalt  }
0x7a: {  	_ =	shalt  }
0x7b: {  	_ =	shalt  }
0x7c: {  	_ =	shalt  }
0x7d: {  	_ =	shalt  }
0x7e: {  	_ =	shalt  }
0x7f: {  	_ =	shalt  }
0x80: {  	_ =	shalt  }
0x81: {  	_ =	shalt  }
0x82: {  	_ =	shalt  }
0x83: {  	_ =	shalt  }
0x84: {  	_ =	shalt  }
0x85: {  	_ =	shalt  }
0x86: {  	_ =	shalt  }
0x87: {  	_ =	shalt  }
.Lfunc_end0:
.L_simem_size_0:
called_computation_lowered:
.L_overlay_start_0:
0x88: {  	s2 =	sld [smem:$0x3FD9]  }
0x89: {  	s3 =	sld [smem:$0x3FFE];
	_ =	sdelay $0x1  }
0x8a: {  	s1 =	srdreg.scid  }
0x8b: {  	s0 =	sand.u32 $0x1, s1  }
0x8c: {  	s18 =	sshll.u32 s0, $0xA;
	s2 =	sadd.s32 s3, s2  }
0x8d: {  	s2 =	sadd.s32 s2, s18  }
0x8e: {  	[smem:$0x3FC3] =	sst s2  }
0x8f: {  	_ = 	snop  }
0x90: {  	s2 =	sld [smem:$0x3FC9]  }
0x91: {  	s19 =	sld [smem:$0x3FC8]  }
0x92: {  	s4 =	sld [smem:$0x3FC7]  }
0x93: {  	s5 =	sld [smem:$0x3FC6]  }
0x94: {  	s6 =	sld [smem:$0x3FC5]  }
0x95: {  	s7 =	sld [smem:$0x3FD0];
	(tm) =	ssettm $0x1  }
0x96: {  	s8 =	sld [smem:$0x3FFB];
	_ =	sdelay $0x3  }
0x97: {  	_ =	strace s8  }
0x98: {  	s8 =	sld [smem:$0x3FFC];
	_ =	sdelay $0x3  }
0x99: {  	_ =	strace s8  }
0x9a: {  	s8 =	sld [smem:$0x3FFD];
	_ =	sdelay $0x3  }
0x9b: {  	_ =	strace s8  }
0x9c: {  	_ =	strace $0x8FFFFFFF  }
0x9d: {  	s20 =	sld [smem:$0x3FDB];
	_ =	sdelay $0x1  }
0x9e: {  	s9 =	simm.s32 $_scs_section_size  }
0x9f: {  	s10 =	simm.s32 $_size__tile_overlayer_lowered;
	s11 =	simm.s32 $_tile_overlayer_lowered  }
0xa0: {  	s23 =	simm.s32 $0x1BFF;
	s22 =	sshll.u32 s11, $0x1;
	s8 =	sadd.s32 s9, s20  }
0xa1: {  	s12 =	simm.s32 $0x0;
	s21 =	sshll.u32 s10, $0x1;
	s10 =	sadd.s32 s22, s8  }
0xa2: {  	[timem:s12], [sflag:s23] =	dma.local [hbm:s10], s21  }
0xa3: {  	_ =	swait.ge [sflag:s23], s21  }
0xa4: {  	s9 =	ssub.s32 $0x0, s21;
	[sflag:s23] =	ssyncset.done $0x0  }
0xa5: {  	[sflag:s23] =	ssyncadd.s32 s9;
	_ =	sdelay $0x1  }
0xa6: {  	s24 =	simm.s32 $0x1B8B  }
0xa7: {  	_ =	swait.ge [sflag:s24], $0x1  }
0xa8: {  	[sflag:s24] =	ssyncset.done $0x0  }
0xa9: {  	s25 =	simm.s32 $0x1B8E;
	[sflag:s24] =	ssyncadd.s32 $0xFFFFFFFF  }
0xaa: {  	s26 =	simm.s32 $execute0_lowered;
	[smem:$0x3FD2] =	sst s25  }
0xab: {  	s9 =	sshll.u32 s26, $0x1;
	_ =	strace $0x80000046;
	[dreg:$0x1] =	wrdreg $0xFFFFFFFF  }
0xac: {  	s28 =	simm.s32 $_size_execute0_lowered;
	s8 =	sadd.s32 s8, s9;
	[dreg:$0x0] =	wrdreg $0x0  }
0xad: {  	s9 =	sshll.u32 s28, $0x1;
	[dreg:$0x2] =	wrdreg s8  }
0xae: {  	[dreg:$0x3] =	wrdreg s9  }
0xaf: {  	[dreg:$0x4] =	wrdreg $0xC0  }
0xb0: {  	_ =	task [dreg:s12], $0x5FFFF  }
0xb1: {  	[dreg:$0x1] =	wrdreg $0xFFFFFFFF  }
0xb2: {  	[dreg:$0x0] =	wrdreg $0x60  }
0xb3: {  	[dreg:$0x2] =	wrdreg s2  }
0xb4: {  	[dreg:$0x3] =	wrdreg s19  }
0xb5: {  	[dreg:$0x4] =	wrdreg s4  }
0xb6: {  	[dreg:$0x5] =	wrdreg s5  }
0xb7: {  	[dreg:$0x6] =	wrdreg s6  }
0xb8: {  	[dreg:$0x7] =	wrdreg s7  }
0xb9: {  	[dreg:$0x8] =	wrdreg $0x9  }
0xba: {  	_ =	task.clear_ibuf [dreg:s12], $0x9FFFF;
	_ =	strace $0x90000046  }
0xbb: {  	s29 =	simm.s32 $0x9;
	_ =	strace $0x80000048  }
0xbc: {  	_ =	swait.ge [sflag:s29], $0x1  }
0xbd: {  	[sflag:s29] =	ssyncadd.s32 $0xFFFFFFFF  }
0xbe: {  	_ =	strace $0x90000048  }
0xbf: {  	_ =	sfence  }
0xc0: {  	s30 =	sld [smem:$0x0];
	_ =	sdelay $0x2  }
0xc1: {  	s31 =	sshll.u32 s1, $0xD;
	s1 =	sshrl.u32 s1, $0x2  }
0xc2: {  	s3 =	sand.u32 $0x4000, s31;
	s1 =	sadd.s32 s1, s30  }
0xc3: {  	s0 =	sor.u32 s3, s0;
	s1 =	sshll.u32 s1, $0x11  }
0xc4: {  	s0 =	sor.u32 s1, s0  }
0xc5: {  	s0 =	sadd.s32 $0x8F2B, s0  }
0xc6: {  	[sflag:s0] =	ssyncadd.remote.s32 $0x1  }
0xc7: {  	_ =	sfence.sel $0xFFFF  }
0xc8: {  	[dreg:$0x0] =	wrdreg $0xFFFFFFFF;
	(pc) =	sbr.abs _section_cstart, $3  }
0xc9: {  	[dreg:$0x1] =	wrdreg $0xFFFFFFFF  }
0xca: {  	_ =	task.clear_ibuf [dreg:s12], $0x2FFFF;
	_ =	strace $0x9FFFFFFF  }
0xcb: {  	(tm) =	ssettm $0x7FFFFFFF  }
tec
execute0_lowered:
.L_overlay_start_1:
0x0: {  	(tag) =	ssettag $0x1  }
0x1: {  	s0 =	rddreg [dreg:$0x0]  }
0x2: {  	s2 =	rddreg [dreg:$0x1]  }
0x3: {  	s1 =	rddreg [dreg:$0x2]  }
0x4: {  	s3 =	rddreg [dreg:$0x3]  }
0x5: {  	s5 =	rddreg [dreg:$0x5]  }
0x6: {  	s4 =	srdreg.scid;
	s7 =	stileid.u32;
	s13 =	simm.s32 $0x8C00  }
0x7: {  	s16 =	simm.s32 $0x1;
	s23 =	simm.s32 $0x3;
	s28 =	simm.s32 $0x17400  }
0x8: {  	s29 =	simm.s32 $0x17C00;
	s30 =	simm.s32 $0x18400;
	s31 =	simm.s32 $0x4  }
0x9: {  	s15 =	simm.s32 $0x7;
	s17 =	simm.s32 $0x0;
	s6 =	sand.u32 $0x1, s4  }
0xa: {  	s4 =	simm.s32 $0x0;
	s7 =	sshll.u32 s7, $0x5;
	s8 =	sshll.u32 s6, $0x4  }
0xb: {  	[smem:$0x7FF] =	sst s4;
	s6 =	ssub.s32 $0x2, s6;
	s9 =	sor.u32 s8, s7  }
0xc: {  	_ =	strace $0x80000047;
	s24 =	sshrl.u32 s6, $0x1;
	s7 =	sadd.s32 $0x200, s1  }
0xd: {  	s8 =	sadd.s32 $0x300, s1;
	s10 =	sshll.u32 s9, $0x7;
	s11 =	ssub.s32 s6, s24  }
.Ltmp0:
0xe: {  	s6 =	sadd.s32 $0x100, s1;
	s25 =	sshrl.u32 s9, $0x3;
	(pc) =	sbr.rel .LBB2_1-.Ltmp0, $4  }
0xf: {  	s24 =	simm.s32 $0xCC00;
	s3 =	sadd.s32 s3, s10;
	s9 =	sadd.s32 s5, s10  }
0x10: {  	v2 =	vlaneseq.u32;
	s26 =	smax.u32 s11, $0x1;
	s11 =	sadd.s32 s25, s2;
	s12 =	sadd.s32 s25, s0  }
0x11: {  	vm0 =	vmmov $0xffff;
	v1 =	vshrl.u32 v2, $0x3;
	s2 =	simm.s32 $0x2;
	s5 =	simm.s32 $0x14C00;
	[dreg:$0x7] =	wrdreg s3  }
0x12: {  	v0 =	vand.u32 $0x7, v2;
	v2 =	vor.u32 $0x8, v2;
	v1 =	vmul.u32 $0x8, v1;
	s0 =	simm.s32 $0x5;
	[dreg:$0x8] =	wrdreg s26;
	s3 =	simm.s32 $0x10C00  }
.LBB2_140:
0x13: {  	s10 =	simm.s32 $0x6  }
0x14: {  	_ =	swait.ge [sflag:s10], $0x4000  }
0x15: {  	[sflag:s10] =	ssyncset.done $0x0  }
0x16: {  	[sflag:s10] =	ssyncadd.s32 $0xFFFFC000  }
0x17: {  	_ =	swait.ge [sflag:s15], $0x4000  }
0x18: {  	[sflag:s15] =	ssyncset.done $0x0  }
0x19: {  	s25 =	simm.s32 $0x8;
	[sflag:s15] =	ssyncadd.s32 $0xFFFFC000  }
0x1a: {  	_ =	swait.ge [sflag:s25], $0x4000  }
0x1b: {  	[sflag:s25] =	ssyncset.done $0x0  }
0x1c: {  	s14 =	simm.s32 $0x9;
	[sflag:s25] =	ssyncadd.s32 $0xFFFFC000  }
0x1d: {  	_ =	swait.ge [sflag:s14], $0x4000  }
0x1e: {  	s17 =	rddreg [dreg:$0x9]  }
0x1f: {  	s26 =	rddreg [dreg:$0x8];
	s17 =	sadd.s32 $0x1, s17  }
0x20: {  	p0 =	sne.s32 s17, s26  }
.Ltmp1:
0x21: {  	_ = 	snop;
	(pc) =	sbr.rel @!p0 .LBB2_141-.Ltmp1, $3  }
0x22: {  	_ =	sdelay $0x1  }
0x23: {  	[sflag:s14] =	ssyncset.done $0x0  }
0x24: {  	[sflag:s14] =	ssyncadd.s32 $0xFFFFC000  }
.LBB2_1:
0x25: {  	[dreg:$0x9] =	wrdreg s17;
	s10 =	simm.s32 $0x0;
	s14 =	sadd.s32 $0x0, s12  }
0x26: {  	[tilespmem:s10], [sflag:$0x1] =	stream.linear.gather [hbm4b:s14+s4], $0x10, $0x38;
	[tilespmem:$0x18C00] =	vst v63  }
0x27: {  	s17 =	sadd.s32 $0x0, s11;
	s10 =	simm.s32 $0x40;
	s14 =	simm.s32 $0x200  }
.LBB2_2:
0x28: {  	[tilespmem:s14], [sflag:$0x1] =	stream.linear.gather [hbm4b:s17+s4], $0x10, $0x38;
	[tilespmem:$0x18C00] =	vst v63  }
0x29: {  	s17 =	smov.u32 s10;
	p0 =	sne.s32 s10, $0x7C0  }
.Ltmp2:
0x2a: {  	s10 =	sadd.s32 $0x40, s10;
	(pc) =	sbr.rel @p0 .LBB2_2-.Ltmp2, $4  }
0x2b: {  	_ = 	snop  }
0x2c: {  	s14 =	sshra.s32 s17, $0x2;
	s18 =	sadd.s32 s17, s12  }
0x2d: {  	[tilespmem:s14], [sflag:$0x1] =	stream.linear.gather [hbm4b:s18+s4], $0x10, $0x38;
	[tilespmem:$0x18C00] =	vst v63  }
0x2e: {  	s17 =	sadd.s32 s17, s11;
	s14 =	sadd.s32 $0x200, s14  }
0x2f: {  	[tilespmem:s14], [sflag:$0x1] =	stream.linear.gather [hbm4b:s17+s4], $0x10, $0x38;
	[tilespmem:$0x18C00] =	vst v63  }
0x30: {  	s10 =	simm.s32 $0x0;
	s22 =	rddreg [dreg:$0x7];
	s25 =	simm.s32 $0xA  }
0x31: {  	[tilespmem:s13], [sflag:$0xA] =	stream.linear.gather [hbm4b:s22+s10], $0x4000, $0x38;
	[tilespmem:$0x18C00] =	vst v63  }
0x32: {  	_ =	swait.ge [sflag:s25], $0x4000  }
0x33: {  	[sflag:s25] =	ssyncset.done $0x0  }
0x34: {  	[sflag:s25] =	ssyncadd.s32 $0xFFFFC000  }
0x35: {  	s18 =	simm.s32 $0x400;
	s26 =	rddreg [dreg:$0x4]  }
0x36: {  	[tilespmem:s18], [sflag:$0xA] =	stream.linear.gather [hbm4b:s26+s10], $0x800, $0x38;
	[tilespmem:$0x18C00] =	vst v63  }
0x37: {  	_ =	swait.ge [sflag:s25], $0x800  }
0x38: {  	p0 =	por $0x0, $0x0;
	[sflag:s25] =	ssyncset.done $0x0  }
0x39: {  	s17 =	simm.s32 $0x0;
	s18 =	simm.s32 $0x0;
	[sflag:s25] =	ssyncadd.s32 $0xFFFFF800  }
.LBB2_4:
0x3a: {  	s14 =	sshll.u32 s18, $0xB;
	s19 =	sshll.u32 s18, $0x8  }
0x3b: {  	s14 =	sand.u32 $0xFFFF8000, s14;
	s19 =	sand.u32 $0xE00, s19  }
0x3c: {  	s14 =	sor.u32 s19, s14  }
0x3d: {  	s14 =	sshrl.u32 s14, $0x2  }
0x3e: {  	s21 =	sadd.s32 $0x8C40, s14  }
0x3f: {  	v4 =	vld [tilespmem:s21+$0x30]  }
0x40: {  	s19 =	simm.s32 $0x1;
	v6 =	vld [tilespmem:s21+$0xFFFFFFD0]  }
0x41: {  	s19 =	simm.s32 @!p0 $0x0;
	v8 =	vld [tilespmem:s21+$0xFFFFFFE0]  }
0x42: {  	s25 =	sshll.u32 s19, $0x7;
	v10 =	vld [tilespmem:s21+$0xFFFFFFF0]  }
0x43: {  	s19 =	sor.u32 $0x440, s25;
	v12 =	vld [tilespmem:s21+$0x0]  }
0x44: {  	v5 =	vld [tilespmem:s19+$0x30]  }
0x45: {  	v7 =	vld [tilespmem:s19+$0xFFFFFFD0]  }
0x46: {  	s26 =	sshll.u32 s17, $0x2;
	s20 =	sand.u32 $0x7, s10;
	v9 =	vld [tilespmem:s19+$0xFFFFFFE0]  }
0x47: {  	s20 =	sshll.u32 s20, $0x9;
	s14 =	sand.u32 $0xFFFF8000, s26;
	v11 =	vld [tilespmem:s19+$0xFFFFFFF0]  }
0x48: {  	s14 =	sor.u32 s20, s14;
	v3 =	vld [tilespmem:s19+$0xFFFFFFC0]  }
0x49: {  	s14 =	sshrl.u32 s14, $0x2;
	v13 =	vld [tilespmem:s19+$0x0];
	v5 =	vadd.f32 v5, v4  }
0x4a: {  	s20 =	sor.u32 $0xC40, s14;
	v7 =	vadd.f32 v7, v6;
	v4 =	vld [tilespmem:s21+$0x10]  }
0x4b: {  	v8 =	vadd.f32 v9, v8;
	v6 =	vld [tilespmem:s19+$0x10];
	[tilespmem:s20+$0x30] =	vst v5  }
0x4c: {  	v9 =	vadd.f32 v11, v10;
	[tilespmem:s20+$0xFFFFFFD0] =	vst v7;
	v5 =	vld [tilespmem:s21+$0x20]  }
0x4d: {  	[tilespmem:s20+$0xFFFFFFE0] =	vst v8;
	v8 =	vld [tilespmem:s19+$0x20]  }
0x4e: {  	s14 =	simm.s32 $0x0;
	v7 =	vld [tilespmem:s21+$0xFFFFFFC0];
	[tilespmem:s20+$0xFFFFFFF0] =	vst v9;
	v9 =	vadd.f32 v13, v12;
	s21 =	sadd.s32 $0x400, s21  }
.LBB2_5:
0x4f: {  	v10 =	vld [tilespmem:s21+$0x30];
	s19 =	sadd.s32 $0x100, s19  }
0x50: {  	s14 =	sadd.s32 $0x8, s14;
	v11 =	vld [tilespmem:s19+$0x30];
	[tilespmem:s20+$0x0] =	vst v9;
	v4 =	vadd.f32 v6, v4  }
0x51: {  	p1 =	slt.u32 s14, $0x38;
	v6 =	vld [tilespmem:s19+$0xFFFFFFC0]  }
0x52: {  	v9 =	vld [tilespmem:s21+$0xFFFFFFD0];
	[tilespmem:s20+$0x10] =	vst v4;
	v4 =	vadd.f32 v8, v5  }
0x53: {  	v5 =	vld [tilespmem:s19+$0xFFFFFFD0];
	v12 =	vadd.f32 v3, v7  }
0x54: {  	v7 =	vld [tilespmem:s21+$0xFFFFFFE0];
	[tilespmem:s20+$0x20] =	vst v4  }
0x55: {  	v4 =	vld [tilespmem:s19+$0xFFFFFFE0];
	v8 =	vadd.f32 v11, v10;
	[tilespmem:s20+$0xFFFFFFC0] =	vst v12  }
0x56: {  	s20 =	sadd.s32 $0x400, s20;
	v10 =	vld [tilespmem:s21+$0xFFFFFFF0];
	v3 =	vmov v6  }
0x57: {  	v11 =	vld [tilespmem:s19+$0xFFFFFFF0];
	[tilespmem:s20+$0x30] =	vst v8  }
0x58: {  	v5 =	vadd.f32 v5, v9;
	v9 =	vld [tilespmem:s21+$0x0]  }
0x59: {  	v12 =	vld [tilespmem:s19+$0x0]  }
.Ltmp3:
0x5a: {  	[tilespmem:s20+$0xFFFFFFD0] =	vst v5;
	v5 =	vadd.f32 v4, v7;
	v4 =	vld [tilespmem:s21+$0x10];
	(pc) =	sbr.rel @p1 .LBB2_5-.Ltmp3, $4  }
0x5b: {  	v6 =	vld [tilespmem:s19+$0x10]  }
0x5c: {  	[tilespmem:s20+$0xFFFFFFE0] =	vst v5;
	v10 =	vadd.f32 v11, v10;
	v5 =	vld [tilespmem:s21+$0x20]  }
0x5d: {  	v8 =	vld [tilespmem:s19+$0x20]  }
0x5e: {  	v7 =	vld [tilespmem:s21+$0xFFFFFFC0];
	[tilespmem:s20+$0xFFFFFFF0] =	vst v10;
	v9 =	vadd.f32 v12, v9;
	s21 =	sadd.s32 $0x400, s21  }
0x5f: {  	s18 =	sadd.s32 $0x1, s18  }
0x60: {  	p1 =	sne.s32 s18, $0x20  }
.Ltmp4:
0x61: {  	v4 =	vadd.f32 v6, v4;
	(pc) =	sbr.rel @p1 .LBB2_4-.Ltmp4, $4  }
0x62: {  	[tilespmem:s20+$0x0] =	vst v9;
	v5 =	vadd.f32 v8, v5  }
0x63: {  	[tilespmem:s20+$0x10] =	vst v4;
	v3 =	vadd.f32 v3, v7  }
0x64: {  	[tilespmem:s20+$0x20] =	vst v5  }
0x65: {  	p0 =	por !p0, !p0;
	s17 =	sadd.s32 $0x400, s17;
	s10 =	sadd.s32 $0x1, s10;
	[tilespmem:s20+$0xFFFFFFC0] =	vst v3  }
0x66: {  	_ =	swait.ge [sflag:s16], $0x10  }
0x67: {  	[sflag:s16] =	ssyncset.done $0x0  }
0x68: {  	[sflag:s16] =	ssyncadd.s32 $0xFFFFFFF0  }
0x69: {  	_ =	swait.ge [sflag:s16], $0x10  }
0x6a: {  	s10 =	simm.s32 $0x1F;
	[sflag:s16] =	ssyncset.done $0x0  }
.LBB2_8:
0x6b: {  	p0 =	sne.s32 s10, $0x1;
	s10 =	sadd.s32 $0xFFFFFFFF, s10;
	[sflag:s16] =	ssyncadd.s32 $0xFFFFFFF0  }
.Ltmp5:
0x6c: {  	_ =	swait.ge [sflag:s16], $0x10;
	(pc) =	sbr.rel @p0 .LBB2_8-.Ltmp5, $4  }
0x6d: {  	[sflag:s16] =	ssyncset.done $0x0  }
0x6e: {  	[sflag:s16] =	ssyncadd.s32 $0xFFFFFFF0  }
0x6f: {  	_ =	swait.ge [sflag:s16], $0x10  }
0x70: {  	[sflag:s16] =	ssyncset.done $0x0  }
0x71: {  	[sflag:s16] =	ssyncadd.s32 $0xFFFFFFF0  }
0x72: {  	v3 =	vld [tilespmem:$0x0];
	_ =	sdelay $0x4  }
0x73: {  	v4 =	vshll.u32 v3, $0x3  }
0x74: {  	v3 =	vand.u32 $0x7, v3;
	v4 =	vand.u32 $0xFFFFFFC0, v4  }
0x75: {  	v3 =	vor.u32 v3, v4  }
0x76: {  	v4 =	vperm.xlane v3, v0;
	_ =	sdelay $0x1  }
0x77: {  	v4 =	vadd.s32 v1, v4;
	_ =	sdelay $0x3  }
0x78: {  	s17 =	simm.s32 $0x0  }
0x79: {  	[tilespmem:s13], [sflag:$0x2] =	stream.indirect_vreg.gather [hbm4b:s1+s17], $0x80, v4, vm0, $0xb8;
	[tilespmem:$0x18C00] =	vst v63  }
0x7a: {  	s10 =	simm.s32 $0x9400;
	v3 =	vperm.xlane v3, v2  }
0x7b: {  	[tilespmem:s10], [sflag:$0x2] =	stream.indirect_vreg.gather [hbm4b:s6+s17], $0x80, v4, vm0, $0xb8;
	[tilespmem:$0x18C00] =	vst v63  }
0x7c: {  	s20 =	simm.s32 $0x9C00;
	v3 =	vadd.s32 v1, v3  }
0x7d: {  	[tilespmem:s20], [sflag:$0x2] =	stream.indirect_vreg.gather [hbm4b:s7+s17], $0x80, v4, vm0, $0xb8;
	[tilespmem:$0x18C00] =	vst v63  }
0x7e: {  	s21 =	simm.s32 $0xA400  }
0x7f: {  	[tilespmem:s21], [sflag:$0x2] =	stream.indirect_vreg.gather [hbm4b:s8+s17], $0x80, v4, vm0, $0xb8;
	[tilespmem:$0x18C00] =	vst v63  }
0x80: {  	s22 =	simm.s32 $0xAC00  }
0x81: {  	[tilespmem:s22], [sflag:$0x2] =	stream.indirect_vreg.gather [hbm4b:s1+s17], $0x80, v3, vm0, $0xb8;
	[tilespmem:$0x18C00] =	vst v63  }
0x82: {  	s25 =	simm.s32 $0xB400  }
0x83: {  	[tilespmem:s25], [sflag:$0x2] =	stream.indirect_vreg.gather [hbm4b:s6+s17], $0x80, v3, vm0, $0xb8;
	[tilespmem:$0x18C00] =	vst v63  }
0x84: {  	s26 =	simm.s32 $0xBC00  }
0x85: {  	[tilespmem:s26], [sflag:$0x2] =	stream.indirect_vreg.gather [hbm4b:s7+s17], $0x80, v3, vm0, $0xb8;
	[tilespmem:$0x18C00] =	vst v63  }
0x86: {  	s14 =	simm.s32 $0xC400  }
0x87: {  	[tilespmem:s14], [sflag:$0x2] =	stream.indirect_vreg.gather [hbm4b:s8+s17], $0x80, v3, vm0, $0xb8;
	[tilespmem:$0x18C00] =	vst v63  }
0x88: {  	v3 =	vld [tilespmem:$0x10];
	_ =	sdelay $0x4  }
0x89: {  	v63 =	vshll.u32 v3, $0x3  }
0x8a: {  	v3 =	vand.u32 $0x7, v3;
	v4 =	vand.u32 $0xFFFFFFC0, v63  }
0x8b: {  	v3 =	vor.u32 v3, v4  }
0x8c: {  	v4 =	vperm.xlane v3, v0;
	_ =	sdelay $0x1  }
0x8d: {  	v4 =	vadd.s32 v1, v4;
	_ =	sdelay $0x4  }
0x8e: {  	[tilespmem:s24], [sflag:$0x3] =	stream.indirect_vreg.gather [hbm4b:s1+s17], $0x80, v4, vm0, $0xb8;
	[tilespmem:$0x18C00] =	vst v63  }
0x8f: {  	s18 =	simm.s32 $0xD400;
	v3 =	vperm.xlane v3, v2  }
0x90: {  	[tilespmem:s18], [sflag:$0x3] =	stream.indirect_vreg.gather [hbm4b:s6+s17], $0x80, v4, vm0, $0xb8;
	[tilespmem:$0x18C00] =	vst v63  }
0x91: {  	s19 =	simm.s32 $0xDC00;
	v3 =	vadd.s32 v1, v3  }
0x92: {  	[tilespmem:s19], [sflag:$0x3] =	stream.indirect_vreg.gather [hbm4b:s7+s17], $0x80, v4, vm0, $0xb8;
	[tilespmem:$0x18C00] =	vst v63  }
0x93: {  	s20 =	simm.s32 $0xE400  }
0x94: {  	[tilespmem:s20], [sflag:$0x3] =	stream.indirect_vreg.gather [hbm4b:s8+s17], $0x80, v4, vm0, $0xb8;
	[tilespmem:$0x18C00] =	vst v63  }
0x95: {  	s21 =	simm.s32 $0xEC00  }
0x96: {  	[tilespmem:s21], [sflag:$0x3] =	stream.indirect_vreg.gather [hbm4b:s1+s17], $0x80, v3, vm0, $0xb8;
	[tilespmem:$0x18C00] =	vst v63  }
0x97: {  	s22 =	simm.s32 $0xF400  }
0x98: {  	[tilespmem:s22], [sflag:$0x3] =	stream.indirect_vreg.gather [hbm4b:s6+s17], $0x80, v3, vm0, $0xb8;
	[tilespmem:$0x18C00] =	vst v63  }
0x99: {  	s25 =	simm.s32 $0xFC00  }
0x9a: {  	[tilespmem:s25], [sflag:$0x3] =	stream.indirect_vreg.gather [hbm4b:s7+s17], $0x80, v3, vm0, $0xb8;
	[tilespmem:$0x18C00] =	vst v63  }
0x9b: {  	s26 =	simm.s32 $0x10400  }
0x9c: {  	[tilespmem:s26], [sflag:$0x3] =	stream.indirect_vreg.gather [hbm4b:s8+s17], $0x80, v3, vm0, $0xb8;
	[tilespmem:$0x18C00] =	vst v63  }
.LBB2_10:
0x9d: {  	_ =	swait.ge [sflag:s2], $0x4000  }
0x9e: {  	s19 =	sshll.u32 s17, $0x8;
	[sflag:s2] =	ssyncset.done $0x0  }
0x9f: {  	s18 =	sshrl.u32 s19, $0x2;
	[sflag:s2] =	ssyncadd.s32 $0xFFFFC000  }
0xa0: {  	v3 =	vld [tilespmem:s18+$0x200];
	_ =	sdelay $0x4  }
0xa1: {  	(v2sf) =	vpush v3, $0x0;
	_ =	sdelay $0xe  }
0xa2: {  	s10 =	spop (v2sf)  }
0xa3: {  	s14 =	sshll.u32 s10, $0xC;
	s10 =	sand.u32 $0x7, s10  }
0xa4: {  	s14 =	sand.u32 $0xFFFF8000, s14;
	s10 =	sshll.u32 s10, $0x9  }
0xa5: {  	s10 =	sor.u32 s10, s14  }
0xa6: {  	s10 =	sshra.s32 s10, $0x2  }
0xa7: {  	s10 =	sor.u32 $0xC70, s10  }
0xa8: {  	v4 =	vmov s10;
	_ =	sdelay $0x3  }
0xa9: {  	s10 =	simm.s32 $0x0  }
0xaa: {  	v5 =	vld.idx.msk [tilespmem:v4+s10+$0x0 ss:$0x1], $0xffff  }
0xab: {  	v6 =	vld.idx.msk [tilespmem:v4+s10+$0xFFFFFF90 ss:$0x1], $0xffff  }
0xac: {  	v7 =	vld.idx.msk [tilespmem:v4+s10+$0xFFFFFFA0 ss:$0x1], $0xffff  }
0xad: {  	v8 =	vld.idx.msk [tilespmem:v4+s10+$0xFFFFFFB0 ss:$0x1], $0xffff  }
0xae: {  	v9 =	vld.idx.msk [tilespmem:v4+s10+$0xFFFFFFC0 ss:$0x1], $0xffff  }
0xaf: {  	v10 =	vld.idx.msk [tilespmem:v4+s10+$0xFFFFFFD0 ss:$0x1], $0xffff  }
0xb0: {  	v11 =	vld.idx.msk [tilespmem:v4+s10+$0xFFFFFFE0 ss:$0x1], $0xffff  }
0xb1: {  	[tilespmem:s10+$0x8C70] =	vst.add.f32.msk $0xffff, v5  }
0xb2: {  	v5 =	vld.idx.msk [tilespmem:v4+s10+$0xFFFFFFF0 ss:$0x1], $0xffff  }
0xb3: {  	[tilespmem:s10+$0x8C00] =	vst.add.f32.msk $0xffff, v6  }
0xb4: {  	[tilespmem:s10+$0x8C10] =	vst.add.f32.msk $0xffff, v7  }
0xb5: {  	[tilespmem:s10+$0x8C20] =	vst.add.f32.msk $0xffff, v8  }
0xb6: {  	[tilespmem:s10+$0x8C30] =	vst.add.f32.msk $0xffff, v9  }
0xb7: {  	[tilespmem:s10+$0x8C40] =	vst.add.f32.msk $0xffff, v10  }
0xb8: {  	s20 =	simm.s32 $0x1000;
	s14 =	simm.s32 $0x0;
	[tilespmem:s10+$0x8C50] =	vst.add.f32.msk $0xffff, v11  }
.LBB2_11:
0xb9: {  	s14 =	sadd.s32 $0x8, s14;
	[tilespmem:s10+$0x8C60] =	vst.add.f32.msk $0xffff, v5;
	s10 =	sshra.s32 s20, $0x2  }
0xba: {  	v5 =	vld.idx.msk [tilespmem:v4+s10+$0x0 ss:$0x1], $0xffff;
	p0 =	slt.u32 s14, $0x38  }
0xbb: {  	v6 =	vld.idx.msk [tilespmem:v4+s10+$0xFFFFFF90 ss:$0x1], $0xffff  }
0xbc: {  	v7 =	vld.idx.msk [tilespmem:v4+s10+$0xFFFFFFA0 ss:$0x1], $0xffff  }
0xbd: {  	v8 =	vld.idx.msk [tilespmem:v4+s10+$0xFFFFFFB0 ss:$0x1], $0xffff  }
0xbe: {  	v9 =	vld.idx.msk [tilespmem:v4+s10+$0xFFFFFFC0 ss:$0x1], $0xffff  }
0xbf: {  	v10 =	vld.idx.msk [tilespmem:v4+s10+$0xFFFFFFD0 ss:$0x1], $0xffff  }
0xc0: {  	[tilespmem:s10+$0x8C70] =	vst.add.f32.msk $0xffff, v5  }
0xc1: {  	v11 =	vld.idx.msk [tilespmem:v4+s10+$0xFFFFFFE0 ss:$0x1], $0xffff  }
0xc2: {  	v5 =	vld.idx.msk [tilespmem:v4+s10+$0xFFFFFFF0 ss:$0x1], $0xffff  }
0xc3: {  	[tilespmem:s10+$0x8C00] =	vst.add.f32.msk $0xffff, v6  }
.Ltmp6:
0xc4: {  	[tilespmem:s10+$0x8C10] =	vst.add.f32.msk $0xffff, v7;
	(pc) =	sbr.rel @p0 .LBB2_11-.Ltmp6, $4  }
0xc5: {  	[tilespmem:s10+$0x8C20] =	vst.add.f32.msk $0xffff, v8  }
0xc6: {  	[tilespmem:s10+$0x8C30] =	vst.add.f32.msk $0xffff, v9  }
0xc7: {  	[tilespmem:s10+$0x8C40] =	vst.add.f32.msk $0xffff, v10  }
0xc8: {  	s20 =	sadd.s32 $0x1000, s20;
	[tilespmem:s10+$0x8C50] =	vst.add.f32.msk $0xffff, v11  }
0xc9: {  	(v2sf) =	vpush v3, $0x1;
	_ =	sdelay $0xe  }
0xca: {  	s14 =	spop (v2sf)  }
0xcb: {  	s14 =	sadd.s32 $0x2, s14  }
0xcc: {  	s20 =	sshll.u32 s14, $0xC;
	s14 =	sand.u32 $0x7, s14  }
0xcd: {  	s20 =	sand.u32 $0xFFFF8000, s20;
	s14 =	sshll.u32 s14, $0x9  }
0xce: {  	s14 =	sor.u32 s14, s20  }
0xcf: {  	s14 =	sshra.s32 s14, $0x2  }
0xd0: {  	s14 =	sor.u32 $0xC70, s14  }
0xd1: {  	v4 =	vmov s14;
	_ =	sdelay $0x3  }
0xd2: {  	[tilespmem:s10+$0x8C60] =	vst.add.f32.msk $0xffff, v5;
	s10 =	simm.s32 $0x0  }
0xd3: {  	v5 =	vld.idx.msk [tilespmem:v4+s10+$0x0 ss:$0x1], $0xffff  }
0xd4: {  	v6 =	vld.idx.msk [tilespmem:v4+s10+$0xFFFFFF90 ss:$0x1], $0xffff  }
0xd5: {  	v7 =	vld.idx.msk [tilespmem:v4+s10+$0xFFFFFFA0 ss:$0x1], $0xffff  }
0xd6: {  	v8 =	vld.idx.msk [tilespmem:v4+s10+$0xFFFFFFB0 ss:$0x1], $0xffff  }
0xd7: {  	v9 =	vld.idx.msk [tilespmem:v4+s10+$0xFFFFFFC0 ss:$0x1], $0xffff  }
0xd8: {  	v10 =	vld.idx.msk [tilespmem:v4+s10+$0xFFFFFFD0 ss:$0x1], $0xffff  }
0xd9: {  	v11 =	vld.idx.msk [tilespmem:v4+s10+$0xFFFFFFE0 ss:$0x1], $0xffff  }
0xda: {  	[tilespmem:s10+$0x8CF0] =	vst.add.f32.msk $0xffff, v5  }
0xdb: {  	v5 =	vld.idx.msk [tilespmem:v4+s10+$0xFFFFFFF0 ss:$0x1], $0xffff  }
0xdc: {  	[tilespmem:s10+$0x8C80] =	vst.add.f32.msk $0xffff, v6  }
0xdd: {  	[tilespmem:s10+$0x8C90] =	vst.add.f32.msk $0xffff, v7  }
0xde: {  	[tilespmem:s10+$0x8CA0] =	vst.add.f32.msk $0xffff, v8  }
0xdf: {  	[tilespmem:s10+$0x8CB0] =	vst.add.f32.msk $0xffff, v9  }
0xe0: {  	[tilespmem:s10+$0x8CC0] =	vst.add.f32.msk $0xffff, v10  }
0xe1: {  	s20 =	simm.s32 $0x1000;
	s14 =	simm.s32 $0x0;
	[tilespmem:s10+$0x8CD0] =	vst.add.f32.msk $0xffff, v11  }
.LBB2_13:
0xe2: {  	s14 =	sadd.s32 $0x8, s14;
	[tilespmem:s10+$0x8CE0] =	vst.add.f32.msk $0xffff, v5;
	s10 =	sshra.s32 s20, $0x2  }
0xe3: {  	v5 =	vld.idx.msk [tilespmem:v4+s10+$0x0 ss:$0x1], $0xffff;
	p0 =	slt.u32 s14, $0x38  }
0xe4: {  	v6 =	vld.idx.msk [tilespmem:v4+s10+$0xFFFFFF90 ss:$0x1], $0xffff  }
0xe5: {  	v7 =	vld.idx.msk [tilespmem:v4+s10+$0xFFFFFFA0 ss:$0x1], $0xffff  }
0xe6: {  	v8 =	vld.idx.msk [tilespmem:v4+s10+$0xFFFFFFB0 ss:$0x1], $0xffff  }
0xe7: {  	v9 =	vld.idx.msk [tilespmem:v4+s10+$0xFFFFFFC0 ss:$0x1], $0xffff  }
0xe8: {  	v10 =	vld.idx.msk [tilespmem:v4+s10+$0xFFFFFFD0 ss:$0x1], $0xffff  }
0xe9: {  	[tilespmem:s10+$0x8CF0] =	vst.add.f32.msk $0xffff, v5  }
0xea: {  	v11 =	vld.idx.msk [tilespmem:v4+s10+$0xFFFFFFE0 ss:$0x1], $0xffff  }
0xeb: {  	v5 =	vld.idx.msk [tilespmem:v4+s10+$0xFFFFFFF0 ss:$0x1], $0xffff  }
0xec: {  	[tilespmem:s10+$0x8C80] =	vst.add.f32.msk $0xffff, v6  }
.Ltmp7:
0xed: {  	[tilespmem:s10+$0x8C90] =	vst.add.f32.msk $0xffff, v7;
	(pc) =	sbr.rel @p0 .LBB2_13-.Ltmp7, $4  }
0xee: {  	[tilespmem:s10+$0x8CA0] =	vst.add.f32.msk $0xffff, v8  }
0xef: {  	[tilespmem:s10+$0x8CB0] =	vst.add.f32.msk $0xffff, v9  }
0xf0: {  	[tilespmem:s10+$0x8CC0] =	vst.add.f32.msk $0xffff, v10  }
0xf1: {  	s20 =	sadd.s32 $0x1000, s20;
	[tilespmem:s10+$0x8CD0] =	vst.add.f32.msk $0xffff, v11  }
0xf2: {  	(v2sf) =	vpush v3, $0x2;
	_ =	sdelay $0xe  }
0xf3: {  	s14 =	spop (v2sf)  }
0xf4: {  	s14 =	sadd.s32 $0x4, s14  }
0xf5: {  	s20 =	sshll.u32 s14, $0xC;
	s14 =	sand.u32 $0x7, s14  }
0xf6: {  	s20 =	sand.u32 $0xFFFF8000, s20;
	s14 =	sshll.u32 s14, $0x9  }
0xf7: {  	s14 =	sor.u32 s14, s20  }
0xf8: {  	s14 =	sshra.s32 s14, $0x2  }
0xf9: {  	s14 =	sor.u32 $0xC70, s14  }
0xfa: {  	v4 =	vmov s14;
	_ =	sdelay $0x3  }
0xfb: {  	[tilespmem:s10+$0x8CE0] =	vst.add.f32.msk $0xffff, v5;
	s10 =	simm.s32 $0x0  }
0xfc: {  	v5 =	vld.idx.msk [tilespmem:v4+s10+$0x0 ss:$0x1], $0xffff  }
0xfd: {  	v6 =	vld.idx.msk [tilespmem:v4+s10+$0xFFFFFF90 ss:$0x1], $0xffff  }
0xfe: {  	v7 =	vld.idx.msk [tilespmem:v4+s10+$0xFFFFFFA0 ss:$0x1], $0xffff  }
0xff: {  	v8 =	vld.idx.msk [tilespmem:v4+s10+$0xFFFFFFB0 ss:$0x1], $0xffff  }
0x100: {  	v9 =	vld.idx.msk [tilespmem:v4+s10+$0xFFFFFFC0 ss:$0x1], $0xffff  }
0x101: {  	v10 =	vld.idx.msk [tilespmem:v4+s10+$0xFFFFFFD0 ss:$0x1], $0xffff  }
0x102: {  	v11 =	vld.idx.msk [tilespmem:v4+s10+$0xFFFFFFE0 ss:$0x1], $0xffff  }
0x103: {  	[tilespmem:s10+$0x8D70] =	vst.add.f32.msk $0xffff, v5  }
0x104: {  	v5 =	vld.idx.msk [tilespmem:v4+s10+$0xFFFFFFF0 ss:$0x1], $0xffff  }
0x105: {  	[tilespmem:s10+$0x8D00] =	vst.add.f32.msk $0xffff, v6  }
0x106: {  	[tilespmem:s10+$0x8D10] =	vst.add.f32.msk $0xffff, v7  }
0x107: {  	[tilespmem:s10+$0x8D20] =	vst.add.f32.msk $0xffff, v8  }
0x108: {  	[tilespmem:s10+$0x8D30] =	vst.add.f32.msk $0xffff, v9  }
0x109: {  	[tilespmem:s10+$0x8D40] =	vst.add.f32.msk $0xffff, v10  }
0x10a: {  	s20 =	simm.s32 $0x1000;
	s14 =	simm.s32 $0x0;
	[tilespmem:s10+$0x8D50] =	vst.add.f32.msk $0xffff, v11  }
.LBB2_15:
0x10b: {  	s14 =	sadd.s32 $0x8, s14;
	[tilespmem:s10+$0x8D60] =	vst.add.f32.msk $0xffff, v5;
	s10 =	sshra.s32 s20, $0x2  }
0x10c: {  	v5 =	vld.idx.msk [tilespmem:v4+s10+$0x0 ss:$0x1], $0xffff;
	p0 =	slt.u32 s14, $0x38  }
0x10d: {  	v6 =	vld.idx.msk [tilespmem:v4+s10+$0xFFFFFF90 ss:$0x1], $0xffff  }
0x10e: {  	v7 =	vld.idx.msk [tilespmem:v4+s10+$0xFFFFFFA0 ss:$0x1], $0xffff  }
0x10f: {  	v8 =	vld.idx.msk [tilespmem:v4+s10+$0xFFFFFFB0 ss:$0x1], $0xffff  }
0x110: {  	v9 =	vld.idx.msk [tilespmem:v4+s10+$0xFFFFFFC0 ss:$0x1], $0xffff  }
0x111: {  	v10 =	vld.idx.msk [tilespmem:v4+s10+$0xFFFFFFD0 ss:$0x1], $0xffff  }
0x112: {  	[tilespmem:s10+$0x8D70] =	vst.add.f32.msk $0xffff, v5  }
0x113: {  	v11 =	vld.idx.msk [tilespmem:v4+s10+$0xFFFFFFE0 ss:$0x1], $0xffff  }
0x114: {  	v5 =	vld.idx.msk [tilespmem:v4+s10+$0xFFFFFFF0 ss:$0x1], $0xffff  }
0x115: {  	[tilespmem:s10+$0x8D00] =	vst.add.f32.msk $0xffff, v6  }
.Ltmp8:
0x116: {  	[tilespmem:s10+$0x8D10] =	vst.add.f32.msk $0xffff, v7;
	(pc) =	sbr.rel @p0 .LBB2_15-.Ltmp8, $4  }
0x117: {  	[tilespmem:s10+$0x8D20] =	vst.add.f32.msk $0xffff, v8  }
0x118: {  	[tilespmem:s10+$0x8D30] =	vst.add.f32.msk $0xffff, v9  }
0x119: {  	[tilespmem:s10+$0x8D40] =	vst.add.f32.msk $0xffff, v10  }
0x11a: {  	s20 =	sadd.s32 $0x1000, s20;
	[tilespmem:s10+$0x8D50] =	vst.add.f32.msk $0xffff, v11  }
0x11b: {  	(v2sf) =	vpush v3, $0x3;
	_ =	sdelay $0xe  }
0x11c: {  	s14 =	spop (v2sf)  }
0x11d: {  	s14 =	sadd.s32 $0x6, s14  }
0x11e: {  	s20 =	sshll.u32 s14, $0xC;
	s14 =	sand.u32 $0x7, s14  }
0x11f: {  	s20 =	sand.u32 $0xFFFF8000, s20;
	s14 =	sshll.u32 s14, $0x9  }
0x120: {  	s14 =	sor.u32 s14, s20  }
0x121: {  	s14 =	sshra.s32 s14, $0x2  }
0x122: {  	s14 =	sor.u32 $0xC70, s14  }
0x123: {  	v4 =	vmov s14;
	_ =	sdelay $0x3  }
0x124: {  	[tilespmem:s10+$0x8D60] =	vst.add.f32.msk $0xffff, v5;
	s10 =	simm.s32 $0x0  }
0x125: {  	v5 =	vld.idx.msk [tilespmem:v4+s10+$0x0 ss:$0x1], $0xffff  }
0x126: {  	v6 =	vld.idx.msk [tilespmem:v4+s10+$0xFFFFFF90 ss:$0x1], $0xffff  }
0x127: {  	v7 =	vld.idx.msk [tilespmem:v4+s10+$0xFFFFFFA0 ss:$0x1], $0xffff  }
0x128: {  	v8 =	vld.idx.msk [tilespmem:v4+s10+$0xFFFFFFB0 ss:$0x1], $0xffff  }
0x129: {  	v9 =	vld.idx.msk [tilespmem:v4+s10+$0xFFFFFFC0 ss:$0x1], $0xffff  }
0x12a: {  	v10 =	vld.idx.msk [tilespmem:v4+s10+$0xFFFFFFD0 ss:$0x1], $0xffff  }
0x12b: {  	v11 =	vld.idx.msk [tilespmem:v4+s10+$0xFFFFFFE0 ss:$0x1], $0xffff  }
0x12c: {  	[tilespmem:s10+$0x8DF0] =	vst.add.f32.msk $0xffff, v5  }
0x12d: {  	v5 =	vld.idx.msk [tilespmem:v4+s10+$0xFFFFFFF0 ss:$0x1], $0xffff  }
0x12e: {  	[tilespmem:s10+$0x8D80] =	vst.add.f32.msk $0xffff, v6  }
0x12f: {  	[tilespmem:s10+$0x8D90] =	vst.add.f32.msk $0xffff, v7  }
0x130: {  	[tilespmem:s10+$0x8DA0] =	vst.add.f32.msk $0xffff, v8  }
0x131: {  	[tilespmem:s10+$0x8DB0] =	vst.add.f32.msk $0xffff, v9  }
0x132: {  	[tilespmem:s10+$0x8DC0] =	vst.add.f32.msk $0xffff, v10  }
0x133: {  	s20 =	simm.s32 $0x1000;
	s14 =	simm.s32 $0x0;
	[tilespmem:s10+$0x8DD0] =	vst.add.f32.msk $0xffff, v11  }
.LBB2_17:
0x134: {  	s14 =	sadd.s32 $0x8, s14;
	[tilespmem:s10+$0x8DE0] =	vst.add.f32.msk $0xffff, v5;
	s10 =	sshra.s32 s20, $0x2  }
0x135: {  	v5 =	vld.idx.msk [tilespmem:v4+s10+$0x0 ss:$0x1], $0xffff;
	p0 =	slt.u32 s14, $0x38  }
0x136: {  	v6 =	vld.idx.msk [tilespmem:v4+s10+$0xFFFFFF90 ss:$0x1], $0xffff  }
0x137: {  	v7 =	vld.idx.msk [tilespmem:v4+s10+$0xFFFFFFA0 ss:$0x1], $0xffff  }
0x138: {  	v8 =	vld.idx.msk [tilespmem:v4+s10+$0xFFFFFFB0 ss:$0x1], $0xffff  }
0x139: {  	v9 =	vld.idx.msk [tilespmem:v4+s10+$0xFFFFFFC0 ss:$0x1], $0xffff  }
0x13a: {  	v10 =	vld.idx.msk [tilespmem:v4+s10+$0xFFFFFFD0 ss:$0x1], $0xffff  }
0x13b: {  	[tilespmem:s10+$0x8DF0] =	vst.add.f32.msk $0xffff, v5  }
0x13c: {  	v11 =	vld.idx.msk [tilespmem:v4+s10+$0xFFFFFFE0 ss:$0x1], $0xffff  }
0x13d: {  	v5 =	vld.idx.msk [tilespmem:v4+s10+$0xFFFFFFF0 ss:$0x1], $0xffff  }
0x13e: {  	[tilespmem:s10+$0x8D80] =	vst.add.f32.msk $0xffff, v6  }
.Ltmp9:
0x13f: {  	[tilespmem:s10+$0x8D90] =	vst.add.f32.msk $0xffff, v7;
	(pc) =	sbr.rel @p0 .LBB2_17-.Ltmp9, $4  }
0x140: {  	[tilespmem:s10+$0x8DA0] =	vst.add.f32.msk $0xffff, v8  }
0x141: {  	[tilespmem:s10+$0x8DB0] =	vst.add.f32.msk $0xffff, v9  }
0x142: {  	[tilespmem:s10+$0x8DC0] =	vst.add.f32.msk $0xffff, v10  }
0x143: {  	s20 =	sadd.s32 $0x1000, s20;
	[tilespmem:s10+$0x8DD0] =	vst.add.f32.msk $0xffff, v11  }
0x144: {  	(v2sf) =	vpush v3, $0x4;
	_ =	sdelay $0xe  }
0x145: {  	s14 =	spop (v2sf)  }
0x146: {  	s20 =	sshll.u32 s14, $0xC;
	s14 =	sand.u32 $0x7, s14  }
0x147: {  	s20 =	sand.u32 $0xFFFF8000, s20;
	s14 =	sshll.u32 s14, $0x9  }
0x148: {  	s14 =	sor.u32 s14, s20  }
0x149: {  	s14 =	sshra.s32 s14, $0x2  }
0x14a: {  	s14 =	sadd.s32 $0x2C70, s14  }
0x14b: {  	v4 =	vmov s14;
	_ =	sdelay $0x3  }
0x14c: {  	[tilespmem:s10+$0x8DE0] =	vst.add.f32.msk $0xffff, v5;
	s10 =	simm.s32 $0x0  }
0x14d: {  	v5 =	vld.idx.msk [tilespmem:v4+s10+$0x0 ss:$0x1], $0xffff  }
0x14e: {  	v6 =	vld.idx.msk [tilespmem:v4+s10+$0xFFFFFF90 ss:$0x1], $0xffff  }
0x14f: {  	v7 =	vld.idx.msk [tilespmem:v4+s10+$0xFFFFFFA0 ss:$0x1], $0xffff  }
0x150: {  	v8 =	vld.idx.msk [tilespmem:v4+s10+$0xFFFFFFB0 ss:$0x1], $0xffff  }
0x151: {  	v9 =	vld.idx.msk [tilespmem:v4+s10+$0xFFFFFFC0 ss:$0x1], $0xffff  }
0x152: {  	v10 =	vld.idx.msk [tilespmem:v4+s10+$0xFFFFFFD0 ss:$0x1], $0xffff  }
0x153: {  	v11 =	vld.idx.msk [tilespmem:v4+s10+$0xFFFFFFE0 ss:$0x1], $0xffff  }
0x154: {  	[tilespmem:s10+$0x8E70] =	vst.add.f32.msk $0xffff, v5  }
0x155: {  	v5 =	vld.idx.msk [tilespmem:v4+s10+$0xFFFFFFF0 ss:$0x1], $0xffff  }
0x156: {  	[tilespmem:s10+$0x8E00] =	vst.add.f32.msk $0xffff, v6  }
0x157: {  	[tilespmem:s10+$0x8E10] =	vst.add.f32.msk $0xffff, v7  }
0x158: {  	[tilespmem:s10+$0x8E20] =	vst.add.f32.msk $0xffff, v8  }
0x159: {  	[tilespmem:s10+$0x8E30] =	vst.add.f32.msk $0xffff, v9  }
0x15a: {  	[tilespmem:s10+$0x8E40] =	vst.add.f32.msk $0xffff, v10  }
0x15b: {  	s20 =	simm.s32 $0x1000;
	s14 =	simm.s32 $0x0;
	[tilespmem:s10+$0x8E50] =	vst.add.f32.msk $0xffff, v11  }
.LBB2_19:
0x15c: {  	s14 =	sadd.s32 $0x8, s14;
	[tilespmem:s10+$0x8E60] =	vst.add.f32.msk $0xffff, v5;
	s10 =	sshra.s32 s20, $0x2  }
0x15d: {  	v5 =	vld.idx.msk [tilespmem:v4+s10+$0x0 ss:$0x1], $0xffff;
	p0 =	slt.u32 s14, $0x38  }
0x15e: {  	v6 =	vld.idx.msk [tilespmem:v4+s10+$0xFFFFFF90 ss:$0x1], $0xffff  }
0x15f: {  	v7 =	vld.idx.msk [tilespmem:v4+s10+$0xFFFFFFA0 ss:$0x1], $0xffff  }
0x160: {  	v8 =	vld.idx.msk [tilespmem:v4+s10+$0xFFFFFFB0 ss:$0x1], $0xffff  }
0x161: {  	v9 =	vld.idx.msk [tilespmem:v4+s10+$0xFFFFFFC0 ss:$0x1], $0xffff  }
0x162: {  	v10 =	vld.idx.msk [tilespmem:v4+s10+$0xFFFFFFD0 ss:$0x1], $0xffff  }
0x163: {  	[tilespmem:s10+$0x8E70] =	vst.add.f32.msk $0xffff, v5  }
0x164: {  	v11 =	vld.idx.msk [tilespmem:v4+s10+$0xFFFFFFE0 ss:$0x1], $0xffff  }
0x165: {  	v5 =	vld.idx.msk [tilespmem:v4+s10+$0xFFFFFFF0 ss:$0x1], $0xffff  }
0x166: {  	[tilespmem:s10+$0x8E00] =	vst.add.f32.msk $0xffff, v6  }
.Ltmp10:
0x167: {  	[tilespmem:s10+$0x8E10] =	vst.add.f32.msk $0xffff, v7;
	(pc) =	sbr.rel @p0 .LBB2_19-.Ltmp10, $4  }
0x168: {  	[tilespmem:s10+$0x8E20] =	vst.add.f32.msk $0xffff, v8  }
0x169: {  	[tilespmem:s10+$0x8E30] =	vst.add.f32.msk $0xffff, v9  }
0x16a: {  	[tilespmem:s10+$0x8E40] =	vst.add.f32.msk $0xffff, v10  }
0x16b: {  	s20 =	sadd.s32 $0x1000, s20;
	[tilespmem:s10+$0x8E50] =	vst.add.f32.msk $0xffff, v11  }
0x16c: {  	(v2sf) =	vpush v3, $0x5;
	_ =	sdelay $0xe  }
0x16d: {  	s14 =	spop (v2sf)  }
0x16e: {  	s14 =	sadd.s32 $0xA, s14  }
0x16f: {  	s20 =	sshll.u32 s14, $0xC;
	s14 =	sand.u32 $0x7, s14  }
0x170: {  	s20 =	sand.u32 $0xFFFF8000, s20;
	s14 =	sshll.u32 s14, $0x9  }
0x171: {  	s14 =	sor.u32 s14, s20  }
0x172: {  	s14 =	sshra.s32 s14, $0x2  }
0x173: {  	s14 =	sor.u32 $0xC70, s14  }
0x174: {  	v4 =	vmov s14;
	_ =	sdelay $0x3  }
0x175: {  	[tilespmem:s10+$0x8E60] =	vst.add.f32.msk $0xffff, v5;
	s10 =	simm.s32 $0x0  }
0x176: {  	v5 =	vld.idx.msk [tilespmem:v4+s10+$0x0 ss:$0x1], $0xffff  }
0x177: {  	v6 =	vld.idx.msk [tilespmem:v4+s10+$0xFFFFFF90 ss:$0x1], $0xffff  }
0x178: {  	v7 =	vld.idx.msk [tilespmem:v4+s10+$0xFFFFFFA0 ss:$0x1], $0xffff  }
0x179: {  	v8 =	vld.idx.msk [tilespmem:v4+s10+$0xFFFFFFB0 ss:$0x1], $0xffff  }
0x17a: {  	v9 =	vld.idx.msk [tilespmem:v4+s10+$0xFFFFFFC0 ss:$0x1], $0xffff  }
0x17b: {  	v10 =	vld.idx.msk [tilespmem:v4+s10+$0xFFFFFFD0 ss:$0x1], $0xffff  }
0x17c: {  	v11 =	vld.idx.msk [tilespmem:v4+s10+$0xFFFFFFE0 ss:$0x1], $0xffff  }
0x17d: {  	[tilespmem:s10+$0x8EF0] =	vst.add.f32.msk $0xffff, v5  }
0x17e: {  	v5 =	vld.idx.msk [tilespmem:v4+s10+$0xFFFFFFF0 ss:$0x1], $0xffff  }
0x17f: {  	[tilespmem:s10+$0x8E80] =	vst.add.f32.msk $0xffff, v6  }
0x180: {  	[tilespmem:s10+$0x8E90] =	vst.add.f32.msk $0xffff, v7  }
0x181: {  	[tilespmem:s10+$0x8EA0] =	vst.add.f32.msk $0xffff, v8  }
0x182: {  	[tilespmem:s10+$0x8EB0] =	vst.add.f32.msk $0xffff, v9  }
0x183: {  	[tilespmem:s10+$0x8EC0] =	vst.add.f32.msk $0xffff, v10  }
0x184: {  	s20 =	simm.s32 $0x1000;
	s14 =	simm.s32 $0x0;
	[tilespmem:s10+$0x8ED0] =	vst.add.f32.msk $0xffff, v11  }
.LBB2_21:
0x185: {  	s14 =	sadd.s32 $0x8, s14;
	[tilespmem:s10+$0x8EE0] =	vst.add.f32.msk $0xffff, v5;
	s10 =	sshra.s32 s20, $0x2  }
0x186: {  	v5 =	vld.idx.msk [tilespmem:v4+s10+$0x0 ss:$0x1], $0xffff;
	p0 =	slt.u32 s14, $0x38  }
0x187: {  	v6 =	vld.idx.msk [tilespmem:v4+s10+$0xFFFFFF90 ss:$0x1], $0xffff  }
0x188: {  	v7 =	vld.idx.msk [tilespmem:v4+s10+$0xFFFFFFA0 ss:$0x1], $0xffff  }
0x189: {  	v8 =	vld.idx.msk [tilespmem:v4+s10+$0xFFFFFFB0 ss:$0x1], $0xffff  }
0x18a: {  	v9 =	vld.idx.msk [tilespmem:v4+s10+$0xFFFFFFC0 ss:$0x1], $0xffff  }
0x18b: {  	v10 =	vld.idx.msk [tilespmem:v4+s10+$0xFFFFFFD0 ss:$0x1], $0xffff  }
0x18c: {  	[tilespmem:s10+$0x8EF0] =	vst.add.f32.msk $0xffff, v5  }
0x18d: {  	v11 =	vld.idx.msk [tilespmem:v4+s10+$0xFFFFFFE0 ss:$0x1], $0xffff  }
0x18e: {  	v5 =	vld.idx.msk [tilespmem:v4+s10+$0xFFFFFFF0 ss:$0x1], $0xffff  }
0x18f: {  	[tilespmem:s10+$0x8E80] =	vst.add.f32.msk $0xffff, v6  }
.Ltmp11:
0x190: {  	[tilespmem:s10+$0x8E90] =	vst.add.f32.msk $0xffff, v7;
	(pc) =	sbr.rel @p0 .LBB2_21-.Ltmp11, $4  }
0x191: {  	[tilespmem:s10+$0x8EA0] =	vst.add.f32.msk $0xffff, v8  }
0x192: {  	[tilespmem:s10+$0x8EB0] =	vst.add.f32.msk $0xffff, v9  }
0x193: {  	[tilespmem:s10+$0x8EC0] =	vst.add.f32.msk $0xffff, v10  }
0x194: {  	s20 =	sadd.s32 $0x1000, s20;
	[tilespmem:s10+$0x8ED0] =	vst.add.f32.msk $0xffff, v11  }
0x195: {  	(v2sf) =	vpush v3, $0x6;
	_ =	sdelay $0xe  }
0x196: {  	s14 =	spop (v2sf)  }
0x197: {  	s14 =	sadd.s32 $0xC, s14  }
0x198: {  	s20 =	sshll.u32 s14, $0xC;
	s14 =	sand.u32 $0x7, s14  }
0x199: {  	s20 =	sand.u32 $0xFFFF8000, s20;
	s14 =	sshll.u32 s14, $0x9  }
0x19a: {  	s14 =	sor.u32 s14, s20  }
0x19b: {  	s14 =	sshra.s32 s14, $0x2  }
0x19c: {  	s14 =	sor.u32 $0xC70, s14  }
0x19d: {  	v4 =	vmov s14;
	_ =	sdelay $0x3  }
0x19e: {  	[tilespmem:s10+$0x8EE0] =	vst.add.f32.msk $0xffff, v5;
	s10 =	simm.s32 $0x0  }
0x19f: {  	v5 =	vld.idx.msk [tilespmem:v4+s10+$0x0 ss:$0x1], $0xffff  }
0x1a0: {  	v6 =	vld.idx.msk [tilespmem:v4+s10+$0xFFFFFF90 ss:$0x1], $0xffff  }
0x1a1: {  	v7 =	vld.idx.msk [tilespmem:v4+s10+$0xFFFFFFA0 ss:$0x1], $0xffff  }
0x1a2: {  	v8 =	vld.idx.msk [tilespmem:v4+s10+$0xFFFFFFB0 ss:$0x1], $0xffff  }
0x1a3: {  	v9 =	vld.idx.msk [tilespmem:v4+s10+$0xFFFFFFC0 ss:$0x1], $0xffff  }
0x1a4: {  	v10 =	vld.idx.msk [tilespmem:v4+s10+$0xFFFFFFD0 ss:$0x1], $0xffff  }
0x1a5: {  	v11 =	vld.idx.msk [tilespmem:v4+s10+$0xFFFFFFE0 ss:$0x1], $0xffff  }
0x1a6: {  	[tilespmem:s10+$0x8F70] =	vst.add.f32.msk $0xffff, v5  }
0x1a7: {  	v5 =	vld.idx.msk [tilespmem:v4+s10+$0xFFFFFFF0 ss:$0x1], $0xffff  }
0x1a8: {  	[tilespmem:s10+$0x8F00] =	vst.add.f32.msk $0xffff, v6  }
0x1a9: {  	[tilespmem:s10+$0x8F10] =	vst.add.f32.msk $0xffff, v7  }
0x1aa: {  	[tilespmem:s10+$0x8F20] =	vst.add.f32.msk $0xffff, v8  }
0x1ab: {  	[tilespmem:s10+$0x8F30] =	vst.add.f32.msk $0xffff, v9  }
0x1ac: {  	[tilespmem:s10+$0x8F40] =	vst.add.f32.msk $0xffff, v10  }
0x1ad: {  	s20 =	simm.s32 $0x1000;
	s14 =	simm.s32 $0x0;
	[tilespmem:s10+$0x8F50] =	vst.add.f32.msk $0xffff, v11  }
.LBB2_23:
0x1ae: {  	s14 =	sadd.s32 $0x8, s14;
	[tilespmem:s10+$0x8F60] =	vst.add.f32.msk $0xffff, v5;
	s10 =	sshra.s32 s20, $0x2  }
0x1af: {  	v5 =	vld.idx.msk [tilespmem:v4+s10+$0x0 ss:$0x1], $0xffff;
	p0 =	slt.u32 s14, $0x38  }
0x1b0: {  	v6 =	vld.idx.msk [tilespmem:v4+s10+$0xFFFFFF90 ss:$0x1], $0xffff  }
0x1b1: {  	v7 =	vld.idx.msk [tilespmem:v4+s10+$0xFFFFFFA0 ss:$0x1], $0xffff  }
0x1b2: {  	v8 =	vld.idx.msk [tilespmem:v4+s10+$0xFFFFFFB0 ss:$0x1], $0xffff  }
0x1b3: {  	v9 =	vld.idx.msk [tilespmem:v4+s10+$0xFFFFFFC0 ss:$0x1], $0xffff  }
0x1b4: {  	v10 =	vld.idx.msk [tilespmem:v4+s10+$0xFFFFFFD0 ss:$0x1], $0xffff  }
0x1b5: {  	[tilespmem:s10+$0x8F70] =	vst.add.f32.msk $0xffff, v5  }
0x1b6: {  	v11 =	vld.idx.msk [tilespmem:v4+s10+$0xFFFFFFE0 ss:$0x1], $0xffff  }
0x1b7: {  	v5 =	vld.idx.msk [tilespmem:v4+s10+$0xFFFFFFF0 ss:$0x1], $0xffff  }
0x1b8: {  	[tilespmem:s10+$0x8F00] =	vst.add.f32.msk $0xffff, v6  }
.Ltmp12:
0x1b9: {  	[tilespmem:s10+$0x8F10] =	vst.add.f32.msk $0xffff, v7;
	(pc) =	sbr.rel @p0 .LBB2_23-.Ltmp12, $4  }
0x1ba: {  	[tilespmem:s10+$0x8F20] =	vst.add.f32.msk $0xffff, v8  }
0x1bb: {  	[tilespmem:s10+$0x8F30] =	vst.add.f32.msk $0xffff, v9  }
0x1bc: {  	[tilespmem:s10+$0x8F40] =	vst.add.f32.msk $0xffff, v10  }
0x1bd: {  	s20 =	sadd.s32 $0x1000, s20;
	[tilespmem:s10+$0x8F50] =	vst.add.f32.msk $0xffff, v11  }
0x1be: {  	(v2sf) =	vpush v3, $0x7;
	_ =	sdelay $0xe  }
0x1bf: {  	s14 =	spop (v2sf)  }
0x1c0: {  	s14 =	sadd.s32 $0xE, s14  }
0x1c1: {  	s20 =	sshll.u32 s14, $0xC;
	s14 =	sand.u32 $0x7, s14  }
0x1c2: {  	s20 =	sand.u32 $0xFFFF8000, s20;
	s14 =	sshll.u32 s14, $0x9  }
0x1c3: {  	s14 =	sor.u32 s14, s20  }
0x1c4: {  	s14 =	sshra.s32 s14, $0x2  }
0x1c5: {  	s14 =	sor.u32 $0xC70, s14  }
0x1c6: {  	v4 =	vmov s14;
	_ =	sdelay $0x3  }
0x1c7: {  	[tilespmem:s10+$0x8F60] =	vst.add.f32.msk $0xffff, v5;
	s10 =	simm.s32 $0x0  }
0x1c8: {  	v5 =	vld.idx.msk [tilespmem:v4+s10+$0x0 ss:$0x1], $0xffff  }
0x1c9: {  	v6 =	vld.idx.msk [tilespmem:v4+s10+$0xFFFFFF90 ss:$0x1], $0xffff  }
0x1ca: {  	v7 =	vld.idx.msk [tilespmem:v4+s10+$0xFFFFFFA0 ss:$0x1], $0xffff  }
0x1cb: {  	v8 =	vld.idx.msk [tilespmem:v4+s10+$0xFFFFFFB0 ss:$0x1], $0xffff  }
0x1cc: {  	v9 =	vld.idx.msk [tilespmem:v4+s10+$0xFFFFFFC0 ss:$0x1], $0xffff  }
0x1cd: {  	v10 =	vld.idx.msk [tilespmem:v4+s10+$0xFFFFFFD0 ss:$0x1], $0xffff  }
0x1ce: {  	v11 =	vld.idx.msk [tilespmem:v4+s10+$0xFFFFFFE0 ss:$0x1], $0xffff  }
0x1cf: {  	[tilespmem:s10+$0x8FF0] =	vst.add.f32.msk $0xffff, v5  }
0x1d0: {  	v5 =	vld.idx.msk [tilespmem:v4+s10+$0xFFFFFFF0 ss:$0x1], $0xffff  }
0x1d1: {  	[tilespmem:s10+$0x8F80] =	vst.add.f32.msk $0xffff, v6  }
0x1d2: {  	[tilespmem:s10+$0x8F90] =	vst.add.f32.msk $0xffff, v7  }
0x1d3: {  	[tilespmem:s10+$0x8FA0] =	vst.add.f32.msk $0xffff, v8  }
0x1d4: {  	[tilespmem:s10+$0x8FB0] =	vst.add.f32.msk $0xffff, v9  }
0x1d5: {  	[tilespmem:s10+$0x8FC0] =	vst.add.f32.msk $0xffff, v10  }
0x1d6: {  	s20 =	simm.s32 $0x1000;
	s14 =	simm.s32 $0x0;
	[tilespmem:s10+$0x8FD0] =	vst.add.f32.msk $0xffff, v11  }
.LBB2_25:
0x1d7: {  	s14 =	sadd.s32 $0x8, s14;
	[tilespmem:s10+$0x8FE0] =	vst.add.f32.msk $0xffff, v5;
	s10 =	sshra.s32 s20, $0x2  }
0x1d8: {  	v5 =	vld.idx.msk [tilespmem:v4+s10+$0x0 ss:$0x1], $0xffff;
	p0 =	slt.u32 s14, $0x38  }
0x1d9: {  	v6 =	vld.idx.msk [tilespmem:v4+s10+$0xFFFFFF90 ss:$0x1], $0xffff  }
0x1da: {  	v7 =	vld.idx.msk [tilespmem:v4+s10+$0xFFFFFFA0 ss:$0x1], $0xffff  }
0x1db: {  	v8 =	vld.idx.msk [tilespmem:v4+s10+$0xFFFFFFB0 ss:$0x1], $0xffff  }
0x1dc: {  	v9 =	vld.idx.msk [tilespmem:v4+s10+$0xFFFFFFC0 ss:$0x1], $0xffff  }
0x1dd: {  	v10 =	vld.idx.msk [tilespmem:v4+s10+$0xFFFFFFD0 ss:$0x1], $0xffff  }
0x1de: {  	[tilespmem:s10+$0x8FF0] =	vst.add.f32.msk $0xffff, v5  }
0x1df: {  	v11 =	vld.idx.msk [tilespmem:v4+s10+$0xFFFFFFE0 ss:$0x1], $0xffff  }
0x1e0: {  	v5 =	vld.idx.msk [tilespmem:v4+s10+$0xFFFFFFF0 ss:$0x1], $0xffff  }
0x1e1: {  	[tilespmem:s10+$0x8F80] =	vst.add.f32.msk $0xffff, v6  }
.Ltmp13:
0x1e2: {  	[tilespmem:s10+$0x8F90] =	vst.add.f32.msk $0xffff, v7;
	(pc) =	sbr.rel @p0 .LBB2_25-.Ltmp13, $4  }
0x1e3: {  	[tilespmem:s10+$0x8FA0] =	vst.add.f32.msk $0xffff, v8  }
0x1e4: {  	[tilespmem:s10+$0x8FB0] =	vst.add.f32.msk $0xffff, v9  }
0x1e5: {  	[tilespmem:s10+$0x8FC0] =	vst.add.f32.msk $0xffff, v10  }
0x1e6: {  	s20 =	sadd.s32 $0x1000, s20;
	[tilespmem:s10+$0x8FD0] =	vst.add.f32.msk $0xffff, v11  }
0x1e7: {  	(v2sf) =	vpush v3, $0x8;
	_ =	sdelay $0xe  }
0x1e8: {  	s14 =	spop (v2sf)  }
0x1e9: {  	s20 =	sshll.u32 s14, $0xC;
	s14 =	sand.u32 $0x7, s14  }
0x1ea: {  	s20 =	sand.u32 $0xFFFF8000, s20;
	s14 =	sshll.u32 s14, $0x9  }
0x1eb: {  	s14 =	sor.u32 s14, s20  }
0x1ec: {  	s14 =	sshra.s32 s14, $0x2  }
0x1ed: {  	s14 =	sor.u32 $0xC00, s14  }
0x1ee: {  	v4 =	vmov s14;
	_ =	sdelay $0x3  }
0x1ef: {  	[tilespmem:s10+$0x8FE0] =	vst.add.f32.msk $0xffff, v5;
	s10 =	simm.s32 $0x0  }
0x1f0: {  	v5 =	vld.idx.msk [tilespmem:v4+s10+$0x4070 ss:$0x1], $0xffff  }
0x1f1: {  	v6 =	vld.idx.msk [tilespmem:v4+s10+$0x4000 ss:$0x1], $0xffff  }
0x1f2: {  	v7 =	vld.idx.msk [tilespmem:v4+s10+$0x4010 ss:$0x1], $0xffff  }
0x1f3: {  	v8 =	vld.idx.msk [tilespmem:v4+s10+$0x4020 ss:$0x1], $0xffff  }
0x1f4: {  	v9 =	vld.idx.msk [tilespmem:v4+s10+$0x4030 ss:$0x1], $0xffff  }
0x1f5: {  	v10 =	vld.idx.msk [tilespmem:v4+s10+$0x4040 ss:$0x1], $0xffff  }
0x1f6: {  	v11 =	vld.idx.msk [tilespmem:v4+s10+$0x4050 ss:$0x1], $0xffff  }
0x1f7: {  	[tilespmem:s10+$0xAC70] =	vst.add.f32.msk $0xffff, v5  }
0x1f8: {  	v5 =	vld.idx.msk [tilespmem:v4+s10+$0x4060 ss:$0x1], $0xffff  }
0x1f9: {  	[tilespmem:s10+$0xAC00] =	vst.add.f32.msk $0xffff, v6  }
0x1fa: {  	[tilespmem:s10+$0xAC10] =	vst.add.f32.msk $0xffff, v7  }
0x1fb: {  	[tilespmem:s10+$0xAC20] =	vst.add.f32.msk $0xffff, v8  }
0x1fc: {  	[tilespmem:s10+$0xAC30] =	vst.add.f32.msk $0xffff, v9  }
0x1fd: {  	[tilespmem:s10+$0xAC40] =	vst.add.f32.msk $0xffff, v10  }
0x1fe: {  	s20 =	simm.s32 $0x1000;
	s14 =	simm.s32 $0x0;
	[tilespmem:s10+$0xAC50] =	vst.add.f32.msk $0xffff, v11  }
.LBB2_27:
0x1ff: {  	s14 =	sadd.s32 $0x8, s14;
	[tilespmem:s10+$0xAC60] =	vst.add.f32.msk $0xffff, v5;
	s10 =	sshra.s32 s20, $0x2  }
0x200: {  	v5 =	vld.idx.msk [tilespmem:v4+s10+$0x4070 ss:$0x1], $0xffff;
	p0 =	slt.u32 s14, $0x38  }
0x201: {  	v6 =	vld.idx.msk [tilespmem:v4+s10+$0x4000 ss:$0x1], $0xffff  }
0x202: {  	v7 =	vld.idx.msk [tilespmem:v4+s10+$0x4010 ss:$0x1], $0xffff  }
0x203: {  	v8 =	vld.idx.msk [tilespmem:v4+s10+$0x4020 ss:$0x1], $0xffff  }
0x204: {  	v9 =	vld.idx.msk [tilespmem:v4+s10+$0x4030 ss:$0x1], $0xffff  }
0x205: {  	v10 =	vld.idx.msk [tilespmem:v4+s10+$0x4040 ss:$0x1], $0xffff  }
0x206: {  	[tilespmem:s10+$0xAC70] =	vst.add.f32.msk $0xffff, v5  }
0x207: {  	v11 =	vld.idx.msk [tilespmem:v4+s10+$0x4050 ss:$0x1], $0xffff  }
0x208: {  	v5 =	vld.idx.msk [tilespmem:v4+s10+$0x4060 ss:$0x1], $0xffff  }
0x209: {  	[tilespmem:s10+$0xAC00] =	vst.add.f32.msk $0xffff, v6  }
.Ltmp14:
0x20a: {  	[tilespmem:s10+$0xAC10] =	vst.add.f32.msk $0xffff, v7;
	(pc) =	sbr.rel @p0 .LBB2_27-.Ltmp14, $4  }
0x20b: {  	[tilespmem:s10+$0xAC20] =	vst.add.f32.msk $0xffff, v8  }
0x20c: {  	[tilespmem:s10+$0xAC30] =	vst.add.f32.msk $0xffff, v9  }
0x20d: {  	[tilespmem:s10+$0xAC40] =	vst.add.f32.msk $0xffff, v10  }
0x20e: {  	s20 =	sadd.s32 $0x1000, s20;
	[tilespmem:s10+$0xAC50] =	vst.add.f32.msk $0xffff, v11  }
0x20f: {  	(v2sf) =	vpush v3, $0x9;
	_ =	sdelay $0xe  }
0x210: {  	s14 =	spop (v2sf)  }
0x211: {  	s14 =	sadd.s32 $0x12, s14  }
0x212: {  	s20 =	sshll.u32 s14, $0xC;
	s14 =	sand.u32 $0x7, s14  }
0x213: {  	s20 =	sand.u32 $0xFFFF8000, s20;
	s14 =	sshll.u32 s14, $0x9  }
0x214: {  	s14 =	sor.u32 s14, s20  }
0x215: {  	s14 =	sshra.s32 s14, $0x2  }
0x216: {  	s14 =	sor.u32 $0xC70, s14  }
0x217: {  	v4 =	vmov s14;
	_ =	sdelay $0x3  }
0x218: {  	[tilespmem:s10+$0xAC60] =	vst.add.f32.msk $0xffff, v5;
	s10 =	simm.s32 $0x0  }
0x219: {  	v5 =	vld.idx.msk [tilespmem:v4+s10+$0x0 ss:$0x1], $0xffff  }
0x21a: {  	v6 =	vld.idx.msk [tilespmem:v4+s10+$0xFFFFFF90 ss:$0x1], $0xffff  }
0x21b: {  	v7 =	vld.idx.msk [tilespmem:v4+s10+$0xFFFFFFA0 ss:$0x1], $0xffff  }
0x21c: {  	v8 =	vld.idx.msk [tilespmem:v4+s10+$0xFFFFFFB0 ss:$0x1], $0xffff  }
0x21d: {  	v9 =	vld.idx.msk [tilespmem:v4+s10+$0xFFFFFFC0 ss:$0x1], $0xffff  }
0x21e: {  	v10 =	vld.idx.msk [tilespmem:v4+s10+$0xFFFFFFD0 ss:$0x1], $0xffff  }
0x21f: {  	v11 =	vld.idx.msk [tilespmem:v4+s10+$0xFFFFFFE0 ss:$0x1], $0xffff  }
0x220: {  	[tilespmem:s10+$0xACF0] =	vst.add.f32.msk $0xffff, v5  }
0x221: {  	v5 =	vld.idx.msk [tilespmem:v4+s10+$0xFFFFFFF0 ss:$0x1], $0xffff  }
0x222: {  	[tilespmem:s10+$0xAC80] =	vst.add.f32.msk $0xffff, v6  }
0x223: {  	[tilespmem:s10+$0xAC90] =	vst.add.f32.msk $0xffff, v7  }
0x224: {  	[tilespmem:s10+$0xACA0] =	vst.add.f32.msk $0xffff, v8  }
0x225: {  	[tilespmem:s10+$0xACB0] =	vst.add.f32.msk $0xffff, v9  }
0x226: {  	[tilespmem:s10+$0xACC0] =	vst.add.f32.msk $0xffff, v10  }
0x227: {  	s20 =	simm.s32 $0x1000;
	s14 =	simm.s32 $0x0;
	[tilespmem:s10+$0xACD0] =	vst.add.f32.msk $0xffff, v11  }
.LBB2_29:
0x228: {  	s14 =	sadd.s32 $0x8, s14;
	[tilespmem:s10+$0xACE0] =	vst.add.f32.msk $0xffff, v5;
	s10 =	sshra.s32 s20, $0x2  }
0x229: {  	v5 =	vld.idx.msk [tilespmem:v4+s10+$0x0 ss:$0x1], $0xffff;
	p0 =	slt.u32 s14, $0x38  }
0x22a: {  	v6 =	vld.idx.msk [tilespmem:v4+s10+$0xFFFFFF90 ss:$0x1], $0xffff  }
0x22b: {  	v7 =	vld.idx.msk [tilespmem:v4+s10+$0xFFFFFFA0 ss:$0x1], $0xffff  }
0x22c: {  	v8 =	vld.idx.msk [tilespmem:v4+s10+$0xFFFFFFB0 ss:$0x1], $0xffff  }
0x22d: {  	v9 =	vld.idx.msk [tilespmem:v4+s10+$0xFFFFFFC0 ss:$0x1], $0xffff  }
0x22e: {  	v10 =	vld.idx.msk [tilespmem:v4+s10+$0xFFFFFFD0 ss:$0x1], $0xffff  }
0x22f: {  	[tilespmem:s10+$0xACF0] =	vst.add.f32.msk $0xffff, v5  }
0x230: {  	v11 =	vld.idx.msk [tilespmem:v4+s10+$0xFFFFFFE0 ss:$0x1], $0xffff  }
0x231: {  	v5 =	vld.idx.msk [tilespmem:v4+s10+$0xFFFFFFF0 ss:$0x1], $0xffff  }
0x232: {  	[tilespmem:s10+$0xAC80] =	vst.add.f32.msk $0xffff, v6  }
.Ltmp15:
0x233: {  	[tilespmem:s10+$0xAC90] =	vst.add.f32.msk $0xffff, v7;
	(pc) =	sbr.rel @p0 .LBB2_29-.Ltmp15, $4  }
0x234: {  	[tilespmem:s10+$0xACA0] =	vst.add.f32.msk $0xffff, v8  }
0x235: {  	[tilespmem:s10+$0xACB0] =	vst.add.f32.msk $0xffff, v9  }
0x236: {  	[tilespmem:s10+$0xACC0] =	vst.add.f32.msk $0xffff, v10  }
0x237: {  	s20 =	sadd.s32 $0x1000, s20;
	[tilespmem:s10+$0xACD0] =	vst.add.f32.msk $0xffff, v11  }
0x238: {  	(v2sf) =	vpush v3, $0xA;
	_ =	sdelay $0xe  }
0x239: {  	s14 =	spop (v2sf)  }
0x23a: {  	s14 =	sadd.s32 $0x14, s14  }
0x23b: {  	s20 =	sshll.u32 s14, $0xC;
	s14 =	sand.u32 $0x7, s14  }
0x23c: {  	s20 =	sand.u32 $0xFFFF8000, s20;
	s14 =	sshll.u32 s14, $0x9  }
0x23d: {  	s14 =	sor.u32 s14, s20  }
0x23e: {  	s14 =	sshra.s32 s14, $0x2  }
0x23f: {  	s14 =	sor.u32 $0xC70, s14  }
0x240: {  	v4 =	vmov s14;
	_ =	sdelay $0x3  }
0x241: {  	[tilespmem:s10+$0xACE0] =	vst.add.f32.msk $0xffff, v5;
	s10 =	simm.s32 $0x0  }
0x242: {  	v5 =	vld.idx.msk [tilespmem:v4+s10+$0x0 ss:$0x1], $0xffff  }
0x243: {  	v6 =	vld.idx.msk [tilespmem:v4+s10+$0xFFFFFF90 ss:$0x1], $0xffff  }
0x244: {  	v7 =	vld.idx.msk [tilespmem:v4+s10+$0xFFFFFFA0 ss:$0x1], $0xffff  }
0x245: {  	v8 =	vld.idx.msk [tilespmem:v4+s10+$0xFFFFFFB0 ss:$0x1], $0xffff  }
0x246: {  	v9 =	vld.idx.msk [tilespmem:v4+s10+$0xFFFFFFC0 ss:$0x1], $0xffff  }
0x247: {  	v10 =	vld.idx.msk [tilespmem:v4+s10+$0xFFFFFFD0 ss:$0x1], $0xffff  }
0x248: {  	v11 =	vld.idx.msk [tilespmem:v4+s10+$0xFFFFFFE0 ss:$0x1], $0xffff  }
0x249: {  	[tilespmem:s10+$0xAD70] =	vst.add.f32.msk $0xffff, v5  }
0x24a: {  	v5 =	vld.idx.msk [tilespmem:v4+s10+$0xFFFFFFF0 ss:$0x1], $0xffff  }
0x24b: {  	[tilespmem:s10+$0xAD00] =	vst.add.f32.msk $0xffff, v6  }
0x24c: {  	[tilespmem:s10+$0xAD10] =	vst.add.f32.msk $0xffff, v7  }
0x24d: {  	[tilespmem:s10+$0xAD20] =	vst.add.f32.msk $0xffff, v8  }
0x24e: {  	[tilespmem:s10+$0xAD30] =	vst.add.f32.msk $0xffff, v9  }
0x24f: {  	[tilespmem:s10+$0xAD40] =	vst.add.f32.msk $0xffff, v10  }
0x250: {  	s20 =	simm.s32 $0x1000;
	s14 =	simm.s32 $0x0;
	[tilespmem:s10+$0xAD50] =	vst.add.f32.msk $0xffff, v11  }
.LBB2_31:
0x251: {  	s14 =	sadd.s32 $0x8, s14;
	[tilespmem:s10+$0xAD60] =	vst.add.f32.msk $0xffff, v5;
	s10 =	sshra.s32 s20, $0x2  }
0x252: {  	v5 =	vld.idx.msk [tilespmem:v4+s10+$0x0 ss:$0x1], $0xffff;
	p0 =	slt.u32 s14, $0x38  }
0x253: {  	v6 =	vld.idx.msk [tilespmem:v4+s10+$0xFFFFFF90 ss:$0x1], $0xffff  }
0x254: {  	v7 =	vld.idx.msk [tilespmem:v4+s10+$0xFFFFFFA0 ss:$0x1], $0xffff  }
0x255: {  	v8 =	vld.idx.msk [tilespmem:v4+s10+$0xFFFFFFB0 ss:$0x1], $0xffff  }
0x256: {  	v9 =	vld.idx.msk [tilespmem:v4+s10+$0xFFFFFFC0 ss:$0x1], $0xffff  }
0x257: {  	v10 =	vld.idx.msk [tilespmem:v4+s10+$0xFFFFFFD0 ss:$0x1], $0xffff  }
0x258: {  	[tilespmem:s10+$0xAD70] =	vst.add.f32.msk $0xffff, v5  }
0x259: {  	v11 =	vld.idx.msk [tilespmem:v4+s10+$0xFFFFFFE0 ss:$0x1], $0xffff  }
0x25a: {  	v5 =	vld.idx.msk [tilespmem:v4+s10+$0xFFFFFFF0 ss:$0x1], $0xffff  }
0x25b: {  	[tilespmem:s10+$0xAD00] =	vst.add.f32.msk $0xffff, v6  }
.Ltmp16:
0x25c: {  	[tilespmem:s10+$0xAD10] =	vst.add.f32.msk $0xffff, v7;
	(pc) =	sbr.rel @p0 .LBB2_31-.Ltmp16, $4  }
0x25d: {  	[tilespmem:s10+$0xAD20] =	vst.add.f32.msk $0xffff, v8  }
0x25e: {  	[tilespmem:s10+$0xAD30] =	vst.add.f32.msk $0xffff, v9  }
0x25f: {  	[tilespmem:s10+$0xAD40] =	vst.add.f32.msk $0xffff, v10  }
0x260: {  	s20 =	sadd.s32 $0x1000, s20;
	[tilespmem:s10+$0xAD50] =	vst.add.f32.msk $0xffff, v11  }
0x261: {  	(v2sf) =	vpush v3, $0xB;
	_ =	sdelay $0xe  }
0x262: {  	s14 =	spop (v2sf)  }
0x263: {  	s14 =	sadd.s32 $0x16, s14  }
0x264: {  	s20 =	sshll.u32 s14, $0xC;
	s14 =	sand.u32 $0x7, s14  }
0x265: {  	s20 =	sand.u32 $0xFFFF8000, s20;
	s14 =	sshll.u32 s14, $0x9  }
0x266: {  	s14 =	sor.u32 s14, s20  }
0x267: {  	s14 =	sshra.s32 s14, $0x2  }
0x268: {  	s14 =	sor.u32 $0xC70, s14  }
0x269: {  	v4 =	vmov s14;
	_ =	sdelay $0x3  }
0x26a: {  	[tilespmem:s10+$0xAD60] =	vst.add.f32.msk $0xffff, v5;
	s10 =	simm.s32 $0x0  }
0x26b: {  	v5 =	vld.idx.msk [tilespmem:v4+s10+$0x0 ss:$0x1], $0xffff  }
0x26c: {  	v6 =	vld.idx.msk [tilespmem:v4+s10+$0xFFFFFF90 ss:$0x1], $0xffff  }
0x26d: {  	v7 =	vld.idx.msk [tilespmem:v4+s10+$0xFFFFFFA0 ss:$0x1], $0xffff  }
0x26e: {  	v8 =	vld.idx.msk [tilespmem:v4+s10+$0xFFFFFFB0 ss:$0x1], $0xffff  }
0x26f: {  	v9 =	vld.idx.msk [tilespmem:v4+s10+$0xFFFFFFC0 ss:$0x1], $0xffff  }
0x270: {  	v10 =	vld.idx.msk [tilespmem:v4+s10+$0xFFFFFFD0 ss:$0x1], $0xffff  }
0x271: {  	v11 =	vld.idx.msk [tilespmem:v4+s10+$0xFFFFFFE0 ss:$0x1], $0xffff  }
0x272: {  	[tilespmem:s10+$0xADF0] =	vst.add.f32.msk $0xffff, v5  }
0x273: {  	v5 =	vld.idx.msk [tilespmem:v4+s10+$0xFFFFFFF0 ss:$0x1], $0xffff  }
0x274: {  	[tilespmem:s10+$0xAD80] =	vst.add.f32.msk $0xffff, v6  }
0x275: {  	[tilespmem:s10+$0xAD90] =	vst.add.f32.msk $0xffff, v7  }
0x276: {  	[tilespmem:s10+$0xADA0] =	vst.add.f32.msk $0xffff, v8  }
0x277: {  	[tilespmem:s10+$0xADB0] =	vst.add.f32.msk $0xffff, v9  }
0x278: {  	[tilespmem:s10+$0xADC0] =	vst.add.f32.msk $0xffff, v10  }
0x279: {  	s20 =	simm.s32 $0x1000;
	s14 =	simm.s32 $0x0;
	[tilespmem:s10+$0xADD0] =	vst.add.f32.msk $0xffff, v11  }
.LBB2_33:
0x27a: {  	s14 =	sadd.s32 $0x8, s14;
	[tilespmem:s10+$0xADE0] =	vst.add.f32.msk $0xffff, v5;
	s10 =	sshra.s32 s20, $0x2  }
0x27b: {  	v5 =	vld.idx.msk [tilespmem:v4+s10+$0x0 ss:$0x1], $0xffff;
	p0 =	slt.u32 s14, $0x38  }
0x27c: {  	v6 =	vld.idx.msk [tilespmem:v4+s10+$0xFFFFFF90 ss:$0x1], $0xffff  }
0x27d: {  	v7 =	vld.idx.msk [tilespmem:v4+s10+$0xFFFFFFA0 ss:$0x1], $0xffff  }
0x27e: {  	v8 =	vld.idx.msk [tilespmem:v4+s10+$0xFFFFFFB0 ss:$0x1], $0xffff  }
0x27f: {  	v9 =	vld.idx.msk [tilespmem:v4+s10+$0xFFFFFFC0 ss:$0x1], $0xffff  }
0x280: {  	v10 =	vld.idx.msk [tilespmem:v4+s10+$0xFFFFFFD0 ss:$0x1], $0xffff  }
0x281: {  	[tilespmem:s10+$0xADF0] =	vst.add.f32.msk $0xffff, v5  }
0x282: {  	v11 =	vld.idx.msk [tilespmem:v4+s10+$0xFFFFFFE0 ss:$0x1], $0xffff  }
0x283: {  	v5 =	vld.idx.msk [tilespmem:v4+s10+$0xFFFFFFF0 ss:$0x1], $0xffff  }
0x284: {  	[tilespmem:s10+$0xAD80] =	vst.add.f32.msk $0xffff, v6  }
.Ltmp17:
0x285: {  	[tilespmem:s10+$0xAD90] =	vst.add.f32.msk $0xffff, v7;
	(pc) =	sbr.rel @p0 .LBB2_33-.Ltmp17, $4  }
0x286: {  	[tilespmem:s10+$0xADA0] =	vst.add.f32.msk $0xffff, v8  }
0x287: {  	[tilespmem:s10+$0xADB0] =	vst.add.f32.msk $0xffff, v9  }
0x288: {  	[tilespmem:s10+$0xADC0] =	vst.add.f32.msk $0xffff, v10  }
0x289: {  	s20 =	sadd.s32 $0x1000, s20;
	[tilespmem:s10+$0xADD0] =	vst.add.f32.msk $0xffff, v11  }
0x28a: {  	(v2sf) =	vpush v3, $0xC;
	_ =	sdelay $0xe  }
0x28b: {  	s14 =	spop (v2sf)  }
0x28c: {  	s20 =	sshll.u32 s14, $0xC;
	s14 =	sand.u32 $0x7, s14  }
0x28d: {  	s20 =	sand.u32 $0xFFFF8000, s20;
	s14 =	sshll.u32 s14, $0x9  }
0x28e: {  	s14 =	sor.u32 s14, s20  }
0x28f: {  	s14 =	sshra.s32 s14, $0x2  }
0x290: {  	s14 =	sor.u32 $0xC00, s14  }
0x291: {  	v4 =	vmov s14;
	_ =	sdelay $0x3  }
0x292: {  	[tilespmem:s10+$0xADE0] =	vst.add.f32.msk $0xffff, v5;
	s10 =	simm.s32 $0x0  }
0x293: {  	v5 =	vld.idx.msk [tilespmem:v4+s10+$0x6070 ss:$0x1], $0xffff  }
0x294: {  	v6 =	vld.idx.msk [tilespmem:v4+s10+$0x6000 ss:$0x1], $0xffff  }
0x295: {  	v7 =	vld.idx.msk [tilespmem:v4+s10+$0x6010 ss:$0x1], $0xffff  }
0x296: {  	v8 =	vld.idx.msk [tilespmem:v4+s10+$0x6020 ss:$0x1], $0xffff  }
0x297: {  	v9 =	vld.idx.msk [tilespmem:v4+s10+$0x6030 ss:$0x1], $0xffff  }
0x298: {  	v10 =	vld.idx.msk [tilespmem:v4+s10+$0x6040 ss:$0x1], $0xffff  }
0x299: {  	v11 =	vld.idx.msk [tilespmem:v4+s10+$0x6050 ss:$0x1], $0xffff  }
0x29a: {  	[tilespmem:s10+$0xAE70] =	vst.add.f32.msk $0xffff, v5  }
0x29b: {  	v5 =	vld.idx.msk [tilespmem:v4+s10+$0x6060 ss:$0x1], $0xffff  }
0x29c: {  	[tilespmem:s10+$0xAE00] =	vst.add.f32.msk $0xffff, v6  }
0x29d: {  	[tilespmem:s10+$0xAE10] =	vst.add.f32.msk $0xffff, v7  }
0x29e: {  	[tilespmem:s10+$0xAE20] =	vst.add.f32.msk $0xffff, v8  }
0x29f: {  	[tilespmem:s10+$0xAE30] =	vst.add.f32.msk $0xffff, v9  }
0x2a0: {  	[tilespmem:s10+$0xAE40] =	vst.add.f32.msk $0xffff, v10  }
0x2a1: {  	s20 =	simm.s32 $0x1000;
	s14 =	simm.s32 $0x0;
	[tilespmem:s10+$0xAE50] =	vst.add.f32.msk $0xffff, v11  }
.LBB2_35:
0x2a2: {  	s14 =	sadd.s32 $0x8, s14;
	[tilespmem:s10+$0xAE60] =	vst.add.f32.msk $0xffff, v5;
	s10 =	sshra.s32 s20, $0x2  }
0x2a3: {  	v5 =	vld.idx.msk [tilespmem:v4+s10+$0x6070 ss:$0x1], $0xffff;
	p0 =	slt.u32 s14, $0x38  }
0x2a4: {  	v6 =	vld.idx.msk [tilespmem:v4+s10+$0x6000 ss:$0x1], $0xffff  }
0x2a5: {  	v7 =	vld.idx.msk [tilespmem:v4+s10+$0x6010 ss:$0x1], $0xffff  }
0x2a6: {  	v8 =	vld.idx.msk [tilespmem:v4+s10+$0x6020 ss:$0x1], $0xffff  }
0x2a7: {  	v9 =	vld.idx.msk [tilespmem:v4+s10+$0x6030 ss:$0x1], $0xffff  }
0x2a8: {  	v10 =	vld.idx.msk [tilespmem:v4+s10+$0x6040 ss:$0x1], $0xffff  }
0x2a9: {  	[tilespmem:s10+$0xAE70] =	vst.add.f32.msk $0xffff, v5  }
0x2aa: {  	v11 =	vld.idx.msk [tilespmem:v4+s10+$0x6050 ss:$0x1], $0xffff  }
0x2ab: {  	v5 =	vld.idx.msk [tilespmem:v4+s10+$0x6060 ss:$0x1], $0xffff  }
0x2ac: {  	[tilespmem:s10+$0xAE00] =	vst.add.f32.msk $0xffff, v6  }
.Ltmp18:
0x2ad: {  	[tilespmem:s10+$0xAE10] =	vst.add.f32.msk $0xffff, v7;
	(pc) =	sbr.rel @p0 .LBB2_35-.Ltmp18, $4  }
0x2ae: {  	[tilespmem:s10+$0xAE20] =	vst.add.f32.msk $0xffff, v8  }
0x2af: {  	[tilespmem:s10+$0xAE30] =	vst.add.f32.msk $0xffff, v9  }
0x2b0: {  	[tilespmem:s10+$0xAE40] =	vst.add.f32.msk $0xffff, v10  }
0x2b1: {  	s20 =	sadd.s32 $0x1000, s20;
	[tilespmem:s10+$0xAE50] =	vst.add.f32.msk $0xffff, v11  }
0x2b2: {  	(v2sf) =	vpush v3, $0xD;
	_ =	sdelay $0xe  }
0x2b3: {  	s14 =	spop (v2sf)  }
0x2b4: {  	s14 =	sadd.s32 $0x1A, s14  }
0x2b5: {  	s20 =	sshll.u32 s14, $0xC;
	s14 =	sand.u32 $0x7, s14  }
0x2b6: {  	s20 =	sand.u32 $0xFFFF8000, s20;
	s14 =	sshll.u32 s14, $0x9  }
0x2b7: {  	s14 =	sor.u32 s14, s20  }
0x2b8: {  	s14 =	sshra.s32 s14, $0x2  }
0x2b9: {  	s14 =	sor.u32 $0xC70, s14  }
0x2ba: {  	v4 =	vmov s14;
	_ =	sdelay $0x3  }
0x2bb: {  	[tilespmem:s10+$0xAE60] =	vst.add.f32.msk $0xffff, v5;
	s10 =	simm.s32 $0x0  }
0x2bc: {  	v5 =	vld.idx.msk [tilespmem:v4+s10+$0x0 ss:$0x1], $0xffff  }
0x2bd: {  	v6 =	vld.idx.msk [tilespmem:v4+s10+$0xFFFFFF90 ss:$0x1], $0xffff  }
0x2be: {  	v7 =	vld.idx.msk [tilespmem:v4+s10+$0xFFFFFFA0 ss:$0x1], $0xffff  }
0x2bf: {  	v8 =	vld.idx.msk [tilespmem:v4+s10+$0xFFFFFFB0 ss:$0x1], $0xffff  }
0x2c0: {  	v9 =	vld.idx.msk [tilespmem:v4+s10+$0xFFFFFFC0 ss:$0x1], $0xffff  }
0x2c1: {  	v10 =	vld.idx.msk [tilespmem:v4+s10+$0xFFFFFFD0 ss:$0x1], $0xffff  }
0x2c2: {  	v11 =	vld.idx.msk [tilespmem:v4+s10+$0xFFFFFFE0 ss:$0x1], $0xffff  }
0x2c3: {  	[tilespmem:s10+$0xAEF0] =	vst.add.f32.msk $0xffff, v5  }
0x2c4: {  	v5 =	vld.idx.msk [tilespmem:v4+s10+$0xFFFFFFF0 ss:$0x1], $0xffff  }
0x2c5: {  	[tilespmem:s10+$0xAE80] =	vst.add.f32.msk $0xffff, v6  }
0x2c6: {  	[tilespmem:s10+$0xAE90] =	vst.add.f32.msk $0xffff, v7  }
0x2c7: {  	[tilespmem:s10+$0xAEA0] =	vst.add.f32.msk $0xffff, v8  }
0x2c8: {  	[tilespmem:s10+$0xAEB0] =	vst.add.f32.msk $0xffff, v9  }
0x2c9: {  	[tilespmem:s10+$0xAEC0] =	vst.add.f32.msk $0xffff, v10  }
0x2ca: {  	s20 =	simm.s32 $0x1000;
	s14 =	simm.s32 $0x0;
	[tilespmem:s10+$0xAED0] =	vst.add.f32.msk $0xffff, v11  }
.LBB2_37:
0x2cb: {  	s14 =	sadd.s32 $0x8, s14;
	[tilespmem:s10+$0xAEE0] =	vst.add.f32.msk $0xffff, v5;
	s10 =	sshra.s32 s20, $0x2  }
0x2cc: {  	v5 =	vld.idx.msk [tilespmem:v4+s10+$0x0 ss:$0x1], $0xffff;
	p0 =	slt.u32 s14, $0x38  }
0x2cd: {  	v6 =	vld.idx.msk [tilespmem:v4+s10+$0xFFFFFF90 ss:$0x1], $0xffff  }
0x2ce: {  	v7 =	vld.idx.msk [tilespmem:v4+s10+$0xFFFFFFA0 ss:$0x1], $0xffff  }
0x2cf: {  	v8 =	vld.idx.msk [tilespmem:v4+s10+$0xFFFFFFB0 ss:$0x1], $0xffff  }
0x2d0: {  	v9 =	vld.idx.msk [tilespmem:v4+s10+$0xFFFFFFC0 ss:$0x1], $0xffff  }
0x2d1: {  	v10 =	vld.idx.msk [tilespmem:v4+s10+$0xFFFFFFD0 ss:$0x1], $0xffff  }
0x2d2: {  	[tilespmem:s10+$0xAEF0] =	vst.add.f32.msk $0xffff, v5  }
0x2d3: {  	v11 =	vld.idx.msk [tilespmem:v4+s10+$0xFFFFFFE0 ss:$0x1], $0xffff  }
0x2d4: {  	v5 =	vld.idx.msk [tilespmem:v4+s10+$0xFFFFFFF0 ss:$0x1], $0xffff  }
0x2d5: {  	[tilespmem:s10+$0xAE80] =	vst.add.f32.msk $0xffff, v6  }
.Ltmp19:
0x2d6: {  	[tilespmem:s10+$0xAE90] =	vst.add.f32.msk $0xffff, v7;
	(pc) =	sbr.rel @p0 .LBB2_37-.Ltmp19, $4  }
0x2d7: {  	[tilespmem:s10+$0xAEA0] =	vst.add.f32.msk $0xffff, v8  }
0x2d8: {  	[tilespmem:s10+$0xAEB0] =	vst.add.f32.msk $0xffff, v9  }
0x2d9: {  	[tilespmem:s10+$0xAEC0] =	vst.add.f32.msk $0xffff, v10  }
0x2da: {  	s20 =	sadd.s32 $0x1000, s20;
	[tilespmem:s10+$0xAED0] =	vst.add.f32.msk $0xffff, v11  }
0x2db: {  	(v2sf) =	vpush v3, $0xE;
	_ =	sdelay $0xe  }
0x2dc: {  	s14 =	spop (v2sf)  }
0x2dd: {  	s14 =	sadd.s32 $0x1C, s14  }
0x2de: {  	s20 =	sshll.u32 s14, $0xC;
	s14 =	sand.u32 $0x7, s14  }
0x2df: {  	s20 =	sand.u32 $0xFFFF8000, s20;
	s14 =	sshll.u32 s14, $0x9  }
0x2e0: {  	s14 =	sor.u32 s14, s20  }
0x2e1: {  	s14 =	sshra.s32 s14, $0x2  }
0x2e2: {  	s14 =	sor.u32 $0xC70, s14  }
0x2e3: {  	v4 =	vmov s14;
	_ =	sdelay $0x3  }
0x2e4: {  	[tilespmem:s10+$0xAEE0] =	vst.add.f32.msk $0xffff, v5;
	s10 =	simm.s32 $0x0  }
0x2e5: {  	v5 =	vld.idx.msk [tilespmem:v4+s10+$0x0 ss:$0x1], $0xffff  }
0x2e6: {  	v6 =	vld.idx.msk [tilespmem:v4+s10+$0xFFFFFF90 ss:$0x1], $0xffff  }
0x2e7: {  	v7 =	vld.idx.msk [tilespmem:v4+s10+$0xFFFFFFA0 ss:$0x1], $0xffff  }
0x2e8: {  	v8 =	vld.idx.msk [tilespmem:v4+s10+$0xFFFFFFB0 ss:$0x1], $0xffff  }
0x2e9: {  	v9 =	vld.idx.msk [tilespmem:v4+s10+$0xFFFFFFC0 ss:$0x1], $0xffff  }
0x2ea: {  	v10 =	vld.idx.msk [tilespmem:v4+s10+$0xFFFFFFD0 ss:$0x1], $0xffff  }
0x2eb: {  	v11 =	vld.idx.msk [tilespmem:v4+s10+$0xFFFFFFE0 ss:$0x1], $0xffff  }
0x2ec: {  	[tilespmem:s10+$0xAF70] =	vst.add.f32.msk $0xffff, v5  }
0x2ed: {  	v5 =	vld.idx.msk [tilespmem:v4+s10+$0xFFFFFFF0 ss:$0x1], $0xffff  }
0x2ee: {  	[tilespmem:s10+$0xAF00] =	vst.add.f32.msk $0xffff, v6  }
0x2ef: {  	[tilespmem:s10+$0xAF10] =	vst.add.f32.msk $0xffff, v7  }
0x2f0: {  	[tilespmem:s10+$0xAF20] =	vst.add.f32.msk $0xffff, v8  }
0x2f1: {  	[tilespmem:s10+$0xAF30] =	vst.add.f32.msk $0xffff, v9  }
0x2f2: {  	[tilespmem:s10+$0xAF40] =	vst.add.f32.msk $0xffff, v10  }
0x2f3: {  	s20 =	simm.s32 $0x1000;
	s14 =	simm.s32 $0x0;
	[tilespmem:s10+$0xAF50] =	vst.add.f32.msk $0xffff, v11  }
.LBB2_39:
0x2f4: {  	s14 =	sadd.s32 $0x8, s14;
	[tilespmem:s10+$0xAF60] =	vst.add.f32.msk $0xffff, v5;
	s10 =	sshra.s32 s20, $0x2  }
0x2f5: {  	v5 =	vld.idx.msk [tilespmem:v4+s10+$0x0 ss:$0x1], $0xffff;
	p0 =	slt.u32 s14, $0x38  }
0x2f6: {  	v6 =	vld.idx.msk [tilespmem:v4+s10+$0xFFFFFF90 ss:$0x1], $0xffff  }
0x2f7: {  	v7 =	vld.idx.msk [tilespmem:v4+s10+$0xFFFFFFA0 ss:$0x1], $0xffff  }
0x2f8: {  	v8 =	vld.idx.msk [tilespmem:v4+s10+$0xFFFFFFB0 ss:$0x1], $0xffff  }
0x2f9: {  	v9 =	vld.idx.msk [tilespmem:v4+s10+$0xFFFFFFC0 ss:$0x1], $0xffff  }
0x2fa: {  	v10 =	vld.idx.msk [tilespmem:v4+s10+$0xFFFFFFD0 ss:$0x1], $0xffff  }
0x2fb: {  	[tilespmem:s10+$0xAF70] =	vst.add.f32.msk $0xffff, v5  }
0x2fc: {  	v11 =	vld.idx.msk [tilespmem:v4+s10+$0xFFFFFFE0 ss:$0x1], $0xffff  }
0x2fd: {  	v5 =	vld.idx.msk [tilespmem:v4+s10+$0xFFFFFFF0 ss:$0x1], $0xffff  }
0x2fe: {  	[tilespmem:s10+$0xAF00] =	vst.add.f32.msk $0xffff, v6  }
.Ltmp20:
0x2ff: {  	[tilespmem:s10+$0xAF10] =	vst.add.f32.msk $0xffff, v7;
	(pc) =	sbr.rel @p0 .LBB2_39-.Ltmp20, $4  }
0x300: {  	[tilespmem:s10+$0xAF20] =	vst.add.f32.msk $0xffff, v8  }
0x301: {  	[tilespmem:s10+$0xAF30] =	vst.add.f32.msk $0xffff, v9  }
0x302: {  	[tilespmem:s10+$0xAF40] =	vst.add.f32.msk $0xffff, v10  }
0x303: {  	s20 =	sadd.s32 $0x1000, s20;
	[tilespmem:s10+$0xAF50] =	vst.add.f32.msk $0xffff, v11  }
0x304: {  	(v2sf) =	vpush v3, $0xF;
	_ =	sdelay $0xe  }
0x305: {  	s14 =	spop (v2sf)  }
0x306: {  	s14 =	sadd.s32 $0x1E, s14  }
0x307: {  	s20 =	sshll.u32 s14, $0xC;
	s14 =	sand.u32 $0x7, s14  }
0x308: {  	s20 =	sand.u32 $0xFFFF8000, s20;
	s14 =	sshll.u32 s14, $0x9  }
0x309: {  	s14 =	sor.u32 s14, s20  }
0x30a: {  	s14 =	sshra.s32 s14, $0x2  }
0x30b: {  	s14 =	sor.u32 $0xC70, s14  }
0x30c: {  	v3 =	vmov s14;
	_ =	sdelay $0x3  }
0x30d: {  	[tilespmem:s10+$0xAF60] =	vst.add.f32.msk $0xffff, v5;
	s10 =	simm.s32 $0x0  }
0x30e: {  	v4 =	vld.idx.msk [tilespmem:v3+s10+$0x0 ss:$0x1], $0xffff  }
0x30f: {  	v5 =	vld.idx.msk [tilespmem:v3+s10+$0xFFFFFF90 ss:$0x1], $0xffff  }
0x310: {  	v6 =	vld.idx.msk [tilespmem:v3+s10+$0xFFFFFFA0 ss:$0x1], $0xffff  }
0x311: {  	v7 =	vld.idx.msk [tilespmem:v3+s10+$0xFFFFFFB0 ss:$0x1], $0xffff  }
0x312: {  	v8 =	vld.idx.msk [tilespmem:v3+s10+$0xFFFFFFC0 ss:$0x1], $0xffff  }
0x313: {  	v9 =	vld.idx.msk [tilespmem:v3+s10+$0xFFFFFFD0 ss:$0x1], $0xffff  }
0x314: {  	v10 =	vld.idx.msk [tilespmem:v3+s10+$0xFFFFFFE0 ss:$0x1], $0xffff  }
0x315: {  	[tilespmem:s10+$0xAFF0] =	vst.add.f32.msk $0xffff, v4  }
0x316: {  	v4 =	vld.idx.msk [tilespmem:v3+s10+$0xFFFFFFF0 ss:$0x1], $0xffff  }
0x317: {  	[tilespmem:s10+$0xAF80] =	vst.add.f32.msk $0xffff, v5  }
0x318: {  	[tilespmem:s10+$0xAF90] =	vst.add.f32.msk $0xffff, v6  }
0x319: {  	[tilespmem:s10+$0xAFA0] =	vst.add.f32.msk $0xffff, v7  }
0x31a: {  	[tilespmem:s10+$0xAFB0] =	vst.add.f32.msk $0xffff, v8  }
0x31b: {  	[tilespmem:s10+$0xAFC0] =	vst.add.f32.msk $0xffff, v9  }
0x31c: {  	s20 =	simm.s32 $0x1000;
	s14 =	simm.s32 $0x0;
	[tilespmem:s10+$0xAFD0] =	vst.add.f32.msk $0xffff, v10  }
.LBB2_41:
0x31d: {  	s14 =	sadd.s32 $0x8, s14;
	[tilespmem:s10+$0xAFE0] =	vst.add.f32.msk $0xffff, v4;
	s10 =	sshra.s32 s20, $0x2  }
0x31e: {  	v4 =	vld.idx.msk [tilespmem:v3+s10+$0x0 ss:$0x1], $0xffff;
	p0 =	slt.u32 s14, $0x38  }
0x31f: {  	v5 =	vld.idx.msk [tilespmem:v3+s10+$0xFFFFFF90 ss:$0x1], $0xffff  }
0x320: {  	v6 =	vld.idx.msk [tilespmem:v3+s10+$0xFFFFFFA0 ss:$0x1], $0xffff  }
0x321: {  	v7 =	vld.idx.msk [tilespmem:v3+s10+$0xFFFFFFB0 ss:$0x1], $0xffff  }
0x322: {  	v8 =	vld.idx.msk [tilespmem:v3+s10+$0xFFFFFFC0 ss:$0x1], $0xffff  }
0x323: {  	v9 =	vld.idx.msk [tilespmem:v3+s10+$0xFFFFFFD0 ss:$0x1], $0xffff  }
0x324: {  	[tilespmem:s10+$0xAFF0] =	vst.add.f32.msk $0xffff, v4  }
0x325: {  	v10 =	vld.idx.msk [tilespmem:v3+s10+$0xFFFFFFE0 ss:$0x1], $0xffff  }
0x326: {  	v4 =	vld.idx.msk [tilespmem:v3+s10+$0xFFFFFFF0 ss:$0x1], $0xffff  }
0x327: {  	[tilespmem:s10+$0xAF80] =	vst.add.f32.msk $0xffff, v5  }
.Ltmp21:
0x328: {  	[tilespmem:s10+$0xAF90] =	vst.add.f32.msk $0xffff, v6;
	(pc) =	sbr.rel @p0 .LBB2_41-.Ltmp21, $4  }
0x329: {  	[tilespmem:s10+$0xAFA0] =	vst.add.f32.msk $0xffff, v7  }
0x32a: {  	[tilespmem:s10+$0xAFB0] =	vst.add.f32.msk $0xffff, v8  }
0x32b: {  	[tilespmem:s10+$0xAFC0] =	vst.add.f32.msk $0xffff, v9  }
0x32c: {  	s20 =	sadd.s32 $0x1000, s20;
	[tilespmem:s10+$0xAFD0] =	vst.add.f32.msk $0xffff, v10  }
0x32d: {  	s14 =	sshll.u32 s17, $0x12;
	p0 =	seq.s32 s17, $0x0  }
0x32e: {  	[tilespmem:s10+$0xAFE0] =	vst.add.f32.msk $0xffff, v4;
	s20 =	sshll.u32 s17, $0x2;
	s21 =	sadd.s32 s14, s9;
	s10 =	simm.s32 @!p0 $0x8  }
0x32f: {  	[hbm4b:s21+s4] =	stream.linear.scatter [tilespmem:s13], [sflag:$0x6], $0x4000, $0x38;
	[tilespmem:$0x18C00] =	vst v63  }
0x330: {  	s21 =	sor.u32 $0x2, s20;
	_ =	swait.ge @!p0 [sflag:s10], $0x4000  }
0x331: {  	s22 =	sshll.u32 s21, $0x6;
	[sflag:s10] =	ssyncset.done @!p0 $0x0  }
0x332: {  	[sflag:s10] =	ssyncadd.s32 @!p0 $0xFFFFC000;
	s10 =	sshrl.u32 s22, $0x2  }
0x333: {  	v3 =	vld [tilespmem:s10+$0x0];
	_ =	sdelay $0x4  }
0x334: {  	v4 =	vshll.u32 v3, $0x3  }
0x335: {  	v3 =	vand.u32 $0x7, v3;
	v4 =	vand.u32 $0xFFFFFFC0, v4  }
0x336: {  	v3 =	vor.u32 v3, v4  }
0x337: {  	v4 =	vperm.xlane v3, v0;
	_ =	sdelay $0x1  }
0x338: {  	v4 =	vadd.s32 v1, v4;
	_ =	sdelay $0x3  }
0x339: {  	s14 =	simm.s32 $0x0  }
0x33a: {  	[tilespmem:s3], [sflag:$0x4] =	stream.indirect_vreg.gather [hbm4b:s1+s14], $0x80, v4, vm0, $0xb8;
	[tilespmem:$0x18C00] =	vst v63  }
0x33b: {  	s22 =	simm.s32 $0x11400;
	v3 =	vperm.xlane v3, v2  }
0x33c: {  	[tilespmem:s22], [sflag:$0x4] =	stream.indirect_vreg.gather [hbm4b:s6+s14], $0x80, v4, vm0, $0xb8;
	[tilespmem:$0x18C00] =	vst v63  }
0x33d: {  	s25 =	simm.s32 $0x11C00;
	v3 =	vadd.s32 v1, v3  }
0x33e: {  	[tilespmem:s25], [sflag:$0x4] =	stream.indirect_vreg.gather [hbm4b:s7+s14], $0x80, v4, vm0, $0xb8;
	[tilespmem:$0x18C00] =	vst v63  }
0x33f: {  	s26 =	simm.s32 $0x12400  }
0x340: {  	[tilespmem:s26], [sflag:$0x4] =	stream.indirect_vreg.gather [hbm4b:s8+s14], $0x80, v4, vm0, $0xb8;
	[tilespmem:$0x18C00] =	vst v63  }
0x341: {  	s25 =	simm.s32 $0x12C00  }
0x342: {  	[tilespmem:s25], [sflag:$0x4] =	stream.indirect_vreg.gather [hbm4b:s1+s14], $0x80, v3, vm0, $0xb8;
	[tilespmem:$0x18C00] =	vst v63  }
0x343: {  	s26 =	simm.s32 $0x13400  }
0x344: {  	[tilespmem:s26], [sflag:$0x4] =	stream.indirect_vreg.gather [hbm4b:s6+s14], $0x80, v3, vm0, $0xb8;
	[tilespmem:$0x18C00] =	vst v63  }
0x345: {  	s25 =	simm.s32 $0x13C00  }
0x346: {  	[tilespmem:s25], [sflag:$0x4] =	stream.indirect_vreg.gather [hbm4b:s7+s14], $0x80, v3, vm0, $0xb8;
	[tilespmem:$0x18C00] =	vst v63  }
0x347: {  	s26 =	simm.s32 $0x14400  }
0x348: {  	[tilespmem:s26], [sflag:$0x4] =	stream.indirect_vreg.gather [hbm4b:s8+s14], $0x80, v3, vm0, $0xb8;
	[tilespmem:$0x18C00] =	vst v63  }
0x349: {  	s22 =	sor.u32 $0x1, s20;
	_ =	swait.ge [sflag:s23], $0x4000  }
0x34a: {  	s25 =	sshll.u32 s22, $0x4;
	[sflag:s23] =	ssyncset.done $0x0  }
0x34b: {  	s14 =	sand.u32 $0x3FFFFFF0, s25;
	[sflag:s23] =	ssyncadd.s32 $0xFFFFC000  }
0x34c: {  	v3 =	vld [tilespmem:s14+$0x200];
	_ =	sdelay $0x4  }
0x34d: {  	(v2sf) =	vpush v3, $0x0;
	_ =	sdelay $0xe  }
0x34e: {  	s26 =	spop (v2sf)  }
0x34f: {  	s25 =	sshll.u32 s26, $0xC;
	s14 =	sand.u32 $0x7, s26  }
0x350: {  	s25 =	sand.u32 $0xFFFF8000, s25;
	s14 =	sshll.u32 s14, $0x9  }
0x351: {  	s14 =	sor.u32 s14, s25  }
0x352: {  	s14 =	sshra.s32 s14, $0x2  }
0x353: {  	s14 =	sor.u32 $0xC70, s14  }
0x354: {  	v4 =	vmov s14;
	_ =	sdelay $0x3  }
0x355: {  	s14 =	simm.s32 $0x0  }
0x356: {  	v5 =	vld.idx.msk [tilespmem:v4+s14+$0x0 ss:$0x1], $0xffff  }
0x357: {  	v6 =	vld.idx.msk [tilespmem:v4+s14+$0xFFFFFF90 ss:$0x1], $0xffff  }
0x358: {  	v7 =	vld.idx.msk [tilespmem:v4+s14+$0xFFFFFFA0 ss:$0x1], $0xffff  }
0x359: {  	v8 =	vld.idx.msk [tilespmem:v4+s14+$0xFFFFFFB0 ss:$0x1], $0xffff  }
0x35a: {  	v9 =	vld.idx.msk [tilespmem:v4+s14+$0xFFFFFFC0 ss:$0x1], $0xffff  }
0x35b: {  	v10 =	vld.idx.msk [tilespmem:v4+s14+$0xFFFFFFD0 ss:$0x1], $0xffff  }
0x35c: {  	v11 =	vld.idx.msk [tilespmem:v4+s14+$0xFFFFFFE0 ss:$0x1], $0xffff  }
0x35d: {  	[tilespmem:s14+$0xCC70] =	vst.add.f32.msk $0xffff, v5  }
0x35e: {  	v5 =	vld.idx.msk [tilespmem:v4+s14+$0xFFFFFFF0 ss:$0x1], $0xffff  }
0x35f: {  	[tilespmem:s14+$0xCC00] =	vst.add.f32.msk $0xffff, v6  }
0x360: {  	[tilespmem:s14+$0xCC10] =	vst.add.f32.msk $0xffff, v7  }
0x361: {  	[tilespmem:s14+$0xCC20] =	vst.add.f32.msk $0xffff, v8  }
0x362: {  	[tilespmem:s14+$0xCC30] =	vst.add.f32.msk $0xffff, v9  }
0x363: {  	[tilespmem:s14+$0xCC40] =	vst.add.f32.msk $0xffff, v10  }
0x364: {  	s26 =	simm.s32 $0x1000;
	s25 =	simm.s32 $0x0;
	[tilespmem:s14+$0xCC50] =	vst.add.f32.msk $0xffff, v11  }
.LBB2_43:
0x365: {  	s25 =	sadd.s32 $0x8, s25;
	[tilespmem:s14+$0xCC60] =	vst.add.f32.msk $0xffff, v5;
	s14 =	sshra.s32 s26, $0x2  }
0x366: {  	v5 =	vld.idx.msk [tilespmem:v4+s14+$0x0 ss:$0x1], $0xffff;
	p1 =	slt.u32 s25, $0x38  }
0x367: {  	v6 =	vld.idx.msk [tilespmem:v4+s14+$0xFFFFFF90 ss:$0x1], $0xffff  }
0x368: {  	v7 =	vld.idx.msk [tilespmem:v4+s14+$0xFFFFFFA0 ss:$0x1], $0xffff  }
0x369: {  	v8 =	vld.idx.msk [tilespmem:v4+s14+$0xFFFFFFB0 ss:$0x1], $0xffff  }
0x36a: {  	v9 =	vld.idx.msk [tilespmem:v4+s14+$0xFFFFFFC0 ss:$0x1], $0xffff  }
0x36b: {  	v10 =	vld.idx.msk [tilespmem:v4+s14+$0xFFFFFFD0 ss:$0x1], $0xffff  }
0x36c: {  	[tilespmem:s14+$0xCC70] =	vst.add.f32.msk $0xffff, v5  }
0x36d: {  	v11 =	vld.idx.msk [tilespmem:v4+s14+$0xFFFFFFE0 ss:$0x1], $0xffff  }
0x36e: {  	v5 =	vld.idx.msk [tilespmem:v4+s14+$0xFFFFFFF0 ss:$0x1], $0xffff  }
0x36f: {  	[tilespmem:s14+$0xCC00] =	vst.add.f32.msk $0xffff, v6  }
.Ltmp22:
0x370: {  	[tilespmem:s14+$0xCC10] =	vst.add.f32.msk $0xffff, v7;
	(pc) =	sbr.rel @p1 .LBB2_43-.Ltmp22, $4  }
0x371: {  	[tilespmem:s14+$0xCC20] =	vst.add.f32.msk $0xffff, v8  }
0x372: {  	[tilespmem:s14+$0xCC30] =	vst.add.f32.msk $0xffff, v9  }
0x373: {  	[tilespmem:s14+$0xCC40] =	vst.add.f32.msk $0xffff, v10  }
0x374: {  	s26 =	sadd.s32 $0x1000, s26;
	[tilespmem:s14+$0xCC50] =	vst.add.f32.msk $0xffff, v11  }
0x375: {  	(v2sf) =	vpush v3, $0x1;
	_ =	sdelay $0xe  }
0x376: {  	s25 =	spop (v2sf)  }
0x377: {  	s25 =	sadd.s32 $0x2, s25  }
0x378: {  	s26 =	sshll.u32 s25, $0xC;
	s25 =	sand.u32 $0x7, s25  }
0x379: {  	s26 =	sand.u32 $0xFFFF8000, s26;
	s25 =	sshll.u32 s25, $0x9  }
0x37a: {  	s25 =	sor.u32 s25, s26  }
0x37b: {  	s25 =	sshra.s32 s25, $0x2  }
0x37c: {  	s25 =	sor.u32 $0xC70, s25  }
0x37d: {  	v4 =	vmov s25;
	_ =	sdelay $0x3  }
0x37e: {  	[tilespmem:s14+$0xCC60] =	vst.add.f32.msk $0xffff, v5;
	s14 =	simm.s32 $0x0  }
0x37f: {  	v5 =	vld.idx.msk [tilespmem:v4+s14+$0x0 ss:$0x1], $0xffff  }
0x380: {  	v6 =	vld.idx.msk [tilespmem:v4+s14+$0xFFFFFF90 ss:$0x1], $0xffff  }
0x381: {  	v7 =	vld.idx.msk [tilespmem:v4+s14+$0xFFFFFFA0 ss:$0x1], $0xffff  }
0x382: {  	v8 =	vld.idx.msk [tilespmem:v4+s14+$0xFFFFFFB0 ss:$0x1], $0xffff  }
0x383: {  	v9 =	vld.idx.msk [tilespmem:v4+s14+$0xFFFFFFC0 ss:$0x1], $0xffff  }
0x384: {  	v10 =	vld.idx.msk [tilespmem:v4+s14+$0xFFFFFFD0 ss:$0x1], $0xffff  }
0x385: {  	v11 =	vld.idx.msk [tilespmem:v4+s14+$0xFFFFFFE0 ss:$0x1], $0xffff  }
0x386: {  	[tilespmem:s14+$0xCCF0] =	vst.add.f32.msk $0xffff, v5  }
0x387: {  	v5 =	vld.idx.msk [tilespmem:v4+s14+$0xFFFFFFF0 ss:$0x1], $0xffff  }
0x388: {  	[tilespmem:s14+$0xCC80] =	vst.add.f32.msk $0xffff, v6  }
0x389: {  	[tilespmem:s14+$0xCC90] =	vst.add.f32.msk $0xffff, v7  }
0x38a: {  	[tilespmem:s14+$0xCCA0] =	vst.add.f32.msk $0xffff, v8  }
0x38b: {  	[tilespmem:s14+$0xCCB0] =	vst.add.f32.msk $0xffff, v9  }
0x38c: {  	[tilespmem:s14+$0xCCC0] =	vst.add.f32.msk $0xffff, v10  }
0x38d: {  	s26 =	simm.s32 $0x1000;
	s25 =	simm.s32 $0x0;
	[tilespmem:s14+$0xCCD0] =	vst.add.f32.msk $0xffff, v11  }
.LBB2_45:
0x38e: {  	s25 =	sadd.s32 $0x8, s25;
	[tilespmem:s14+$0xCCE0] =	vst.add.f32.msk $0xffff, v5;
	s14 =	sshra.s32 s26, $0x2  }
0x38f: {  	v5 =	vld.idx.msk [tilespmem:v4+s14+$0x0 ss:$0x1], $0xffff;
	p1 =	slt.u32 s25, $0x38  }
0x390: {  	v6 =	vld.idx.msk [tilespmem:v4+s14+$0xFFFFFF90 ss:$0x1], $0xffff  }
0x391: {  	v7 =	vld.idx.msk [tilespmem:v4+s14+$0xFFFFFFA0 ss:$0x1], $0xffff  }
0x392: {  	v8 =	vld.idx.msk [tilespmem:v4+s14+$0xFFFFFFB0 ss:$0x1], $0xffff  }
0x393: {  	v9 =	vld.idx.msk [tilespmem:v4+s14+$0xFFFFFFC0 ss:$0x1], $0xffff  }
0x394: {  	v10 =	vld.idx.msk [tilespmem:v4+s14+$0xFFFFFFD0 ss:$0x1], $0xffff  }
0x395: {  	[tilespmem:s14+$0xCCF0] =	vst.add.f32.msk $0xffff, v5  }
0x396: {  	v11 =	vld.idx.msk [tilespmem:v4+s14+$0xFFFFFFE0 ss:$0x1], $0xffff  }
0x397: {  	v5 =	vld.idx.msk [tilespmem:v4+s14+$0xFFFFFFF0 ss:$0x1], $0xffff  }
0x398: {  	[tilespmem:s14+$0xCC80] =	vst.add.f32.msk $0xffff, v6  }
.Ltmp23:
0x399: {  	[tilespmem:s14+$0xCC90] =	vst.add.f32.msk $0xffff, v7;
	(pc) =	sbr.rel @p1 .LBB2_45-.Ltmp23, $4  }
0x39a: {  	[tilespmem:s14+$0xCCA0] =	vst.add.f32.msk $0xffff, v8  }
0x39b: {  	[tilespmem:s14+$0xCCB0] =	vst.add.f32.msk $0xffff, v9  }
0x39c: {  	[tilespmem:s14+$0xCCC0] =	vst.add.f32.msk $0xffff, v10  }
0x39d: {  	s26 =	sadd.s32 $0x1000, s26;
	[tilespmem:s14+$0xCCD0] =	vst.add.f32.msk $0xffff, v11  }
0x39e: {  	(v2sf) =	vpush v3, $0x2;
	_ =	sdelay $0xe  }
0x39f: {  	s25 =	spop (v2sf)  }
0x3a0: {  	s25 =	sadd.s32 $0x4, s25  }
0x3a1: {  	s26 =	sshll.u32 s25, $0xC;
	s25 =	sand.u32 $0x7, s25  }
0x3a2: {  	s26 =	sand.u32 $0xFFFF8000, s26;
	s25 =	sshll.u32 s25, $0x9  }
0x3a3: {  	s25 =	sor.u32 s25, s26  }
0x3a4: {  	s25 =	sshra.s32 s25, $0x2  }
0x3a5: {  	s25 =	sor.u32 $0xC70, s25  }
0x3a6: {  	v4 =	vmov s25;
	_ =	sdelay $0x3  }
0x3a7: {  	[tilespmem:s14+$0xCCE0] =	vst.add.f32.msk $0xffff, v5;
	s14 =	simm.s32 $0x0  }
0x3a8: {  	v5 =	vld.idx.msk [tilespmem:v4+s14+$0x0 ss:$0x1], $0xffff  }
0x3a9: {  	v6 =	vld.idx.msk [tilespmem:v4+s14+$0xFFFFFF90 ss:$0x1], $0xffff  }
0x3aa: {  	v7 =	vld.idx.msk [tilespmem:v4+s14+$0xFFFFFFA0 ss:$0x1], $0xffff  }
0x3ab: {  	v8 =	vld.idx.msk [tilespmem:v4+s14+$0xFFFFFFB0 ss:$0x1], $0xffff  }
0x3ac: {  	v9 =	vld.idx.msk [tilespmem:v4+s14+$0xFFFFFFC0 ss:$0x1], $0xffff  }
0x3ad: {  	v10 =	vld.idx.msk [tilespmem:v4+s14+$0xFFFFFFD0 ss:$0x1], $0xffff  }
0x3ae: {  	v11 =	vld.idx.msk [tilespmem:v4+s14+$0xFFFFFFE0 ss:$0x1], $0xffff  }
0x3af: {  	[tilespmem:s14+$0xCD70] =	vst.add.f32.msk $0xffff, v5  }
0x3b0: {  	v5 =	vld.idx.msk [tilespmem:v4+s14+$0xFFFFFFF0 ss:$0x1], $0xffff  }
0x3b1: {  	[tilespmem:s14+$0xCD00] =	vst.add.f32.msk $0xffff, v6  }
0x3b2: {  	[tilespmem:s14+$0xCD10] =	vst.add.f32.msk $0xffff, v7  }
0x3b3: {  	[tilespmem:s14+$0xCD20] =	vst.add.f32.msk $0xffff, v8  }
0x3b4: {  	[tilespmem:s14+$0xCD30] =	vst.add.f32.msk $0xffff, v9  }
0x3b5: {  	[tilespmem:s14+$0xCD40] =	vst.add.f32.msk $0xffff, v10  }
0x3b6: {  	s26 =	simm.s32 $0x1000;
	s25 =	simm.s32 $0x0;
	[tilespmem:s14+$0xCD50] =	vst.add.f32.msk $0xffff, v11  }
.LBB2_47:
0x3b7: {  	s25 =	sadd.s32 $0x8, s25;
	[tilespmem:s14+$0xCD60] =	vst.add.f32.msk $0xffff, v5;
	s14 =	sshra.s32 s26, $0x2  }
0x3b8: {  	v5 =	vld.idx.msk [tilespmem:v4+s14+$0x0 ss:$0x1], $0xffff;
	p1 =	slt.u32 s25, $0x38  }
0x3b9: {  	v6 =	vld.idx.msk [tilespmem:v4+s14+$0xFFFFFF90 ss:$0x1], $0xffff  }
0x3ba: {  	v7 =	vld.idx.msk [tilespmem:v4+s14+$0xFFFFFFA0 ss:$0x1], $0xffff  }
0x3bb: {  	v8 =	vld.idx.msk [tilespmem:v4+s14+$0xFFFFFFB0 ss:$0x1], $0xffff  }
0x3bc: {  	v9 =	vld.idx.msk [tilespmem:v4+s14+$0xFFFFFFC0 ss:$0x1], $0xffff  }
0x3bd: {  	v10 =	vld.idx.msk [tilespmem:v4+s14+$0xFFFFFFD0 ss:$0x1], $0xffff  }
0x3be: {  	[tilespmem:s14+$0xCD70] =	vst.add.f32.msk $0xffff, v5  }
0x3bf: {  	v11 =	vld.idx.msk [tilespmem:v4+s14+$0xFFFFFFE0 ss:$0x1], $0xffff  }
0x3c0: {  	v5 =	vld.idx.msk [tilespmem:v4+s14+$0xFFFFFFF0 ss:$0x1], $0xffff  }
0x3c1: {  	[tilespmem:s14+$0xCD00] =	vst.add.f32.msk $0xffff, v6  }
.Ltmp24:
0x3c2: {  	[tilespmem:s14+$0xCD10] =	vst.add.f32.msk $0xffff, v7;
	(pc) =	sbr.rel @p1 .LBB2_47-.Ltmp24, $4  }
0x3c3: {  	[tilespmem:s14+$0xCD20] =	vst.add.f32.msk $0xffff, v8  }
0x3c4: {  	[tilespmem:s14+$0xCD30] =	vst.add.f32.msk $0xffff, v9  }
0x3c5: {  	[tilespmem:s14+$0xCD40] =	vst.add.f32.msk $0xffff, v10  }
0x3c6: {  	s26 =	sadd.s32 $0x1000, s26;
	[tilespmem:s14+$0xCD50] =	vst.add.f32.msk $0xffff, v11  }
0x3c7: {  	(v2sf) =	vpush v3, $0x3;
	_ =	sdelay $0xe  }
0x3c8: {  	s25 =	spop (v2sf)  }
0x3c9: {  	s25 =	sadd.s32 $0x6, s25  }
0x3ca: {  	s26 =	sshll.u32 s25, $0xC;
	s25 =	sand.u32 $0x7, s25  }
0x3cb: {  	s26 =	sand.u32 $0xFFFF8000, s26;
	s25 =	sshll.u32 s25, $0x9  }
0x3cc: {  	s25 =	sor.u32 s25, s26  }
0x3cd: {  	s25 =	sshra.s32 s25, $0x2  }
0x3ce: {  	s25 =	sor.u32 $0xC70, s25  }
0x3cf: {  	v4 =	vmov s25;
	_ =	sdelay $0x3  }
0x3d0: {  	[tilespmem:s14+$0xCD60] =	vst.add.f32.msk $0xffff, v5;
	s14 =	simm.s32 $0x0  }
0x3d1: {  	v5 =	vld.idx.msk [tilespmem:v4+s14+$0x0 ss:$0x1], $0xffff  }
0x3d2: {  	v6 =	vld.idx.msk [tilespmem:v4+s14+$0xFFFFFF90 ss:$0x1], $0xffff  }
0x3d3: {  	v7 =	vld.idx.msk [tilespmem:v4+s14+$0xFFFFFFA0 ss:$0x1], $0xffff  }
0x3d4: {  	v8 =	vld.idx.msk [tilespmem:v4+s14+$0xFFFFFFB0 ss:$0x1], $0xffff  }
0x3d5: {  	v9 =	vld.idx.msk [tilespmem:v4+s14+$0xFFFFFFC0 ss:$0x1], $0xffff  }
0x3d6: {  	v10 =	vld.idx.msk [tilespmem:v4+s14+$0xFFFFFFD0 ss:$0x1], $0xffff  }
0x3d7: {  	v11 =	vld.idx.msk [tilespmem:v4+s14+$0xFFFFFFE0 ss:$0x1], $0xffff  }
0x3d8: {  	[tilespmem:s14+$0xCDF0] =	vst.add.f32.msk $0xffff, v5  }
0x3d9: {  	v5 =	vld.idx.msk [tilespmem:v4+s14+$0xFFFFFFF0 ss:$0x1], $0xffff  }
0x3da: {  	[tilespmem:s14+$0xCD80] =	vst.add.f32.msk $0xffff, v6  }
0x3db: {  	[tilespmem:s14+$0xCD90] =	vst.add.f32.msk $0xffff, v7  }
0x3dc: {  	[tilespmem:s14+$0xCDA0] =	vst.add.f32.msk $0xffff, v8  }
0x3dd: {  	[tilespmem:s14+$0xCDB0] =	vst.add.f32.msk $0xffff, v9  }
0x3de: {  	[tilespmem:s14+$0xCDC0] =	vst.add.f32.msk $0xffff, v10  }
0x3df: {  	s26 =	simm.s32 $0x1000;
	s25 =	simm.s32 $0x0;
	[tilespmem:s14+$0xCDD0] =	vst.add.f32.msk $0xffff, v11  }
.LBB2_49:
0x3e0: {  	s25 =	sadd.s32 $0x8, s25;
	[tilespmem:s14+$0xCDE0] =	vst.add.f32.msk $0xffff, v5;
	s14 =	sshra.s32 s26, $0x2  }
0x3e1: {  	v5 =	vld.idx.msk [tilespmem:v4+s14+$0x0 ss:$0x1], $0xffff;
	p1 =	slt.u32 s25, $0x38  }
0x3e2: {  	v6 =	vld.idx.msk [tilespmem:v4+s14+$0xFFFFFF90 ss:$0x1], $0xffff  }
0x3e3: {  	v7 =	vld.idx.msk [tilespmem:v4+s14+$0xFFFFFFA0 ss:$0x1], $0xffff  }
0x3e4: {  	v8 =	vld.idx.msk [tilespmem:v4+s14+$0xFFFFFFB0 ss:$0x1], $0xffff  }
0x3e5: {  	v9 =	vld.idx.msk [tilespmem:v4+s14+$0xFFFFFFC0 ss:$0x1], $0xffff  }
0x3e6: {  	v10 =	vld.idx.msk [tilespmem:v4+s14+$0xFFFFFFD0 ss:$0x1], $0xffff  }
0x3e7: {  	[tilespmem:s14+$0xCDF0] =	vst.add.f32.msk $0xffff, v5  }
0x3e8: {  	v11 =	vld.idx.msk [tilespmem:v4+s14+$0xFFFFFFE0 ss:$0x1], $0xffff  }
0x3e9: {  	v5 =	vld.idx.msk [tilespmem:v4+s14+$0xFFFFFFF0 ss:$0x1], $0xffff  }
0x3ea: {  	[tilespmem:s14+$0xCD80] =	vst.add.f32.msk $0xffff, v6  }
.Ltmp25:
0x3eb: {  	[tilespmem:s14+$0xCD90] =	vst.add.f32.msk $0xffff, v7;
	(pc) =	sbr.rel @p1 .LBB2_49-.Ltmp25, $4  }
0x3ec: {  	[tilespmem:s14+$0xCDA0] =	vst.add.f32.msk $0xffff, v8  }
0x3ed: {  	[tilespmem:s14+$0xCDB0] =	vst.add.f32.msk $0xffff, v9  }
0x3ee: {  	[tilespmem:s14+$0xCDC0] =	vst.add.f32.msk $0xffff, v10  }
0x3ef: {  	s26 =	sadd.s32 $0x1000, s26;
	[tilespmem:s14+$0xCDD0] =	vst.add.f32.msk $0xffff, v11  }
0x3f0: {  	(v2sf) =	vpush v3, $0x4;
	_ =	sdelay $0xe  }
0x3f1: {  	s25 =	spop (v2sf)  }
0x3f2: {  	s26 =	sshll.u32 s25, $0xC;
	s25 =	sand.u32 $0x7, s25  }
0x3f3: {  	s26 =	sand.u32 $0xFFFF8000, s26;
	s25 =	sshll.u32 s25, $0x9  }
0x3f4: {  	s25 =	sor.u32 s25, s26  }
0x3f5: {  	s25 =	sshra.s32 s25, $0x2  }
0x3f6: {  	s25 =	sadd.s32 $0x2C70, s25  }
0x3f7: {  	v4 =	vmov s25;
	_ =	sdelay $0x3  }
0x3f8: {  	[tilespmem:s14+$0xCDE0] =	vst.add.f32.msk $0xffff, v5;
	s14 =	simm.s32 $0x0  }
0x3f9: {  	v5 =	vld.idx.msk [tilespmem:v4+s14+$0x0 ss:$0x1], $0xffff  }
0x3fa: {  	v6 =	vld.idx.msk [tilespmem:v4+s14+$0xFFFFFF90 ss:$0x1], $0xffff  }
0x3fb: {  	v7 =	vld.idx.msk [tilespmem:v4+s14+$0xFFFFFFA0 ss:$0x1], $0xffff  }
0x3fc: {  	v8 =	vld.idx.msk [tilespmem:v4+s14+$0xFFFFFFB0 ss:$0x1], $0xffff  }
0x3fd: {  	v9 =	vld.idx.msk [tilespmem:v4+s14+$0xFFFFFFC0 ss:$0x1], $0xffff  }
0x3fe: {  	v10 =	vld.idx.msk [tilespmem:v4+s14+$0xFFFFFFD0 ss:$0x1], $0xffff  }
0x3ff: {  	v11 =	vld.idx.msk [tilespmem:v4+s14+$0xFFFFFFE0 ss:$0x1], $0xffff  }
0x400: {  	[tilespmem:s14+$0xCE70] =	vst.add.f32.msk $0xffff, v5  }
0x401: {  	v5 =	vld.idx.msk [tilespmem:v4+s14+$0xFFFFFFF0 ss:$0x1], $0xffff  }
0x402: {  	[tilespmem:s14+$0xCE00] =	vst.add.f32.msk $0xffff, v6  }
0x403: {  	[tilespmem:s14+$0xCE10] =	vst.add.f32.msk $0xffff, v7  }
0x404: {  	[tilespmem:s14+$0xCE20] =	vst.add.f32.msk $0xffff, v8  }
0x405: {  	[tilespmem:s14+$0xCE30] =	vst.add.f32.msk $0xffff, v9  }
0x406: {  	[tilespmem:s14+$0xCE40] =	vst.add.f32.msk $0xffff, v10  }
0x407: {  	s26 =	simm.s32 $0x1000;
	s25 =	simm.s32 $0x0;
	[tilespmem:s14+$0xCE50] =	vst.add.f32.msk $0xffff, v11  }
.LBB2_51:
0x408: {  	s25 =	sadd.s32 $0x8, s25;
	[tilespmem:s14+$0xCE60] =	vst.add.f32.msk $0xffff, v5;
	s14 =	sshra.s32 s26, $0x2  }
0x409: {  	v5 =	vld.idx.msk [tilespmem:v4+s14+$0x0 ss:$0x1], $0xffff;
	p1 =	slt.u32 s25, $0x38  }
0x40a: {  	v6 =	vld.idx.msk [tilespmem:v4+s14+$0xFFFFFF90 ss:$0x1], $0xffff  }
0x40b: {  	v7 =	vld.idx.msk [tilespmem:v4+s14+$0xFFFFFFA0 ss:$0x1], $0xffff  }
0x40c: {  	v8 =	vld.idx.msk [tilespmem:v4+s14+$0xFFFFFFB0 ss:$0x1], $0xffff  }
0x40d: {  	v9 =	vld.idx.msk [tilespmem:v4+s14+$0xFFFFFFC0 ss:$0x1], $0xffff  }
0x40e: {  	v10 =	vld.idx.msk [tilespmem:v4+s14+$0xFFFFFFD0 ss:$0x1], $0xffff  }
0x40f: {  	[tilespmem:s14+$0xCE70] =	vst.add.f32.msk $0xffff, v5  }
0x410: {  	v11 =	vld.idx.msk [tilespmem:v4+s14+$0xFFFFFFE0 ss:$0x1], $0xffff  }
0x411: {  	v5 =	vld.idx.msk [tilespmem:v4+s14+$0xFFFFFFF0 ss:$0x1], $0xffff  }
0x412: {  	[tilespmem:s14+$0xCE00] =	vst.add.f32.msk $0xffff, v6  }
.Ltmp26:
0x413: {  	[tilespmem:s14+$0xCE10] =	vst.add.f32.msk $0xffff, v7;
	(pc) =	sbr.rel @p1 .LBB2_51-.Ltmp26, $4  }
0x414: {  	[tilespmem:s14+$0xCE20] =	vst.add.f32.msk $0xffff, v8  }
0x415: {  	[tilespmem:s14+$0xCE30] =	vst.add.f32.msk $0xffff, v9  }
0x416: {  	[tilespmem:s14+$0xCE40] =	vst.add.f32.msk $0xffff, v10  }
0x417: {  	s26 =	sadd.s32 $0x1000, s26;
	[tilespmem:s14+$0xCE50] =	vst.add.f32.msk $0xffff, v11  }
0x418: {  	(v2sf) =	vpush v3, $0x5;
	_ =	sdelay $0xe  }
0x419: {  	s25 =	spop (v2sf)  }
0x41a: {  	s25 =	sadd.s32 $0xA, s25  }
0x41b: {  	s26 =	sshll.u32 s25, $0xC;
	s25 =	sand.u32 $0x7, s25  }
0x41c: {  	s26 =	sand.u32 $0xFFFF8000, s26;
	s25 =	sshll.u32 s25, $0x9  }
0x41d: {  	s25 =	sor.u32 s25, s26  }
0x41e: {  	s25 =	sshra.s32 s25, $0x2  }
0x41f: {  	s25 =	sor.u32 $0xC70, s25  }
0x420: {  	v4 =	vmov s25;
	_ =	sdelay $0x3  }
0x421: {  	[tilespmem:s14+$0xCE60] =	vst.add.f32.msk $0xffff, v5;
	s14 =	simm.s32 $0x0  }
0x422: {  	v5 =	vld.idx.msk [tilespmem:v4+s14+$0x0 ss:$0x1], $0xffff  }
0x423: {  	v6 =	vld.idx.msk [tilespmem:v4+s14+$0xFFFFFF90 ss:$0x1], $0xffff  }
0x424: {  	v7 =	vld.idx.msk [tilespmem:v4+s14+$0xFFFFFFA0 ss:$0x1], $0xffff  }
0x425: {  	v8 =	vld.idx.msk [tilespmem:v4+s14+$0xFFFFFFB0 ss:$0x1], $0xffff  }
0x426: {  	v9 =	vld.idx.msk [tilespmem:v4+s14+$0xFFFFFFC0 ss:$0x1], $0xffff  }
0x427: {  	v10 =	vld.idx.msk [tilespmem:v4+s14+$0xFFFFFFD0 ss:$0x1], $0xffff  }
0x428: {  	v11 =	vld.idx.msk [tilespmem:v4+s14+$0xFFFFFFE0 ss:$0x1], $0xffff  }
0x429: {  	[tilespmem:s14+$0xCEF0] =	vst.add.f32.msk $0xffff, v5  }
0x42a: {  	v5 =	vld.idx.msk [tilespmem:v4+s14+$0xFFFFFFF0 ss:$0x1], $0xffff  }
0x42b: {  	[tilespmem:s14+$0xCE80] =	vst.add.f32.msk $0xffff, v6  }
0x42c: {  	[tilespmem:s14+$0xCE90] =	vst.add.f32.msk $0xffff, v7  }
0x42d: {  	[tilespmem:s14+$0xCEA0] =	vst.add.f32.msk $0xffff, v8  }
0x42e: {  	[tilespmem:s14+$0xCEB0] =	vst.add.f32.msk $0xffff, v9  }
0x42f: {  	[tilespmem:s14+$0xCEC0] =	vst.add.f32.msk $0xffff, v10  }
0x430: {  	s26 =	simm.s32 $0x1000;
	s25 =	simm.s32 $0x0;
	[tilespmem:s14+$0xCED0] =	vst.add.f32.msk $0xffff, v11  }
.LBB2_53:
0x431: {  	s25 =	sadd.s32 $0x8, s25;
	[tilespmem:s14+$0xCEE0] =	vst.add.f32.msk $0xffff, v5;
	s14 =	sshra.s32 s26, $0x2  }
0x432: {  	v5 =	vld.idx.msk [tilespmem:v4+s14+$0x0 ss:$0x1], $0xffff;
	p1 =	slt.u32 s25, $0x38  }
0x433: {  	v6 =	vld.idx.msk [tilespmem:v4+s14+$0xFFFFFF90 ss:$0x1], $0xffff  }
0x434: {  	v7 =	vld.idx.msk [tilespmem:v4+s14+$0xFFFFFFA0 ss:$0x1], $0xffff  }
0x435: {  	v8 =	vld.idx.msk [tilespmem:v4+s14+$0xFFFFFFB0 ss:$0x1], $0xffff  }
0x436: {  	v9 =	vld.idx.msk [tilespmem:v4+s14+$0xFFFFFFC0 ss:$0x1], $0xffff  }
0x437: {  	v10 =	vld.idx.msk [tilespmem:v4+s14+$0xFFFFFFD0 ss:$0x1], $0xffff  }
0x438: {  	[tilespmem:s14+$0xCEF0] =	vst.add.f32.msk $0xffff, v5  }
0x439: {  	v11 =	vld.idx.msk [tilespmem:v4+s14+$0xFFFFFFE0 ss:$0x1], $0xffff  }
0x43a: {  	v5 =	vld.idx.msk [tilespmem:v4+s14+$0xFFFFFFF0 ss:$0x1], $0xffff  }
0x43b: {  	[tilespmem:s14+$0xCE80] =	vst.add.f32.msk $0xffff, v6  }
.Ltmp27:
0x43c: {  	[tilespmem:s14+$0xCE90] =	vst.add.f32.msk $0xffff, v7;
	(pc) =	sbr.rel @p1 .LBB2_53-.Ltmp27, $4  }
0x43d: {  	[tilespmem:s14+$0xCEA0] =	vst.add.f32.msk $0xffff, v8  }
0x43e: {  	[tilespmem:s14+$0xCEB0] =	vst.add.f32.msk $0xffff, v9  }
0x43f: {  	[tilespmem:s14+$0xCEC0] =	vst.add.f32.msk $0xffff, v10  }
0x440: {  	s26 =	sadd.s32 $0x1000, s26;
	[tilespmem:s14+$0xCED0] =	vst.add.f32.msk $0xffff, v11  }
0x441: {  	(v2sf) =	vpush v3, $0x6;
	_ =	sdelay $0xe  }
0x442: {  	s25 =	spop (v2sf)  }
0x443: {  	s25 =	sadd.s32 $0xC, s25  }
0x444: {  	s26 =	sshll.u32 s25, $0xC;
	s25 =	sand.u32 $0x7, s25  }
0x445: {  	s26 =	sand.u32 $0xFFFF8000, s26;
	s25 =	sshll.u32 s25, $0x9  }
0x446: {  	s25 =	sor.u32 s25, s26  }
0x447: {  	s25 =	sshra.s32 s25, $0x2  }
0x448: {  	s25 =	sor.u32 $0xC70, s25  }
0x449: {  	v4 =	vmov s25;
	_ =	sdelay $0x3  }
0x44a: {  	[tilespmem:s14+$0xCEE0] =	vst.add.f32.msk $0xffff, v5;
	s14 =	simm.s32 $0x0  }
0x44b: {  	v5 =	vld.idx.msk [tilespmem:v4+s14+$0x0 ss:$0x1], $0xffff  }
0x44c: {  	v6 =	vld.idx.msk [tilespmem:v4+s14+$0xFFFFFF90 ss:$0x1], $0xffff  }
0x44d: {  	v7 =	vld.idx.msk [tilespmem:v4+s14+$0xFFFFFFA0 ss:$0x1], $0xffff  }
0x44e: {  	v8 =	vld.idx.msk [tilespmem:v4+s14+$0xFFFFFFB0 ss:$0x1], $0xffff  }
0x44f: {  	v9 =	vld.idx.msk [tilespmem:v4+s14+$0xFFFFFFC0 ss:$0x1], $0xffff  }
0x450: {  	v10 =	vld.idx.msk [tilespmem:v4+s14+$0xFFFFFFD0 ss:$0x1], $0xffff  }
0x451: {  	v11 =	vld.idx.msk [tilespmem:v4+s14+$0xFFFFFFE0 ss:$0x1], $0xffff  }
0x452: {  	[tilespmem:s14+$0xCF70] =	vst.add.f32.msk $0xffff, v5  }
0x453: {  	v5 =	vld.idx.msk [tilespmem:v4+s14+$0xFFFFFFF0 ss:$0x1], $0xffff  }
0x454: {  	[tilespmem:s14+$0xCF00] =	vst.add.f32.msk $0xffff, v6  }
0x455: {  	[tilespmem:s14+$0xCF10] =	vst.add.f32.msk $0xffff, v7  }
0x456: {  	[tilespmem:s14+$0xCF20] =	vst.add.f32.msk $0xffff, v8  }
0x457: {  	[tilespmem:s14+$0xCF30] =	vst.add.f32.msk $0xffff, v9  }
0x458: {  	[tilespmem:s14+$0xCF40] =	vst.add.f32.msk $0xffff, v10  }
0x459: {  	s26 =	simm.s32 $0x1000;
	s25 =	simm.s32 $0x0;
	[tilespmem:s14+$0xCF50] =	vst.add.f32.msk $0xffff, v11  }
.LBB2_55:
0x45a: {  	s25 =	sadd.s32 $0x8, s25;
	[tilespmem:s14+$0xCF60] =	vst.add.f32.msk $0xffff, v5;
	s14 =	sshra.s32 s26, $0x2  }
0x45b: {  	v5 =	vld.idx.msk [tilespmem:v4+s14+$0x0 ss:$0x1], $0xffff;
	p1 =	slt.u32 s25, $0x38  }
0x45c: {  	v6 =	vld.idx.msk [tilespmem:v4+s14+$0xFFFFFF90 ss:$0x1], $0xffff  }
0x45d: {  	v7 =	vld.idx.msk [tilespmem:v4+s14+$0xFFFFFFA0 ss:$0x1], $0xffff  }
0x45e: {  	v8 =	vld.idx.msk [tilespmem:v4+s14+$0xFFFFFFB0 ss:$0x1], $0xffff  }
0x45f: {  	v9 =	vld.idx.msk [tilespmem:v4+s14+$0xFFFFFFC0 ss:$0x1], $0xffff  }
0x460: {  	v10 =	vld.idx.msk [tilespmem:v4+s14+$0xFFFFFFD0 ss:$0x1], $0xffff  }
0x461: {  	[tilespmem:s14+$0xCF70] =	vst.add.f32.msk $0xffff, v5  }
0x462: {  	v11 =	vld.idx.msk [tilespmem:v4+s14+$0xFFFFFFE0 ss:$0x1], $0xffff  }
0x463: {  	v5 =	vld.idx.msk [tilespmem:v4+s14+$0xFFFFFFF0 ss:$0x1], $0xffff  }
0x464: {  	[tilespmem:s14+$0xCF00] =	vst.add.f32.msk $0xffff, v6  }
.Ltmp28:
0x465: {  	[tilespmem:s14+$0xCF10] =	vst.add.f32.msk $0xffff, v7;
	(pc) =	sbr.rel @p1 .LBB2_55-.Ltmp28, $4  }
0x466: {  	[tilespmem:s14+$0xCF20] =	vst.add.f32.msk $0xffff, v8  }
0x467: {  	[tilespmem:s14+$0xCF30] =	vst.add.f32.msk $0xffff, v9  }
0x468: {  	[tilespmem:s14+$0xCF40] =	vst.add.f32.msk $0xffff, v10  }
0x469: {  	s26 =	sadd.s32 $0x1000, s26;
	[tilespmem:s14+$0xCF50] =	vst.add.f32.msk $0xffff, v11  }
0x46a: {  	(v2sf) =	vpush v3, $0x7;
	_ =	sdelay $0xe  }
0x46b: {  	s25 =	spop (v2sf)  }
0x46c: {  	s25 =	sadd.s32 $0xE, s25  }
0x46d: {  	s26 =	sshll.u32 s25, $0xC;
	s25 =	sand.u32 $0x7, s25  }
0x46e: {  	s26 =	sand.u32 $0xFFFF8000, s26;
	s25 =	sshll.u32 s25, $0x9  }
0x46f: {  	s25 =	sor.u32 s25, s26  }
0x470: {  	s25 =	sshra.s32 s25, $0x2  }
0x471: {  	s25 =	sor.u32 $0xC70, s25  }
0x472: {  	v4 =	vmov s25;
	_ =	sdelay $0x3  }
0x473: {  	[tilespmem:s14+$0xCF60] =	vst.add.f32.msk $0xffff, v5;
	s14 =	simm.s32 $0x0  }
0x474: {  	v5 =	vld.idx.msk [tilespmem:v4+s14+$0x0 ss:$0x1], $0xffff  }
0x475: {  	v6 =	vld.idx.msk [tilespmem:v4+s14+$0xFFFFFF90 ss:$0x1], $0xffff  }
0x476: {  	v7 =	vld.idx.msk [tilespmem:v4+s14+$0xFFFFFFA0 ss:$0x1], $0xffff  }
0x477: {  	v8 =	vld.idx.msk [tilespmem:v4+s14+$0xFFFFFFB0 ss:$0x1], $0xffff  }
0x478: {  	v9 =	vld.idx.msk [tilespmem:v4+s14+$0xFFFFFFC0 ss:$0x1], $0xffff  }
0x479: {  	v10 =	vld.idx.msk [tilespmem:v4+s14+$0xFFFFFFD0 ss:$0x1], $0xffff  }
0x47a: {  	v11 =	vld.idx.msk [tilespmem:v4+s14+$0xFFFFFFE0 ss:$0x1], $0xffff  }
0x47b: {  	[tilespmem:s14+$0xCFF0] =	vst.add.f32.msk $0xffff, v5  }
0x47c: {  	v5 =	vld.idx.msk [tilespmem:v4+s14+$0xFFFFFFF0 ss:$0x1], $0xffff  }
0x47d: {  	[tilespmem:s14+$0xCF80] =	vst.add.f32.msk $0xffff, v6  }
0x47e: {  	[tilespmem:s14+$0xCF90] =	vst.add.f32.msk $0xffff, v7  }
0x47f: {  	[tilespmem:s14+$0xCFA0] =	vst.add.f32.msk $0xffff, v8  }
0x480: {  	[tilespmem:s14+$0xCFB0] =	vst.add.f32.msk $0xffff, v9  }
0x481: {  	[tilespmem:s14+$0xCFC0] =	vst.add.f32.msk $0xffff, v10  }
0x482: {  	s26 =	simm.s32 $0x1000;
	s25 =	simm.s32 $0x0;
	[tilespmem:s14+$0xCFD0] =	vst.add.f32.msk $0xffff, v11  }
.LBB2_57:
0x483: {  	s25 =	sadd.s32 $0x8, s25;
	[tilespmem:s14+$0xCFE0] =	vst.add.f32.msk $0xffff, v5;
	s14 =	sshra.s32 s26, $0x2  }
0x484: {  	v5 =	vld.idx.msk [tilespmem:v4+s14+$0x0 ss:$0x1], $0xffff;
	p1 =	slt.u32 s25, $0x38  }
0x485: {  	v6 =	vld.idx.msk [tilespmem:v4+s14+$0xFFFFFF90 ss:$0x1], $0xffff  }
0x486: {  	v7 =	vld.idx.msk [tilespmem:v4+s14+$0xFFFFFFA0 ss:$0x1], $0xffff  }
0x487: {  	v8 =	vld.idx.msk [tilespmem:v4+s14+$0xFFFFFFB0 ss:$0x1], $0xffff  }
0x488: {  	v9 =	vld.idx.msk [tilespmem:v4+s14+$0xFFFFFFC0 ss:$0x1], $0xffff  }
0x489: {  	v10 =	vld.idx.msk [tilespmem:v4+s14+$0xFFFFFFD0 ss:$0x1], $0xffff  }
0x48a: {  	[tilespmem:s14+$0xCFF0] =	vst.add.f32.msk $0xffff, v5  }
0x48b: {  	v11 =	vld.idx.msk [tilespmem:v4+s14+$0xFFFFFFE0 ss:$0x1], $0xffff  }
0x48c: {  	v5 =	vld.idx.msk [tilespmem:v4+s14+$0xFFFFFFF0 ss:$0x1], $0xffff  }
0x48d: {  	[tilespmem:s14+$0xCF80] =	vst.add.f32.msk $0xffff, v6  }
.Ltmp29:
0x48e: {  	[tilespmem:s14+$0xCF90] =	vst.add.f32.msk $0xffff, v7;
	(pc) =	sbr.rel @p1 .LBB2_57-.Ltmp29, $4  }
0x48f: {  	[tilespmem:s14+$0xCFA0] =	vst.add.f32.msk $0xffff, v8  }
0x490: {  	[tilespmem:s14+$0xCFB0] =	vst.add.f32.msk $0xffff, v9  }
0x491: {  	[tilespmem:s14+$0xCFC0] =	vst.add.f32.msk $0xffff, v10  }
0x492: {  	s26 =	sadd.s32 $0x1000, s26;
	[tilespmem:s14+$0xCFD0] =	vst.add.f32.msk $0xffff, v11  }
0x493: {  	(v2sf) =	vpush v3, $0x8;
	_ =	sdelay $0xe  }
0x494: {  	s25 =	spop (v2sf)  }
0x495: {  	s26 =	sshll.u32 s25, $0xC;
	s25 =	sand.u32 $0x7, s25  }
0x496: {  	s26 =	sand.u32 $0xFFFF8000, s26;
	s25 =	sshll.u32 s25, $0x9  }
0x497: {  	s25 =	sor.u32 s25, s26  }
0x498: {  	s25 =	sshra.s32 s25, $0x2  }
0x499: {  	s25 =	sor.u32 $0xC00, s25  }
0x49a: {  	v4 =	vmov s25;
	_ =	sdelay $0x3  }
0x49b: {  	[tilespmem:s14+$0xCFE0] =	vst.add.f32.msk $0xffff, v5;
	s14 =	simm.s32 $0x0  }
0x49c: {  	v5 =	vld.idx.msk [tilespmem:v4+s14+$0x4070 ss:$0x1], $0xffff  }
0x49d: {  	v6 =	vld.idx.msk [tilespmem:v4+s14+$0x4000 ss:$0x1], $0xffff  }
0x49e: {  	v7 =	vld.idx.msk [tilespmem:v4+s14+$0x4010 ss:$0x1], $0xffff  }
0x49f: {  	v8 =	vld.idx.msk [tilespmem:v4+s14+$0x4020 ss:$0x1], $0xffff  }
0x4a0: {  	v9 =	vld.idx.msk [tilespmem:v4+s14+$0x4030 ss:$0x1], $0xffff  }
0x4a1: {  	v10 =	vld.idx.msk [tilespmem:v4+s14+$0x4040 ss:$0x1], $0xffff  }
0x4a2: {  	v11 =	vld.idx.msk [tilespmem:v4+s14+$0x4050 ss:$0x1], $0xffff  }
0x4a3: {  	[tilespmem:s14+$0xEC70] =	vst.add.f32.msk $0xffff, v5  }
0x4a4: {  	v5 =	vld.idx.msk [tilespmem:v4+s14+$0x4060 ss:$0x1], $0xffff  }
0x4a5: {  	[tilespmem:s14+$0xEC00] =	vst.add.f32.msk $0xffff, v6  }
0x4a6: {  	[tilespmem:s14+$0xEC10] =	vst.add.f32.msk $0xffff, v7  }
0x4a7: {  	[tilespmem:s14+$0xEC20] =	vst.add.f32.msk $0xffff, v8  }
0x4a8: {  	[tilespmem:s14+$0xEC30] =	vst.add.f32.msk $0xffff, v9  }
0x4a9: {  	[tilespmem:s14+$0xEC40] =	vst.add.f32.msk $0xffff, v10  }
0x4aa: {  	s26 =	simm.s32 $0x1000;
	s25 =	simm.s32 $0x0;
	[tilespmem:s14+$0xEC50] =	vst.add.f32.msk $0xffff, v11  }
.LBB2_59:
0x4ab: {  	s25 =	sadd.s32 $0x8, s25;
	[tilespmem:s14+$0xEC60] =	vst.add.f32.msk $0xffff, v5;
	s14 =	sshra.s32 s26, $0x2  }
0x4ac: {  	v5 =	vld.idx.msk [tilespmem:v4+s14+$0x4070 ss:$0x1], $0xffff;
	p1 =	slt.u32 s25, $0x38  }
0x4ad: {  	v6 =	vld.idx.msk [tilespmem:v4+s14+$0x4000 ss:$0x1], $0xffff  }
0x4ae: {  	v7 =	vld.idx.msk [tilespmem:v4+s14+$0x4010 ss:$0x1], $0xffff  }
0x4af: {  	v8 =	vld.idx.msk [tilespmem:v4+s14+$0x4020 ss:$0x1], $0xffff  }
0x4b0: {  	v9 =	vld.idx.msk [tilespmem:v4+s14+$0x4030 ss:$0x1], $0xffff  }
0x4b1: {  	v10 =	vld.idx.msk [tilespmem:v4+s14+$0x4040 ss:$0x1], $0xffff  }
0x4b2: {  	[tilespmem:s14+$0xEC70] =	vst.add.f32.msk $0xffff, v5  }
0x4b3: {  	v11 =	vld.idx.msk [tilespmem:v4+s14+$0x4050 ss:$0x1], $0xffff  }
0x4b4: {  	v5 =	vld.idx.msk [tilespmem:v4+s14+$0x4060 ss:$0x1], $0xffff  }
0x4b5: {  	[tilespmem:s14+$0xEC00] =	vst.add.f32.msk $0xffff, v6  }
.Ltmp30:
0x4b6: {  	[tilespmem:s14+$0xEC10] =	vst.add.f32.msk $0xffff, v7;
	(pc) =	sbr.rel @p1 .LBB2_59-.Ltmp30, $4  }
0x4b7: {  	[tilespmem:s14+$0xEC20] =	vst.add.f32.msk $0xffff, v8  }
0x4b8: {  	[tilespmem:s14+$0xEC30] =	vst.add.f32.msk $0xffff, v9  }
0x4b9: {  	[tilespmem:s14+$0xEC40] =	vst.add.f32.msk $0xffff, v10  }
0x4ba: {  	s26 =	sadd.s32 $0x1000, s26;
	[tilespmem:s14+$0xEC50] =	vst.add.f32.msk $0xffff, v11  }
0x4bb: {  	(v2sf) =	vpush v3, $0x9;
	_ =	sdelay $0xe  }
0x4bc: {  	s25 =	spop (v2sf)  }
0x4bd: {  	s25 =	sadd.s32 $0x12, s25  }
0x4be: {  	s26 =	sshll.u32 s25, $0xC;
	s25 =	sand.u32 $0x7, s25  }
0x4bf: {  	s26 =	sand.u32 $0xFFFF8000, s26;
	s25 =	sshll.u32 s25, $0x9  }
0x4c0: {  	s25 =	sor.u32 s25, s26  }
0x4c1: {  	s25 =	sshra.s32 s25, $0x2  }
0x4c2: {  	s25 =	sor.u32 $0xC70, s25  }
0x4c3: {  	v4 =	vmov s25;
	_ =	sdelay $0x3  }
0x4c4: {  	[tilespmem:s14+$0xEC60] =	vst.add.f32.msk $0xffff, v5;
	s14 =	simm.s32 $0x0  }
0x4c5: {  	v5 =	vld.idx.msk [tilespmem:v4+s14+$0x0 ss:$0x1], $0xffff  }
0x4c6: {  	v6 =	vld.idx.msk [tilespmem:v4+s14+$0xFFFFFF90 ss:$0x1], $0xffff  }
0x4c7: {  	v7 =	vld.idx.msk [tilespmem:v4+s14+$0xFFFFFFA0 ss:$0x1], $0xffff  }
0x4c8: {  	v8 =	vld.idx.msk [tilespmem:v4+s14+$0xFFFFFFB0 ss:$0x1], $0xffff  }
0x4c9: {  	v9 =	vld.idx.msk [tilespmem:v4+s14+$0xFFFFFFC0 ss:$0x1], $0xffff  }
0x4ca: {  	v10 =	vld.idx.msk [tilespmem:v4+s14+$0xFFFFFFD0 ss:$0x1], $0xffff  }
0x4cb: {  	v11 =	vld.idx.msk [tilespmem:v4+s14+$0xFFFFFFE0 ss:$0x1], $0xffff  }
0x4cc: {  	[tilespmem:s14+$0xECF0] =	vst.add.f32.msk $0xffff, v5  }
0x4cd: {  	v5 =	vld.idx.msk [tilespmem:v4+s14+$0xFFFFFFF0 ss:$0x1], $0xffff  }
0x4ce: {  	[tilespmem:s14+$0xEC80] =	vst.add.f32.msk $0xffff, v6  }
0x4cf: {  	[tilespmem:s14+$0xEC90] =	vst.add.f32.msk $0xffff, v7  }
0x4d0: {  	[tilespmem:s14+$0xECA0] =	vst.add.f32.msk $0xffff, v8  }
0x4d1: {  	[tilespmem:s14+$0xECB0] =	vst.add.f32.msk $0xffff, v9  }
0x4d2: {  	[tilespmem:s14+$0xECC0] =	vst.add.f32.msk $0xffff, v10  }
0x4d3: {  	s26 =	simm.s32 $0x1000;
	s25 =	simm.s32 $0x0;
	[tilespmem:s14+$0xECD0] =	vst.add.f32.msk $0xffff, v11  }
.LBB2_61:
0x4d4: {  	s25 =	sadd.s32 $0x8, s25;
	[tilespmem:s14+$0xECE0] =	vst.add.f32.msk $0xffff, v5;
	s14 =	sshra.s32 s26, $0x2  }
0x4d5: {  	v5 =	vld.idx.msk [tilespmem:v4+s14+$0x0 ss:$0x1], $0xffff;
	p1 =	slt.u32 s25, $0x38  }
0x4d6: {  	v6 =	vld.idx.msk [tilespmem:v4+s14+$0xFFFFFF90 ss:$0x1], $0xffff  }
0x4d7: {  	v7 =	vld.idx.msk [tilespmem:v4+s14+$0xFFFFFFA0 ss:$0x1], $0xffff  }
0x4d8: {  	v8 =	vld.idx.msk [tilespmem:v4+s14+$0xFFFFFFB0 ss:$0x1], $0xffff  }
0x4d9: {  	v9 =	vld.idx.msk [tilespmem:v4+s14+$0xFFFFFFC0 ss:$0x1], $0xffff  }
0x4da: {  	v10 =	vld.idx.msk [tilespmem:v4+s14+$0xFFFFFFD0 ss:$0x1], $0xffff  }
0x4db: {  	[tilespmem:s14+$0xECF0] =	vst.add.f32.msk $0xffff, v5  }
0x4dc: {  	v11 =	vld.idx.msk [tilespmem:v4+s14+$0xFFFFFFE0 ss:$0x1], $0xffff  }
0x4dd: {  	v5 =	vld.idx.msk [tilespmem:v4+s14+$0xFFFFFFF0 ss:$0x1], $0xffff  }
0x4de: {  	[tilespmem:s14+$0xEC80] =	vst.add.f32.msk $0xffff, v6  }
.Ltmp31:
0x4df: {  	[tilespmem:s14+$0xEC90] =	vst.add.f32.msk $0xffff, v7;
	(pc) =	sbr.rel @p1 .LBB2_61-.Ltmp31, $4  }
0x4e0: {  	[tilespmem:s14+$0xECA0] =	vst.add.f32.msk $0xffff, v8  }
0x4e1: {  	[tilespmem:s14+$0xECB0] =	vst.add.f32.msk $0xffff, v9  }
0x4e2: {  	[tilespmem:s14+$0xECC0] =	vst.add.f32.msk $0xffff, v10  }
0x4e3: {  	s26 =	sadd.s32 $0x1000, s26;
	[tilespmem:s14+$0xECD0] =	vst.add.f32.msk $0xffff, v11  }
0x4e4: {  	(v2sf) =	vpush v3, $0xA;
	_ =	sdelay $0xe  }
0x4e5: {  	s25 =	spop (v2sf)  }
0x4e6: {  	s25 =	sadd.s32 $0x14, s25  }
0x4e7: {  	s26 =	sshll.u32 s25, $0xC;
	s25 =	sand.u32 $0x7, s25  }
0x4e8: {  	s26 =	sand.u32 $0xFFFF8000, s26;
	s25 =	sshll.u32 s25, $0x9  }
0x4e9: {  	s25 =	sor.u32 s25, s26  }
0x4ea: {  	s25 =	sshra.s32 s25, $0x2  }
0x4eb: {  	s25 =	sor.u32 $0xC70, s25  }
0x4ec: {  	v4 =	vmov s25;
	_ =	sdelay $0x3  }
0x4ed: {  	[tilespmem:s14+$0xECE0] =	vst.add.f32.msk $0xffff, v5;
	s14 =	simm.s32 $0x0  }
0x4ee: {  	v5 =	vld.idx.msk [tilespmem:v4+s14+$0x0 ss:$0x1], $0xffff  }
0x4ef: {  	v6 =	vld.idx.msk [tilespmem:v4+s14+$0xFFFFFF90 ss:$0x1], $0xffff  }
0x4f0: {  	v7 =	vld.idx.msk [tilespmem:v4+s14+$0xFFFFFFA0 ss:$0x1], $0xffff  }
0x4f1: {  	v8 =	vld.idx.msk [tilespmem:v4+s14+$0xFFFFFFB0 ss:$0x1], $0xffff  }
0x4f2: {  	v9 =	vld.idx.msk [tilespmem:v4+s14+$0xFFFFFFC0 ss:$0x1], $0xffff  }
0x4f3: {  	v10 =	vld.idx.msk [tilespmem:v4+s14+$0xFFFFFFD0 ss:$0x1], $0xffff  }
0x4f4: {  	v11 =	vld.idx.msk [tilespmem:v4+s14+$0xFFFFFFE0 ss:$0x1], $0xffff  }
0x4f5: {  	[tilespmem:s14+$0xED70] =	vst.add.f32.msk $0xffff, v5  }
0x4f6: {  	v5 =	vld.idx.msk [tilespmem:v4+s14+$0xFFFFFFF0 ss:$0x1], $0xffff  }
0x4f7: {  	[tilespmem:s14+$0xED00] =	vst.add.f32.msk $0xffff, v6  }
0x4f8: {  	[tilespmem:s14+$0xED10] =	vst.add.f32.msk $0xffff, v7  }
0x4f9: {  	[tilespmem:s14+$0xED20] =	vst.add.f32.msk $0xffff, v8  }
0x4fa: {  	[tilespmem:s14+$0xED30] =	vst.add.f32.msk $0xffff, v9  }
0x4fb: {  	[tilespmem:s14+$0xED40] =	vst.add.f32.msk $0xffff, v10  }
0x4fc: {  	s26 =	simm.s32 $0x1000;
	s25 =	simm.s32 $0x0;
	[tilespmem:s14+$0xED50] =	vst.add.f32.msk $0xffff, v11  }
.LBB2_63:
0x4fd: {  	s25 =	sadd.s32 $0x8, s25;
	[tilespmem:s14+$0xED60] =	vst.add.f32.msk $0xffff, v5;
	s14 =	sshra.s32 s26, $0x2  }
0x4fe: {  	v5 =	vld.idx.msk [tilespmem:v4+s14+$0x0 ss:$0x1], $0xffff;
	p1 =	slt.u32 s25, $0x38  }
0x4ff: {  	v6 =	vld.idx.msk [tilespmem:v4+s14+$0xFFFFFF90 ss:$0x1], $0xffff  }
0x500: {  	v7 =	vld.idx.msk [tilespmem:v4+s14+$0xFFFFFFA0 ss:$0x1], $0xffff  }
0x501: {  	v8 =	vld.idx.msk [tilespmem:v4+s14+$0xFFFFFFB0 ss:$0x1], $0xffff  }
0x502: {  	v9 =	vld.idx.msk [tilespmem:v4+s14+$0xFFFFFFC0 ss:$0x1], $0xffff  }
0x503: {  	v10 =	vld.idx.msk [tilespmem:v4+s14+$0xFFFFFFD0 ss:$0x1], $0xffff  }
0x504: {  	[tilespmem:s14+$0xED70] =	vst.add.f32.msk $0xffff, v5  }
0x505: {  	v11 =	vld.idx.msk [tilespmem:v4+s14+$0xFFFFFFE0 ss:$0x1], $0xffff  }
0x506: {  	v5 =	vld.idx.msk [tilespmem:v4+s14+$0xFFFFFFF0 ss:$0x1], $0xffff  }
0x507: {  	[tilespmem:s14+$0xED00] =	vst.add.f32.msk $0xffff, v6  }
.Ltmp32:
0x508: {  	[tilespmem:s14+$0xED10] =	vst.add.f32.msk $0xffff, v7;
	(pc) =	sbr.rel @p1 .LBB2_63-.Ltmp32, $4  }
0x509: {  	[tilespmem:s14+$0xED20] =	vst.add.f32.msk $0xffff, v8  }
0x50a: {  	[tilespmem:s14+$0xED30] =	vst.add.f32.msk $0xffff, v9  }
0x50b: {  	[tilespmem:s14+$0xED40] =	vst.add.f32.msk $0xffff, v10  }
0x50c: {  	s26 =	sadd.s32 $0x1000, s26;
	[tilespmem:s14+$0xED50] =	vst.add.f32.msk $0xffff, v11  }
0x50d: {  	(v2sf) =	vpush v3, $0xB;
	_ =	sdelay $0xe  }
0x50e: {  	s25 =	spop (v2sf)  }
0x50f: {  	s25 =	sadd.s32 $0x16, s25  }
0x510: {  	s26 =	sshll.u32 s25, $0xC;
	s25 =	sand.u32 $0x7, s25  }
0x511: {  	s26 =	sand.u32 $0xFFFF8000, s26;
	s25 =	sshll.u32 s25, $0x9  }
0x512: {  	s25 =	sor.u32 s25, s26  }
0x513: {  	s25 =	sshra.s32 s25, $0x2  }
0x514: {  	s25 =	sor.u32 $0xC70, s25  }
0x515: {  	v4 =	vmov s25;
	_ =	sdelay $0x3  }
0x516: {  	[tilespmem:s14+$0xED60] =	vst.add.f32.msk $0xffff, v5;
	s14 =	simm.s32 $0x0  }
0x517: {  	v5 =	vld.idx.msk [tilespmem:v4+s14+$0x0 ss:$0x1], $0xffff  }
0x518: {  	v6 =	vld.idx.msk [tilespmem:v4+s14+$0xFFFFFF90 ss:$0x1], $0xffff  }
0x519: {  	v7 =	vld.idx.msk [tilespmem:v4+s14+$0xFFFFFFA0 ss:$0x1], $0xffff  }
0x51a: {  	v8 =	vld.idx.msk [tilespmem:v4+s14+$0xFFFFFFB0 ss:$0x1], $0xffff  }
0x51b: {  	v9 =	vld.idx.msk [tilespmem:v4+s14+$0xFFFFFFC0 ss:$0x1], $0xffff  }
0x51c: {  	v10 =	vld.idx.msk [tilespmem:v4+s14+$0xFFFFFFD0 ss:$0x1], $0xffff  }
0x51d: {  	v11 =	vld.idx.msk [tilespmem:v4+s14+$0xFFFFFFE0 ss:$0x1], $0xffff  }
0x51e: {  	[tilespmem:s14+$0xEDF0] =	vst.add.f32.msk $0xffff, v5  }
0x51f: {  	v5 =	vld.idx.msk [tilespmem:v4+s14+$0xFFFFFFF0 ss:$0x1], $0xffff  }
0x520: {  	[tilespmem:s14+$0xED80] =	vst.add.f32.msk $0xffff, v6  }
0x521: {  	[tilespmem:s14+$0xED90] =	vst.add.f32.msk $0xffff, v7  }
0x522: {  	[tilespmem:s14+$0xEDA0] =	vst.add.f32.msk $0xffff, v8  }
0x523: {  	[tilespmem:s14+$0xEDB0] =	vst.add.f32.msk $0xffff, v9  }
0x524: {  	[tilespmem:s14+$0xEDC0] =	vst.add.f32.msk $0xffff, v10  }
0x525: {  	s26 =	simm.s32 $0x1000;
	s25 =	simm.s32 $0x0;
	[tilespmem:s14+$0xEDD0] =	vst.add.f32.msk $0xffff, v11  }
.LBB2_65:
0x526: {  	s25 =	sadd.s32 $0x8, s25;
	[tilespmem:s14+$0xEDE0] =	vst.add.f32.msk $0xffff, v5;
	s14 =	sshra.s32 s26, $0x2  }
0x527: {  	v5 =	vld.idx.msk [tilespmem:v4+s14+$0x0 ss:$0x1], $0xffff;
	p1 =	slt.u32 s25, $0x38  }
0x528: {  	v6 =	vld.idx.msk [tilespmem:v4+s14+$0xFFFFFF90 ss:$0x1], $0xffff  }
0x529: {  	v7 =	vld.idx.msk [tilespmem:v4+s14+$0xFFFFFFA0 ss:$0x1], $0xffff  }
0x52a: {  	v8 =	vld.idx.msk [tilespmem:v4+s14+$0xFFFFFFB0 ss:$0x1], $0xffff  }
0x52b: {  	v9 =	vld.idx.msk [tilespmem:v4+s14+$0xFFFFFFC0 ss:$0x1], $0xffff  }
0x52c: {  	v10 =	vld.idx.msk [tilespmem:v4+s14+$0xFFFFFFD0 ss:$0x1], $0xffff  }
0x52d: {  	[tilespmem:s14+$0xEDF0] =	vst.add.f32.msk $0xffff, v5  }
0x52e: {  	v11 =	vld.idx.msk [tilespmem:v4+s14+$0xFFFFFFE0 ss:$0x1], $0xffff  }
0x52f: {  	v5 =	vld.idx.msk [tilespmem:v4+s14+$0xFFFFFFF0 ss:$0x1], $0xffff  }
0x530: {  	[tilespmem:s14+$0xED80] =	vst.add.f32.msk $0xffff, v6  }
.Ltmp33:
0x531: {  	[tilespmem:s14+$0xED90] =	vst.add.f32.msk $0xffff, v7;
	(pc) =	sbr.rel @p1 .LBB2_65-.Ltmp33, $4  }
0x532: {  	[tilespmem:s14+$0xEDA0] =	vst.add.f32.msk $0xffff, v8  }
0x533: {  	[tilespmem:s14+$0xEDB0] =	vst.add.f32.msk $0xffff, v9  }
0x534: {  	[tilespmem:s14+$0xEDC0] =	vst.add.f32.msk $0xffff, v10  }
0x535: {  	s26 =	sadd.s32 $0x1000, s26;
	[tilespmem:s14+$0xEDD0] =	vst.add.f32.msk $0xffff, v11  }
0x536: {  	(v2sf) =	vpush v3, $0xC;
	_ =	sdelay $0xe  }
0x537: {  	s25 =	spop (v2sf)  }
0x538: {  	s26 =	sshll.u32 s25, $0xC;
	s25 =	sand.u32 $0x7, s25  }
0x539: {  	s26 =	sand.u32 $0xFFFF8000, s26;
	s25 =	sshll.u32 s25, $0x9  }
0x53a: {  	s25 =	sor.u32 s25, s26  }
0x53b: {  	s25 =	sshra.s32 s25, $0x2  }
0x53c: {  	s25 =	sor.u32 $0xC00, s25  }
0x53d: {  	v4 =	vmov s25;
	_ =	sdelay $0x3  }
0x53e: {  	[tilespmem:s14+$0xEDE0] =	vst.add.f32.msk $0xffff, v5;
	s14 =	simm.s32 $0x0  }
0x53f: {  	v5 =	vld.idx.msk [tilespmem:v4+s14+$0x6070 ss:$0x1], $0xffff  }
0x540: {  	v6 =	vld.idx.msk [tilespmem:v4+s14+$0x6000 ss:$0x1], $0xffff  }
0x541: {  	v7 =	vld.idx.msk [tilespmem:v4+s14+$0x6010 ss:$0x1], $0xffff  }
0x542: {  	v8 =	vld.idx.msk [tilespmem:v4+s14+$0x6020 ss:$0x1], $0xffff  }
0x543: {  	v9 =	vld.idx.msk [tilespmem:v4+s14+$0x6030 ss:$0x1], $0xffff  }
0x544: {  	v10 =	vld.idx.msk [tilespmem:v4+s14+$0x6040 ss:$0x1], $0xffff  }
0x545: {  	v11 =	vld.idx.msk [tilespmem:v4+s14+$0x6050 ss:$0x1], $0xffff  }
0x546: {  	[tilespmem:s14+$0xEE70] =	vst.add.f32.msk $0xffff, v5  }
0x547: {  	v5 =	vld.idx.msk [tilespmem:v4+s14+$0x6060 ss:$0x1], $0xffff  }
0x548: {  	[tilespmem:s14+$0xEE00] =	vst.add.f32.msk $0xffff, v6  }
0x549: {  	[tilespmem:s14+$0xEE10] =	vst.add.f32.msk $0xffff, v7  }
0x54a: {  	[tilespmem:s14+$0xEE20] =	vst.add.f32.msk $0xffff, v8  }
0x54b: {  	[tilespmem:s14+$0xEE30] =	vst.add.f32.msk $0xffff, v9  }
0x54c: {  	[tilespmem:s14+$0xEE40] =	vst.add.f32.msk $0xffff, v10  }
0x54d: {  	s26 =	simm.s32 $0x1000;
	s25 =	simm.s32 $0x0;
	[tilespmem:s14+$0xEE50] =	vst.add.f32.msk $0xffff, v11  }
.LBB2_67:
0x54e: {  	s25 =	sadd.s32 $0x8, s25;
	[tilespmem:s14+$0xEE60] =	vst.add.f32.msk $0xffff, v5;
	s14 =	sshra.s32 s26, $0x2  }
0x54f: {  	v5 =	vld.idx.msk [tilespmem:v4+s14+$0x6070 ss:$0x1], $0xffff;
	p1 =	slt.u32 s25, $0x38  }
0x550: {  	v6 =	vld.idx.msk [tilespmem:v4+s14+$0x6000 ss:$0x1], $0xffff  }
0x551: {  	v7 =	vld.idx.msk [tilespmem:v4+s14+$0x6010 ss:$0x1], $0xffff  }
0x552: {  	v8 =	vld.idx.msk [tilespmem:v4+s14+$0x6020 ss:$0x1], $0xffff  }
0x553: {  	v9 =	vld.idx.msk [tilespmem:v4+s14+$0x6030 ss:$0x1], $0xffff  }
0x554: {  	v10 =	vld.idx.msk [tilespmem:v4+s14+$0x6040 ss:$0x1], $0xffff  }
0x555: {  	[tilespmem:s14+$0xEE70] =	vst.add.f32.msk $0xffff, v5  }
0x556: {  	v11 =	vld.idx.msk [tilespmem:v4+s14+$0x6050 ss:$0x1], $0xffff  }
0x557: {  	v5 =	vld.idx.msk [tilespmem:v4+s14+$0x6060 ss:$0x1], $0xffff  }
0x558: {  	[tilespmem:s14+$0xEE00] =	vst.add.f32.msk $0xffff, v6  }
.Ltmp34:
0x559: {  	[tilespmem:s14+$0xEE10] =	vst.add.f32.msk $0xffff, v7;
	(pc) =	sbr.rel @p1 .LBB2_67-.Ltmp34, $4  }
0x55a: {  	[tilespmem:s14+$0xEE20] =	vst.add.f32.msk $0xffff, v8  }
0x55b: {  	[tilespmem:s14+$0xEE30] =	vst.add.f32.msk $0xffff, v9  }
0x55c: {  	[tilespmem:s14+$0xEE40] =	vst.add.f32.msk $0xffff, v10  }
0x55d: {  	s26 =	sadd.s32 $0x1000, s26;
	[tilespmem:s14+$0xEE50] =	vst.add.f32.msk $0xffff, v11  }
0x55e: {  	(v2sf) =	vpush v3, $0xD;
	_ =	sdelay $0xe  }
0x55f: {  	s25 =	spop (v2sf)  }
0x560: {  	s25 =	sadd.s32 $0x1A, s25  }
0x561: {  	s26 =	sshll.u32 s25, $0xC;
	s25 =	sand.u32 $0x7, s25  }
0x562: {  	s26 =	sand.u32 $0xFFFF8000, s26;
	s25 =	sshll.u32 s25, $0x9  }
0x563: {  	s25 =	sor.u32 s25, s26  }
0x564: {  	s25 =	sshra.s32 s25, $0x2  }
0x565: {  	s25 =	sor.u32 $0xC70, s25  }
0x566: {  	v4 =	vmov s25;
	_ =	sdelay $0x3  }
0x567: {  	[tilespmem:s14+$0xEE60] =	vst.add.f32.msk $0xffff, v5;
	s14 =	simm.s32 $0x0  }
0x568: {  	v5 =	vld.idx.msk [tilespmem:v4+s14+$0x0 ss:$0x1], $0xffff  }
0x569: {  	v6 =	vld.idx.msk [tilespmem:v4+s14+$0xFFFFFF90 ss:$0x1], $0xffff  }
0x56a: {  	v7 =	vld.idx.msk [tilespmem:v4+s14+$0xFFFFFFA0 ss:$0x1], $0xffff  }
0x56b: {  	v8 =	vld.idx.msk [tilespmem:v4+s14+$0xFFFFFFB0 ss:$0x1], $0xffff  }
0x56c: {  	v9 =	vld.idx.msk [tilespmem:v4+s14+$0xFFFFFFC0 ss:$0x1], $0xffff  }
0x56d: {  	v10 =	vld.idx.msk [tilespmem:v4+s14+$0xFFFFFFD0 ss:$0x1], $0xffff  }
0x56e: {  	v11 =	vld.idx.msk [tilespmem:v4+s14+$0xFFFFFFE0 ss:$0x1], $0xffff  }
0x56f: {  	[tilespmem:s14+$0xEEF0] =	vst.add.f32.msk $0xffff, v5  }
0x570: {  	v5 =	vld.idx.msk [tilespmem:v4+s14+$0xFFFFFFF0 ss:$0x1], $0xffff  }
0x571: {  	[tilespmem:s14+$0xEE80] =	vst.add.f32.msk $0xffff, v6  }
0x572: {  	[tilespmem:s14+$0xEE90] =	vst.add.f32.msk $0xffff, v7  }
0x573: {  	[tilespmem:s14+$0xEEA0] =	vst.add.f32.msk $0xffff, v8  }
0x574: {  	[tilespmem:s14+$0xEEB0] =	vst.add.f32.msk $0xffff, v9  }
0x575: {  	[tilespmem:s14+$0xEEC0] =	vst.add.f32.msk $0xffff, v10  }
0x576: {  	s26 =	simm.s32 $0x1000;
	s25 =	simm.s32 $0x0;
	[tilespmem:s14+$0xEED0] =	vst.add.f32.msk $0xffff, v11  }
.LBB2_69:
0x577: {  	s25 =	sadd.s32 $0x8, s25;
	[tilespmem:s14+$0xEEE0] =	vst.add.f32.msk $0xffff, v5;
	s14 =	sshra.s32 s26, $0x2  }
0x578: {  	v5 =	vld.idx.msk [tilespmem:v4+s14+$0x0 ss:$0x1], $0xffff;
	p1 =	slt.u32 s25, $0x38  }
0x579: {  	v6 =	vld.idx.msk [tilespmem:v4+s14+$0xFFFFFF90 ss:$0x1], $0xffff  }
0x57a: {  	v7 =	vld.idx.msk [tilespmem:v4+s14+$0xFFFFFFA0 ss:$0x1], $0xffff  }
0x57b: {  	v8 =	vld.idx.msk [tilespmem:v4+s14+$0xFFFFFFB0 ss:$0x1], $0xffff  }
0x57c: {  	v9 =	vld.idx.msk [tilespmem:v4+s14+$0xFFFFFFC0 ss:$0x1], $0xffff  }
0x57d: {  	v10 =	vld.idx.msk [tilespmem:v4+s14+$0xFFFFFFD0 ss:$0x1], $0xffff  }
0x57e: {  	[tilespmem:s14+$0xEEF0] =	vst.add.f32.msk $0xffff, v5  }
0x57f: {  	v11 =	vld.idx.msk [tilespmem:v4+s14+$0xFFFFFFE0 ss:$0x1], $0xffff  }
0x580: {  	v5 =	vld.idx.msk [tilespmem:v4+s14+$0xFFFFFFF0 ss:$0x1], $0xffff  }
0x581: {  	[tilespmem:s14+$0xEE80] =	vst.add.f32.msk $0xffff, v6  }
.Ltmp35:
0x582: {  	[tilespmem:s14+$0xEE90] =	vst.add.f32.msk $0xffff, v7;
	(pc) =	sbr.rel @p1 .LBB2_69-.Ltmp35, $4  }
0x583: {  	[tilespmem:s14+$0xEEA0] =	vst.add.f32.msk $0xffff, v8  }
0x584: {  	[tilespmem:s14+$0xEEB0] =	vst.add.f32.msk $0xffff, v9  }
0x585: {  	[tilespmem:s14+$0xEEC0] =	vst.add.f32.msk $0xffff, v10  }
0x586: {  	s26 =	sadd.s32 $0x1000, s26;
	[tilespmem:s14+$0xEED0] =	vst.add.f32.msk $0xffff, v11  }
0x587: {  	(v2sf) =	vpush v3, $0xE;
	_ =	sdelay $0xe  }
0x588: {  	s25 =	spop (v2sf)  }
0x589: {  	s25 =	sadd.s32 $0x1C, s25  }
0x58a: {  	s26 =	sshll.u32 s25, $0xC;
	s25 =	sand.u32 $0x7, s25  }
0x58b: {  	s26 =	sand.u32 $0xFFFF8000, s26;
	s25 =	sshll.u32 s25, $0x9  }
0x58c: {  	s25 =	sor.u32 s25, s26  }
0x58d: {  	s25 =	sshra.s32 s25, $0x2  }
0x58e: {  	s25 =	sor.u32 $0xC70, s25  }
0x58f: {  	v4 =	vmov s25;
	_ =	sdelay $0x3  }
0x590: {  	[tilespmem:s14+$0xEEE0] =	vst.add.f32.msk $0xffff, v5;
	s14 =	simm.s32 $0x0  }
0x591: {  	v5 =	vld.idx.msk [tilespmem:v4+s14+$0x0 ss:$0x1], $0xffff  }
0x592: {  	v6 =	vld.idx.msk [tilespmem:v4+s14+$0xFFFFFF90 ss:$0x1], $0xffff  }
0x593: {  	v7 =	vld.idx.msk [tilespmem:v4+s14+$0xFFFFFFA0 ss:$0x1], $0xffff  }
0x594: {  	v8 =	vld.idx.msk [tilespmem:v4+s14+$0xFFFFFFB0 ss:$0x1], $0xffff  }
0x595: {  	v9 =	vld.idx.msk [tilespmem:v4+s14+$0xFFFFFFC0 ss:$0x1], $0xffff  }
0x596: {  	v10 =	vld.idx.msk [tilespmem:v4+s14+$0xFFFFFFD0 ss:$0x1], $0xffff  }
0x597: {  	v11 =	vld.idx.msk [tilespmem:v4+s14+$0xFFFFFFE0 ss:$0x1], $0xffff  }
0x598: {  	[tilespmem:s14+$0xEF70] =	vst.add.f32.msk $0xffff, v5  }
0x599: {  	v5 =	vld.idx.msk [tilespmem:v4+s14+$0xFFFFFFF0 ss:$0x1], $0xffff  }
0x59a: {  	[tilespmem:s14+$0xEF00] =	vst.add.f32.msk $0xffff, v6  }
0x59b: {  	[tilespmem:s14+$0xEF10] =	vst.add.f32.msk $0xffff, v7  }
0x59c: {  	[tilespmem:s14+$0xEF20] =	vst.add.f32.msk $0xffff, v8  }
0x59d: {  	[tilespmem:s14+$0xEF30] =	vst.add.f32.msk $0xffff, v9  }
0x59e: {  	[tilespmem:s14+$0xEF40] =	vst.add.f32.msk $0xffff, v10  }
0x59f: {  	s26 =	simm.s32 $0x1000;
	s25 =	simm.s32 $0x0;
	[tilespmem:s14+$0xEF50] =	vst.add.f32.msk $0xffff, v11  }
.LBB2_71:
0x5a0: {  	s25 =	sadd.s32 $0x8, s25;
	[tilespmem:s14+$0xEF60] =	vst.add.f32.msk $0xffff, v5;
	s14 =	sshra.s32 s26, $0x2  }
0x5a1: {  	v5 =	vld.idx.msk [tilespmem:v4+s14+$0x0 ss:$0x1], $0xffff;
	p1 =	slt.u32 s25, $0x38  }
0x5a2: {  	v6 =	vld.idx.msk [tilespmem:v4+s14+$0xFFFFFF90 ss:$0x1], $0xffff  }
0x5a3: {  	v7 =	vld.idx.msk [tilespmem:v4+s14+$0xFFFFFFA0 ss:$0x1], $0xffff  }
0x5a4: {  	v8 =	vld.idx.msk [tilespmem:v4+s14+$0xFFFFFFB0 ss:$0x1], $0xffff  }
0x5a5: {  	v9 =	vld.idx.msk [tilespmem:v4+s14+$0xFFFFFFC0 ss:$0x1], $0xffff  }
0x5a6: {  	v10 =	vld.idx.msk [tilespmem:v4+s14+$0xFFFFFFD0 ss:$0x1], $0xffff  }
0x5a7: {  	[tilespmem:s14+$0xEF70] =	vst.add.f32.msk $0xffff, v5  }
0x5a8: {  	v11 =	vld.idx.msk [tilespmem:v4+s14+$0xFFFFFFE0 ss:$0x1], $0xffff  }
0x5a9: {  	v5 =	vld.idx.msk [tilespmem:v4+s14+$0xFFFFFFF0 ss:$0x1], $0xffff  }
0x5aa: {  	[tilespmem:s14+$0xEF00] =	vst.add.f32.msk $0xffff, v6  }
.Ltmp36:
0x5ab: {  	[tilespmem:s14+$0xEF10] =	vst.add.f32.msk $0xffff, v7;
	(pc) =	sbr.rel @p1 .LBB2_71-.Ltmp36, $4  }
0x5ac: {  	[tilespmem:s14+$0xEF20] =	vst.add.f32.msk $0xffff, v8  }
0x5ad: {  	[tilespmem:s14+$0xEF30] =	vst.add.f32.msk $0xffff, v9  }
0x5ae: {  	[tilespmem:s14+$0xEF40] =	vst.add.f32.msk $0xffff, v10  }
0x5af: {  	s26 =	sadd.s32 $0x1000, s26;
	[tilespmem:s14+$0xEF50] =	vst.add.f32.msk $0xffff, v11  }
0x5b0: {  	(v2sf) =	vpush v3, $0xF;
	_ =	sdelay $0xe  }
0x5b1: {  	s25 =	spop (v2sf)  }
0x5b2: {  	s25 =	sadd.s32 $0x1E, s25  }
0x5b3: {  	s26 =	sshll.u32 s25, $0xC;
	s25 =	sand.u32 $0x7, s25  }
0x5b4: {  	s26 =	sand.u32 $0xFFFF8000, s26;
	s25 =	sshll.u32 s25, $0x9  }
0x5b5: {  	s25 =	sor.u32 s25, s26  }
0x5b6: {  	s25 =	sshra.s32 s25, $0x2  }
0x5b7: {  	s25 =	sor.u32 $0xC70, s25  }
0x5b8: {  	v3 =	vmov s25;
	_ =	sdelay $0x3  }
0x5b9: {  	[tilespmem:s14+$0xEF60] =	vst.add.f32.msk $0xffff, v5;
	s14 =	simm.s32 $0x0  }
0x5ba: {  	v4 =	vld.idx.msk [tilespmem:v3+s14+$0x0 ss:$0x1], $0xffff  }
0x5bb: {  	v5 =	vld.idx.msk [tilespmem:v3+s14+$0xFFFFFF90 ss:$0x1], $0xffff  }
0x5bc: {  	v6 =	vld.idx.msk [tilespmem:v3+s14+$0xFFFFFFA0 ss:$0x1], $0xffff  }
0x5bd: {  	v7 =	vld.idx.msk [tilespmem:v3+s14+$0xFFFFFFB0 ss:$0x1], $0xffff  }
0x5be: {  	v8 =	vld.idx.msk [tilespmem:v3+s14+$0xFFFFFFC0 ss:$0x1], $0xffff  }
0x5bf: {  	v9 =	vld.idx.msk [tilespmem:v3+s14+$0xFFFFFFD0 ss:$0x1], $0xffff  }
0x5c0: {  	v10 =	vld.idx.msk [tilespmem:v3+s14+$0xFFFFFFE0 ss:$0x1], $0xffff  }
0x5c1: {  	[tilespmem:s14+$0xEFF0] =	vst.add.f32.msk $0xffff, v4  }
0x5c2: {  	v4 =	vld.idx.msk [tilespmem:v3+s14+$0xFFFFFFF0 ss:$0x1], $0xffff  }
0x5c3: {  	[tilespmem:s14+$0xEF80] =	vst.add.f32.msk $0xffff, v5  }
0x5c4: {  	[tilespmem:s14+$0xEF90] =	vst.add.f32.msk $0xffff, v6  }
0x5c5: {  	[tilespmem:s14+$0xEFA0] =	vst.add.f32.msk $0xffff, v7  }
0x5c6: {  	[tilespmem:s14+$0xEFB0] =	vst.add.f32.msk $0xffff, v8  }
0x5c7: {  	[tilespmem:s14+$0xEFC0] =	vst.add.f32.msk $0xffff, v9  }
0x5c8: {  	s26 =	simm.s32 $0x1000;
	s25 =	simm.s32 $0x0;
	[tilespmem:s14+$0xEFD0] =	vst.add.f32.msk $0xffff, v10  }
.LBB2_73:
0x5c9: {  	s25 =	sadd.s32 $0x8, s25;
	[tilespmem:s14+$0xEFE0] =	vst.add.f32.msk $0xffff, v4;
	s14 =	sshra.s32 s26, $0x2  }
0x5ca: {  	v4 =	vld.idx.msk [tilespmem:v3+s14+$0x0 ss:$0x1], $0xffff;
	p1 =	slt.u32 s25, $0x38  }
0x5cb: {  	v5 =	vld.idx.msk [tilespmem:v3+s14+$0xFFFFFF90 ss:$0x1], $0xffff  }
0x5cc: {  	v6 =	vld.idx.msk [tilespmem:v3+s14+$0xFFFFFFA0 ss:$0x1], $0xffff  }
0x5cd: {  	v7 =	vld.idx.msk [tilespmem:v3+s14+$0xFFFFFFB0 ss:$0x1], $0xffff  }
0x5ce: {  	v8 =	vld.idx.msk [tilespmem:v3+s14+$0xFFFFFFC0 ss:$0x1], $0xffff  }
0x5cf: {  	v9 =	vld.idx.msk [tilespmem:v3+s14+$0xFFFFFFD0 ss:$0x1], $0xffff  }
0x5d0: {  	[tilespmem:s14+$0xEFF0] =	vst.add.f32.msk $0xffff, v4  }
0x5d1: {  	v10 =	vld.idx.msk [tilespmem:v3+s14+$0xFFFFFFE0 ss:$0x1], $0xffff  }
0x5d2: {  	v4 =	vld.idx.msk [tilespmem:v3+s14+$0xFFFFFFF0 ss:$0x1], $0xffff  }
0x5d3: {  	[tilespmem:s14+$0xEF80] =	vst.add.f32.msk $0xffff, v5  }
.Ltmp37:
0x5d4: {  	[tilespmem:s14+$0xEF90] =	vst.add.f32.msk $0xffff, v6;
	(pc) =	sbr.rel @p1 .LBB2_73-.Ltmp37, $4  }
0x5d5: {  	[tilespmem:s14+$0xEFA0] =	vst.add.f32.msk $0xffff, v7  }
0x5d6: {  	[tilespmem:s14+$0xEFB0] =	vst.add.f32.msk $0xffff, v8  }
0x5d7: {  	[tilespmem:s14+$0xEFC0] =	vst.add.f32.msk $0xffff, v9  }
0x5d8: {  	s26 =	sadd.s32 $0x1000, s26;
	[tilespmem:s14+$0xEFD0] =	vst.add.f32.msk $0xffff, v10  }
0x5d9: {  	s22 =	sshll.u32 s22, $0x10  }
0x5da: {  	[tilespmem:s14+$0xEFE0] =	vst.add.f32.msk $0xffff, v4;
	s14 =	simm.s32 @!p0 $0x9;
	s22 =	sadd.s32 s22, s9  }
0x5db: {  	[hbm4b:s22+s4] =	stream.linear.scatter [tilespmem:s24], [sflag:$0x7], $0x4000, $0x38;
	[tilespmem:$0x18C00] =	vst v63  }
0x5dc: {  	s20 =	sor.u32 $0x3, s20;
	_ =	swait.ge @!p0 [sflag:s14], $0x4000  }
0x5dd: {  	s25 =	sshll.u32 s20, $0x6;
	[sflag:s14] =	ssyncset.done @!p0 $0x0  }
0x5de: {  	s22 =	sshrl.u32 s25, $0x2;
	[sflag:s14] =	ssyncadd.s32 @!p0 $0xFFFFC000  }
0x5df: {  	v3 =	vld [tilespmem:s22+$0x0];
	_ =	sdelay $0x4  }
0x5e0: {  	v4 =	vshll.u32 v3, $0x3  }
0x5e1: {  	v3 =	vand.u32 $0x7, v3;
	v4 =	vand.u32 $0xFFFFFFC0, v4  }
0x5e2: {  	v3 =	vor.u32 v3, v4  }
0x5e3: {  	v4 =	vperm.xlane v3, v0;
	_ =	sdelay $0x1  }
0x5e4: {  	v4 =	vadd.s32 v1, v4;
	_ =	sdelay $0x3  }
0x5e5: {  	s14 =	simm.s32 $0x0  }
0x5e6: {  	[tilespmem:s5], [sflag:$0x5] =	stream.indirect_vreg.gather [hbm4b:s1+s14], $0x80, v4, vm0, $0xb8;
	[tilespmem:$0x18C00] =	vst v63  }
0x5e7: {  	s25 =	simm.s32 $0x15400;
	v3 =	vperm.xlane v3, v2  }
0x5e8: {  	[tilespmem:s25], [sflag:$0x5] =	stream.indirect_vreg.gather [hbm4b:s6+s14], $0x80, v4, vm0, $0xb8;
	[tilespmem:$0x18C00] =	vst v63  }
0x5e9: {  	s26 =	simm.s32 $0x15C00;
	v3 =	vadd.s32 v1, v3  }
0x5ea: {  	[tilespmem:s26], [sflag:$0x5] =	stream.indirect_vreg.gather [hbm4b:s7+s14], $0x80, v4, vm0, $0xb8;
	[tilespmem:$0x18C00] =	vst v63  }
0x5eb: {  	s26 =	simm.s32 $0x16400  }
0x5ec: {  	[tilespmem:s26], [sflag:$0x5] =	stream.indirect_vreg.gather [hbm4b:s8+s14], $0x80, v4, vm0, $0xb8;
	[tilespmem:$0x18C00] =	vst v63  }
0x5ed: {  	s26 =	simm.s32 $0x16C00  }
0x5ee: {  	[tilespmem:s26], [sflag:$0x5] =	stream.indirect_vreg.gather [hbm4b:s1+s14], $0x80, v3, vm0, $0xb8;
	[tilespmem:$0x18C00] =	vst v63  }
0x5ef: {  	_ = 	snop  }
0x5f0: {  	[tilespmem:s28], [sflag:$0x5] =	stream.indirect_vreg.gather [hbm4b:s6+s14], $0x80, v3, vm0, $0xb8;
	[tilespmem:$0x18C00] =	vst v63  }
0x5f1: {  	_ = 	snop  }
0x5f2: {  	[tilespmem:s29], [sflag:$0x5] =	stream.indirect_vreg.gather [hbm4b:s7+s14], $0x80, v3, vm0, $0xb8;
	[tilespmem:$0x18C00] =	vst v63  }
0x5f3: {  	_ = 	snop  }
0x5f4: {  	[tilespmem:s30], [sflag:$0x5] =	stream.indirect_vreg.gather [hbm4b:s8+s14], $0x80, v3, vm0, $0xb8;
	[tilespmem:$0x18C00] =	vst v63  }
0x5f5: {  	_ =	swait.ge [sflag:s31], $0x4000  }
0x5f6: {  	[sflag:s31] =	ssyncset.done $0x0  }
0x5f7: {  	[sflag:s31] =	ssyncadd.s32 $0xFFFFC000  }
0x5f8: {  	v3 =	vld [tilespmem:s10+$0x200];
	_ =	sdelay $0x4  }
0x5f9: {  	(v2sf) =	vpush v3, $0x0;
	_ =	sdelay $0xe  }
0x5fa: {  	s25 =	spop (v2sf)  }
0x5fb: {  	s26 =	sshll.u32 s25, $0xC;
	s10 =	sand.u32 $0x7, s25  }
0x5fc: {  	s14 =	sand.u32 $0xFFFF8000, s26;
	s10 =	sshll.u32 s10, $0x9  }
0x5fd: {  	s10 =	sor.u32 s10, s14  }
0x5fe: {  	s10 =	sshra.s32 s10, $0x2  }
0x5ff: {  	s10 =	sor.u32 $0xC70, s10  }
0x600: {  	v4 =	vmov s10;
	_ =	sdelay $0x3  }
0x601: {  	s10 =	simm.s32 $0x0  }
0x602: {  	v5 =	vld.idx.msk [tilespmem:v4+s10+$0x0 ss:$0x1], $0xffff  }
0x603: {  	v6 =	vld.idx.msk [tilespmem:v4+s10+$0xFFFFFF90 ss:$0x1], $0xffff  }
0x604: {  	v7 =	vld.idx.msk [tilespmem:v4+s10+$0xFFFFFFA0 ss:$0x1], $0xffff  }
0x605: {  	v8 =	vld.idx.msk [tilespmem:v4+s10+$0xFFFFFFB0 ss:$0x1], $0xffff  }
0x606: {  	v9 =	vld.idx.msk [tilespmem:v4+s10+$0xFFFFFFC0 ss:$0x1], $0xffff  }
0x607: {  	v10 =	vld.idx.msk [tilespmem:v4+s10+$0xFFFFFFD0 ss:$0x1], $0xffff  }
0x608: {  	v11 =	vld.idx.msk [tilespmem:v4+s10+$0xFFFFFFE0 ss:$0x1], $0xffff  }
0x609: {  	[tilespmem:s10+$0x10C70] =	vst.add.f32.msk $0xffff, v5  }
0x60a: {  	v5 =	vld.idx.msk [tilespmem:v4+s10+$0xFFFFFFF0 ss:$0x1], $0xffff  }
0x60b: {  	[tilespmem:s10+$0x10C00] =	vst.add.f32.msk $0xffff, v6  }
0x60c: {  	[tilespmem:s10+$0x10C10] =	vst.add.f32.msk $0xffff, v7  }
0x60d: {  	[tilespmem:s10+$0x10C20] =	vst.add.f32.msk $0xffff, v8  }
0x60e: {  	[tilespmem:s10+$0x10C30] =	vst.add.f32.msk $0xffff, v9  }
0x60f: {  	[tilespmem:s10+$0x10C40] =	vst.add.f32.msk $0xffff, v10  }
0x610: {  	s25 =	simm.s32 $0x1000;
	s14 =	simm.s32 $0x0;
	[tilespmem:s10+$0x10C50] =	vst.add.f32.msk $0xffff, v11  }
.LBB2_75:
0x611: {  	s14 =	sadd.s32 $0x8, s14;
	[tilespmem:s10+$0x10C60] =	vst.add.f32.msk $0xffff, v5;
	s10 =	sshra.s32 s25, $0x2  }
0x612: {  	v5 =	vld.idx.msk [tilespmem:v4+s10+$0x0 ss:$0x1], $0xffff;
	p0 =	slt.u32 s14, $0x38  }
0x613: {  	v6 =	vld.idx.msk [tilespmem:v4+s10+$0xFFFFFF90 ss:$0x1], $0xffff  }
0x614: {  	v7 =	vld.idx.msk [tilespmem:v4+s10+$0xFFFFFFA0 ss:$0x1], $0xffff  }
0x615: {  	v8 =	vld.idx.msk [tilespmem:v4+s10+$0xFFFFFFB0 ss:$0x1], $0xffff  }
0x616: {  	v9 =	vld.idx.msk [tilespmem:v4+s10+$0xFFFFFFC0 ss:$0x1], $0xffff  }
0x617: {  	v10 =	vld.idx.msk [tilespmem:v4+s10+$0xFFFFFFD0 ss:$0x1], $0xffff  }
0x618: {  	[tilespmem:s10+$0x10C70] =	vst.add.f32.msk $0xffff, v5  }
0x619: {  	v11 =	vld.idx.msk [tilespmem:v4+s10+$0xFFFFFFE0 ss:$0x1], $0xffff  }
0x61a: {  	v5 =	vld.idx.msk [tilespmem:v4+s10+$0xFFFFFFF0 ss:$0x1], $0xffff  }
0x61b: {  	[tilespmem:s10+$0x10C00] =	vst.add.f32.msk $0xffff, v6  }
.Ltmp38:
0x61c: {  	[tilespmem:s10+$0x10C10] =	vst.add.f32.msk $0xffff, v7;
	(pc) =	sbr.rel @p0 .LBB2_75-.Ltmp38, $4  }
0x61d: {  	[tilespmem:s10+$0x10C20] =	vst.add.f32.msk $0xffff, v8  }
0x61e: {  	[tilespmem:s10+$0x10C30] =	vst.add.f32.msk $0xffff, v9  }
0x61f: {  	[tilespmem:s10+$0x10C40] =	vst.add.f32.msk $0xffff, v10  }
0x620: {  	s25 =	sadd.s32 $0x1000, s25;
	[tilespmem:s10+$0x10C50] =	vst.add.f32.msk $0xffff, v11  }
0x621: {  	(v2sf) =	vpush v3, $0x1;
	_ =	sdelay $0xe  }
0x622: {  	s14 =	spop (v2sf)  }
0x623: {  	s14 =	sadd.s32 $0x2, s14  }
0x624: {  	s25 =	sshll.u32 s14, $0xC;
	s14 =	sand.u32 $0x7, s14  }
0x625: {  	s25 =	sand.u32 $0xFFFF8000, s25;
	s14 =	sshll.u32 s14, $0x9  }
0x626: {  	s14 =	sor.u32 s14, s25  }
0x627: {  	s14 =	sshra.s32 s14, $0x2  }
0x628: {  	s14 =	sor.u32 $0xC70, s14  }
0x629: {  	v4 =	vmov s14;
	_ =	sdelay $0x3  }
0x62a: {  	[tilespmem:s10+$0x10C60] =	vst.add.f32.msk $0xffff, v5;
	s10 =	simm.s32 $0x0  }
0x62b: {  	v5 =	vld.idx.msk [tilespmem:v4+s10+$0x0 ss:$0x1], $0xffff  }
0x62c: {  	v6 =	vld.idx.msk [tilespmem:v4+s10+$0xFFFFFF90 ss:$0x1], $0xffff  }
0x62d: {  	v7 =	vld.idx.msk [tilespmem:v4+s10+$0xFFFFFFA0 ss:$0x1], $0xffff  }
0x62e: {  	v8 =	vld.idx.msk [tilespmem:v4+s10+$0xFFFFFFB0 ss:$0x1], $0xffff  }
0x62f: {  	v9 =	vld.idx.msk [tilespmem:v4+s10+$0xFFFFFFC0 ss:$0x1], $0xffff  }
0x630: {  	v10 =	vld.idx.msk [tilespmem:v4+s10+$0xFFFFFFD0 ss:$0x1], $0xffff  }
0x631: {  	v11 =	vld.idx.msk [tilespmem:v4+s10+$0xFFFFFFE0 ss:$0x1], $0xffff  }
0x632: {  	[tilespmem:s10+$0x10CF0] =	vst.add.f32.msk $0xffff, v5  }
0x633: {  	v5 =	vld.idx.msk [tilespmem:v4+s10+$0xFFFFFFF0 ss:$0x1], $0xffff  }
0x634: {  	[tilespmem:s10+$0x10C80] =	vst.add.f32.msk $0xffff, v6  }
0x635: {  	[tilespmem:s10+$0x10C90] =	vst.add.f32.msk $0xffff, v7  }
0x636: {  	[tilespmem:s10+$0x10CA0] =	vst.add.f32.msk $0xffff, v8  }
0x637: {  	[tilespmem:s10+$0x10CB0] =	vst.add.f32.msk $0xffff, v9  }
0x638: {  	[tilespmem:s10+$0x10CC0] =	vst.add.f32.msk $0xffff, v10  }
0x639: {  	s25 =	simm.s32 $0x1000;
	s14 =	simm.s32 $0x0;
	[tilespmem:s10+$0x10CD0] =	vst.add.f32.msk $0xffff, v11  }
.LBB2_77:
0x63a: {  	s14 =	sadd.s32 $0x8, s14;
	[tilespmem:s10+$0x10CE0] =	vst.add.f32.msk $0xffff, v5;
	s10 =	sshra.s32 s25, $0x2  }
0x63b: {  	v5 =	vld.idx.msk [tilespmem:v4+s10+$0x0 ss:$0x1], $0xffff;
	p0 =	slt.u32 s14, $0x38  }
0x63c: {  	v6 =	vld.idx.msk [tilespmem:v4+s10+$0xFFFFFF90 ss:$0x1], $0xffff  }
0x63d: {  	v7 =	vld.idx.msk [tilespmem:v4+s10+$0xFFFFFFA0 ss:$0x1], $0xffff  }
0x63e: {  	v8 =	vld.idx.msk [tilespmem:v4+s10+$0xFFFFFFB0 ss:$0x1], $0xffff  }
0x63f: {  	v9 =	vld.idx.msk [tilespmem:v4+s10+$0xFFFFFFC0 ss:$0x1], $0xffff  }
0x640: {  	v10 =	vld.idx.msk [tilespmem:v4+s10+$0xFFFFFFD0 ss:$0x1], $0xffff  }
0x641: {  	[tilespmem:s10+$0x10CF0] =	vst.add.f32.msk $0xffff, v5  }
0x642: {  	v11 =	vld.idx.msk [tilespmem:v4+s10+$0xFFFFFFE0 ss:$0x1], $0xffff  }
0x643: {  	v5 =	vld.idx.msk [tilespmem:v4+s10+$0xFFFFFFF0 ss:$0x1], $0xffff  }
0x644: {  	[tilespmem:s10+$0x10C80] =	vst.add.f32.msk $0xffff, v6  }
.Ltmp39:
0x645: {  	[tilespmem:s10+$0x10C90] =	vst.add.f32.msk $0xffff, v7;
	(pc) =	sbr.rel @p0 .LBB2_77-.Ltmp39, $4  }
0x646: {  	[tilespmem:s10+$0x10CA0] =	vst.add.f32.msk $0xffff, v8  }
0x647: {  	[tilespmem:s10+$0x10CB0] =	vst.add.f32.msk $0xffff, v9  }
0x648: {  	[tilespmem:s10+$0x10CC0] =	vst.add.f32.msk $0xffff, v10  }
0x649: {  	s25 =	sadd.s32 $0x1000, s25;
	[tilespmem:s10+$0x10CD0] =	vst.add.f32.msk $0xffff, v11  }
0x64a: {  	(v2sf) =	vpush v3, $0x2;
	_ =	sdelay $0xe  }
0x64b: {  	s14 =	spop (v2sf)  }
0x64c: {  	s14 =	sadd.s32 $0x4, s14  }
0x64d: {  	s25 =	sshll.u32 s14, $0xC;
	s14 =	sand.u32 $0x7, s14  }
0x64e: {  	s25 =	sand.u32 $0xFFFF8000, s25;
	s14 =	sshll.u32 s14, $0x9  }
0x64f: {  	s14 =	sor.u32 s14, s25  }
0x650: {  	s14 =	sshra.s32 s14, $0x2  }
0x651: {  	s14 =	sor.u32 $0xC70, s14  }
0x652: {  	v4 =	vmov s14;
	_ =	sdelay $0x3  }
0x653: {  	[tilespmem:s10+$0x10CE0] =	vst.add.f32.msk $0xffff, v5;
	s10 =	simm.s32 $0x0  }
0x654: {  	v5 =	vld.idx.msk [tilespmem:v4+s10+$0x0 ss:$0x1], $0xffff  }
0x655: {  	v6 =	vld.idx.msk [tilespmem:v4+s10+$0xFFFFFF90 ss:$0x1], $0xffff  }
0x656: {  	v7 =	vld.idx.msk [tilespmem:v4+s10+$0xFFFFFFA0 ss:$0x1], $0xffff  }
0x657: {  	v8 =	vld.idx.msk [tilespmem:v4+s10+$0xFFFFFFB0 ss:$0x1], $0xffff  }
0x658: {  	v9 =	vld.idx.msk [tilespmem:v4+s10+$0xFFFFFFC0 ss:$0x1], $0xffff  }
0x659: {  	v10 =	vld.idx.msk [tilespmem:v4+s10+$0xFFFFFFD0 ss:$0x1], $0xffff  }
0x65a: {  	v11 =	vld.idx.msk [tilespmem:v4+s10+$0xFFFFFFE0 ss:$0x1], $0xffff  }
0x65b: {  	[tilespmem:s10+$0x10D70] =	vst.add.f32.msk $0xffff, v5  }
0x65c: {  	v5 =	vld.idx.msk [tilespmem:v4+s10+$0xFFFFFFF0 ss:$0x1], $0xffff  }
0x65d: {  	[tilespmem:s10+$0x10D00] =	vst.add.f32.msk $0xffff, v6  }
0x65e: {  	[tilespmem:s10+$0x10D10] =	vst.add.f32.msk $0xffff, v7  }
0x65f: {  	[tilespmem:s10+$0x10D20] =	vst.add.f32.msk $0xffff, v8  }
0x660: {  	[tilespmem:s10+$0x10D30] =	vst.add.f32.msk $0xffff, v9  }
0x661: {  	[tilespmem:s10+$0x10D40] =	vst.add.f32.msk $0xffff, v10  }
0x662: {  	s25 =	simm.s32 $0x1000;
	s14 =	simm.s32 $0x0;
	[tilespmem:s10+$0x10D50] =	vst.add.f32.msk $0xffff, v11  }
.LBB2_79:
0x663: {  	s14 =	sadd.s32 $0x8, s14;
	[tilespmem:s10+$0x10D60] =	vst.add.f32.msk $0xffff, v5;
	s10 =	sshra.s32 s25, $0x2  }
0x664: {  	v5 =	vld.idx.msk [tilespmem:v4+s10+$0x0 ss:$0x1], $0xffff;
	p0 =	slt.u32 s14, $0x38  }
0x665: {  	v6 =	vld.idx.msk [tilespmem:v4+s10+$0xFFFFFF90 ss:$0x1], $0xffff  }
0x666: {  	v7 =	vld.idx.msk [tilespmem:v4+s10+$0xFFFFFFA0 ss:$0x1], $0xffff  }
0x667: {  	v8 =	vld.idx.msk [tilespmem:v4+s10+$0xFFFFFFB0 ss:$0x1], $0xffff  }
0x668: {  	v9 =	vld.idx.msk [tilespmem:v4+s10+$0xFFFFFFC0 ss:$0x1], $0xffff  }
0x669: {  	v10 =	vld.idx.msk [tilespmem:v4+s10+$0xFFFFFFD0 ss:$0x1], $0xffff  }
0x66a: {  	[tilespmem:s10+$0x10D70] =	vst.add.f32.msk $0xffff, v5  }
0x66b: {  	v11 =	vld.idx.msk [tilespmem:v4+s10+$0xFFFFFFE0 ss:$0x1], $0xffff  }
0x66c: {  	v5 =	vld.idx.msk [tilespmem:v4+s10+$0xFFFFFFF0 ss:$0x1], $0xffff  }
0x66d: {  	[tilespmem:s10+$0x10D00] =	vst.add.f32.msk $0xffff, v6  }
.Ltmp40:
0x66e: {  	[tilespmem:s10+$0x10D10] =	vst.add.f32.msk $0xffff, v7;
	(pc) =	sbr.rel @p0 .LBB2_79-.Ltmp40, $4  }
0x66f: {  	[tilespmem:s10+$0x10D20] =	vst.add.f32.msk $0xffff, v8  }
0x670: {  	[tilespmem:s10+$0x10D30] =	vst.add.f32.msk $0xffff, v9  }
0x671: {  	[tilespmem:s10+$0x10D40] =	vst.add.f32.msk $0xffff, v10  }
0x672: {  	s25 =	sadd.s32 $0x1000, s25;
	[tilespmem:s10+$0x10D50] =	vst.add.f32.msk $0xffff, v11  }
0x673: {  	(v2sf) =	vpush v3, $0x3;
	_ =	sdelay $0xe  }
0x674: {  	s14 =	spop (v2sf)  }
0x675: {  	s14 =	sadd.s32 $0x6, s14  }
0x676: {  	s25 =	sshll.u32 s14, $0xC;
	s14 =	sand.u32 $0x7, s14  }
0x677: {  	s25 =	sand.u32 $0xFFFF8000, s25;
	s14 =	sshll.u32 s14, $0x9  }
0x678: {  	s14 =	sor.u32 s14, s25  }
0x679: {  	s14 =	sshra.s32 s14, $0x2  }
0x67a: {  	s14 =	sor.u32 $0xC70, s14  }
0x67b: {  	v4 =	vmov s14;
	_ =	sdelay $0x3  }
0x67c: {  	[tilespmem:s10+$0x10D60] =	vst.add.f32.msk $0xffff, v5;
	s10 =	simm.s32 $0x0  }
0x67d: {  	v5 =	vld.idx.msk [tilespmem:v4+s10+$0x0 ss:$0x1], $0xffff  }
0x67e: {  	v6 =	vld.idx.msk [tilespmem:v4+s10+$0xFFFFFF90 ss:$0x1], $0xffff  }
0x67f: {  	v7 =	vld.idx.msk [tilespmem:v4+s10+$0xFFFFFFA0 ss:$0x1], $0xffff  }
0x680: {  	v8 =	vld.idx.msk [tilespmem:v4+s10+$0xFFFFFFB0 ss:$0x1], $0xffff  }
0x681: {  	v9 =	vld.idx.msk [tilespmem:v4+s10+$0xFFFFFFC0 ss:$0x1], $0xffff  }
0x682: {  	v10 =	vld.idx.msk [tilespmem:v4+s10+$0xFFFFFFD0 ss:$0x1], $0xffff  }
0x683: {  	v11 =	vld.idx.msk [tilespmem:v4+s10+$0xFFFFFFE0 ss:$0x1], $0xffff  }
0x684: {  	[tilespmem:s10+$0x10DF0] =	vst.add.f32.msk $0xffff, v5  }
0x685: {  	v5 =	vld.idx.msk [tilespmem:v4+s10+$0xFFFFFFF0 ss:$0x1], $0xffff  }
0x686: {  	[tilespmem:s10+$0x10D80] =	vst.add.f32.msk $0xffff, v6  }
0x687: {  	[tilespmem:s10+$0x10D90] =	vst.add.f32.msk $0xffff, v7  }
0x688: {  	[tilespmem:s10+$0x10DA0] =	vst.add.f32.msk $0xffff, v8  }
0x689: {  	[tilespmem:s10+$0x10DB0] =	vst.add.f32.msk $0xffff, v9  }
0x68a: {  	[tilespmem:s10+$0x10DC0] =	vst.add.f32.msk $0xffff, v10  }
0x68b: {  	s25 =	simm.s32 $0x1000;
	s14 =	simm.s32 $0x0;
	[tilespmem:s10+$0x10DD0] =	vst.add.f32.msk $0xffff, v11  }
.LBB2_81:
0x68c: {  	s14 =	sadd.s32 $0x8, s14;
	[tilespmem:s10+$0x10DE0] =	vst.add.f32.msk $0xffff, v5;
	s10 =	sshra.s32 s25, $0x2  }
0x68d: {  	v5 =	vld.idx.msk [tilespmem:v4+s10+$0x0 ss:$0x1], $0xffff;
	p0 =	slt.u32 s14, $0x38  }
0x68e: {  	v6 =	vld.idx.msk [tilespmem:v4+s10+$0xFFFFFF90 ss:$0x1], $0xffff  }
0x68f: {  	v7 =	vld.idx.msk [tilespmem:v4+s10+$0xFFFFFFA0 ss:$0x1], $0xffff  }
0x690: {  	v8 =	vld.idx.msk [tilespmem:v4+s10+$0xFFFFFFB0 ss:$0x1], $0xffff  }
0x691: {  	v9 =	vld.idx.msk [tilespmem:v4+s10+$0xFFFFFFC0 ss:$0x1], $0xffff  }
0x692: {  	v10 =	vld.idx.msk [tilespmem:v4+s10+$0xFFFFFFD0 ss:$0x1], $0xffff  }
0x693: {  	[tilespmem:s10+$0x10DF0] =	vst.add.f32.msk $0xffff, v5  }
0x694: {  	v11 =	vld.idx.msk [tilespmem:v4+s10+$0xFFFFFFE0 ss:$0x1], $0xffff  }
0x695: {  	v5 =	vld.idx.msk [tilespmem:v4+s10+$0xFFFFFFF0 ss:$0x1], $0xffff  }
0x696: {  	[tilespmem:s10+$0x10D80] =	vst.add.f32.msk $0xffff, v6  }
.Ltmp41:
0x697: {  	[tilespmem:s10+$0x10D90] =	vst.add.f32.msk $0xffff, v7;
	(pc) =	sbr.rel @p0 .LBB2_81-.Ltmp41, $4  }
0x698: {  	[tilespmem:s10+$0x10DA0] =	vst.add.f32.msk $0xffff, v8  }
0x699: {  	[tilespmem:s10+$0x10DB0] =	vst.add.f32.msk $0xffff, v9  }
0x69a: {  	[tilespmem:s10+$0x10DC0] =	vst.add.f32.msk $0xffff, v10  }
0x69b: {  	s25 =	sadd.s32 $0x1000, s25;
	[tilespmem:s10+$0x10DD0] =	vst.add.f32.msk $0xffff, v11  }
0x69c: {  	(v2sf) =	vpush v3, $0x4;
	_ =	sdelay $0xe  }
0x69d: {  	s14 =	spop (v2sf)  }
0x69e: {  	s25 =	sshll.u32 s14, $0xC;
	s14 =	sand.u32 $0x7, s14  }
0x69f: {  	s25 =	sand.u32 $0xFFFF8000, s25;
	s14 =	sshll.u32 s14, $0x9  }
0x6a0: {  	s14 =	sor.u32 s14, s25  }
0x6a1: {  	s14 =	sshra.s32 s14, $0x2  }
0x6a2: {  	s14 =	sadd.s32 $0x2C70, s14  }
0x6a3: {  	v4 =	vmov s14;
	_ =	sdelay $0x3  }
0x6a4: {  	[tilespmem:s10+$0x10DE0] =	vst.add.f32.msk $0xffff, v5;
	s10 =	simm.s32 $0x0  }
0x6a5: {  	v5 =	vld.idx.msk [tilespmem:v4+s10+$0x0 ss:$0x1], $0xffff  }
0x6a6: {  	v6 =	vld.idx.msk [tilespmem:v4+s10+$0xFFFFFF90 ss:$0x1], $0xffff  }
0x6a7: {  	v7 =	vld.idx.msk [tilespmem:v4+s10+$0xFFFFFFA0 ss:$0x1], $0xffff  }
0x6a8: {  	v8 =	vld.idx.msk [tilespmem:v4+s10+$0xFFFFFFB0 ss:$0x1], $0xffff  }
0x6a9: {  	v9 =	vld.idx.msk [tilespmem:v4+s10+$0xFFFFFFC0 ss:$0x1], $0xffff  }
0x6aa: {  	v10 =	vld.idx.msk [tilespmem:v4+s10+$0xFFFFFFD0 ss:$0x1], $0xffff  }
0x6ab: {  	v11 =	vld.idx.msk [tilespmem:v4+s10+$0xFFFFFFE0 ss:$0x1], $0xffff  }
0x6ac: {  	[tilespmem:s10+$0x10E70] =	vst.add.f32.msk $0xffff, v5  }
0x6ad: {  	v5 =	vld.idx.msk [tilespmem:v4+s10+$0xFFFFFFF0 ss:$0x1], $0xffff  }
0x6ae: {  	[tilespmem:s10+$0x10E00] =	vst.add.f32.msk $0xffff, v6  }
0x6af: {  	[tilespmem:s10+$0x10E10] =	vst.add.f32.msk $0xffff, v7  }
0x6b0: {  	[tilespmem:s10+$0x10E20] =	vst.add.f32.msk $0xffff, v8  }
0x6b1: {  	[tilespmem:s10+$0x10E30] =	vst.add.f32.msk $0xffff, v9  }
0x6b2: {  	[tilespmem:s10+$0x10E40] =	vst.add.f32.msk $0xffff, v10  }
0x6b3: {  	s25 =	simm.s32 $0x1000;
	s14 =	simm.s32 $0x0;
	[tilespmem:s10+$0x10E50] =	vst.add.f32.msk $0xffff, v11  }
.LBB2_83:
0x6b4: {  	s14 =	sadd.s32 $0x8, s14;
	[tilespmem:s10+$0x10E60] =	vst.add.f32.msk $0xffff, v5;
	s10 =	sshra.s32 s25, $0x2  }
0x6b5: {  	v5 =	vld.idx.msk [tilespmem:v4+s10+$0x0 ss:$0x1], $0xffff;
	p0 =	slt.u32 s14, $0x38  }
0x6b6: {  	v6 =	vld.idx.msk [tilespmem:v4+s10+$0xFFFFFF90 ss:$0x1], $0xffff  }
0x6b7: {  	v7 =	vld.idx.msk [tilespmem:v4+s10+$0xFFFFFFA0 ss:$0x1], $0xffff  }
0x6b8: {  	v8 =	vld.idx.msk [tilespmem:v4+s10+$0xFFFFFFB0 ss:$0x1], $0xffff  }
0x6b9: {  	v9 =	vld.idx.msk [tilespmem:v4+s10+$0xFFFFFFC0 ss:$0x1], $0xffff  }
0x6ba: {  	v10 =	vld.idx.msk [tilespmem:v4+s10+$0xFFFFFFD0 ss:$0x1], $0xffff  }
0x6bb: {  	[tilespmem:s10+$0x10E70] =	vst.add.f32.msk $0xffff, v5  }
0x6bc: {  	v11 =	vld.idx.msk [tilespmem:v4+s10+$0xFFFFFFE0 ss:$0x1], $0xffff  }
0x6bd: {  	v5 =	vld.idx.msk [tilespmem:v4+s10+$0xFFFFFFF0 ss:$0x1], $0xffff  }
0x6be: {  	[tilespmem:s10+$0x10E00] =	vst.add.f32.msk $0xffff, v6  }
.Ltmp42:
0x6bf: {  	[tilespmem:s10+$0x10E10] =	vst.add.f32.msk $0xffff, v7;
	(pc) =	sbr.rel @p0 .LBB2_83-.Ltmp42, $4  }
0x6c0: {  	[tilespmem:s10+$0x10E20] =	vst.add.f32.msk $0xffff, v8  }
0x6c1: {  	[tilespmem:s10+$0x10E30] =	vst.add.f32.msk $0xffff, v9  }
0x6c2: {  	[tilespmem:s10+$0x10E40] =	vst.add.f32.msk $0xffff, v10  }
0x6c3: {  	s25 =	sadd.s32 $0x1000, s25;
	[tilespmem:s10+$0x10E50] =	vst.add.f32.msk $0xffff, v11  }
0x6c4: {  	(v2sf) =	vpush v3, $0x5;
	_ =	sdelay $0xe  }
0x6c5: {  	s14 =	spop (v2sf)  }
0x6c6: {  	s14 =	sadd.s32 $0xA, s14  }
0x6c7: {  	s25 =	sshll.u32 s14, $0xC;
	s14 =	sand.u32 $0x7, s14  }
0x6c8: {  	s25 =	sand.u32 $0xFFFF8000, s25;
	s14 =	sshll.u32 s14, $0x9  }
0x6c9: {  	s14 =	sor.u32 s14, s25  }
0x6ca: {  	s14 =	sshra.s32 s14, $0x2  }
0x6cb: {  	s14 =	sor.u32 $0xC70, s14  }
0x6cc: {  	v4 =	vmov s14;
	_ =	sdelay $0x3  }
0x6cd: {  	[tilespmem:s10+$0x10E60] =	vst.add.f32.msk $0xffff, v5;
	s10 =	simm.s32 $0x0  }
0x6ce: {  	v5 =	vld.idx.msk [tilespmem:v4+s10+$0x0 ss:$0x1], $0xffff  }
0x6cf: {  	v6 =	vld.idx.msk [tilespmem:v4+s10+$0xFFFFFF90 ss:$0x1], $0xffff  }
0x6d0: {  	v7 =	vld.idx.msk [tilespmem:v4+s10+$0xFFFFFFA0 ss:$0x1], $0xffff  }
0x6d1: {  	v8 =	vld.idx.msk [tilespmem:v4+s10+$0xFFFFFFB0 ss:$0x1], $0xffff  }
0x6d2: {  	v9 =	vld.idx.msk [tilespmem:v4+s10+$0xFFFFFFC0 ss:$0x1], $0xffff  }
0x6d3: {  	v10 =	vld.idx.msk [tilespmem:v4+s10+$0xFFFFFFD0 ss:$0x1], $0xffff  }
0x6d4: {  	v11 =	vld.idx.msk [tilespmem:v4+s10+$0xFFFFFFE0 ss:$0x1], $0xffff  }
0x6d5: {  	[tilespmem:s10+$0x10EF0] =	vst.add.f32.msk $0xffff, v5  }
0x6d6: {  	v5 =	vld.idx.msk [tilespmem:v4+s10+$0xFFFFFFF0 ss:$0x1], $0xffff  }
0x6d7: {  	[tilespmem:s10+$0x10E80] =	vst.add.f32.msk $0xffff, v6  }
0x6d8: {  	[tilespmem:s10+$0x10E90] =	vst.add.f32.msk $0xffff, v7  }
0x6d9: {  	[tilespmem:s10+$0x10EA0] =	vst.add.f32.msk $0xffff, v8  }
0x6da: {  	[tilespmem:s10+$0x10EB0] =	vst.add.f32.msk $0xffff, v9  }
0x6db: {  	[tilespmem:s10+$0x10EC0] =	vst.add.f32.msk $0xffff, v10  }
0x6dc: {  	s25 =	simm.s32 $0x1000;
	s14 =	simm.s32 $0x0;
	[tilespmem:s10+$0x10ED0] =	vst.add.f32.msk $0xffff, v11  }
.LBB2_85:
0x6dd: {  	s14 =	sadd.s32 $0x8, s14;
	[tilespmem:s10+$0x10EE0] =	vst.add.f32.msk $0xffff, v5;
	s10 =	sshra.s32 s25, $0x2  }
0x6de: {  	v5 =	vld.idx.msk [tilespmem:v4+s10+$0x0 ss:$0x1], $0xffff;
	p0 =	slt.u32 s14, $0x38  }
0x6df: {  	v6 =	vld.idx.msk [tilespmem:v4+s10+$0xFFFFFF90 ss:$0x1], $0xffff  }
0x6e0: {  	v7 =	vld.idx.msk [tilespmem:v4+s10+$0xFFFFFFA0 ss:$0x1], $0xffff  }
0x6e1: {  	v8 =	vld.idx.msk [tilespmem:v4+s10+$0xFFFFFFB0 ss:$0x1], $0xffff  }
0x6e2: {  	v9 =	vld.idx.msk [tilespmem:v4+s10+$0xFFFFFFC0 ss:$0x1], $0xffff  }
0x6e3: {  	v10 =	vld.idx.msk [tilespmem:v4+s10+$0xFFFFFFD0 ss:$0x1], $0xffff  }
0x6e4: {  	[tilespmem:s10+$0x10EF0] =	vst.add.f32.msk $0xffff, v5  }
0x6e5: {  	v11 =	vld.idx.msk [tilespmem:v4+s10+$0xFFFFFFE0 ss:$0x1], $0xffff  }
0x6e6: {  	v5 =	vld.idx.msk [tilespmem:v4+s10+$0xFFFFFFF0 ss:$0x1], $0xffff  }
0x6e7: {  	[tilespmem:s10+$0x10E80] =	vst.add.f32.msk $0xffff, v6  }
.Ltmp43:
0x6e8: {  	[tilespmem:s10+$0x10E90] =	vst.add.f32.msk $0xffff, v7;
	(pc) =	sbr.rel @p0 .LBB2_85-.Ltmp43, $4  }
0x6e9: {  	[tilespmem:s10+$0x10EA0] =	vst.add.f32.msk $0xffff, v8  }
0x6ea: {  	[tilespmem:s10+$0x10EB0] =	vst.add.f32.msk $0xffff, v9  }
0x6eb: {  	[tilespmem:s10+$0x10EC0] =	vst.add.f32.msk $0xffff, v10  }
0x6ec: {  	s25 =	sadd.s32 $0x1000, s25;
	[tilespmem:s10+$0x10ED0] =	vst.add.f32.msk $0xffff, v11  }
0x6ed: {  	(v2sf) =	vpush v3, $0x6;
	_ =	sdelay $0xe  }
0x6ee: {  	s14 =	spop (v2sf)  }
0x6ef: {  	s14 =	sadd.s32 $0xC, s14  }
0x6f0: {  	s25 =	sshll.u32 s14, $0xC;
	s14 =	sand.u32 $0x7, s14  }
0x6f1: {  	s25 =	sand.u32 $0xFFFF8000, s25;
	s14 =	sshll.u32 s14, $0x9  }
0x6f2: {  	s14 =	sor.u32 s14, s25  }
0x6f3: {  	s14 =	sshra.s32 s14, $0x2  }
0x6f4: {  	s14 =	sor.u32 $0xC70, s14  }
0x6f5: {  	v4 =	vmov s14;
	_ =	sdelay $0x3  }
0x6f6: {  	[tilespmem:s10+$0x10EE0] =	vst.add.f32.msk $0xffff, v5;
	s10 =	simm.s32 $0x0  }
0x6f7: {  	v5 =	vld.idx.msk [tilespmem:v4+s10+$0x0 ss:$0x1], $0xffff  }
0x6f8: {  	v6 =	vld.idx.msk [tilespmem:v4+s10+$0xFFFFFF90 ss:$0x1], $0xffff  }
0x6f9: {  	v7 =	vld.idx.msk [tilespmem:v4+s10+$0xFFFFFFA0 ss:$0x1], $0xffff  }
0x6fa: {  	v8 =	vld.idx.msk [tilespmem:v4+s10+$0xFFFFFFB0 ss:$0x1], $0xffff  }
0x6fb: {  	v9 =	vld.idx.msk [tilespmem:v4+s10+$0xFFFFFFC0 ss:$0x1], $0xffff  }
0x6fc: {  	v10 =	vld.idx.msk [tilespmem:v4+s10+$0xFFFFFFD0 ss:$0x1], $0xffff  }
0x6fd: {  	v11 =	vld.idx.msk [tilespmem:v4+s10+$0xFFFFFFE0 ss:$0x1], $0xffff  }
0x6fe: {  	[tilespmem:s10+$0x10F70] =	vst.add.f32.msk $0xffff, v5  }
0x6ff: {  	v5 =	vld.idx.msk [tilespmem:v4+s10+$0xFFFFFFF0 ss:$0x1], $0xffff  }
0x700: {  	[tilespmem:s10+$0x10F00] =	vst.add.f32.msk $0xffff, v6  }
0x701: {  	[tilespmem:s10+$0x10F10] =	vst.add.f32.msk $0xffff, v7  }
0x702: {  	[tilespmem:s10+$0x10F20] =	vst.add.f32.msk $0xffff, v8  }
0x703: {  	[tilespmem:s10+$0x10F30] =	vst.add.f32.msk $0xffff, v9  }
0x704: {  	[tilespmem:s10+$0x10F40] =	vst.add.f32.msk $0xffff, v10  }
0x705: {  	s25 =	simm.s32 $0x1000;
	s14 =	simm.s32 $0x0;
	[tilespmem:s10+$0x10F50] =	vst.add.f32.msk $0xffff, v11  }
.LBB2_87:
0x706: {  	s14 =	sadd.s32 $0x8, s14;
	[tilespmem:s10+$0x10F60] =	vst.add.f32.msk $0xffff, v5;
	s10 =	sshra.s32 s25, $0x2  }
0x707: {  	v5 =	vld.idx.msk [tilespmem:v4+s10+$0x0 ss:$0x1], $0xffff;
	p0 =	slt.u32 s14, $0x38  }
0x708: {  	v6 =	vld.idx.msk [tilespmem:v4+s10+$0xFFFFFF90 ss:$0x1], $0xffff  }
0x709: {  	v7 =	vld.idx.msk [tilespmem:v4+s10+$0xFFFFFFA0 ss:$0x1], $0xffff  }
0x70a: {  	v8 =	vld.idx.msk [tilespmem:v4+s10+$0xFFFFFFB0 ss:$0x1], $0xffff  }
0x70b: {  	v9 =	vld.idx.msk [tilespmem:v4+s10+$0xFFFFFFC0 ss:$0x1], $0xffff  }
0x70c: {  	v10 =	vld.idx.msk [tilespmem:v4+s10+$0xFFFFFFD0 ss:$0x1], $0xffff  }
0x70d: {  	[tilespmem:s10+$0x10F70] =	vst.add.f32.msk $0xffff, v5  }
0x70e: {  	v11 =	vld.idx.msk [tilespmem:v4+s10+$0xFFFFFFE0 ss:$0x1], $0xffff  }
0x70f: {  	v5 =	vld.idx.msk [tilespmem:v4+s10+$0xFFFFFFF0 ss:$0x1], $0xffff  }
0x710: {  	[tilespmem:s10+$0x10F00] =	vst.add.f32.msk $0xffff, v6  }
.Ltmp44:
0x711: {  	[tilespmem:s10+$0x10F10] =	vst.add.f32.msk $0xffff, v7;
	(pc) =	sbr.rel @p0 .LBB2_87-.Ltmp44, $4  }
0x712: {  	[tilespmem:s10+$0x10F20] =	vst.add.f32.msk $0xffff, v8  }
0x713: {  	[tilespmem:s10+$0x10F30] =	vst.add.f32.msk $0xffff, v9  }
0x714: {  	[tilespmem:s10+$0x10F40] =	vst.add.f32.msk $0xffff, v10  }
0x715: {  	s25 =	sadd.s32 $0x1000, s25;
	[tilespmem:s10+$0x10F50] =	vst.add.f32.msk $0xffff, v11  }
0x716: {  	(v2sf) =	vpush v3, $0x7;
	_ =	sdelay $0xe  }
0x717: {  	s14 =	spop (v2sf)  }
0x718: {  	s14 =	sadd.s32 $0xE, s14  }
0x719: {  	s25 =	sshll.u32 s14, $0xC;
	s14 =	sand.u32 $0x7, s14  }
0x71a: {  	s25 =	sand.u32 $0xFFFF8000, s25;
	s14 =	sshll.u32 s14, $0x9  }
0x71b: {  	s14 =	sor.u32 s14, s25  }
0x71c: {  	s14 =	sshra.s32 s14, $0x2  }
0x71d: {  	s14 =	sor.u32 $0xC70, s14  }
0x71e: {  	v4 =	vmov s14;
	_ =	sdelay $0x3  }
0x71f: {  	[tilespmem:s10+$0x10F60] =	vst.add.f32.msk $0xffff, v5;
	s10 =	simm.s32 $0x0  }
0x720: {  	v5 =	vld.idx.msk [tilespmem:v4+s10+$0x0 ss:$0x1], $0xffff  }
0x721: {  	v6 =	vld.idx.msk [tilespmem:v4+s10+$0xFFFFFF90 ss:$0x1], $0xffff  }
0x722: {  	v7 =	vld.idx.msk [tilespmem:v4+s10+$0xFFFFFFA0 ss:$0x1], $0xffff  }
0x723: {  	v8 =	vld.idx.msk [tilespmem:v4+s10+$0xFFFFFFB0 ss:$0x1], $0xffff  }
0x724: {  	v9 =	vld.idx.msk [tilespmem:v4+s10+$0xFFFFFFC0 ss:$0x1], $0xffff  }
0x725: {  	v10 =	vld.idx.msk [tilespmem:v4+s10+$0xFFFFFFD0 ss:$0x1], $0xffff  }
0x726: {  	v11 =	vld.idx.msk [tilespmem:v4+s10+$0xFFFFFFE0 ss:$0x1], $0xffff  }
0x727: {  	[tilespmem:s10+$0x10FF0] =	vst.add.f32.msk $0xffff, v5  }
0x728: {  	v5 =	vld.idx.msk [tilespmem:v4+s10+$0xFFFFFFF0 ss:$0x1], $0xffff  }
0x729: {  	[tilespmem:s10+$0x10F80] =	vst.add.f32.msk $0xffff, v6  }
0x72a: {  	[tilespmem:s10+$0x10F90] =	vst.add.f32.msk $0xffff, v7  }
0x72b: {  	[tilespmem:s10+$0x10FA0] =	vst.add.f32.msk $0xffff, v8  }
0x72c: {  	[tilespmem:s10+$0x10FB0] =	vst.add.f32.msk $0xffff, v9  }
0x72d: {  	[tilespmem:s10+$0x10FC0] =	vst.add.f32.msk $0xffff, v10  }
0x72e: {  	s25 =	simm.s32 $0x1000;
	s14 =	simm.s32 $0x0;
	[tilespmem:s10+$0x10FD0] =	vst.add.f32.msk $0xffff, v11  }
.LBB2_89:
0x72f: {  	s14 =	sadd.s32 $0x8, s14;
	[tilespmem:s10+$0x10FE0] =	vst.add.f32.msk $0xffff, v5;
	s10 =	sshra.s32 s25, $0x2  }
0x730: {  	v5 =	vld.idx.msk [tilespmem:v4+s10+$0x0 ss:$0x1], $0xffff;
	p0 =	slt.u32 s14, $0x38  }
0x731: {  	v6 =	vld.idx.msk [tilespmem:v4+s10+$0xFFFFFF90 ss:$0x1], $0xffff  }
0x732: {  	v7 =	vld.idx.msk [tilespmem:v4+s10+$0xFFFFFFA0 ss:$0x1], $0xffff  }
0x733: {  	v8 =	vld.idx.msk [tilespmem:v4+s10+$0xFFFFFFB0 ss:$0x1], $0xffff  }
0x734: {  	v9 =	vld.idx.msk [tilespmem:v4+s10+$0xFFFFFFC0 ss:$0x1], $0xffff  }
0x735: {  	v10 =	vld.idx.msk [tilespmem:v4+s10+$0xFFFFFFD0 ss:$0x1], $0xffff  }
0x736: {  	[tilespmem:s10+$0x10FF0] =	vst.add.f32.msk $0xffff, v5  }
0x737: {  	v11 =	vld.idx.msk [tilespmem:v4+s10+$0xFFFFFFE0 ss:$0x1], $0xffff  }
0x738: {  	v5 =	vld.idx.msk [tilespmem:v4+s10+$0xFFFFFFF0 ss:$0x1], $0xffff  }
0x739: {  	[tilespmem:s10+$0x10F80] =	vst.add.f32.msk $0xffff, v6  }
.Ltmp45:
0x73a: {  	[tilespmem:s10+$0x10F90] =	vst.add.f32.msk $0xffff, v7;
	(pc) =	sbr.rel @p0 .LBB2_89-.Ltmp45, $4  }
0x73b: {  	[tilespmem:s10+$0x10FA0] =	vst.add.f32.msk $0xffff, v8  }
0x73c: {  	[tilespmem:s10+$0x10FB0] =	vst.add.f32.msk $0xffff, v9  }
0x73d: {  	[tilespmem:s10+$0x10FC0] =	vst.add.f32.msk $0xffff, v10  }
0x73e: {  	s25 =	sadd.s32 $0x1000, s25;
	[tilespmem:s10+$0x10FD0] =	vst.add.f32.msk $0xffff, v11  }
0x73f: {  	(v2sf) =	vpush v3, $0x8;
	_ =	sdelay $0xe  }
0x740: {  	s14 =	spop (v2sf)  }
0x741: {  	s25 =	sshll.u32 s14, $0xC;
	s14 =	sand.u32 $0x7, s14  }
0x742: {  	s25 =	sand.u32 $0xFFFF8000, s25;
	s14 =	sshll.u32 s14, $0x9  }
0x743: {  	s14 =	sor.u32 s14, s25  }
0x744: {  	s14 =	sshra.s32 s14, $0x2  }
0x745: {  	s14 =	sor.u32 $0xC00, s14  }
0x746: {  	v4 =	vmov s14;
	_ =	sdelay $0x3  }
0x747: {  	[tilespmem:s10+$0x10FE0] =	vst.add.f32.msk $0xffff, v5;
	s10 =	simm.s32 $0x0  }
0x748: {  	v5 =	vld.idx.msk [tilespmem:v4+s10+$0x4070 ss:$0x1], $0xffff  }
0x749: {  	v6 =	vld.idx.msk [tilespmem:v4+s10+$0x4000 ss:$0x1], $0xffff  }
0x74a: {  	v7 =	vld.idx.msk [tilespmem:v4+s10+$0x4010 ss:$0x1], $0xffff  }
0x74b: {  	v8 =	vld.idx.msk [tilespmem:v4+s10+$0x4020 ss:$0x1], $0xffff  }
0x74c: {  	v9 =	vld.idx.msk [tilespmem:v4+s10+$0x4030 ss:$0x1], $0xffff  }
0x74d: {  	v10 =	vld.idx.msk [tilespmem:v4+s10+$0x4040 ss:$0x1], $0xffff  }
0x74e: {  	v11 =	vld.idx.msk [tilespmem:v4+s10+$0x4050 ss:$0x1], $0xffff  }
0x74f: {  	[tilespmem:s10+$0x12C70] =	vst.add.f32.msk $0xffff, v5  }
0x750: {  	v5 =	vld.idx.msk [tilespmem:v4+s10+$0x4060 ss:$0x1], $0xffff  }
0x751: {  	[tilespmem:s10+$0x12C00] =	vst.add.f32.msk $0xffff, v6  }
0x752: {  	[tilespmem:s10+$0x12C10] =	vst.add.f32.msk $0xffff, v7  }
0x753: {  	[tilespmem:s10+$0x12C20] =	vst.add.f32.msk $0xffff, v8  }
0x754: {  	[tilespmem:s10+$0x12C30] =	vst.add.f32.msk $0xffff, v9  }
0x755: {  	[tilespmem:s10+$0x12C40] =	vst.add.f32.msk $0xffff, v10  }
0x756: {  	s25 =	simm.s32 $0x1000;
	s14 =	simm.s32 $0x0;
	[tilespmem:s10+$0x12C50] =	vst.add.f32.msk $0xffff, v11  }
.LBB2_91:
0x757: {  	s14 =	sadd.s32 $0x8, s14;
	[tilespmem:s10+$0x12C60] =	vst.add.f32.msk $0xffff, v5;
	s10 =	sshra.s32 s25, $0x2  }
0x758: {  	v5 =	vld.idx.msk [tilespmem:v4+s10+$0x4070 ss:$0x1], $0xffff;
	p0 =	slt.u32 s14, $0x38  }
0x759: {  	v6 =	vld.idx.msk [tilespmem:v4+s10+$0x4000 ss:$0x1], $0xffff  }
0x75a: {  	v7 =	vld.idx.msk [tilespmem:v4+s10+$0x4010 ss:$0x1], $0xffff  }
0x75b: {  	v8 =	vld.idx.msk [tilespmem:v4+s10+$0x4020 ss:$0x1], $0xffff  }
0x75c: {  	v9 =	vld.idx.msk [tilespmem:v4+s10+$0x4030 ss:$0x1], $0xffff  }
0x75d: {  	v10 =	vld.idx.msk [tilespmem:v4+s10+$0x4040 ss:$0x1], $0xffff  }
0x75e: {  	[tilespmem:s10+$0x12C70] =	vst.add.f32.msk $0xffff, v5  }
0x75f: {  	v11 =	vld.idx.msk [tilespmem:v4+s10+$0x4050 ss:$0x1], $0xffff  }
0x760: {  	v5 =	vld.idx.msk [tilespmem:v4+s10+$0x4060 ss:$0x1], $0xffff  }
0x761: {  	[tilespmem:s10+$0x12C00] =	vst.add.f32.msk $0xffff, v6  }
.Ltmp46:
0x762: {  	[tilespmem:s10+$0x12C10] =	vst.add.f32.msk $0xffff, v7;
	(pc) =	sbr.rel @p0 .LBB2_91-.Ltmp46, $4  }
0x763: {  	[tilespmem:s10+$0x12C20] =	vst.add.f32.msk $0xffff, v8  }
0x764: {  	[tilespmem:s10+$0x12C30] =	vst.add.f32.msk $0xffff, v9  }
0x765: {  	[tilespmem:s10+$0x12C40] =	vst.add.f32.msk $0xffff, v10  }
0x766: {  	s25 =	sadd.s32 $0x1000, s25;
	[tilespmem:s10+$0x12C50] =	vst.add.f32.msk $0xffff, v11  }
0x767: {  	(v2sf) =	vpush v3, $0x9;
	_ =	sdelay $0xe  }
0x768: {  	s14 =	spop (v2sf)  }
0x769: {  	s14 =	sadd.s32 $0x12, s14  }
0x76a: {  	s25 =	sshll.u32 s14, $0xC;
	s14 =	sand.u32 $0x7, s14  }
0x76b: {  	s25 =	sand.u32 $0xFFFF8000, s25;
	s14 =	sshll.u32 s14, $0x9  }
0x76c: {  	s14 =	sor.u32 s14, s25  }
0x76d: {  	s14 =	sshra.s32 s14, $0x2  }
0x76e: {  	s14 =	sor.u32 $0xC70, s14  }
0x76f: {  	v4 =	vmov s14;
	_ =	sdelay $0x3  }
0x770: {  	[tilespmem:s10+$0x12C60] =	vst.add.f32.msk $0xffff, v5;
	s10 =	simm.s32 $0x0  }
0x771: {  	v5 =	vld.idx.msk [tilespmem:v4+s10+$0x0 ss:$0x1], $0xffff  }
0x772: {  	v6 =	vld.idx.msk [tilespmem:v4+s10+$0xFFFFFF90 ss:$0x1], $0xffff  }
0x773: {  	v7 =	vld.idx.msk [tilespmem:v4+s10+$0xFFFFFFA0 ss:$0x1], $0xffff  }
0x774: {  	v8 =	vld.idx.msk [tilespmem:v4+s10+$0xFFFFFFB0 ss:$0x1], $0xffff  }
0x775: {  	v9 =	vld.idx.msk [tilespmem:v4+s10+$0xFFFFFFC0 ss:$0x1], $0xffff  }
0x776: {  	v10 =	vld.idx.msk [tilespmem:v4+s10+$0xFFFFFFD0 ss:$0x1], $0xffff  }
0x777: {  	v11 =	vld.idx.msk [tilespmem:v4+s10+$0xFFFFFFE0 ss:$0x1], $0xffff  }
0x778: {  	[tilespmem:s10+$0x12CF0] =	vst.add.f32.msk $0xffff, v5  }
0x779: {  	v5 =	vld.idx.msk [tilespmem:v4+s10+$0xFFFFFFF0 ss:$0x1], $0xffff  }
0x77a: {  	[tilespmem:s10+$0x12C80] =	vst.add.f32.msk $0xffff, v6  }
0x77b: {  	[tilespmem:s10+$0x12C90] =	vst.add.f32.msk $0xffff, v7  }
0x77c: {  	[tilespmem:s10+$0x12CA0] =	vst.add.f32.msk $0xffff, v8  }
0x77d: {  	[tilespmem:s10+$0x12CB0] =	vst.add.f32.msk $0xffff, v9  }
0x77e: {  	[tilespmem:s10+$0x12CC0] =	vst.add.f32.msk $0xffff, v10  }
0x77f: {  	s25 =	simm.s32 $0x1000;
	s14 =	simm.s32 $0x0;
	[tilespmem:s10+$0x12CD0] =	vst.add.f32.msk $0xffff, v11  }
.LBB2_93:
0x780: {  	s14 =	sadd.s32 $0x8, s14;
	[tilespmem:s10+$0x12CE0] =	vst.add.f32.msk $0xffff, v5;
	s10 =	sshra.s32 s25, $0x2  }
0x781: {  	v5 =	vld.idx.msk [tilespmem:v4+s10+$0x0 ss:$0x1], $0xffff;
	p0 =	slt.u32 s14, $0x38  }
0x782: {  	v6 =	vld.idx.msk [tilespmem:v4+s10+$0xFFFFFF90 ss:$0x1], $0xffff  }
0x783: {  	v7 =	vld.idx.msk [tilespmem:v4+s10+$0xFFFFFFA0 ss:$0x1], $0xffff  }
0x784: {  	v8 =	vld.idx.msk [tilespmem:v4+s10+$0xFFFFFFB0 ss:$0x1], $0xffff  }
0x785: {  	v9 =	vld.idx.msk [tilespmem:v4+s10+$0xFFFFFFC0 ss:$0x1], $0xffff  }
0x786: {  	v10 =	vld.idx.msk [tilespmem:v4+s10+$0xFFFFFFD0 ss:$0x1], $0xffff  }
0x787: {  	[tilespmem:s10+$0x12CF0] =	vst.add.f32.msk $0xffff, v5  }
0x788: {  	v11 =	vld.idx.msk [tilespmem:v4+s10+$0xFFFFFFE0 ss:$0x1], $0xffff  }
0x789: {  	v5 =	vld.idx.msk [tilespmem:v4+s10+$0xFFFFFFF0 ss:$0x1], $0xffff  }
0x78a: {  	[tilespmem:s10+$0x12C80] =	vst.add.f32.msk $0xffff, v6  }
.Ltmp47:
0x78b: {  	[tilespmem:s10+$0x12C90] =	vst.add.f32.msk $0xffff, v7;
	(pc) =	sbr.rel @p0 .LBB2_93-.Ltmp47, $4  }
0x78c: {  	[tilespmem:s10+$0x12CA0] =	vst.add.f32.msk $0xffff, v8  }
0x78d: {  	[tilespmem:s10+$0x12CB0] =	vst.add.f32.msk $0xffff, v9  }
0x78e: {  	[tilespmem:s10+$0x12CC0] =	vst.add.f32.msk $0xffff, v10  }
0x78f: {  	s25 =	sadd.s32 $0x1000, s25;
	[tilespmem:s10+$0x12CD0] =	vst.add.f32.msk $0xffff, v11  }
0x790: {  	(v2sf) =	vpush v3, $0xA;
	_ =	sdelay $0xe  }
0x791: {  	s14 =	spop (v2sf)  }
0x792: {  	s14 =	sadd.s32 $0x14, s14  }
0x793: {  	s25 =	sshll.u32 s14, $0xC;
	s14 =	sand.u32 $0x7, s14  }
0x794: {  	s25 =	sand.u32 $0xFFFF8000, s25;
	s14 =	sshll.u32 s14, $0x9  }
0x795: {  	s14 =	sor.u32 s14, s25  }
0x796: {  	s14 =	sshra.s32 s14, $0x2  }
0x797: {  	s14 =	sor.u32 $0xC70, s14  }
0x798: {  	v4 =	vmov s14;
	_ =	sdelay $0x3  }
0x799: {  	[tilespmem:s10+$0x12CE0] =	vst.add.f32.msk $0xffff, v5;
	s10 =	simm.s32 $0x0  }
0x79a: {  	v5 =	vld.idx.msk [tilespmem:v4+s10+$0x0 ss:$0x1], $0xffff  }
0x79b: {  	v6 =	vld.idx.msk [tilespmem:v4+s10+$0xFFFFFF90 ss:$0x1], $0xffff  }
0x79c: {  	v7 =	vld.idx.msk [tilespmem:v4+s10+$0xFFFFFFA0 ss:$0x1], $0xffff  }
0x79d: {  	v8 =	vld.idx.msk [tilespmem:v4+s10+$0xFFFFFFB0 ss:$0x1], $0xffff  }
0x79e: {  	v9 =	vld.idx.msk [tilespmem:v4+s10+$0xFFFFFFC0 ss:$0x1], $0xffff  }
0x79f: {  	v10 =	vld.idx.msk [tilespmem:v4+s10+$0xFFFFFFD0 ss:$0x1], $0xffff  }
0x7a0: {  	v11 =	vld.idx.msk [tilespmem:v4+s10+$0xFFFFFFE0 ss:$0x1], $0xffff  }
0x7a1: {  	[tilespmem:s10+$0x12D70] =	vst.add.f32.msk $0xffff, v5  }
0x7a2: {  	v5 =	vld.idx.msk [tilespmem:v4+s10+$0xFFFFFFF0 ss:$0x1], $0xffff  }
0x7a3: {  	[tilespmem:s10+$0x12D00] =	vst.add.f32.msk $0xffff, v6  }
0x7a4: {  	[tilespmem:s10+$0x12D10] =	vst.add.f32.msk $0xffff, v7  }
0x7a5: {  	[tilespmem:s10+$0x12D20] =	vst.add.f32.msk $0xffff, v8  }
0x7a6: {  	[tilespmem:s10+$0x12D30] =	vst.add.f32.msk $0xffff, v9  }
0x7a7: {  	[tilespmem:s10+$0x12D40] =	vst.add.f32.msk $0xffff, v10  }
0x7a8: {  	s25 =	simm.s32 $0x1000;
	s14 =	simm.s32 $0x0;
	[tilespmem:s10+$0x12D50] =	vst.add.f32.msk $0xffff, v11  }
.LBB2_95:
0x7a9: {  	s14 =	sadd.s32 $0x8, s14;
	[tilespmem:s10+$0x12D60] =	vst.add.f32.msk $0xffff, v5;
	s10 =	sshra.s32 s25, $0x2  }
0x7aa: {  	v5 =	vld.idx.msk [tilespmem:v4+s10+$0x0 ss:$0x1], $0xffff;
	p0 =	slt.u32 s14, $0x38  }
0x7ab: {  	v6 =	vld.idx.msk [tilespmem:v4+s10+$0xFFFFFF90 ss:$0x1], $0xffff  }
0x7ac: {  	v7 =	vld.idx.msk [tilespmem:v4+s10+$0xFFFFFFA0 ss:$0x1], $0xffff  }
0x7ad: {  	v8 =	vld.idx.msk [tilespmem:v4+s10+$0xFFFFFFB0 ss:$0x1], $0xffff  }
0x7ae: {  	v9 =	vld.idx.msk [tilespmem:v4+s10+$0xFFFFFFC0 ss:$0x1], $0xffff  }
0x7af: {  	v10 =	vld.idx.msk [tilespmem:v4+s10+$0xFFFFFFD0 ss:$0x1], $0xffff  }
0x7b0: {  	[tilespmem:s10+$0x12D70] =	vst.add.f32.msk $0xffff, v5  }
0x7b1: {  	v11 =	vld.idx.msk [tilespmem:v4+s10+$0xFFFFFFE0 ss:$0x1], $0xffff  }
0x7b2: {  	v5 =	vld.idx.msk [tilespmem:v4+s10+$0xFFFFFFF0 ss:$0x1], $0xffff  }
0x7b3: {  	[tilespmem:s10+$0x12D00] =	vst.add.f32.msk $0xffff, v6  }
.Ltmp48:
0x7b4: {  	[tilespmem:s10+$0x12D10] =	vst.add.f32.msk $0xffff, v7;
	(pc) =	sbr.rel @p0 .LBB2_95-.Ltmp48, $4  }
0x7b5: {  	[tilespmem:s10+$0x12D20] =	vst.add.f32.msk $0xffff, v8  }
0x7b6: {  	[tilespmem:s10+$0x12D30] =	vst.add.f32.msk $0xffff, v9  }
0x7b7: {  	[tilespmem:s10+$0x12D40] =	vst.add.f32.msk $0xffff, v10  }
0x7b8: {  	s25 =	sadd.s32 $0x1000, s25;
	[tilespmem:s10+$0x12D50] =	vst.add.f32.msk $0xffff, v11  }
0x7b9: {  	(v2sf) =	vpush v3, $0xB;
	_ =	sdelay $0xe  }
0x7ba: {  	s14 =	spop (v2sf)  }
0x7bb: {  	s14 =	sadd.s32 $0x16, s14  }
0x7bc: {  	s25 =	sshll.u32 s14, $0xC;
	s14 =	sand.u32 $0x7, s14  }
0x7bd: {  	s25 =	sand.u32 $0xFFFF8000, s25;
	s14 =	sshll.u32 s14, $0x9  }
0x7be: {  	s14 =	sor.u32 s14, s25  }
0x7bf: {  	s14 =	sshra.s32 s14, $0x2  }
0x7c0: {  	s14 =	sor.u32 $0xC70, s14  }
0x7c1: {  	v4 =	vmov s14;
	_ =	sdelay $0x3  }
0x7c2: {  	[tilespmem:s10+$0x12D60] =	vst.add.f32.msk $0xffff, v5;
	s10 =	simm.s32 $0x0  }
0x7c3: {  	v5 =	vld.idx.msk [tilespmem:v4+s10+$0x0 ss:$0x1], $0xffff  }
0x7c4: {  	v6 =	vld.idx.msk [tilespmem:v4+s10+$0xFFFFFF90 ss:$0x1], $0xffff  }
0x7c5: {  	v7 =	vld.idx.msk [tilespmem:v4+s10+$0xFFFFFFA0 ss:$0x1], $0xffff  }
0x7c6: {  	v8 =	vld.idx.msk [tilespmem:v4+s10+$0xFFFFFFB0 ss:$0x1], $0xffff  }
0x7c7: {  	v9 =	vld.idx.msk [tilespmem:v4+s10+$0xFFFFFFC0 ss:$0x1], $0xffff  }
0x7c8: {  	v10 =	vld.idx.msk [tilespmem:v4+s10+$0xFFFFFFD0 ss:$0x1], $0xffff  }
0x7c9: {  	v11 =	vld.idx.msk [tilespmem:v4+s10+$0xFFFFFFE0 ss:$0x1], $0xffff  }
0x7ca: {  	[tilespmem:s10+$0x12DF0] =	vst.add.f32.msk $0xffff, v5  }
0x7cb: {  	v5 =	vld.idx.msk [tilespmem:v4+s10+$0xFFFFFFF0 ss:$0x1], $0xffff  }
0x7cc: {  	[tilespmem:s10+$0x12D80] =	vst.add.f32.msk $0xffff, v6  }
0x7cd: {  	[tilespmem:s10+$0x12D90] =	vst.add.f32.msk $0xffff, v7  }
0x7ce: {  	[tilespmem:s10+$0x12DA0] =	vst.add.f32.msk $0xffff, v8  }
0x7cf: {  	[tilespmem:s10+$0x12DB0] =	vst.add.f32.msk $0xffff, v9  }
0x7d0: {  	[tilespmem:s10+$0x12DC0] =	vst.add.f32.msk $0xffff, v10  }
0x7d1: {  	s25 =	simm.s32 $0x1000;
	s14 =	simm.s32 $0x0;
	[tilespmem:s10+$0x12DD0] =	vst.add.f32.msk $0xffff, v11  }
.LBB2_97:
0x7d2: {  	s14 =	sadd.s32 $0x8, s14;
	[tilespmem:s10+$0x12DE0] =	vst.add.f32.msk $0xffff, v5;
	s10 =	sshra.s32 s25, $0x2  }
0x7d3: {  	v5 =	vld.idx.msk [tilespmem:v4+s10+$0x0 ss:$0x1], $0xffff;
	p0 =	slt.u32 s14, $0x38  }
0x7d4: {  	v6 =	vld.idx.msk [tilespmem:v4+s10+$0xFFFFFF90 ss:$0x1], $0xffff  }
0x7d5: {  	v7 =	vld.idx.msk [tilespmem:v4+s10+$0xFFFFFFA0 ss:$0x1], $0xffff  }
0x7d6: {  	v8 =	vld.idx.msk [tilespmem:v4+s10+$0xFFFFFFB0 ss:$0x1], $0xffff  }
0x7d7: {  	v9 =	vld.idx.msk [tilespmem:v4+s10+$0xFFFFFFC0 ss:$0x1], $0xffff  }
0x7d8: {  	v10 =	vld.idx.msk [tilespmem:v4+s10+$0xFFFFFFD0 ss:$0x1], $0xffff  }
0x7d9: {  	[tilespmem:s10+$0x12DF0] =	vst.add.f32.msk $0xffff, v5  }
0x7da: {  	v11 =	vld.idx.msk [tilespmem:v4+s10+$0xFFFFFFE0 ss:$0x1], $0xffff  }
0x7db: {  	v5 =	vld.idx.msk [tilespmem:v4+s10+$0xFFFFFFF0 ss:$0x1], $0xffff  }
0x7dc: {  	[tilespmem:s10+$0x12D80] =	vst.add.f32.msk $0xffff, v6  }
.Ltmp49:
0x7dd: {  	[tilespmem:s10+$0x12D90] =	vst.add.f32.msk $0xffff, v7;
	(pc) =	sbr.rel @p0 .LBB2_97-.Ltmp49, $4  }
0x7de: {  	[tilespmem:s10+$0x12DA0] =	vst.add.f32.msk $0xffff, v8  }
0x7df: {  	[tilespmem:s10+$0x12DB0] =	vst.add.f32.msk $0xffff, v9  }
0x7e0: {  	[tilespmem:s10+$0x12DC0] =	vst.add.f32.msk $0xffff, v10  }
0x7e1: {  	s25 =	sadd.s32 $0x1000, s25;
	[tilespmem:s10+$0x12DD0] =	vst.add.f32.msk $0xffff, v11  }
0x7e2: {  	(v2sf) =	vpush v3, $0xC;
	_ =	sdelay $0xe  }
0x7e3: {  	s14 =	spop (v2sf)  }
0x7e4: {  	s25 =	sshll.u32 s14, $0xC;
	s14 =	sand.u32 $0x7, s14  }
0x7e5: {  	s25 =	sand.u32 $0xFFFF8000, s25;
	s14 =	sshll.u32 s14, $0x9  }
0x7e6: {  	s14 =	sor.u32 s14, s25  }
0x7e7: {  	s14 =	sshra.s32 s14, $0x2  }
0x7e8: {  	s14 =	sor.u32 $0xC00, s14  }
0x7e9: {  	v4 =	vmov s14;
	_ =	sdelay $0x3  }
0x7ea: {  	[tilespmem:s10+$0x12DE0] =	vst.add.f32.msk $0xffff, v5;
	s10 =	simm.s32 $0x0  }
0x7eb: {  	v5 =	vld.idx.msk [tilespmem:v4+s10+$0x6070 ss:$0x1], $0xffff  }
0x7ec: {  	v6 =	vld.idx.msk [tilespmem:v4+s10+$0x6000 ss:$0x1], $0xffff  }
0x7ed: {  	v7 =	vld.idx.msk [tilespmem:v4+s10+$0x6010 ss:$0x1], $0xffff  }
0x7ee: {  	v8 =	vld.idx.msk [tilespmem:v4+s10+$0x6020 ss:$0x1], $0xffff  }
0x7ef: {  	v9 =	vld.idx.msk [tilespmem:v4+s10+$0x6030 ss:$0x1], $0xffff  }
0x7f0: {  	v10 =	vld.idx.msk [tilespmem:v4+s10+$0x6040 ss:$0x1], $0xffff  }
0x7f1: {  	v11 =	vld.idx.msk [tilespmem:v4+s10+$0x6050 ss:$0x1], $0xffff  }
0x7f2: {  	[tilespmem:s10+$0x12E70] =	vst.add.f32.msk $0xffff, v5  }
0x7f3: {  	v5 =	vld.idx.msk [tilespmem:v4+s10+$0x6060 ss:$0x1], $0xffff  }
0x7f4: {  	[tilespmem:s10+$0x12E00] =	vst.add.f32.msk $0xffff, v6  }
0x7f5: {  	[tilespmem:s10+$0x12E10] =	vst.add.f32.msk $0xffff, v7  }
0x7f6: {  	[tilespmem:s10+$0x12E20] =	vst.add.f32.msk $0xffff, v8  }
0x7f7: {  	[tilespmem:s10+$0x12E30] =	vst.add.f32.msk $0xffff, v9  }
0x7f8: {  	[tilespmem:s10+$0x12E40] =	vst.add.f32.msk $0xffff, v10  }
0x7f9: {  	s25 =	simm.s32 $0x1000;
	s14 =	simm.s32 $0x0;
	[tilespmem:s10+$0x12E50] =	vst.add.f32.msk $0xffff, v11  }
.LBB2_99:
0x7fa: {  	s14 =	sadd.s32 $0x8, s14;
	[tilespmem:s10+$0x12E60] =	vst.add.f32.msk $0xffff, v5;
	s10 =	sshra.s32 s25, $0x2  }
0x7fb: {  	v5 =	vld.idx.msk [tilespmem:v4+s10+$0x6070 ss:$0x1], $0xffff;
	p0 =	slt.u32 s14, $0x38  }
0x7fc: {  	v6 =	vld.idx.msk [tilespmem:v4+s10+$0x6000 ss:$0x1], $0xffff  }
0x7fd: {  	v7 =	vld.idx.msk [tilespmem:v4+s10+$0x6010 ss:$0x1], $0xffff  }
0x7fe: {  	v8 =	vld.idx.msk [tilespmem:v4+s10+$0x6020 ss:$0x1], $0xffff  }
0x7ff: {  	v9 =	vld.idx.msk [tilespmem:v4+s10+$0x6030 ss:$0x1], $0xffff  }
0x800: {  	v10 =	vld.idx.msk [tilespmem:v4+s10+$0x6040 ss:$0x1], $0xffff  }
0x801: {  	[tilespmem:s10+$0x12E70] =	vst.add.f32.msk $0xffff, v5  }
0x802: {  	v11 =	vld.idx.msk [tilespmem:v4+s10+$0x6050 ss:$0x1], $0xffff  }
0x803: {  	v5 =	vld.idx.msk [tilespmem:v4+s10+$0x6060 ss:$0x1], $0xffff  }
0x804: {  	[tilespmem:s10+$0x12E00] =	vst.add.f32.msk $0xffff, v6  }
.Ltmp50:
0x805: {  	[tilespmem:s10+$0x12E10] =	vst.add.f32.msk $0xffff, v7;
	(pc) =	sbr.rel @p0 .LBB2_99-.Ltmp50, $4  }
0x806: {  	[tilespmem:s10+$0x12E20] =	vst.add.f32.msk $0xffff, v8  }
0x807: {  	[tilespmem:s10+$0x12E30] =	vst.add.f32.msk $0xffff, v9  }
0x808: {  	[tilespmem:s10+$0x12E40] =	vst.add.f32.msk $0xffff, v10  }
0x809: {  	s25 =	sadd.s32 $0x1000, s25;
	[tilespmem:s10+$0x12E50] =	vst.add.f32.msk $0xffff, v11  }
0x80a: {  	(v2sf) =	vpush v3, $0xD;
	_ =	sdelay $0xe  }
0x80b: {  	s14 =	spop (v2sf)  }
0x80c: {  	s14 =	sadd.s32 $0x1A, s14  }
0x80d: {  	s25 =	sshll.u32 s14, $0xC;
	s14 =	sand.u32 $0x7, s14  }
0x80e: {  	s25 =	sand.u32 $0xFFFF8000, s25;
	s14 =	sshll.u32 s14, $0x9  }
0x80f: {  	s14 =	sor.u32 s14, s25  }
0x810: {  	s14 =	sshra.s32 s14, $0x2  }
0x811: {  	s14 =	sor.u32 $0xC70, s14  }
0x812: {  	v4 =	vmov s14;
	_ =	sdelay $0x3  }
0x813: {  	[tilespmem:s10+$0x12E60] =	vst.add.f32.msk $0xffff, v5;
	s10 =	simm.s32 $0x0  }
0x814: {  	v5 =	vld.idx.msk [tilespmem:v4+s10+$0x0 ss:$0x1], $0xffff  }
0x815: {  	v6 =	vld.idx.msk [tilespmem:v4+s10+$0xFFFFFF90 ss:$0x1], $0xffff  }
0x816: {  	v7 =	vld.idx.msk [tilespmem:v4+s10+$0xFFFFFFA0 ss:$0x1], $0xffff  }
0x817: {  	v8 =	vld.idx.msk [tilespmem:v4+s10+$0xFFFFFFB0 ss:$0x1], $0xffff  }
0x818: {  	v9 =	vld.idx.msk [tilespmem:v4+s10+$0xFFFFFFC0 ss:$0x1], $0xffff  }
0x819: {  	v10 =	vld.idx.msk [tilespmem:v4+s10+$0xFFFFFFD0 ss:$0x1], $0xffff  }
0x81a: {  	v11 =	vld.idx.msk [tilespmem:v4+s10+$0xFFFFFFE0 ss:$0x1], $0xffff  }
0x81b: {  	[tilespmem:s10+$0x12EF0] =	vst.add.f32.msk $0xffff, v5  }
0x81c: {  	v5 =	vld.idx.msk [tilespmem:v4+s10+$0xFFFFFFF0 ss:$0x1], $0xffff  }
0x81d: {  	[tilespmem:s10+$0x12E80] =	vst.add.f32.msk $0xffff, v6  }
0x81e: {  	[tilespmem:s10+$0x12E90] =	vst.add.f32.msk $0xffff, v7  }
0x81f: {  	[tilespmem:s10+$0x12EA0] =	vst.add.f32.msk $0xffff, v8  }
0x820: {  	[tilespmem:s10+$0x12EB0] =	vst.add.f32.msk $0xffff, v9  }
0x821: {  	[tilespmem:s10+$0x12EC0] =	vst.add.f32.msk $0xffff, v10  }
0x822: {  	s25 =	simm.s32 $0x1000;
	s14 =	simm.s32 $0x0;
	[tilespmem:s10+$0x12ED0] =	vst.add.f32.msk $0xffff, v11  }
.LBB2_101:
0x823: {  	s14 =	sadd.s32 $0x8, s14;
	[tilespmem:s10+$0x12EE0] =	vst.add.f32.msk $0xffff, v5;
	s10 =	sshra.s32 s25, $0x2  }
0x824: {  	v5 =	vld.idx.msk [tilespmem:v4+s10+$0x0 ss:$0x1], $0xffff;
	p0 =	slt.u32 s14, $0x38  }
0x825: {  	v6 =	vld.idx.msk [tilespmem:v4+s10+$0xFFFFFF90 ss:$0x1], $0xffff  }
0x826: {  	v7 =	vld.idx.msk [tilespmem:v4+s10+$0xFFFFFFA0 ss:$0x1], $0xffff  }
0x827: {  	v8 =	vld.idx.msk [tilespmem:v4+s10+$0xFFFFFFB0 ss:$0x1], $0xffff  }
0x828: {  	v9 =	vld.idx.msk [tilespmem:v4+s10+$0xFFFFFFC0 ss:$0x1], $0xffff  }
0x829: {  	v10 =	vld.idx.msk [tilespmem:v4+s10+$0xFFFFFFD0 ss:$0x1], $0xffff  }
0x82a: {  	[tilespmem:s10+$0x12EF0] =	vst.add.f32.msk $0xffff, v5  }
0x82b: {  	v11 =	vld.idx.msk [tilespmem:v4+s10+$0xFFFFFFE0 ss:$0x1], $0xffff  }
0x82c: {  	v5 =	vld.idx.msk [tilespmem:v4+s10+$0xFFFFFFF0 ss:$0x1], $0xffff  }
0x82d: {  	[tilespmem:s10+$0x12E80] =	vst.add.f32.msk $0xffff, v6  }
.Ltmp51:
0x82e: {  	[tilespmem:s10+$0x12E90] =	vst.add.f32.msk $0xffff, v7;
	(pc) =	sbr.rel @p0 .LBB2_101-.Ltmp51, $4  }
0x82f: {  	[tilespmem:s10+$0x12EA0] =	vst.add.f32.msk $0xffff, v8  }
0x830: {  	[tilespmem:s10+$0x12EB0] =	vst.add.f32.msk $0xffff, v9  }
0x831: {  	[tilespmem:s10+$0x12EC0] =	vst.add.f32.msk $0xffff, v10  }
0x832: {  	s25 =	sadd.s32 $0x1000, s25;
	[tilespmem:s10+$0x12ED0] =	vst.add.f32.msk $0xffff, v11  }
0x833: {  	(v2sf) =	vpush v3, $0xE;
	_ =	sdelay $0xe  }
0x834: {  	s14 =	spop (v2sf)  }
0x835: {  	s14 =	sadd.s32 $0x1C, s14  }
0x836: {  	s25 =	sshll.u32 s14, $0xC;
	s14 =	sand.u32 $0x7, s14  }
0x837: {  	s25 =	sand.u32 $0xFFFF8000, s25;
	s14 =	sshll.u32 s14, $0x9  }
0x838: {  	s14 =	sor.u32 s14, s25  }
0x839: {  	s14 =	sshra.s32 s14, $0x2  }
0x83a: {  	s14 =	sor.u32 $0xC70, s14  }
0x83b: {  	v4 =	vmov s14;
	_ =	sdelay $0x3  }
0x83c: {  	[tilespmem:s10+$0x12EE0] =	vst.add.f32.msk $0xffff, v5;
	s10 =	simm.s32 $0x0  }
0x83d: {  	v5 =	vld.idx.msk [tilespmem:v4+s10+$0x0 ss:$0x1], $0xffff  }
0x83e: {  	v6 =	vld.idx.msk [tilespmem:v4+s10+$0xFFFFFF90 ss:$0x1], $0xffff  }
0x83f: {  	v7 =	vld.idx.msk [tilespmem:v4+s10+$0xFFFFFFA0 ss:$0x1], $0xffff  }
0x840: {  	v8 =	vld.idx.msk [tilespmem:v4+s10+$0xFFFFFFB0 ss:$0x1], $0xffff  }
0x841: {  	v9 =	vld.idx.msk [tilespmem:v4+s10+$0xFFFFFFC0 ss:$0x1], $0xffff  }
0x842: {  	v10 =	vld.idx.msk [tilespmem:v4+s10+$0xFFFFFFD0 ss:$0x1], $0xffff  }
0x843: {  	v11 =	vld.idx.msk [tilespmem:v4+s10+$0xFFFFFFE0 ss:$0x1], $0xffff  }
0x844: {  	[tilespmem:s10+$0x12F70] =	vst.add.f32.msk $0xffff, v5  }
0x845: {  	v5 =	vld.idx.msk [tilespmem:v4+s10+$0xFFFFFFF0 ss:$0x1], $0xffff  }
0x846: {  	[tilespmem:s10+$0x12F00] =	vst.add.f32.msk $0xffff, v6  }
0x847: {  	[tilespmem:s10+$0x12F10] =	vst.add.f32.msk $0xffff, v7  }
0x848: {  	[tilespmem:s10+$0x12F20] =	vst.add.f32.msk $0xffff, v8  }
0x849: {  	[tilespmem:s10+$0x12F30] =	vst.add.f32.msk $0xffff, v9  }
0x84a: {  	[tilespmem:s10+$0x12F40] =	vst.add.f32.msk $0xffff, v10  }
0x84b: {  	s25 =	simm.s32 $0x1000;
	s14 =	simm.s32 $0x0;
	[tilespmem:s10+$0x12F50] =	vst.add.f32.msk $0xffff, v11  }
.LBB2_103:
0x84c: {  	s14 =	sadd.s32 $0x8, s14;
	[tilespmem:s10+$0x12F60] =	vst.add.f32.msk $0xffff, v5;
	s10 =	sshra.s32 s25, $0x2  }
0x84d: {  	v5 =	vld.idx.msk [tilespmem:v4+s10+$0x0 ss:$0x1], $0xffff;
	p0 =	slt.u32 s14, $0x38  }
0x84e: {  	v6 =	vld.idx.msk [tilespmem:v4+s10+$0xFFFFFF90 ss:$0x1], $0xffff  }
0x84f: {  	v7 =	vld.idx.msk [tilespmem:v4+s10+$0xFFFFFFA0 ss:$0x1], $0xffff  }
0x850: {  	v8 =	vld.idx.msk [tilespmem:v4+s10+$0xFFFFFFB0 ss:$0x1], $0xffff  }
0x851: {  	v9 =	vld.idx.msk [tilespmem:v4+s10+$0xFFFFFFC0 ss:$0x1], $0xffff  }
0x852: {  	v10 =	vld.idx.msk [tilespmem:v4+s10+$0xFFFFFFD0 ss:$0x1], $0xffff  }
0x853: {  	[tilespmem:s10+$0x12F70] =	vst.add.f32.msk $0xffff, v5  }
0x854: {  	v11 =	vld.idx.msk [tilespmem:v4+s10+$0xFFFFFFE0 ss:$0x1], $0xffff  }
0x855: {  	v5 =	vld.idx.msk [tilespmem:v4+s10+$0xFFFFFFF0 ss:$0x1], $0xffff  }
0x856: {  	[tilespmem:s10+$0x12F00] =	vst.add.f32.msk $0xffff, v6  }
.Ltmp52:
0x857: {  	[tilespmem:s10+$0x12F10] =	vst.add.f32.msk $0xffff, v7;
	(pc) =	sbr.rel @p0 .LBB2_103-.Ltmp52, $4  }
0x858: {  	[tilespmem:s10+$0x12F20] =	vst.add.f32.msk $0xffff, v8  }
0x859: {  	[tilespmem:s10+$0x12F30] =	vst.add.f32.msk $0xffff, v9  }
0x85a: {  	[tilespmem:s10+$0x12F40] =	vst.add.f32.msk $0xffff, v10  }
0x85b: {  	s25 =	sadd.s32 $0x1000, s25;
	[tilespmem:s10+$0x12F50] =	vst.add.f32.msk $0xffff, v11  }
0x85c: {  	(v2sf) =	vpush v3, $0xF;
	_ =	sdelay $0xe  }
0x85d: {  	s14 =	spop (v2sf)  }
0x85e: {  	s14 =	sadd.s32 $0x1E, s14  }
0x85f: {  	s25 =	sshll.u32 s14, $0xC;
	s14 =	sand.u32 $0x7, s14  }
0x860: {  	s25 =	sand.u32 $0xFFFF8000, s25;
	s14 =	sshll.u32 s14, $0x9  }
0x861: {  	s14 =	sor.u32 s14, s25  }
0x862: {  	s14 =	sshra.s32 s14, $0x2  }
0x863: {  	s14 =	sor.u32 $0xC70, s14  }
0x864: {  	v3 =	vmov s14;
	_ =	sdelay $0x3  }
0x865: {  	[tilespmem:s10+$0x12F60] =	vst.add.f32.msk $0xffff, v5;
	s10 =	simm.s32 $0x0  }
0x866: {  	v4 =	vld.idx.msk [tilespmem:v3+s10+$0x0 ss:$0x1], $0xffff  }
0x867: {  	v5 =	vld.idx.msk [tilespmem:v3+s10+$0xFFFFFF90 ss:$0x1], $0xffff  }
0x868: {  	v6 =	vld.idx.msk [tilespmem:v3+s10+$0xFFFFFFA0 ss:$0x1], $0xffff  }
0x869: {  	v7 =	vld.idx.msk [tilespmem:v3+s10+$0xFFFFFFB0 ss:$0x1], $0xffff  }
0x86a: {  	v8 =	vld.idx.msk [tilespmem:v3+s10+$0xFFFFFFC0 ss:$0x1], $0xffff  }
0x86b: {  	v9 =	vld.idx.msk [tilespmem:v3+s10+$0xFFFFFFD0 ss:$0x1], $0xffff  }
0x86c: {  	v10 =	vld.idx.msk [tilespmem:v3+s10+$0xFFFFFFE0 ss:$0x1], $0xffff  }
0x86d: {  	[tilespmem:s10+$0x12FF0] =	vst.add.f32.msk $0xffff, v4  }
0x86e: {  	v4 =	vld.idx.msk [tilespmem:v3+s10+$0xFFFFFFF0 ss:$0x1], $0xffff  }
0x86f: {  	[tilespmem:s10+$0x12F80] =	vst.add.f32.msk $0xffff, v5  }
0x870: {  	[tilespmem:s10+$0x12F90] =	vst.add.f32.msk $0xffff, v6  }
0x871: {  	[tilespmem:s10+$0x12FA0] =	vst.add.f32.msk $0xffff, v7  }
0x872: {  	[tilespmem:s10+$0x12FB0] =	vst.add.f32.msk $0xffff, v8  }
0x873: {  	[tilespmem:s10+$0x12FC0] =	vst.add.f32.msk $0xffff, v9  }
0x874: {  	s25 =	simm.s32 $0x1000;
	s14 =	simm.s32 $0x0;
	[tilespmem:s10+$0x12FD0] =	vst.add.f32.msk $0xffff, v10  }
.LBB2_105:
0x875: {  	s14 =	sadd.s32 $0x8, s14;
	[tilespmem:s10+$0x12FE0] =	vst.add.f32.msk $0xffff, v4;
	s10 =	sshra.s32 s25, $0x2  }
0x876: {  	v4 =	vld.idx.msk [tilespmem:v3+s10+$0x0 ss:$0x1], $0xffff;
	p0 =	slt.u32 s14, $0x38  }
0x877: {  	v5 =	vld.idx.msk [tilespmem:v3+s10+$0xFFFFFF90 ss:$0x1], $0xffff  }
0x878: {  	v6 =	vld.idx.msk [tilespmem:v3+s10+$0xFFFFFFA0 ss:$0x1], $0xffff  }
0x879: {  	v7 =	vld.idx.msk [tilespmem:v3+s10+$0xFFFFFFB0 ss:$0x1], $0xffff  }
0x87a: {  	v8 =	vld.idx.msk [tilespmem:v3+s10+$0xFFFFFFC0 ss:$0x1], $0xffff  }
0x87b: {  	v9 =	vld.idx.msk [tilespmem:v3+s10+$0xFFFFFFD0 ss:$0x1], $0xffff  }
0x87c: {  	[tilespmem:s10+$0x12FF0] =	vst.add.f32.msk $0xffff, v4  }
0x87d: {  	v10 =	vld.idx.msk [tilespmem:v3+s10+$0xFFFFFFE0 ss:$0x1], $0xffff  }
0x87e: {  	v4 =	vld.idx.msk [tilespmem:v3+s10+$0xFFFFFFF0 ss:$0x1], $0xffff  }
0x87f: {  	[tilespmem:s10+$0x12F80] =	vst.add.f32.msk $0xffff, v5  }
.Ltmp53:
0x880: {  	[tilespmem:s10+$0x12F90] =	vst.add.f32.msk $0xffff, v6;
	(pc) =	sbr.rel @p0 .LBB2_105-.Ltmp53, $4  }
0x881: {  	[tilespmem:s10+$0x12FA0] =	vst.add.f32.msk $0xffff, v7  }
0x882: {  	[tilespmem:s10+$0x12FB0] =	vst.add.f32.msk $0xffff, v8  }
0x883: {  	[tilespmem:s10+$0x12FC0] =	vst.add.f32.msk $0xffff, v9  }
0x884: {  	s25 =	sadd.s32 $0x1000, s25;
	[tilespmem:s10+$0x12FD0] =	vst.add.f32.msk $0xffff, v10  }
0x885: {  	s14 =	sshll.u32 s21, $0x10;
	p0 =	seq.s32 s17, $0x7  }
0x886: {  	[tilespmem:s10+$0x12FE0] =	vst.add.f32.msk $0xffff, v4;
	s21 =	sadd.s32 s14, s9;
	s10 =	simm.s32 @!p0 $0x6  }
0x887: {  	[hbm4b:s21+s4] =	stream.linear.scatter [tilespmem:s3], [sflag:$0x8], $0x4000, $0x38;
	[tilespmem:$0x18C00] =	vst v63  }
0x888: {  	_ =	swait.ge @!p0 [sflag:s10], $0x4000  }
0x889: {  	[sflag:s10] =	ssyncset.done @!p0 $0x0  }
0x88a: {  	[sflag:s10] =	ssyncadd.s32 @!p0 $0xFFFFC000;
	s10 =	sshrl.u32 @!p0 s19, $0x2  }
0x88b: {  	v3 =	vld @!p0 [tilespmem:s10+$0x40];
	_ =	sdelay $0x4  }
0x88c: {  	v4 =	vshll.u32 @!p0 v3, $0x3  }
0x88d: {  	v5 =	vlaneseq.u32 @!p0;
	v3 =	vand.u32 @!p0 $0x7, v3;
	v4 =	vand.u32 @!p0 $0xFFFFFFC0, v4  }
0x88e: {  	v6 =	vshrl.u32 @!p0 v5, $0x3;
	v3 =	vor.u32 @!p0 v3, v4;
	v4 =	vand.u32 @!p0 $0x7, v5  }
0x88f: {  	v6 =	vmul.u32 @!p0 $0x8, v6;
	v4 =	vperm.xlane @!p0 v3, v4;
	_ =	sdelay $0x1  }
0x890: {  	v4 =	vadd.s32 @!p0 v6, v4;
	_ =	sdelay $0x3  }
0x891: {  	vm1 =	vmmov @!p0 $0xffff;
	s14 =	simm.s32 @!p0 $0x8C00;
	s10 =	simm.s32 @!p0 $0x0  }
0x892: {  	v5 =	vor.u32 @!p0 $0x8, v5;
	[tilespmem:s14], [sflag:$0x2] =	stream.indirect_vreg.gather @!p0 [hbm4b:s1+s10], $0x80, v4, vm1, $0xb8;
	[tilespmem:$0x18C00] =	vst v63  }
0x893: {  	v3 =	vperm.xlane @!p0 v3, v5;
	s14 =	simm.s32 @!p0 $0x9400  }
0x894: {  	[tilespmem:s14], [sflag:$0x2] =	stream.indirect_vreg.gather @!p0 [hbm4b:s6+s10], $0x80, v4, vm1, $0xb8;
	[tilespmem:$0x18C00] =	vst v63  }
0x895: {  	v3 =	vadd.s32 @!p0 v6, v3;
	s14 =	simm.s32 @!p0 $0x9C00  }
0x896: {  	[tilespmem:s14], [sflag:$0x2] =	stream.indirect_vreg.gather @!p0 [hbm4b:s7+s10], $0x80, v4, vm1, $0xb8;
	[tilespmem:$0x18C00] =	vst v63  }
0x897: {  	s14 =	simm.s32 @!p0 $0xA400  }
0x898: {  	[tilespmem:s14], [sflag:$0x2] =	stream.indirect_vreg.gather @!p0 [hbm4b:s8+s10], $0x80, v4, vm1, $0xb8;
	[tilespmem:$0x18C00] =	vst v63  }
0x899: {  	s14 =	simm.s32 @!p0 $0xAC00  }
0x89a: {  	[tilespmem:s14], [sflag:$0x2] =	stream.indirect_vreg.gather @!p0 [hbm4b:s1+s10], $0x80, v3, vm1, $0xb8;
	[tilespmem:$0x18C00] =	vst v63  }
0x89b: {  	s14 =	simm.s32 @!p0 $0xB400  }
0x89c: {  	[tilespmem:s14], [sflag:$0x2] =	stream.indirect_vreg.gather @!p0 [hbm4b:s6+s10], $0x80, v3, vm1, $0xb8;
	[tilespmem:$0x18C00] =	vst v63  }
0x89d: {  	s14 =	simm.s32 @!p0 $0xBC00  }
0x89e: {  	[tilespmem:s14], [sflag:$0x2] =	stream.indirect_vreg.gather @!p0 [hbm4b:s7+s10], $0x80, v3, vm1, $0xb8;
	[tilespmem:$0x18C00] =	vst v63  }
0x89f: {  	s14 =	simm.s32 @!p0 $0xC400  }
0x8a0: {  	[tilespmem:s14], [sflag:$0x2] =	stream.indirect_vreg.gather @!p0 [hbm4b:s8+s10], $0x80, v3, vm1, $0xb8;
	[tilespmem:$0x18C00] =	vst v63  }
0x8a1: {  	_ =	swait.ge [sflag:s0], $0x4000  }
0x8a2: {  	[sflag:s0] =	ssyncset.done $0x0  }
0x8a3: {  	[sflag:s0] =	ssyncadd.s32 $0xFFFFC000  }
0x8a4: {  	v3 =	vld [tilespmem:s22+$0x200];
	_ =	sdelay $0x4  }
0x8a5: {  	(v2sf) =	vpush v3, $0x0;
	_ =	sdelay $0xe  }
0x8a6: {  	s25 =	spop (v2sf)  }
0x8a7: {  	s26 =	sshll.u32 s25, $0xC;
	s10 =	sand.u32 $0x7, s25  }
0x8a8: {  	s14 =	sand.u32 $0xFFFF8000, s26;
	s10 =	sshll.u32 s10, $0x9  }
0x8a9: {  	s10 =	sor.u32 s10, s14  }
0x8aa: {  	s10 =	sshra.s32 s10, $0x2  }
0x8ab: {  	s10 =	sor.u32 $0xC70, s10  }
0x8ac: {  	v4 =	vmov s10;
	_ =	sdelay $0x3  }
0x8ad: {  	s10 =	simm.s32 $0x0  }
0x8ae: {  	v5 =	vld.idx.msk [tilespmem:v4+s10+$0x0 ss:$0x1], $0xffff  }
0x8af: {  	v6 =	vld.idx.msk [tilespmem:v4+s10+$0xFFFFFF90 ss:$0x1], $0xffff  }
0x8b0: {  	v7 =	vld.idx.msk [tilespmem:v4+s10+$0xFFFFFFA0 ss:$0x1], $0xffff  }
0x8b1: {  	v8 =	vld.idx.msk [tilespmem:v4+s10+$0xFFFFFFB0 ss:$0x1], $0xffff  }
0x8b2: {  	v9 =	vld.idx.msk [tilespmem:v4+s10+$0xFFFFFFC0 ss:$0x1], $0xffff  }
0x8b3: {  	v10 =	vld.idx.msk [tilespmem:v4+s10+$0xFFFFFFD0 ss:$0x1], $0xffff  }
0x8b4: {  	v11 =	vld.idx.msk [tilespmem:v4+s10+$0xFFFFFFE0 ss:$0x1], $0xffff  }
0x8b5: {  	[tilespmem:s10+$0x14C70] =	vst.add.f32.msk $0xffff, v5  }
0x8b6: {  	v5 =	vld.idx.msk [tilespmem:v4+s10+$0xFFFFFFF0 ss:$0x1], $0xffff  }
0x8b7: {  	[tilespmem:s10+$0x14C00] =	vst.add.f32.msk $0xffff, v6  }
0x8b8: {  	[tilespmem:s10+$0x14C10] =	vst.add.f32.msk $0xffff, v7  }
0x8b9: {  	[tilespmem:s10+$0x14C20] =	vst.add.f32.msk $0xffff, v8  }
0x8ba: {  	[tilespmem:s10+$0x14C30] =	vst.add.f32.msk $0xffff, v9  }
0x8bb: {  	[tilespmem:s10+$0x14C40] =	vst.add.f32.msk $0xffff, v10  }
0x8bc: {  	s19 =	simm.s32 $0x1000;
	s14 =	simm.s32 $0x0;
	[tilespmem:s10+$0x14C50] =	vst.add.f32.msk $0xffff, v11  }
.LBB2_107:
0x8bd: {  	s14 =	sadd.s32 $0x8, s14;
	[tilespmem:s10+$0x14C60] =	vst.add.f32.msk $0xffff, v5;
	s10 =	sshra.s32 s19, $0x2  }
0x8be: {  	v5 =	vld.idx.msk [tilespmem:v4+s10+$0x0 ss:$0x1], $0xffff;
	p1 =	slt.u32 s14, $0x38  }
0x8bf: {  	v6 =	vld.idx.msk [tilespmem:v4+s10+$0xFFFFFF90 ss:$0x1], $0xffff  }
0x8c0: {  	v7 =	vld.idx.msk [tilespmem:v4+s10+$0xFFFFFFA0 ss:$0x1], $0xffff  }
0x8c1: {  	v8 =	vld.idx.msk [tilespmem:v4+s10+$0xFFFFFFB0 ss:$0x1], $0xffff  }
0x8c2: {  	v9 =	vld.idx.msk [tilespmem:v4+s10+$0xFFFFFFC0 ss:$0x1], $0xffff  }
0x8c3: {  	v10 =	vld.idx.msk [tilespmem:v4+s10+$0xFFFFFFD0 ss:$0x1], $0xffff  }
0x8c4: {  	[tilespmem:s10+$0x14C70] =	vst.add.f32.msk $0xffff, v5  }
0x8c5: {  	v11 =	vld.idx.msk [tilespmem:v4+s10+$0xFFFFFFE0 ss:$0x1], $0xffff  }
0x8c6: {  	v5 =	vld.idx.msk [tilespmem:v4+s10+$0xFFFFFFF0 ss:$0x1], $0xffff  }
0x8c7: {  	[tilespmem:s10+$0x14C00] =	vst.add.f32.msk $0xffff, v6  }
.Ltmp54:
0x8c8: {  	[tilespmem:s10+$0x14C10] =	vst.add.f32.msk $0xffff, v7;
	(pc) =	sbr.rel @p1 .LBB2_107-.Ltmp54, $4  }
0x8c9: {  	[tilespmem:s10+$0x14C20] =	vst.add.f32.msk $0xffff, v8  }
0x8ca: {  	[tilespmem:s10+$0x14C30] =	vst.add.f32.msk $0xffff, v9  }
0x8cb: {  	[tilespmem:s10+$0x14C40] =	vst.add.f32.msk $0xffff, v10  }
0x8cc: {  	s19 =	sadd.s32 $0x1000, s19;
	[tilespmem:s10+$0x14C50] =	vst.add.f32.msk $0xffff, v11  }
0x8cd: {  	(v2sf) =	vpush v3, $0x1;
	_ =	sdelay $0xe  }
0x8ce: {  	s14 =	spop (v2sf)  }
0x8cf: {  	s14 =	sadd.s32 $0x2, s14  }
0x8d0: {  	s19 =	sshll.u32 s14, $0xC;
	s14 =	sand.u32 $0x7, s14  }
0x8d1: {  	s19 =	sand.u32 $0xFFFF8000, s19;
	s14 =	sshll.u32 s14, $0x9  }
0x8d2: {  	s14 =	sor.u32 s14, s19  }
0x8d3: {  	s14 =	sshra.s32 s14, $0x2  }
0x8d4: {  	s14 =	sor.u32 $0xC70, s14  }
0x8d5: {  	v4 =	vmov s14;
	_ =	sdelay $0x3  }
0x8d6: {  	[tilespmem:s10+$0x14C60] =	vst.add.f32.msk $0xffff, v5;
	s10 =	simm.s32 $0x0  }
0x8d7: {  	v5 =	vld.idx.msk [tilespmem:v4+s10+$0x0 ss:$0x1], $0xffff  }
0x8d8: {  	v6 =	vld.idx.msk [tilespmem:v4+s10+$0xFFFFFF90 ss:$0x1], $0xffff  }
0x8d9: {  	v7 =	vld.idx.msk [tilespmem:v4+s10+$0xFFFFFFA0 ss:$0x1], $0xffff  }
0x8da: {  	v8 =	vld.idx.msk [tilespmem:v4+s10+$0xFFFFFFB0 ss:$0x1], $0xffff  }
0x8db: {  	v9 =	vld.idx.msk [tilespmem:v4+s10+$0xFFFFFFC0 ss:$0x1], $0xffff  }
0x8dc: {  	v10 =	vld.idx.msk [tilespmem:v4+s10+$0xFFFFFFD0 ss:$0x1], $0xffff  }
0x8dd: {  	v11 =	vld.idx.msk [tilespmem:v4+s10+$0xFFFFFFE0 ss:$0x1], $0xffff  }
0x8de: {  	[tilespmem:s10+$0x14CF0] =	vst.add.f32.msk $0xffff, v5  }
0x8df: {  	v5 =	vld.idx.msk [tilespmem:v4+s10+$0xFFFFFFF0 ss:$0x1], $0xffff  }
0x8e0: {  	[tilespmem:s10+$0x14C80] =	vst.add.f32.msk $0xffff, v6  }
0x8e1: {  	[tilespmem:s10+$0x14C90] =	vst.add.f32.msk $0xffff, v7  }
0x8e2: {  	[tilespmem:s10+$0x14CA0] =	vst.add.f32.msk $0xffff, v8  }
0x8e3: {  	[tilespmem:s10+$0x14CB0] =	vst.add.f32.msk $0xffff, v9  }
0x8e4: {  	[tilespmem:s10+$0x14CC0] =	vst.add.f32.msk $0xffff, v10  }
0x8e5: {  	s19 =	simm.s32 $0x1000;
	s14 =	simm.s32 $0x0;
	[tilespmem:s10+$0x14CD0] =	vst.add.f32.msk $0xffff, v11  }
.LBB2_109:
0x8e6: {  	s14 =	sadd.s32 $0x8, s14;
	[tilespmem:s10+$0x14CE0] =	vst.add.f32.msk $0xffff, v5;
	s10 =	sshra.s32 s19, $0x2  }
0x8e7: {  	v5 =	vld.idx.msk [tilespmem:v4+s10+$0x0 ss:$0x1], $0xffff;
	p1 =	slt.u32 s14, $0x38  }
0x8e8: {  	v6 =	vld.idx.msk [tilespmem:v4+s10+$0xFFFFFF90 ss:$0x1], $0xffff  }
0x8e9: {  	v7 =	vld.idx.msk [tilespmem:v4+s10+$0xFFFFFFA0 ss:$0x1], $0xffff  }
0x8ea: {  	v8 =	vld.idx.msk [tilespmem:v4+s10+$0xFFFFFFB0 ss:$0x1], $0xffff  }
0x8eb: {  	v9 =	vld.idx.msk [tilespmem:v4+s10+$0xFFFFFFC0 ss:$0x1], $0xffff  }
0x8ec: {  	v10 =	vld.idx.msk [tilespmem:v4+s10+$0xFFFFFFD0 ss:$0x1], $0xffff  }
0x8ed: {  	[tilespmem:s10+$0x14CF0] =	vst.add.f32.msk $0xffff, v5  }
0x8ee: {  	v11 =	vld.idx.msk [tilespmem:v4+s10+$0xFFFFFFE0 ss:$0x1], $0xffff  }
0x8ef: {  	v5 =	vld.idx.msk [tilespmem:v4+s10+$0xFFFFFFF0 ss:$0x1], $0xffff  }
0x8f0: {  	[tilespmem:s10+$0x14C80] =	vst.add.f32.msk $0xffff, v6  }
.Ltmp55:
0x8f1: {  	[tilespmem:s10+$0x14C90] =	vst.add.f32.msk $0xffff, v7;
	(pc) =	sbr.rel @p1 .LBB2_109-.Ltmp55, $4  }
0x8f2: {  	[tilespmem:s10+$0x14CA0] =	vst.add.f32.msk $0xffff, v8  }
0x8f3: {  	[tilespmem:s10+$0x14CB0] =	vst.add.f32.msk $0xffff, v9  }
0x8f4: {  	[tilespmem:s10+$0x14CC0] =	vst.add.f32.msk $0xffff, v10  }
0x8f5: {  	s19 =	sadd.s32 $0x1000, s19;
	[tilespmem:s10+$0x14CD0] =	vst.add.f32.msk $0xffff, v11  }
0x8f6: {  	(v2sf) =	vpush v3, $0x2;
	_ =	sdelay $0xe  }
0x8f7: {  	s14 =	spop (v2sf)  }
0x8f8: {  	s14 =	sadd.s32 $0x4, s14  }
0x8f9: {  	s19 =	sshll.u32 s14, $0xC;
	s14 =	sand.u32 $0x7, s14  }
0x8fa: {  	s19 =	sand.u32 $0xFFFF8000, s19;
	s14 =	sshll.u32 s14, $0x9  }
0x8fb: {  	s14 =	sor.u32 s14, s19  }
0x8fc: {  	s14 =	sshra.s32 s14, $0x2  }
0x8fd: {  	s14 =	sor.u32 $0xC70, s14  }
0x8fe: {  	v4 =	vmov s14;
	_ =	sdelay $0x3  }
0x8ff: {  	[tilespmem:s10+$0x14CE0] =	vst.add.f32.msk $0xffff, v5;
	s10 =	simm.s32 $0x0  }
0x900: {  	v5 =	vld.idx.msk [tilespmem:v4+s10+$0x0 ss:$0x1], $0xffff  }
0x901: {  	v6 =	vld.idx.msk [tilespmem:v4+s10+$0xFFFFFF90 ss:$0x1], $0xffff  }
0x902: {  	v7 =	vld.idx.msk [tilespmem:v4+s10+$0xFFFFFFA0 ss:$0x1], $0xffff  }
0x903: {  	v8 =	vld.idx.msk [tilespmem:v4+s10+$0xFFFFFFB0 ss:$0x1], $0xffff  }
0x904: {  	v9 =	vld.idx.msk [tilespmem:v4+s10+$0xFFFFFFC0 ss:$0x1], $0xffff  }
0x905: {  	v10 =	vld.idx.msk [tilespmem:v4+s10+$0xFFFFFFD0 ss:$0x1], $0xffff  }
0x906: {  	v11 =	vld.idx.msk [tilespmem:v4+s10+$0xFFFFFFE0 ss:$0x1], $0xffff  }
0x907: {  	[tilespmem:s10+$0x14D70] =	vst.add.f32.msk $0xffff, v5  }
0x908: {  	v5 =	vld.idx.msk [tilespmem:v4+s10+$0xFFFFFFF0 ss:$0x1], $0xffff  }
0x909: {  	[tilespmem:s10+$0x14D00] =	vst.add.f32.msk $0xffff, v6  }
0x90a: {  	[tilespmem:s10+$0x14D10] =	vst.add.f32.msk $0xffff, v7  }
0x90b: {  	[tilespmem:s10+$0x14D20] =	vst.add.f32.msk $0xffff, v8  }
0x90c: {  	[tilespmem:s10+$0x14D30] =	vst.add.f32.msk $0xffff, v9  }
0x90d: {  	[tilespmem:s10+$0x14D40] =	vst.add.f32.msk $0xffff, v10  }
0x90e: {  	s19 =	simm.s32 $0x1000;
	s14 =	simm.s32 $0x0;
	[tilespmem:s10+$0x14D50] =	vst.add.f32.msk $0xffff, v11  }
.LBB2_111:
0x90f: {  	s14 =	sadd.s32 $0x8, s14;
	[tilespmem:s10+$0x14D60] =	vst.add.f32.msk $0xffff, v5;
	s10 =	sshra.s32 s19, $0x2  }
0x910: {  	v5 =	vld.idx.msk [tilespmem:v4+s10+$0x0 ss:$0x1], $0xffff;
	p1 =	slt.u32 s14, $0x38  }
0x911: {  	v6 =	vld.idx.msk [tilespmem:v4+s10+$0xFFFFFF90 ss:$0x1], $0xffff  }
0x912: {  	v7 =	vld.idx.msk [tilespmem:v4+s10+$0xFFFFFFA0 ss:$0x1], $0xffff  }
0x913: {  	v8 =	vld.idx.msk [tilespmem:v4+s10+$0xFFFFFFB0 ss:$0x1], $0xffff  }
0x914: {  	v9 =	vld.idx.msk [tilespmem:v4+s10+$0xFFFFFFC0 ss:$0x1], $0xffff  }
0x915: {  	v10 =	vld.idx.msk [tilespmem:v4+s10+$0xFFFFFFD0 ss:$0x1], $0xffff  }
0x916: {  	[tilespmem:s10+$0x14D70] =	vst.add.f32.msk $0xffff, v5  }
0x917: {  	v11 =	vld.idx.msk [tilespmem:v4+s10+$0xFFFFFFE0 ss:$0x1], $0xffff  }
0x918: {  	v5 =	vld.idx.msk [tilespmem:v4+s10+$0xFFFFFFF0 ss:$0x1], $0xffff  }
0x919: {  	[tilespmem:s10+$0x14D00] =	vst.add.f32.msk $0xffff, v6  }
.Ltmp56:
0x91a: {  	[tilespmem:s10+$0x14D10] =	vst.add.f32.msk $0xffff, v7;
	(pc) =	sbr.rel @p1 .LBB2_111-.Ltmp56, $4  }
0x91b: {  	[tilespmem:s10+$0x14D20] =	vst.add.f32.msk $0xffff, v8  }
0x91c: {  	[tilespmem:s10+$0x14D30] =	vst.add.f32.msk $0xffff, v9  }
0x91d: {  	[tilespmem:s10+$0x14D40] =	vst.add.f32.msk $0xffff, v10  }
0x91e: {  	s19 =	sadd.s32 $0x1000, s19;
	[tilespmem:s10+$0x14D50] =	vst.add.f32.msk $0xffff, v11  }
0x91f: {  	(v2sf) =	vpush v3, $0x3;
	_ =	sdelay $0xe  }
0x920: {  	s14 =	spop (v2sf)  }
0x921: {  	s14 =	sadd.s32 $0x6, s14  }
0x922: {  	s19 =	sshll.u32 s14, $0xC;
	s14 =	sand.u32 $0x7, s14  }
0x923: {  	s19 =	sand.u32 $0xFFFF8000, s19;
	s14 =	sshll.u32 s14, $0x9  }
0x924: {  	s14 =	sor.u32 s14, s19  }
0x925: {  	s14 =	sshra.s32 s14, $0x2  }
0x926: {  	s14 =	sor.u32 $0xC70, s14  }
0x927: {  	v4 =	vmov s14;
	_ =	sdelay $0x3  }
0x928: {  	[tilespmem:s10+$0x14D60] =	vst.add.f32.msk $0xffff, v5;
	s10 =	simm.s32 $0x0  }
0x929: {  	v5 =	vld.idx.msk [tilespmem:v4+s10+$0x0 ss:$0x1], $0xffff  }
0x92a: {  	v6 =	vld.idx.msk [tilespmem:v4+s10+$0xFFFFFF90 ss:$0x1], $0xffff  }
0x92b: {  	v7 =	vld.idx.msk [tilespmem:v4+s10+$0xFFFFFFA0 ss:$0x1], $0xffff  }
0x92c: {  	v8 =	vld.idx.msk [tilespmem:v4+s10+$0xFFFFFFB0 ss:$0x1], $0xffff  }
0x92d: {  	v9 =	vld.idx.msk [tilespmem:v4+s10+$0xFFFFFFC0 ss:$0x1], $0xffff  }
0x92e: {  	v10 =	vld.idx.msk [tilespmem:v4+s10+$0xFFFFFFD0 ss:$0x1], $0xffff  }
0x92f: {  	v11 =	vld.idx.msk [tilespmem:v4+s10+$0xFFFFFFE0 ss:$0x1], $0xffff  }
0x930: {  	[tilespmem:s10+$0x14DF0] =	vst.add.f32.msk $0xffff, v5  }
0x931: {  	v5 =	vld.idx.msk [tilespmem:v4+s10+$0xFFFFFFF0 ss:$0x1], $0xffff  }
0x932: {  	[tilespmem:s10+$0x14D80] =	vst.add.f32.msk $0xffff, v6  }
0x933: {  	[tilespmem:s10+$0x14D90] =	vst.add.f32.msk $0xffff, v7  }
0x934: {  	[tilespmem:s10+$0x14DA0] =	vst.add.f32.msk $0xffff, v8  }
0x935: {  	[tilespmem:s10+$0x14DB0] =	vst.add.f32.msk $0xffff, v9  }
0x936: {  	[tilespmem:s10+$0x14DC0] =	vst.add.f32.msk $0xffff, v10  }
0x937: {  	s19 =	simm.s32 $0x1000;
	s14 =	simm.s32 $0x0;
	[tilespmem:s10+$0x14DD0] =	vst.add.f32.msk $0xffff, v11  }
.LBB2_113:
0x938: {  	s14 =	sadd.s32 $0x8, s14;
	[tilespmem:s10+$0x14DE0] =	vst.add.f32.msk $0xffff, v5;
	s10 =	sshra.s32 s19, $0x2  }
0x939: {  	v5 =	vld.idx.msk [tilespmem:v4+s10+$0x0 ss:$0x1], $0xffff;
	p1 =	slt.u32 s14, $0x38  }
0x93a: {  	v6 =	vld.idx.msk [tilespmem:v4+s10+$0xFFFFFF90 ss:$0x1], $0xffff  }
0x93b: {  	v7 =	vld.idx.msk [tilespmem:v4+s10+$0xFFFFFFA0 ss:$0x1], $0xffff  }
0x93c: {  	v8 =	vld.idx.msk [tilespmem:v4+s10+$0xFFFFFFB0 ss:$0x1], $0xffff  }
0x93d: {  	v9 =	vld.idx.msk [tilespmem:v4+s10+$0xFFFFFFC0 ss:$0x1], $0xffff  }
0x93e: {  	v10 =	vld.idx.msk [tilespmem:v4+s10+$0xFFFFFFD0 ss:$0x1], $0xffff  }
0x93f: {  	[tilespmem:s10+$0x14DF0] =	vst.add.f32.msk $0xffff, v5  }
0x940: {  	v11 =	vld.idx.msk [tilespmem:v4+s10+$0xFFFFFFE0 ss:$0x1], $0xffff  }
0x941: {  	v5 =	vld.idx.msk [tilespmem:v4+s10+$0xFFFFFFF0 ss:$0x1], $0xffff  }
0x942: {  	[tilespmem:s10+$0x14D80] =	vst.add.f32.msk $0xffff, v6  }
.Ltmp57:
0x943: {  	[tilespmem:s10+$0x14D90] =	vst.add.f32.msk $0xffff, v7;
	(pc) =	sbr.rel @p1 .LBB2_113-.Ltmp57, $4  }
0x944: {  	[tilespmem:s10+$0x14DA0] =	vst.add.f32.msk $0xffff, v8  }
0x945: {  	[tilespmem:s10+$0x14DB0] =	vst.add.f32.msk $0xffff, v9  }
0x946: {  	[tilespmem:s10+$0x14DC0] =	vst.add.f32.msk $0xffff, v10  }
0x947: {  	s19 =	sadd.s32 $0x1000, s19;
	[tilespmem:s10+$0x14DD0] =	vst.add.f32.msk $0xffff, v11  }
0x948: {  	(v2sf) =	vpush v3, $0x4;
	_ =	sdelay $0xe  }
0x949: {  	s14 =	spop (v2sf)  }
0x94a: {  	s19 =	sshll.u32 s14, $0xC;
	s14 =	sand.u32 $0x7, s14  }
0x94b: {  	s19 =	sand.u32 $0xFFFF8000, s19;
	s14 =	sshll.u32 s14, $0x9  }
0x94c: {  	s14 =	sor.u32 s14, s19  }
0x94d: {  	s14 =	sshra.s32 s14, $0x2  }
0x94e: {  	s14 =	sadd.s32 $0x2C70, s14  }
0x94f: {  	v4 =	vmov s14;
	_ =	sdelay $0x3  }
0x950: {  	[tilespmem:s10+$0x14DE0] =	vst.add.f32.msk $0xffff, v5;
	s10 =	simm.s32 $0x0  }
0x951: {  	v5 =	vld.idx.msk [tilespmem:v4+s10+$0x0 ss:$0x1], $0xffff  }
0x952: {  	v6 =	vld.idx.msk [tilespmem:v4+s10+$0xFFFFFF90 ss:$0x1], $0xffff  }
0x953: {  	v7 =	vld.idx.msk [tilespmem:v4+s10+$0xFFFFFFA0 ss:$0x1], $0xffff  }
0x954: {  	v8 =	vld.idx.msk [tilespmem:v4+s10+$0xFFFFFFB0 ss:$0x1], $0xffff  }
0x955: {  	v9 =	vld.idx.msk [tilespmem:v4+s10+$0xFFFFFFC0 ss:$0x1], $0xffff  }
0x956: {  	v10 =	vld.idx.msk [tilespmem:v4+s10+$0xFFFFFFD0 ss:$0x1], $0xffff  }
0x957: {  	v11 =	vld.idx.msk [tilespmem:v4+s10+$0xFFFFFFE0 ss:$0x1], $0xffff  }
0x958: {  	[tilespmem:s10+$0x14E70] =	vst.add.f32.msk $0xffff, v5  }
0x959: {  	v5 =	vld.idx.msk [tilespmem:v4+s10+$0xFFFFFFF0 ss:$0x1], $0xffff  }
0x95a: {  	[tilespmem:s10+$0x14E00] =	vst.add.f32.msk $0xffff, v6  }
0x95b: {  	[tilespmem:s10+$0x14E10] =	vst.add.f32.msk $0xffff, v7  }
0x95c: {  	[tilespmem:s10+$0x14E20] =	vst.add.f32.msk $0xffff, v8  }
0x95d: {  	[tilespmem:s10+$0x14E30] =	vst.add.f32.msk $0xffff, v9  }
0x95e: {  	[tilespmem:s10+$0x14E40] =	vst.add.f32.msk $0xffff, v10  }
0x95f: {  	s19 =	simm.s32 $0x1000;
	s14 =	simm.s32 $0x0;
	[tilespmem:s10+$0x14E50] =	vst.add.f32.msk $0xffff, v11  }
.LBB2_115:
0x960: {  	s14 =	sadd.s32 $0x8, s14;
	[tilespmem:s10+$0x14E60] =	vst.add.f32.msk $0xffff, v5;
	s10 =	sshra.s32 s19, $0x2  }
0x961: {  	v5 =	vld.idx.msk [tilespmem:v4+s10+$0x0 ss:$0x1], $0xffff;
	p1 =	slt.u32 s14, $0x38  }
0x962: {  	v6 =	vld.idx.msk [tilespmem:v4+s10+$0xFFFFFF90 ss:$0x1], $0xffff  }
0x963: {  	v7 =	vld.idx.msk [tilespmem:v4+s10+$0xFFFFFFA0 ss:$0x1], $0xffff  }
0x964: {  	v8 =	vld.idx.msk [tilespmem:v4+s10+$0xFFFFFFB0 ss:$0x1], $0xffff  }
0x965: {  	v9 =	vld.idx.msk [tilespmem:v4+s10+$0xFFFFFFC0 ss:$0x1], $0xffff  }
0x966: {  	v10 =	vld.idx.msk [tilespmem:v4+s10+$0xFFFFFFD0 ss:$0x1], $0xffff  }
0x967: {  	[tilespmem:s10+$0x14E70] =	vst.add.f32.msk $0xffff, v5  }
0x968: {  	v11 =	vld.idx.msk [tilespmem:v4+s10+$0xFFFFFFE0 ss:$0x1], $0xffff  }
0x969: {  	v5 =	vld.idx.msk [tilespmem:v4+s10+$0xFFFFFFF0 ss:$0x1], $0xffff  }
0x96a: {  	[tilespmem:s10+$0x14E00] =	vst.add.f32.msk $0xffff, v6  }
.Ltmp58:
0x96b: {  	[tilespmem:s10+$0x14E10] =	vst.add.f32.msk $0xffff, v7;
	(pc) =	sbr.rel @p1 .LBB2_115-.Ltmp58, $4  }
0x96c: {  	[tilespmem:s10+$0x14E20] =	vst.add.f32.msk $0xffff, v8  }
0x96d: {  	[tilespmem:s10+$0x14E30] =	vst.add.f32.msk $0xffff, v9  }
0x96e: {  	[tilespmem:s10+$0x14E40] =	vst.add.f32.msk $0xffff, v10  }
0x96f: {  	s19 =	sadd.s32 $0x1000, s19;
	[tilespmem:s10+$0x14E50] =	vst.add.f32.msk $0xffff, v11  }
0x970: {  	(v2sf) =	vpush v3, $0x5;
	_ =	sdelay $0xe  }
0x971: {  	s14 =	spop (v2sf)  }
0x972: {  	s14 =	sadd.s32 $0xA, s14  }
0x973: {  	s19 =	sshll.u32 s14, $0xC;
	s14 =	sand.u32 $0x7, s14  }
0x974: {  	s19 =	sand.u32 $0xFFFF8000, s19;
	s14 =	sshll.u32 s14, $0x9  }
0x975: {  	s14 =	sor.u32 s14, s19  }
0x976: {  	s14 =	sshra.s32 s14, $0x2  }
0x977: {  	s14 =	sor.u32 $0xC70, s14  }
0x978: {  	v4 =	vmov s14;
	_ =	sdelay $0x3  }
0x979: {  	[tilespmem:s10+$0x14E60] =	vst.add.f32.msk $0xffff, v5;
	s10 =	simm.s32 $0x0  }
0x97a: {  	v5 =	vld.idx.msk [tilespmem:v4+s10+$0x0 ss:$0x1], $0xffff  }
0x97b: {  	v6 =	vld.idx.msk [tilespmem:v4+s10+$0xFFFFFF90 ss:$0x1], $0xffff  }
0x97c: {  	v7 =	vld.idx.msk [tilespmem:v4+s10+$0xFFFFFFA0 ss:$0x1], $0xffff  }
0x97d: {  	v8 =	vld.idx.msk [tilespmem:v4+s10+$0xFFFFFFB0 ss:$0x1], $0xffff  }
0x97e: {  	v9 =	vld.idx.msk [tilespmem:v4+s10+$0xFFFFFFC0 ss:$0x1], $0xffff  }
0x97f: {  	v10 =	vld.idx.msk [tilespmem:v4+s10+$0xFFFFFFD0 ss:$0x1], $0xffff  }
0x980: {  	v11 =	vld.idx.msk [tilespmem:v4+s10+$0xFFFFFFE0 ss:$0x1], $0xffff  }
0x981: {  	[tilespmem:s10+$0x14EF0] =	vst.add.f32.msk $0xffff, v5  }
0x982: {  	v5 =	vld.idx.msk [tilespmem:v4+s10+$0xFFFFFFF0 ss:$0x1], $0xffff  }
0x983: {  	[tilespmem:s10+$0x14E80] =	vst.add.f32.msk $0xffff, v6  }
0x984: {  	[tilespmem:s10+$0x14E90] =	vst.add.f32.msk $0xffff, v7  }
0x985: {  	[tilespmem:s10+$0x14EA0] =	vst.add.f32.msk $0xffff, v8  }
0x986: {  	[tilespmem:s10+$0x14EB0] =	vst.add.f32.msk $0xffff, v9  }
0x987: {  	[tilespmem:s10+$0x14EC0] =	vst.add.f32.msk $0xffff, v10  }
0x988: {  	s19 =	simm.s32 $0x1000;
	s14 =	simm.s32 $0x0;
	[tilespmem:s10+$0x14ED0] =	vst.add.f32.msk $0xffff, v11  }
.LBB2_117:
0x989: {  	s14 =	sadd.s32 $0x8, s14;
	[tilespmem:s10+$0x14EE0] =	vst.add.f32.msk $0xffff, v5;
	s10 =	sshra.s32 s19, $0x2  }
0x98a: {  	v5 =	vld.idx.msk [tilespmem:v4+s10+$0x0 ss:$0x1], $0xffff;
	p1 =	slt.u32 s14, $0x38  }
0x98b: {  	v6 =	vld.idx.msk [tilespmem:v4+s10+$0xFFFFFF90 ss:$0x1], $0xffff  }
0x98c: {  	v7 =	vld.idx.msk [tilespmem:v4+s10+$0xFFFFFFA0 ss:$0x1], $0xffff  }
0x98d: {  	v8 =	vld.idx.msk [tilespmem:v4+s10+$0xFFFFFFB0 ss:$0x1], $0xffff  }
0x98e: {  	v9 =	vld.idx.msk [tilespmem:v4+s10+$0xFFFFFFC0 ss:$0x1], $0xffff  }
0x98f: {  	v10 =	vld.idx.msk [tilespmem:v4+s10+$0xFFFFFFD0 ss:$0x1], $0xffff  }
0x990: {  	[tilespmem:s10+$0x14EF0] =	vst.add.f32.msk $0xffff, v5  }
0x991: {  	v11 =	vld.idx.msk [tilespmem:v4+s10+$0xFFFFFFE0 ss:$0x1], $0xffff  }
0x992: {  	v5 =	vld.idx.msk [tilespmem:v4+s10+$0xFFFFFFF0 ss:$0x1], $0xffff  }
0x993: {  	[tilespmem:s10+$0x14E80] =	vst.add.f32.msk $0xffff, v6  }
.Ltmp59:
0x994: {  	[tilespmem:s10+$0x14E90] =	vst.add.f32.msk $0xffff, v7;
	(pc) =	sbr.rel @p1 .LBB2_117-.Ltmp59, $4  }
0x995: {  	[tilespmem:s10+$0x14EA0] =	vst.add.f32.msk $0xffff, v8  }
0x996: {  	[tilespmem:s10+$0x14EB0] =	vst.add.f32.msk $0xffff, v9  }
0x997: {  	[tilespmem:s10+$0x14EC0] =	vst.add.f32.msk $0xffff, v10  }
0x998: {  	s19 =	sadd.s32 $0x1000, s19;
	[tilespmem:s10+$0x14ED0] =	vst.add.f32.msk $0xffff, v11  }
0x999: {  	(v2sf) =	vpush v3, $0x6;
	_ =	sdelay $0xe  }
0x99a: {  	s14 =	spop (v2sf)  }
0x99b: {  	s14 =	sadd.s32 $0xC, s14  }
0x99c: {  	s19 =	sshll.u32 s14, $0xC;
	s14 =	sand.u32 $0x7, s14  }
0x99d: {  	s19 =	sand.u32 $0xFFFF8000, s19;
	s14 =	sshll.u32 s14, $0x9  }
0x99e: {  	s14 =	sor.u32 s14, s19  }
0x99f: {  	s14 =	sshra.s32 s14, $0x2  }
0x9a0: {  	s14 =	sor.u32 $0xC70, s14  }
0x9a1: {  	v4 =	vmov s14;
	_ =	sdelay $0x3  }
0x9a2: {  	[tilespmem:s10+$0x14EE0] =	vst.add.f32.msk $0xffff, v5;
	s10 =	simm.s32 $0x0  }
0x9a3: {  	v5 =	vld.idx.msk [tilespmem:v4+s10+$0x0 ss:$0x1], $0xffff  }
0x9a4: {  	v6 =	vld.idx.msk [tilespmem:v4+s10+$0xFFFFFF90 ss:$0x1], $0xffff  }
0x9a5: {  	v7 =	vld.idx.msk [tilespmem:v4+s10+$0xFFFFFFA0 ss:$0x1], $0xffff  }
0x9a6: {  	v8 =	vld.idx.msk [tilespmem:v4+s10+$0xFFFFFFB0 ss:$0x1], $0xffff  }
0x9a7: {  	v9 =	vld.idx.msk [tilespmem:v4+s10+$0xFFFFFFC0 ss:$0x1], $0xffff  }
0x9a8: {  	v10 =	vld.idx.msk [tilespmem:v4+s10+$0xFFFFFFD0 ss:$0x1], $0xffff  }
0x9a9: {  	v11 =	vld.idx.msk [tilespmem:v4+s10+$0xFFFFFFE0 ss:$0x1], $0xffff  }
0x9aa: {  	[tilespmem:s10+$0x14F70] =	vst.add.f32.msk $0xffff, v5  }
0x9ab: {  	v5 =	vld.idx.msk [tilespmem:v4+s10+$0xFFFFFFF0 ss:$0x1], $0xffff  }
0x9ac: {  	[tilespmem:s10+$0x14F00] =	vst.add.f32.msk $0xffff, v6  }
0x9ad: {  	[tilespmem:s10+$0x14F10] =	vst.add.f32.msk $0xffff, v7  }
0x9ae: {  	[tilespmem:s10+$0x14F20] =	vst.add.f32.msk $0xffff, v8  }
0x9af: {  	[tilespmem:s10+$0x14F30] =	vst.add.f32.msk $0xffff, v9  }
0x9b0: {  	[tilespmem:s10+$0x14F40] =	vst.add.f32.msk $0xffff, v10  }
0x9b1: {  	s19 =	simm.s32 $0x1000;
	s14 =	simm.s32 $0x0;
	[tilespmem:s10+$0x14F50] =	vst.add.f32.msk $0xffff, v11  }
.LBB2_119:
0x9b2: {  	s14 =	sadd.s32 $0x8, s14;
	[tilespmem:s10+$0x14F60] =	vst.add.f32.msk $0xffff, v5;
	s10 =	sshra.s32 s19, $0x2  }
0x9b3: {  	v5 =	vld.idx.msk [tilespmem:v4+s10+$0x0 ss:$0x1], $0xffff;
	p1 =	slt.u32 s14, $0x38  }
0x9b4: {  	v6 =	vld.idx.msk [tilespmem:v4+s10+$0xFFFFFF90 ss:$0x1], $0xffff  }
0x9b5: {  	v7 =	vld.idx.msk [tilespmem:v4+s10+$0xFFFFFFA0 ss:$0x1], $0xffff  }
0x9b6: {  	v8 =	vld.idx.msk [tilespmem:v4+s10+$0xFFFFFFB0 ss:$0x1], $0xffff  }
0x9b7: {  	v9 =	vld.idx.msk [tilespmem:v4+s10+$0xFFFFFFC0 ss:$0x1], $0xffff  }
0x9b8: {  	v10 =	vld.idx.msk [tilespmem:v4+s10+$0xFFFFFFD0 ss:$0x1], $0xffff  }
0x9b9: {  	[tilespmem:s10+$0x14F70] =	vst.add.f32.msk $0xffff, v5  }
0x9ba: {  	v11 =	vld.idx.msk [tilespmem:v4+s10+$0xFFFFFFE0 ss:$0x1], $0xffff  }
0x9bb: {  	v5 =	vld.idx.msk [tilespmem:v4+s10+$0xFFFFFFF0 ss:$0x1], $0xffff  }
0x9bc: {  	[tilespmem:s10+$0x14F00] =	vst.add.f32.msk $0xffff, v6  }
.Ltmp60:
0x9bd: {  	[tilespmem:s10+$0x14F10] =	vst.add.f32.msk $0xffff, v7;
	(pc) =	sbr.rel @p1 .LBB2_119-.Ltmp60, $4  }
0x9be: {  	[tilespmem:s10+$0x14F20] =	vst.add.f32.msk $0xffff, v8  }
0x9bf: {  	[tilespmem:s10+$0x14F30] =	vst.add.f32.msk $0xffff, v9  }
0x9c0: {  	[tilespmem:s10+$0x14F40] =	vst.add.f32.msk $0xffff, v10  }
0x9c1: {  	s19 =	sadd.s32 $0x1000, s19;
	[tilespmem:s10+$0x14F50] =	vst.add.f32.msk $0xffff, v11  }
0x9c2: {  	(v2sf) =	vpush v3, $0x7;
	_ =	sdelay $0xe  }
0x9c3: {  	s14 =	spop (v2sf)  }
0x9c4: {  	s14 =	sadd.s32 $0xE, s14  }
0x9c5: {  	s19 =	sshll.u32 s14, $0xC;
	s14 =	sand.u32 $0x7, s14  }
0x9c6: {  	s19 =	sand.u32 $0xFFFF8000, s19;
	s14 =	sshll.u32 s14, $0x9  }
0x9c7: {  	s14 =	sor.u32 s14, s19  }
0x9c8: {  	s14 =	sshra.s32 s14, $0x2  }
0x9c9: {  	s14 =	sor.u32 $0xC70, s14  }
0x9ca: {  	v4 =	vmov s14;
	_ =	sdelay $0x3  }
0x9cb: {  	[tilespmem:s10+$0x14F60] =	vst.add.f32.msk $0xffff, v5;
	s10 =	simm.s32 $0x0  }
0x9cc: {  	v5 =	vld.idx.msk [tilespmem:v4+s10+$0x0 ss:$0x1], $0xffff  }
0x9cd: {  	v6 =	vld.idx.msk [tilespmem:v4+s10+$0xFFFFFF90 ss:$0x1], $0xffff  }
0x9ce: {  	v7 =	vld.idx.msk [tilespmem:v4+s10+$0xFFFFFFA0 ss:$0x1], $0xffff  }
0x9cf: {  	v8 =	vld.idx.msk [tilespmem:v4+s10+$0xFFFFFFB0 ss:$0x1], $0xffff  }
0x9d0: {  	v9 =	vld.idx.msk [tilespmem:v4+s10+$0xFFFFFFC0 ss:$0x1], $0xffff  }
0x9d1: {  	v10 =	vld.idx.msk [tilespmem:v4+s10+$0xFFFFFFD0 ss:$0x1], $0xffff  }
0x9d2: {  	v11 =	vld.idx.msk [tilespmem:v4+s10+$0xFFFFFFE0 ss:$0x1], $0xffff  }
0x9d3: {  	[tilespmem:s10+$0x14FF0] =	vst.add.f32.msk $0xffff, v5  }
0x9d4: {  	v5 =	vld.idx.msk [tilespmem:v4+s10+$0xFFFFFFF0 ss:$0x1], $0xffff  }
0x9d5: {  	[tilespmem:s10+$0x14F80] =	vst.add.f32.msk $0xffff, v6  }
0x9d6: {  	[tilespmem:s10+$0x14F90] =	vst.add.f32.msk $0xffff, v7  }
0x9d7: {  	[tilespmem:s10+$0x14FA0] =	vst.add.f32.msk $0xffff, v8  }
0x9d8: {  	[tilespmem:s10+$0x14FB0] =	vst.add.f32.msk $0xffff, v9  }
0x9d9: {  	[tilespmem:s10+$0x14FC0] =	vst.add.f32.msk $0xffff, v10  }
0x9da: {  	s19 =	simm.s32 $0x1000;
	s14 =	simm.s32 $0x0;
	[tilespmem:s10+$0x14FD0] =	vst.add.f32.msk $0xffff, v11  }
.LBB2_121:
0x9db: {  	s14 =	sadd.s32 $0x8, s14;
	[tilespmem:s10+$0x14FE0] =	vst.add.f32.msk $0xffff, v5;
	s10 =	sshra.s32 s19, $0x2  }
0x9dc: {  	v5 =	vld.idx.msk [tilespmem:v4+s10+$0x0 ss:$0x1], $0xffff;
	p1 =	slt.u32 s14, $0x38  }
0x9dd: {  	v6 =	vld.idx.msk [tilespmem:v4+s10+$0xFFFFFF90 ss:$0x1], $0xffff  }
0x9de: {  	v7 =	vld.idx.msk [tilespmem:v4+s10+$0xFFFFFFA0 ss:$0x1], $0xffff  }
0x9df: {  	v8 =	vld.idx.msk [tilespmem:v4+s10+$0xFFFFFFB0 ss:$0x1], $0xffff  }
0x9e0: {  	v9 =	vld.idx.msk [tilespmem:v4+s10+$0xFFFFFFC0 ss:$0x1], $0xffff  }
0x9e1: {  	v10 =	vld.idx.msk [tilespmem:v4+s10+$0xFFFFFFD0 ss:$0x1], $0xffff  }
0x9e2: {  	[tilespmem:s10+$0x14FF0] =	vst.add.f32.msk $0xffff, v5  }
0x9e3: {  	v11 =	vld.idx.msk [tilespmem:v4+s10+$0xFFFFFFE0 ss:$0x1], $0xffff  }
0x9e4: {  	v5 =	vld.idx.msk [tilespmem:v4+s10+$0xFFFFFFF0 ss:$0x1], $0xffff  }
0x9e5: {  	[tilespmem:s10+$0x14F80] =	vst.add.f32.msk $0xffff, v6  }
.Ltmp61:
0x9e6: {  	[tilespmem:s10+$0x14F90] =	vst.add.f32.msk $0xffff, v7;
	(pc) =	sbr.rel @p1 .LBB2_121-.Ltmp61, $4  }
0x9e7: {  	[tilespmem:s10+$0x14FA0] =	vst.add.f32.msk $0xffff, v8  }
0x9e8: {  	[tilespmem:s10+$0x14FB0] =	vst.add.f32.msk $0xffff, v9  }
0x9e9: {  	[tilespmem:s10+$0x14FC0] =	vst.add.f32.msk $0xffff, v10  }
0x9ea: {  	s19 =	sadd.s32 $0x1000, s19;
	[tilespmem:s10+$0x14FD0] =	vst.add.f32.msk $0xffff, v11  }
0x9eb: {  	(v2sf) =	vpush v3, $0x8;
	_ =	sdelay $0xe  }
0x9ec: {  	s14 =	spop (v2sf)  }
0x9ed: {  	s19 =	sshll.u32 s14, $0xC;
	s14 =	sand.u32 $0x7, s14  }
0x9ee: {  	s19 =	sand.u32 $0xFFFF8000, s19;
	s14 =	sshll.u32 s14, $0x9  }
0x9ef: {  	s14 =	sor.u32 s14, s19  }
0x9f0: {  	s14 =	sshra.s32 s14, $0x2  }
0x9f1: {  	s14 =	sor.u32 $0xC00, s14  }
0x9f2: {  	v4 =	vmov s14;
	_ =	sdelay $0x3  }
0x9f3: {  	[tilespmem:s10+$0x14FE0] =	vst.add.f32.msk $0xffff, v5;
	s10 =	simm.s32 $0x0  }
0x9f4: {  	v5 =	vld.idx.msk [tilespmem:v4+s10+$0x4070 ss:$0x1], $0xffff  }
0x9f5: {  	v6 =	vld.idx.msk [tilespmem:v4+s10+$0x4000 ss:$0x1], $0xffff  }
0x9f6: {  	v7 =	vld.idx.msk [tilespmem:v4+s10+$0x4010 ss:$0x1], $0xffff  }
0x9f7: {  	v8 =	vld.idx.msk [tilespmem:v4+s10+$0x4020 ss:$0x1], $0xffff  }
0x9f8: {  	v9 =	vld.idx.msk [tilespmem:v4+s10+$0x4030 ss:$0x1], $0xffff  }
0x9f9: {  	v10 =	vld.idx.msk [tilespmem:v4+s10+$0x4040 ss:$0x1], $0xffff  }
0x9fa: {  	v11 =	vld.idx.msk [tilespmem:v4+s10+$0x4050 ss:$0x1], $0xffff  }
0x9fb: {  	[tilespmem:s10+$0x16C70] =	vst.add.f32.msk $0xffff, v5  }
0x9fc: {  	v5 =	vld.idx.msk [tilespmem:v4+s10+$0x4060 ss:$0x1], $0xffff  }
0x9fd: {  	[tilespmem:s10+$0x16C00] =	vst.add.f32.msk $0xffff, v6  }
0x9fe: {  	[tilespmem:s10+$0x16C10] =	vst.add.f32.msk $0xffff, v7  }
0x9ff: {  	[tilespmem:s10+$0x16C20] =	vst.add.f32.msk $0xffff, v8  }
0xa00: {  	[tilespmem:s10+$0x16C30] =	vst.add.f32.msk $0xffff, v9  }
0xa01: {  	[tilespmem:s10+$0x16C40] =	vst.add.f32.msk $0xffff, v10  }
0xa02: {  	s19 =	simm.s32 $0x1000;
	s14 =	simm.s32 $0x0;
	[tilespmem:s10+$0x16C50] =	vst.add.f32.msk $0xffff, v11  }
.LBB2_123:
0xa03: {  	s14 =	sadd.s32 $0x8, s14;
	[tilespmem:s10+$0x16C60] =	vst.add.f32.msk $0xffff, v5;
	s10 =	sshra.s32 s19, $0x2  }
0xa04: {  	v5 =	vld.idx.msk [tilespmem:v4+s10+$0x4070 ss:$0x1], $0xffff;
	p1 =	slt.u32 s14, $0x38  }
0xa05: {  	v6 =	vld.idx.msk [tilespmem:v4+s10+$0x4000 ss:$0x1], $0xffff  }
0xa06: {  	v7 =	vld.idx.msk [tilespmem:v4+s10+$0x4010 ss:$0x1], $0xffff  }
0xa07: {  	v8 =	vld.idx.msk [tilespmem:v4+s10+$0x4020 ss:$0x1], $0xffff  }
0xa08: {  	v9 =	vld.idx.msk [tilespmem:v4+s10+$0x4030 ss:$0x1], $0xffff  }
0xa09: {  	v10 =	vld.idx.msk [tilespmem:v4+s10+$0x4040 ss:$0x1], $0xffff  }
0xa0a: {  	[tilespmem:s10+$0x16C70] =	vst.add.f32.msk $0xffff, v5  }
0xa0b: {  	v11 =	vld.idx.msk [tilespmem:v4+s10+$0x4050 ss:$0x1], $0xffff  }
0xa0c: {  	v5 =	vld.idx.msk [tilespmem:v4+s10+$0x4060 ss:$0x1], $0xffff  }
0xa0d: {  	[tilespmem:s10+$0x16C00] =	vst.add.f32.msk $0xffff, v6  }
.Ltmp62:
0xa0e: {  	[tilespmem:s10+$0x16C10] =	vst.add.f32.msk $0xffff, v7;
	(pc) =	sbr.rel @p1 .LBB2_123-.Ltmp62, $4  }
0xa0f: {  	[tilespmem:s10+$0x16C20] =	vst.add.f32.msk $0xffff, v8  }
0xa10: {  	[tilespmem:s10+$0x16C30] =	vst.add.f32.msk $0xffff, v9  }
0xa11: {  	[tilespmem:s10+$0x16C40] =	vst.add.f32.msk $0xffff, v10  }
0xa12: {  	s19 =	sadd.s32 $0x1000, s19;
	[tilespmem:s10+$0x16C50] =	vst.add.f32.msk $0xffff, v11  }
0xa13: {  	(v2sf) =	vpush v3, $0x9;
	_ =	sdelay $0xe  }
0xa14: {  	s14 =	spop (v2sf)  }
0xa15: {  	s14 =	sadd.s32 $0x12, s14  }
0xa16: {  	s19 =	sshll.u32 s14, $0xC;
	s14 =	sand.u32 $0x7, s14  }
0xa17: {  	s19 =	sand.u32 $0xFFFF8000, s19;
	s14 =	sshll.u32 s14, $0x9  }
0xa18: {  	s14 =	sor.u32 s14, s19  }
0xa19: {  	s14 =	sshra.s32 s14, $0x2  }
0xa1a: {  	s14 =	sor.u32 $0xC70, s14  }
0xa1b: {  	v4 =	vmov s14;
	_ =	sdelay $0x3  }
0xa1c: {  	[tilespmem:s10+$0x16C60] =	vst.add.f32.msk $0xffff, v5;
	s10 =	simm.s32 $0x0  }
0xa1d: {  	v5 =	vld.idx.msk [tilespmem:v4+s10+$0x0 ss:$0x1], $0xffff  }
0xa1e: {  	v6 =	vld.idx.msk [tilespmem:v4+s10+$0xFFFFFF90 ss:$0x1], $0xffff  }
0xa1f: {  	v7 =	vld.idx.msk [tilespmem:v4+s10+$0xFFFFFFA0 ss:$0x1], $0xffff  }
0xa20: {  	v8 =	vld.idx.msk [tilespmem:v4+s10+$0xFFFFFFB0 ss:$0x1], $0xffff  }
0xa21: {  	v9 =	vld.idx.msk [tilespmem:v4+s10+$0xFFFFFFC0 ss:$0x1], $0xffff  }
0xa22: {  	v10 =	vld.idx.msk [tilespmem:v4+s10+$0xFFFFFFD0 ss:$0x1], $0xffff  }
0xa23: {  	v11 =	vld.idx.msk [tilespmem:v4+s10+$0xFFFFFFE0 ss:$0x1], $0xffff  }
0xa24: {  	[tilespmem:s10+$0x16CF0] =	vst.add.f32.msk $0xffff, v5  }
0xa25: {  	v5 =	vld.idx.msk [tilespmem:v4+s10+$0xFFFFFFF0 ss:$0x1], $0xffff  }
0xa26: {  	[tilespmem:s10+$0x16C80] =	vst.add.f32.msk $0xffff, v6  }
0xa27: {  	[tilespmem:s10+$0x16C90] =	vst.add.f32.msk $0xffff, v7  }
0xa28: {  	[tilespmem:s10+$0x16CA0] =	vst.add.f32.msk $0xffff, v8  }
0xa29: {  	[tilespmem:s10+$0x16CB0] =	vst.add.f32.msk $0xffff, v9  }
0xa2a: {  	[tilespmem:s10+$0x16CC0] =	vst.add.f32.msk $0xffff, v10  }
0xa2b: {  	s19 =	simm.s32 $0x1000;
	s14 =	simm.s32 $0x0;
	[tilespmem:s10+$0x16CD0] =	vst.add.f32.msk $0xffff, v11  }
.LBB2_125:
0xa2c: {  	s14 =	sadd.s32 $0x8, s14;
	[tilespmem:s10+$0x16CE0] =	vst.add.f32.msk $0xffff, v5;
	s10 =	sshra.s32 s19, $0x2  }
0xa2d: {  	v5 =	vld.idx.msk [tilespmem:v4+s10+$0x0 ss:$0x1], $0xffff;
	p1 =	slt.u32 s14, $0x38  }
0xa2e: {  	v6 =	vld.idx.msk [tilespmem:v4+s10+$0xFFFFFF90 ss:$0x1], $0xffff  }
0xa2f: {  	v7 =	vld.idx.msk [tilespmem:v4+s10+$0xFFFFFFA0 ss:$0x1], $0xffff  }
0xa30: {  	v8 =	vld.idx.msk [tilespmem:v4+s10+$0xFFFFFFB0 ss:$0x1], $0xffff  }
0xa31: {  	v9 =	vld.idx.msk [tilespmem:v4+s10+$0xFFFFFFC0 ss:$0x1], $0xffff  }
0xa32: {  	v10 =	vld.idx.msk [tilespmem:v4+s10+$0xFFFFFFD0 ss:$0x1], $0xffff  }
0xa33: {  	[tilespmem:s10+$0x16CF0] =	vst.add.f32.msk $0xffff, v5  }
0xa34: {  	v11 =	vld.idx.msk [tilespmem:v4+s10+$0xFFFFFFE0 ss:$0x1], $0xffff  }
0xa35: {  	v5 =	vld.idx.msk [tilespmem:v4+s10+$0xFFFFFFF0 ss:$0x1], $0xffff  }
0xa36: {  	[tilespmem:s10+$0x16C80] =	vst.add.f32.msk $0xffff, v6  }
.Ltmp63:
0xa37: {  	[tilespmem:s10+$0x16C90] =	vst.add.f32.msk $0xffff, v7;
	(pc) =	sbr.rel @p1 .LBB2_125-.Ltmp63, $4  }
0xa38: {  	[tilespmem:s10+$0x16CA0] =	vst.add.f32.msk $0xffff, v8  }
0xa39: {  	[tilespmem:s10+$0x16CB0] =	vst.add.f32.msk $0xffff, v9  }
0xa3a: {  	[tilespmem:s10+$0x16CC0] =	vst.add.f32.msk $0xffff, v10  }
0xa3b: {  	s19 =	sadd.s32 $0x1000, s19;
	[tilespmem:s10+$0x16CD0] =	vst.add.f32.msk $0xffff, v11  }
0xa3c: {  	(v2sf) =	vpush v3, $0xA;
	_ =	sdelay $0xe  }
0xa3d: {  	s14 =	spop (v2sf)  }
0xa3e: {  	s14 =	sadd.s32 $0x14, s14  }
0xa3f: {  	s19 =	sshll.u32 s14, $0xC;
	s14 =	sand.u32 $0x7, s14  }
0xa40: {  	s19 =	sand.u32 $0xFFFF8000, s19;
	s14 =	sshll.u32 s14, $0x9  }
0xa41: {  	s14 =	sor.u32 s14, s19  }
0xa42: {  	s14 =	sshra.s32 s14, $0x2  }
0xa43: {  	s14 =	sor.u32 $0xC70, s14  }
0xa44: {  	v4 =	vmov s14;
	_ =	sdelay $0x3  }
0xa45: {  	[tilespmem:s10+$0x16CE0] =	vst.add.f32.msk $0xffff, v5;
	s10 =	simm.s32 $0x0  }
0xa46: {  	v5 =	vld.idx.msk [tilespmem:v4+s10+$0x0 ss:$0x1], $0xffff  }
0xa47: {  	v6 =	vld.idx.msk [tilespmem:v4+s10+$0xFFFFFF90 ss:$0x1], $0xffff  }
0xa48: {  	v7 =	vld.idx.msk [tilespmem:v4+s10+$0xFFFFFFA0 ss:$0x1], $0xffff  }
0xa49: {  	v8 =	vld.idx.msk [tilespmem:v4+s10+$0xFFFFFFB0 ss:$0x1], $0xffff  }
0xa4a: {  	v9 =	vld.idx.msk [tilespmem:v4+s10+$0xFFFFFFC0 ss:$0x1], $0xffff  }
0xa4b: {  	v10 =	vld.idx.msk [tilespmem:v4+s10+$0xFFFFFFD0 ss:$0x1], $0xffff  }
0xa4c: {  	v11 =	vld.idx.msk [tilespmem:v4+s10+$0xFFFFFFE0 ss:$0x1], $0xffff  }
0xa4d: {  	[tilespmem:s10+$0x16D70] =	vst.add.f32.msk $0xffff, v5  }
0xa4e: {  	v5 =	vld.idx.msk [tilespmem:v4+s10+$0xFFFFFFF0 ss:$0x1], $0xffff  }
0xa4f: {  	[tilespmem:s10+$0x16D00] =	vst.add.f32.msk $0xffff, v6  }
0xa50: {  	[tilespmem:s10+$0x16D10] =	vst.add.f32.msk $0xffff, v7  }
0xa51: {  	[tilespmem:s10+$0x16D20] =	vst.add.f32.msk $0xffff, v8  }
0xa52: {  	[tilespmem:s10+$0x16D30] =	vst.add.f32.msk $0xffff, v9  }
0xa53: {  	[tilespmem:s10+$0x16D40] =	vst.add.f32.msk $0xffff, v10  }
0xa54: {  	s19 =	simm.s32 $0x1000;
	s14 =	simm.s32 $0x0;
	[tilespmem:s10+$0x16D50] =	vst.add.f32.msk $0xffff, v11  }
.LBB2_127:
0xa55: {  	s14 =	sadd.s32 $0x8, s14;
	[tilespmem:s10+$0x16D60] =	vst.add.f32.msk $0xffff, v5;
	s10 =	sshra.s32 s19, $0x2  }
0xa56: {  	v5 =	vld.idx.msk [tilespmem:v4+s10+$0x0 ss:$0x1], $0xffff;
	p1 =	slt.u32 s14, $0x38  }
0xa57: {  	v6 =	vld.idx.msk [tilespmem:v4+s10+$0xFFFFFF90 ss:$0x1], $0xffff  }
0xa58: {  	v7 =	vld.idx.msk [tilespmem:v4+s10+$0xFFFFFFA0 ss:$0x1], $0xffff  }
0xa59: {  	v8 =	vld.idx.msk [tilespmem:v4+s10+$0xFFFFFFB0 ss:$0x1], $0xffff  }
0xa5a: {  	v9 =	vld.idx.msk [tilespmem:v4+s10+$0xFFFFFFC0 ss:$0x1], $0xffff  }
0xa5b: {  	v10 =	vld.idx.msk [tilespmem:v4+s10+$0xFFFFFFD0 ss:$0x1], $0xffff  }
0xa5c: {  	[tilespmem:s10+$0x16D70] =	vst.add.f32.msk $0xffff, v5  }
0xa5d: {  	v11 =	vld.idx.msk [tilespmem:v4+s10+$0xFFFFFFE0 ss:$0x1], $0xffff  }
0xa5e: {  	v5 =	vld.idx.msk [tilespmem:v4+s10+$0xFFFFFFF0 ss:$0x1], $0xffff  }
0xa5f: {  	[tilespmem:s10+$0x16D00] =	vst.add.f32.msk $0xffff, v6  }
.Ltmp64:
0xa60: {  	[tilespmem:s10+$0x16D10] =	vst.add.f32.msk $0xffff, v7;
	(pc) =	sbr.rel @p1 .LBB2_127-.Ltmp64, $4  }
0xa61: {  	[tilespmem:s10+$0x16D20] =	vst.add.f32.msk $0xffff, v8  }
0xa62: {  	[tilespmem:s10+$0x16D30] =	vst.add.f32.msk $0xffff, v9  }
0xa63: {  	[tilespmem:s10+$0x16D40] =	vst.add.f32.msk $0xffff, v10  }
0xa64: {  	s19 =	sadd.s32 $0x1000, s19;
	[tilespmem:s10+$0x16D50] =	vst.add.f32.msk $0xffff, v11  }
0xa65: {  	(v2sf) =	vpush v3, $0xB;
	_ =	sdelay $0xe  }
0xa66: {  	s14 =	spop (v2sf)  }
0xa67: {  	s14 =	sadd.s32 $0x16, s14  }
0xa68: {  	s19 =	sshll.u32 s14, $0xC;
	s14 =	sand.u32 $0x7, s14  }
0xa69: {  	s19 =	sand.u32 $0xFFFF8000, s19;
	s14 =	sshll.u32 s14, $0x9  }
0xa6a: {  	s14 =	sor.u32 s14, s19  }
0xa6b: {  	s14 =	sshra.s32 s14, $0x2  }
0xa6c: {  	s14 =	sor.u32 $0xC70, s14  }
0xa6d: {  	v4 =	vmov s14;
	_ =	sdelay $0x3  }
0xa6e: {  	[tilespmem:s10+$0x16D60] =	vst.add.f32.msk $0xffff, v5;
	s10 =	simm.s32 $0x0  }
0xa6f: {  	v5 =	vld.idx.msk [tilespmem:v4+s10+$0x0 ss:$0x1], $0xffff  }
0xa70: {  	v6 =	vld.idx.msk [tilespmem:v4+s10+$0xFFFFFF90 ss:$0x1], $0xffff  }
0xa71: {  	v7 =	vld.idx.msk [tilespmem:v4+s10+$0xFFFFFFA0 ss:$0x1], $0xffff  }
0xa72: {  	v8 =	vld.idx.msk [tilespmem:v4+s10+$0xFFFFFFB0 ss:$0x1], $0xffff  }
0xa73: {  	v9 =	vld.idx.msk [tilespmem:v4+s10+$0xFFFFFFC0 ss:$0x1], $0xffff  }
0xa74: {  	v10 =	vld.idx.msk [tilespmem:v4+s10+$0xFFFFFFD0 ss:$0x1], $0xffff  }
0xa75: {  	v11 =	vld.idx.msk [tilespmem:v4+s10+$0xFFFFFFE0 ss:$0x1], $0xffff  }
0xa76: {  	[tilespmem:s10+$0x16DF0] =	vst.add.f32.msk $0xffff, v5  }
0xa77: {  	v5 =	vld.idx.msk [tilespmem:v4+s10+$0xFFFFFFF0 ss:$0x1], $0xffff  }
0xa78: {  	[tilespmem:s10+$0x16D80] =	vst.add.f32.msk $0xffff, v6  }
0xa79: {  	[tilespmem:s10+$0x16D90] =	vst.add.f32.msk $0xffff, v7  }
0xa7a: {  	[tilespmem:s10+$0x16DA0] =	vst.add.f32.msk $0xffff, v8  }
0xa7b: {  	[tilespmem:s10+$0x16DB0] =	vst.add.f32.msk $0xffff, v9  }
0xa7c: {  	[tilespmem:s10+$0x16DC0] =	vst.add.f32.msk $0xffff, v10  }
0xa7d: {  	s19 =	simm.s32 $0x1000;
	s14 =	simm.s32 $0x0;
	[tilespmem:s10+$0x16DD0] =	vst.add.f32.msk $0xffff, v11  }
.LBB2_129:
0xa7e: {  	s14 =	sadd.s32 $0x8, s14;
	[tilespmem:s10+$0x16DE0] =	vst.add.f32.msk $0xffff, v5;
	s10 =	sshra.s32 s19, $0x2  }
0xa7f: {  	v5 =	vld.idx.msk [tilespmem:v4+s10+$0x0 ss:$0x1], $0xffff;
	p1 =	slt.u32 s14, $0x38  }
0xa80: {  	v6 =	vld.idx.msk [tilespmem:v4+s10+$0xFFFFFF90 ss:$0x1], $0xffff  }
0xa81: {  	v7 =	vld.idx.msk [tilespmem:v4+s10+$0xFFFFFFA0 ss:$0x1], $0xffff  }
0xa82: {  	v8 =	vld.idx.msk [tilespmem:v4+s10+$0xFFFFFFB0 ss:$0x1], $0xffff  }
0xa83: {  	v9 =	vld.idx.msk [tilespmem:v4+s10+$0xFFFFFFC0 ss:$0x1], $0xffff  }
0xa84: {  	v10 =	vld.idx.msk [tilespmem:v4+s10+$0xFFFFFFD0 ss:$0x1], $0xffff  }
0xa85: {  	[tilespmem:s10+$0x16DF0] =	vst.add.f32.msk $0xffff, v5  }
0xa86: {  	v11 =	vld.idx.msk [tilespmem:v4+s10+$0xFFFFFFE0 ss:$0x1], $0xffff  }
0xa87: {  	v5 =	vld.idx.msk [tilespmem:v4+s10+$0xFFFFFFF0 ss:$0x1], $0xffff  }
0xa88: {  	[tilespmem:s10+$0x16D80] =	vst.add.f32.msk $0xffff, v6  }
.Ltmp65:
0xa89: {  	[tilespmem:s10+$0x16D90] =	vst.add.f32.msk $0xffff, v7;
	(pc) =	sbr.rel @p1 .LBB2_129-.Ltmp65, $4  }
0xa8a: {  	[tilespmem:s10+$0x16DA0] =	vst.add.f32.msk $0xffff, v8  }
0xa8b: {  	[tilespmem:s10+$0x16DB0] =	vst.add.f32.msk $0xffff, v9  }
0xa8c: {  	[tilespmem:s10+$0x16DC0] =	vst.add.f32.msk $0xffff, v10  }
0xa8d: {  	s19 =	sadd.s32 $0x1000, s19;
	[tilespmem:s10+$0x16DD0] =	vst.add.f32.msk $0xffff, v11  }
0xa8e: {  	(v2sf) =	vpush v3, $0xC;
	_ =	sdelay $0xe  }
0xa8f: {  	s14 =	spop (v2sf)  }
0xa90: {  	s19 =	sshll.u32 s14, $0xC;
	s14 =	sand.u32 $0x7, s14  }
0xa91: {  	s19 =	sand.u32 $0xFFFF8000, s19;
	s14 =	sshll.u32 s14, $0x9  }
0xa92: {  	s14 =	sor.u32 s14, s19  }
0xa93: {  	s14 =	sshra.s32 s14, $0x2  }
0xa94: {  	s14 =	sor.u32 $0xC00, s14  }
0xa95: {  	v4 =	vmov s14;
	_ =	sdelay $0x3  }
0xa96: {  	[tilespmem:s10+$0x16DE0] =	vst.add.f32.msk $0xffff, v5;
	s10 =	simm.s32 $0x0  }
0xa97: {  	v5 =	vld.idx.msk [tilespmem:v4+s10+$0x6070 ss:$0x1], $0xffff  }
0xa98: {  	v6 =	vld.idx.msk [tilespmem:v4+s10+$0x6000 ss:$0x1], $0xffff  }
0xa99: {  	v7 =	vld.idx.msk [tilespmem:v4+s10+$0x6010 ss:$0x1], $0xffff  }
0xa9a: {  	v8 =	vld.idx.msk [tilespmem:v4+s10+$0x6020 ss:$0x1], $0xffff  }
0xa9b: {  	v9 =	vld.idx.msk [tilespmem:v4+s10+$0x6030 ss:$0x1], $0xffff  }
0xa9c: {  	v10 =	vld.idx.msk [tilespmem:v4+s10+$0x6040 ss:$0x1], $0xffff  }
0xa9d: {  	v11 =	vld.idx.msk [tilespmem:v4+s10+$0x6050 ss:$0x1], $0xffff  }
0xa9e: {  	[tilespmem:s10+$0x16E70] =	vst.add.f32.msk $0xffff, v5  }
0xa9f: {  	v5 =	vld.idx.msk [tilespmem:v4+s10+$0x6060 ss:$0x1], $0xffff  }
0xaa0: {  	[tilespmem:s10+$0x16E00] =	vst.add.f32.msk $0xffff, v6  }
0xaa1: {  	[tilespmem:s10+$0x16E10] =	vst.add.f32.msk $0xffff, v7  }
0xaa2: {  	[tilespmem:s10+$0x16E20] =	vst.add.f32.msk $0xffff, v8  }
0xaa3: {  	[tilespmem:s10+$0x16E30] =	vst.add.f32.msk $0xffff, v9  }
0xaa4: {  	[tilespmem:s10+$0x16E40] =	vst.add.f32.msk $0xffff, v10  }
0xaa5: {  	s19 =	simm.s32 $0x1000;
	s14 =	simm.s32 $0x0;
	[tilespmem:s10+$0x16E50] =	vst.add.f32.msk $0xffff, v11  }
.LBB2_131:
0xaa6: {  	s14 =	sadd.s32 $0x8, s14;
	[tilespmem:s10+$0x16E60] =	vst.add.f32.msk $0xffff, v5;
	s10 =	sshra.s32 s19, $0x2  }
0xaa7: {  	v5 =	vld.idx.msk [tilespmem:v4+s10+$0x6070 ss:$0x1], $0xffff;
	p1 =	slt.u32 s14, $0x38  }
0xaa8: {  	v6 =	vld.idx.msk [tilespmem:v4+s10+$0x6000 ss:$0x1], $0xffff  }
0xaa9: {  	v7 =	vld.idx.msk [tilespmem:v4+s10+$0x6010 ss:$0x1], $0xffff  }
0xaaa: {  	v8 =	vld.idx.msk [tilespmem:v4+s10+$0x6020 ss:$0x1], $0xffff  }
0xaab: {  	v9 =	vld.idx.msk [tilespmem:v4+s10+$0x6030 ss:$0x1], $0xffff  }
0xaac: {  	v10 =	vld.idx.msk [tilespmem:v4+s10+$0x6040 ss:$0x1], $0xffff  }
0xaad: {  	[tilespmem:s10+$0x16E70] =	vst.add.f32.msk $0xffff, v5  }
0xaae: {  	v11 =	vld.idx.msk [tilespmem:v4+s10+$0x6050 ss:$0x1], $0xffff  }
0xaaf: {  	v5 =	vld.idx.msk [tilespmem:v4+s10+$0x6060 ss:$0x1], $0xffff  }
0xab0: {  	[tilespmem:s10+$0x16E00] =	vst.add.f32.msk $0xffff, v6  }
.Ltmp66:
0xab1: {  	[tilespmem:s10+$0x16E10] =	vst.add.f32.msk $0xffff, v7;
	(pc) =	sbr.rel @p1 .LBB2_131-.Ltmp66, $4  }
0xab2: {  	[tilespmem:s10+$0x16E20] =	vst.add.f32.msk $0xffff, v8  }
0xab3: {  	[tilespmem:s10+$0x16E30] =	vst.add.f32.msk $0xffff, v9  }
0xab4: {  	[tilespmem:s10+$0x16E40] =	vst.add.f32.msk $0xffff, v10  }
0xab5: {  	s19 =	sadd.s32 $0x1000, s19;
	[tilespmem:s10+$0x16E50] =	vst.add.f32.msk $0xffff, v11  }
0xab6: {  	(v2sf) =	vpush v3, $0xD;
	_ =	sdelay $0xe  }
0xab7: {  	s14 =	spop (v2sf)  }
0xab8: {  	s14 =	sadd.s32 $0x1A, s14  }
0xab9: {  	s19 =	sshll.u32 s14, $0xC;
	s14 =	sand.u32 $0x7, s14  }
0xaba: {  	s19 =	sand.u32 $0xFFFF8000, s19;
	s14 =	sshll.u32 s14, $0x9  }
0xabb: {  	s14 =	sor.u32 s14, s19  }
0xabc: {  	s14 =	sshra.s32 s14, $0x2  }
0xabd: {  	s14 =	sor.u32 $0xC70, s14  }
0xabe: {  	v4 =	vmov s14;
	_ =	sdelay $0x3  }
0xabf: {  	[tilespmem:s10+$0x16E60] =	vst.add.f32.msk $0xffff, v5;
	s10 =	simm.s32 $0x0  }
0xac0: {  	v5 =	vld.idx.msk [tilespmem:v4+s10+$0x0 ss:$0x1], $0xffff  }
0xac1: {  	v6 =	vld.idx.msk [tilespmem:v4+s10+$0xFFFFFF90 ss:$0x1], $0xffff  }
0xac2: {  	v7 =	vld.idx.msk [tilespmem:v4+s10+$0xFFFFFFA0 ss:$0x1], $0xffff  }
0xac3: {  	v8 =	vld.idx.msk [tilespmem:v4+s10+$0xFFFFFFB0 ss:$0x1], $0xffff  }
0xac4: {  	v9 =	vld.idx.msk [tilespmem:v4+s10+$0xFFFFFFC0 ss:$0x1], $0xffff  }
0xac5: {  	v10 =	vld.idx.msk [tilespmem:v4+s10+$0xFFFFFFD0 ss:$0x1], $0xffff  }
0xac6: {  	v11 =	vld.idx.msk [tilespmem:v4+s10+$0xFFFFFFE0 ss:$0x1], $0xffff  }
0xac7: {  	[tilespmem:s10+$0x16EF0] =	vst.add.f32.msk $0xffff, v5  }
0xac8: {  	v5 =	vld.idx.msk [tilespmem:v4+s10+$0xFFFFFFF0 ss:$0x1], $0xffff  }
0xac9: {  	[tilespmem:s10+$0x16E80] =	vst.add.f32.msk $0xffff, v6  }
0xaca: {  	[tilespmem:s10+$0x16E90] =	vst.add.f32.msk $0xffff, v7  }
0xacb: {  	[tilespmem:s10+$0x16EA0] =	vst.add.f32.msk $0xffff, v8  }
0xacc: {  	[tilespmem:s10+$0x16EB0] =	vst.add.f32.msk $0xffff, v9  }
0xacd: {  	[tilespmem:s10+$0x16EC0] =	vst.add.f32.msk $0xffff, v10  }
0xace: {  	s19 =	simm.s32 $0x1000;
	s14 =	simm.s32 $0x0;
	[tilespmem:s10+$0x16ED0] =	vst.add.f32.msk $0xffff, v11  }
.LBB2_133:
0xacf: {  	s14 =	sadd.s32 $0x8, s14;
	[tilespmem:s10+$0x16EE0] =	vst.add.f32.msk $0xffff, v5;
	s10 =	sshra.s32 s19, $0x2  }
0xad0: {  	v5 =	vld.idx.msk [tilespmem:v4+s10+$0x0 ss:$0x1], $0xffff;
	p1 =	slt.u32 s14, $0x38  }
0xad1: {  	v6 =	vld.idx.msk [tilespmem:v4+s10+$0xFFFFFF90 ss:$0x1], $0xffff  }
0xad2: {  	v7 =	vld.idx.msk [tilespmem:v4+s10+$0xFFFFFFA0 ss:$0x1], $0xffff  }
0xad3: {  	v8 =	vld.idx.msk [tilespmem:v4+s10+$0xFFFFFFB0 ss:$0x1], $0xffff  }
0xad4: {  	v9 =	vld.idx.msk [tilespmem:v4+s10+$0xFFFFFFC0 ss:$0x1], $0xffff  }
0xad5: {  	v10 =	vld.idx.msk [tilespmem:v4+s10+$0xFFFFFFD0 ss:$0x1], $0xffff  }
0xad6: {  	[tilespmem:s10+$0x16EF0] =	vst.add.f32.msk $0xffff, v5  }
0xad7: {  	v11 =	vld.idx.msk [tilespmem:v4+s10+$0xFFFFFFE0 ss:$0x1], $0xffff  }
0xad8: {  	v5 =	vld.idx.msk [tilespmem:v4+s10+$0xFFFFFFF0 ss:$0x1], $0xffff  }
0xad9: {  	[tilespmem:s10+$0x16E80] =	vst.add.f32.msk $0xffff, v6  }
.Ltmp67:
0xada: {  	[tilespmem:s10+$0x16E90] =	vst.add.f32.msk $0xffff, v7;
	(pc) =	sbr.rel @p1 .LBB2_133-.Ltmp67, $4  }
0xadb: {  	[tilespmem:s10+$0x16EA0] =	vst.add.f32.msk $0xffff, v8  }
0xadc: {  	[tilespmem:s10+$0x16EB0] =	vst.add.f32.msk $0xffff, v9  }
0xadd: {  	[tilespmem:s10+$0x16EC0] =	vst.add.f32.msk $0xffff, v10  }
0xade: {  	s19 =	sadd.s32 $0x1000, s19;
	[tilespmem:s10+$0x16ED0] =	vst.add.f32.msk $0xffff, v11  }
0xadf: {  	(v2sf) =	vpush v3, $0xE;
	_ =	sdelay $0xe  }
0xae0: {  	s14 =	spop (v2sf)  }
0xae1: {  	s14 =	sadd.s32 $0x1C, s14  }
0xae2: {  	s19 =	sshll.u32 s14, $0xC;
	s14 =	sand.u32 $0x7, s14  }
0xae3: {  	s19 =	sand.u32 $0xFFFF8000, s19;
	s14 =	sshll.u32 s14, $0x9  }
0xae4: {  	s14 =	sor.u32 s14, s19  }
0xae5: {  	s14 =	sshra.s32 s14, $0x2  }
0xae6: {  	s14 =	sor.u32 $0xC70, s14  }
0xae7: {  	v4 =	vmov s14;
	_ =	sdelay $0x3  }
0xae8: {  	[tilespmem:s10+$0x16EE0] =	vst.add.f32.msk $0xffff, v5;
	s10 =	simm.s32 $0x0  }
0xae9: {  	v5 =	vld.idx.msk [tilespmem:v4+s10+$0x0 ss:$0x1], $0xffff  }
0xaea: {  	v6 =	vld.idx.msk [tilespmem:v4+s10+$0xFFFFFF90 ss:$0x1], $0xffff  }
0xaeb: {  	v7 =	vld.idx.msk [tilespmem:v4+s10+$0xFFFFFFA0 ss:$0x1], $0xffff  }
0xaec: {  	v8 =	vld.idx.msk [tilespmem:v4+s10+$0xFFFFFFB0 ss:$0x1], $0xffff  }
0xaed: {  	v9 =	vld.idx.msk [tilespmem:v4+s10+$0xFFFFFFC0 ss:$0x1], $0xffff  }
0xaee: {  	v10 =	vld.idx.msk [tilespmem:v4+s10+$0xFFFFFFD0 ss:$0x1], $0xffff  }
0xaef: {  	v11 =	vld.idx.msk [tilespmem:v4+s10+$0xFFFFFFE0 ss:$0x1], $0xffff  }
0xaf0: {  	[tilespmem:s10+$0x16F70] =	vst.add.f32.msk $0xffff, v5  }
0xaf1: {  	v5 =	vld.idx.msk [tilespmem:v4+s10+$0xFFFFFFF0 ss:$0x1], $0xffff  }
0xaf2: {  	[tilespmem:s10+$0x16F00] =	vst.add.f32.msk $0xffff, v6  }
0xaf3: {  	[tilespmem:s10+$0x16F10] =	vst.add.f32.msk $0xffff, v7  }
0xaf4: {  	[tilespmem:s10+$0x16F20] =	vst.add.f32.msk $0xffff, v8  }
0xaf5: {  	[tilespmem:s10+$0x16F30] =	vst.add.f32.msk $0xffff, v9  }
0xaf6: {  	[tilespmem:s10+$0x16F40] =	vst.add.f32.msk $0xffff, v10  }
0xaf7: {  	s19 =	simm.s32 $0x1000;
	s14 =	simm.s32 $0x0;
	[tilespmem:s10+$0x16F50] =	vst.add.f32.msk $0xffff, v11  }
.LBB2_135:
0xaf8: {  	s14 =	sadd.s32 $0x8, s14;
	[tilespmem:s10+$0x16F60] =	vst.add.f32.msk $0xffff, v5;
	s10 =	sshra.s32 s19, $0x2  }
0xaf9: {  	v5 =	vld.idx.msk [tilespmem:v4+s10+$0x0 ss:$0x1], $0xffff;
	p1 =	slt.u32 s14, $0x38  }
0xafa: {  	v6 =	vld.idx.msk [tilespmem:v4+s10+$0xFFFFFF90 ss:$0x1], $0xffff  }
0xafb: {  	v7 =	vld.idx.msk [tilespmem:v4+s10+$0xFFFFFFA0 ss:$0x1], $0xffff  }
0xafc: {  	v8 =	vld.idx.msk [tilespmem:v4+s10+$0xFFFFFFB0 ss:$0x1], $0xffff  }
0xafd: {  	v9 =	vld.idx.msk [tilespmem:v4+s10+$0xFFFFFFC0 ss:$0x1], $0xffff  }
0xafe: {  	v10 =	vld.idx.msk [tilespmem:v4+s10+$0xFFFFFFD0 ss:$0x1], $0xffff  }
0xaff: {  	[tilespmem:s10+$0x16F70] =	vst.add.f32.msk $0xffff, v5  }
0xb00: {  	v11 =	vld.idx.msk [tilespmem:v4+s10+$0xFFFFFFE0 ss:$0x1], $0xffff  }
0xb01: {  	v5 =	vld.idx.msk [tilespmem:v4+s10+$0xFFFFFFF0 ss:$0x1], $0xffff  }
0xb02: {  	[tilespmem:s10+$0x16F00] =	vst.add.f32.msk $0xffff, v6  }
.Ltmp68:
0xb03: {  	[tilespmem:s10+$0x16F10] =	vst.add.f32.msk $0xffff, v7;
	(pc) =	sbr.rel @p1 .LBB2_135-.Ltmp68, $4  }
0xb04: {  	[tilespmem:s10+$0x16F20] =	vst.add.f32.msk $0xffff, v8  }
0xb05: {  	[tilespmem:s10+$0x16F30] =	vst.add.f32.msk $0xffff, v9  }
0xb06: {  	[tilespmem:s10+$0x16F40] =	vst.add.f32.msk $0xffff, v10  }
0xb07: {  	s19 =	sadd.s32 $0x1000, s19;
	[tilespmem:s10+$0x16F50] =	vst.add.f32.msk $0xffff, v11  }
0xb08: {  	(v2sf) =	vpush v3, $0xF;
	_ =	sdelay $0xe  }
0xb09: {  	s14 =	spop (v2sf)  }
0xb0a: {  	s14 =	sadd.s32 $0x1E, s14  }
0xb0b: {  	s19 =	sshll.u32 s14, $0xC;
	s14 =	sand.u32 $0x7, s14  }
0xb0c: {  	s19 =	sand.u32 $0xFFFF8000, s19;
	s14 =	sshll.u32 s14, $0x9  }
0xb0d: {  	s14 =	sor.u32 s14, s19  }
0xb0e: {  	s14 =	sshra.s32 s14, $0x2  }
0xb0f: {  	s14 =	sor.u32 $0xC70, s14  }
0xb10: {  	v3 =	vmov s14;
	_ =	sdelay $0x3  }
0xb11: {  	[tilespmem:s10+$0x16F60] =	vst.add.f32.msk $0xffff, v5;
	s10 =	simm.s32 $0x0  }
0xb12: {  	v4 =	vld.idx.msk [tilespmem:v3+s10+$0x0 ss:$0x1], $0xffff  }
0xb13: {  	v5 =	vld.idx.msk [tilespmem:v3+s10+$0xFFFFFF90 ss:$0x1], $0xffff  }
0xb14: {  	v6 =	vld.idx.msk [tilespmem:v3+s10+$0xFFFFFFA0 ss:$0x1], $0xffff  }
0xb15: {  	v7 =	vld.idx.msk [tilespmem:v3+s10+$0xFFFFFFB0 ss:$0x1], $0xffff  }
0xb16: {  	v8 =	vld.idx.msk [tilespmem:v3+s10+$0xFFFFFFC0 ss:$0x1], $0xffff  }
0xb17: {  	v9 =	vld.idx.msk [tilespmem:v3+s10+$0xFFFFFFD0 ss:$0x1], $0xffff  }
0xb18: {  	v10 =	vld.idx.msk [tilespmem:v3+s10+$0xFFFFFFE0 ss:$0x1], $0xffff  }
0xb19: {  	[tilespmem:s10+$0x16FF0] =	vst.add.f32.msk $0xffff, v4  }
0xb1a: {  	v4 =	vld.idx.msk [tilespmem:v3+s10+$0xFFFFFFF0 ss:$0x1], $0xffff  }
0xb1b: {  	[tilespmem:s10+$0x16F80] =	vst.add.f32.msk $0xffff, v5  }
0xb1c: {  	[tilespmem:s10+$0x16F90] =	vst.add.f32.msk $0xffff, v6  }
0xb1d: {  	[tilespmem:s10+$0x16FA0] =	vst.add.f32.msk $0xffff, v7  }
0xb1e: {  	[tilespmem:s10+$0x16FB0] =	vst.add.f32.msk $0xffff, v8  }
0xb1f: {  	[tilespmem:s10+$0x16FC0] =	vst.add.f32.msk $0xffff, v9  }
0xb20: {  	s19 =	simm.s32 $0x1000;
	s14 =	simm.s32 $0x0;
	[tilespmem:s10+$0x16FD0] =	vst.add.f32.msk $0xffff, v10  }
.LBB2_137:
0xb21: {  	s14 =	sadd.s32 $0x8, s14;
	[tilespmem:s10+$0x16FE0] =	vst.add.f32.msk $0xffff, v4;
	s10 =	sshra.s32 s19, $0x2  }
0xb22: {  	v4 =	vld.idx.msk [tilespmem:v3+s10+$0x0 ss:$0x1], $0xffff;
	p1 =	slt.u32 s14, $0x38  }
0xb23: {  	v5 =	vld.idx.msk [tilespmem:v3+s10+$0xFFFFFF90 ss:$0x1], $0xffff  }
0xb24: {  	v6 =	vld.idx.msk [tilespmem:v3+s10+$0xFFFFFFA0 ss:$0x1], $0xffff  }
0xb25: {  	v7 =	vld.idx.msk [tilespmem:v3+s10+$0xFFFFFFB0 ss:$0x1], $0xffff  }
0xb26: {  	v8 =	vld.idx.msk [tilespmem:v3+s10+$0xFFFFFFC0 ss:$0x1], $0xffff  }
0xb27: {  	v9 =	vld.idx.msk [tilespmem:v3+s10+$0xFFFFFFD0 ss:$0x1], $0xffff  }
0xb28: {  	[tilespmem:s10+$0x16FF0] =	vst.add.f32.msk $0xffff, v4  }
0xb29: {  	v10 =	vld.idx.msk [tilespmem:v3+s10+$0xFFFFFFE0 ss:$0x1], $0xffff  }
0xb2a: {  	v4 =	vld.idx.msk [tilespmem:v3+s10+$0xFFFFFFF0 ss:$0x1], $0xffff  }
0xb2b: {  	[tilespmem:s10+$0x16F80] =	vst.add.f32.msk $0xffff, v5  }
.Ltmp69:
0xb2c: {  	[tilespmem:s10+$0x16F90] =	vst.add.f32.msk $0xffff, v6;
	(pc) =	sbr.rel @p1 .LBB2_137-.Ltmp69, $4  }
0xb2d: {  	[tilespmem:s10+$0x16FA0] =	vst.add.f32.msk $0xffff, v7  }
0xb2e: {  	[tilespmem:s10+$0x16FB0] =	vst.add.f32.msk $0xffff, v8  }
0xb2f: {  	[tilespmem:s10+$0x16FC0] =	vst.add.f32.msk $0xffff, v9  }
0xb30: {  	s19 =	sadd.s32 $0x1000, s19;
	[tilespmem:s10+$0x16FD0] =	vst.add.f32.msk $0xffff, v10  }
.Ltmp70:
0xb31: {  	(pc) =	sbr.rel @p0 .LBB2_140-.Ltmp70, $4  }
0xb32: {  	_ = 	snop  }
0xb33: {  	s14 =	sshll.u32 s20, $0x10  }
0xb34: {  	[tilespmem:s10+$0x16FE0] =	vst.add.f32.msk $0xffff, v4;
	s26 =	sadd.s32 s14, s9  }
0xb35: {  	[hbm4b:s26+s4] =	stream.linear.scatter [tilespmem:s5], [sflag:$0x9], $0x4000, $0x38;
	[tilespmem:$0x18C00] =	vst v63  }
0xb36: {  	_ =	swait.ge [sflag:s15], $0x4000  }
0xb37: {  	[sflag:s15] =	ssyncset.done $0x0  }
0xb38: {  	[sflag:s15] =	ssyncadd.s32 $0xFFFFC000  }
0xb39: {  	v3 =	vld [tilespmem:s18+$0x50];
	_ =	sdelay $0x4  }
0xb3a: {  	v4 =	vshll.u32 v3, $0x3  }
0xb3b: {  	v3 =	vand.u32 $0x7, v3;
	v4 =	vand.u32 $0xFFFFFFC0, v4  }
0xb3c: {  	v3 =	vor.u32 v3, v4  }
0xb3d: {  	v4 =	vperm.xlane v3, v0;
	_ =	sdelay $0x1  }
0xb3e: {  	v4 =	vadd.s32 v1, v4;
	_ =	sdelay $0x4  }
0xb3f: {  	[tilespmem:s24], [sflag:$0x3] =	stream.indirect_vreg.gather [hbm4b:s1+s4], $0x80, v4, vm0, $0xb8;
	[tilespmem:$0x18C00] =	vst v63  }
0xb40: {  	s10 =	simm.s32 $0xD400;
	v3 =	vperm.xlane v3, v2  }
0xb41: {  	[tilespmem:s10], [sflag:$0x3] =	stream.indirect_vreg.gather [hbm4b:s6+s4], $0x80, v4, vm0, $0xb8;
	[tilespmem:$0x18C00] =	vst v63  }
0xb42: {  	s19 =	simm.s32 $0xDC00;
	v3 =	vadd.s32 v1, v3  }
0xb43: {  	[tilespmem:s19], [sflag:$0x3] =	stream.indirect_vreg.gather [hbm4b:s7+s4], $0x80, v4, vm0, $0xb8;
	[tilespmem:$0x18C00] =	vst v63  }
0xb44: {  	s20 =	simm.s32 $0xE400  }
0xb45: {  	[tilespmem:s20], [sflag:$0x3] =	stream.indirect_vreg.gather [hbm4b:s8+s4], $0x80, v4, vm0, $0xb8;
	[tilespmem:$0x18C00] =	vst v63  }
0xb46: {  	s21 =	simm.s32 $0xEC00  }
0xb47: {  	[tilespmem:s21], [sflag:$0x3] =	stream.indirect_vreg.gather [hbm4b:s1+s4], $0x80, v3, vm0, $0xb8;
	[tilespmem:$0x18C00] =	vst v63  }
0xb48: {  	s22 =	simm.s32 $0xF400  }
0xb49: {  	[tilespmem:s22], [sflag:$0x3] =	stream.indirect_vreg.gather [hbm4b:s6+s4], $0x80, v3, vm0, $0xb8;
	[tilespmem:$0x18C00] =	vst v63  }
.Ltmp71:
0xb4a: {  	_ = 	snop;
	(pc) =	sbr.rel .LBB2_10-.Ltmp71, $4  }
0xb4b: {  	s25 =	simm.s32 $0xFC00  }
0xb4c: {  	[tilespmem:s25], [sflag:$0x3] =	stream.indirect_vreg.gather [hbm4b:s7+s4], $0x80, v3, vm0, $0xb8;
	[tilespmem:$0x18C00] =	vst v63  }
0xb4d: {  	s26 =	simm.s32 $0x10400;
	s17 =	sadd.s32 $0x1, s17  }
0xb4e: {  	[tilespmem:s26], [sflag:$0x3] =	stream.indirect_vreg.gather [hbm4b:s8+s4], $0x80, v3, vm0, $0xb8;
	[tilespmem:$0x18C00] =	vst v63  }
.LBB2_141:
0xb4f: {  	_ =	sfence.sel $0x180000  }
0xb50: {  	[bflag:$0x0] =	sbarrier.arrive $0xFFFF  }
0xb51: {  	_ =	strace $0x90000047  }
0xb52: {  	s0 =	stileid.u32;
	[bflag:$0x2] =	sbarrier.arrive $0xFFFF  }
0xb53: {  	p0 =	sne.s32 s0, $0x0;
	s0 =	rddreg [dreg:$0x6]  }
0xb54: {  	s0 =	sadd.s32 @!p0 $0x100000, s0  }
0xb55: {  	[sflag:s0] =	ssyncadd.tile.s32 @!p0 $0x1;
	_ =	shalt  }
.Lfunc_end2:
_tile_overlayer_lowered:
.L_overlay_start_2:
0xb56: {  	(tag) =	ssettag $0x2  }
0xb57: {  	s0 =	rddreg [dreg:$0x0];
	s2 =	stileid.u32  }
0xb58: {  	s1 =	rddreg [dreg:$0x1];
	p0 =	sne.s32 s2, $0x0  }
0xb59: {  	s3 =	rddreg [dreg:$0x2];
	[bflag:$0x3] =	sbarrier.arrive $0xFFFF;
	s2 =	simm.s32 @!p0 $0x1C0A  }
0xb5a: {  	[timem:s3], [sflag:s2] =	dma.local @!p0 [hbm:s0], s1  }
0xb5b: {  	s0 =	simm.s32 @!p0 $0xA  }
0xb5c: {  	_ =	swait.ge @!p0 [sflag:s0], s1  }
0xb5d: {  	s1 =	ssub.s32 @!p0 $0x0, s1;
	[sflag:s0] =	ssyncset.done @!p0 $0x0  }
0xb5e: {  	[sflag:s0] =	ssyncadd.s32 @!p0 s1  }
0xb5f: {  	[bflag:$0x3] =	sbarrier.arrive $0xFFFF  }
0xb60: {  	_ =	shalt  }

</sc_bundles>
